<compile_context>
chip_gen: v7x
topology: tpu7x:2x2x1
jax: 0.10.2.dev20260603
libtpu: 0.0.44.dev20260713+nightly
codegen_flags: <defaults>
</compile_context>

<pallas_src>
import functools

import jax
import jax.numpy as jnp
from jax import lax
from jax.experimental import pallas as pl
from jax.experimental.pallas import tpu as pltpu
from jax.experimental.pallas import tpu_sc as plsc

NUM_EXPERTS = 64
TOP_K = 8
B = 32768

_NC = 2
_NS = 16
_NW = _NC * _NS
_TOK_W = B // _NW
_NCHUNK = 4
_CHUNK = _TOK_W // _NCHUNK


@functools.partial(
    pl.kernel,
    out_type=(
        jax.ShapeDtypeStruct((TOP_K, B), jnp.float32),
        jax.ShapeDtypeStruct((TOP_K, B), jnp.int32),
    ),
    mesh=plsc.VectorSubcoreMesh(core_axis_name="c", subcore_axis_name="s"),
    compiler_params=pltpu.CompilerParams(needs_layout_passes=False),
    scratch_types=[
        pltpu.VMEM((_CHUNK, NUM_EXPERTS), jnp.float32),
        pltpu.VMEM((_CHUNK, NUM_EXPERTS), jnp.float32),
        pltpu.VMEM((TOP_K, _TOK_W), jnp.float32),
        pltpu.VMEM((TOP_K, _TOK_W), jnp.int32),
        pltpu.SemaphoreType.DMA,
        pltpu.SemaphoreType.DMA,
    ],
)
def _router(logits_hbm, vals_hbm, idx_hbm, lbufa, lbufb, vbuf, ibuf, sema, semb):
    wid = lax.axis_index("s") * _NC + lax.axis_index("c")
    base = wid * _TOK_W
    bufs = (lbufa, lbufb)
    sems = (sema, semb)

    lane = lax.iota(jnp.int32, 16)
    mask8 = lane < 8
    row8 = lane & 7
    rot8 = lane ^ 8

    def half_clean(ka, va, kb, vb):
        ck = jnp.where(mask8, ka, kb)
        cv = jnp.where(mask8, va, vb)
        rk = ck[rot8]
        rv = cv[rot8]
        ge = ck >= rk
        return jnp.where(ge, ck, rk), jnp.where(ge, cv, rv)

    def start(chunk):
        return pltpu.async_copy(
            logits_hbm.at[pl.ds(base + chunk * _CHUNK, _CHUNK)],
            bufs[chunk % 2], sems[chunk % 2])

    pending = start(0)
    for chunk in range(_NCHUNK):
        pending.wait()
        if chunk + 1 < _NCHUNK:
            pending = start(chunk + 1)
        lbuf = bufs[chunk % 2]

        @plsc.parallel_loop(0, _CHUNK, unroll=8)
        def _token(t, chunk=chunk, lbuf=lbuf):
            e0 = jnp.exp(lbuf[t, pl.ds(0, 16)])
            e1 = jnp.exp(lbuf[t, pl.ds(16, 16)])
            e2 = jnp.exp(lbuf[t, pl.ds(32, 16)])
            e3 = jnp.exp(lbuf[t, pl.ds(48, 16)])
            zc = plsc.cumsum((e0 + e1) + (e2 + e3))
            z = zc[jnp.full((16,), 15, jnp.int32)]

            k0, v0 = plsc.sort_key_val(e0, lane, descending=True)
            k1, v1 = plsc.sort_key_val(e1, lane + 16, descending=False)
            k2, v2 = plsc.sort_key_val(e2, lane + 32, descending=True)
            k3, v3 = plsc.sort_key_val(e3, lane + 48, descending=False)

            d01k, d01v = half_clean(k0, v0, k1, v1)
            d23k, d23v = half_clean(k2, v2, k3, v3)

            fk, fv = plsc.sort_key_val(
                jnp.where(mask8, d01k, d23k), jnp.where(mask8, d01v, d23v),
                descending=True)

            s8 = plsc.cumsum(fk)[jnp.full((16,), TOP_K - 1, jnp.int32)]
            r = 1.0 / (s8 + 1e-6 * z)

            col = jnp.full((16,), chunk * _CHUNK + t, jnp.int32)
            plsc.store_scatter(vbuf, [row8, col], fk * r, mask=mask8)
            plsc.store_scatter(ibuf, [row8, col], fv, mask=mask8)

    pltpu.sync_copy(vbuf, vals_hbm.at[:, pl.ds(base, _TOK_W)])
    pltpu.sync_copy(ibuf, idx_hbm.at[:, pl.ds(base, _TOK_W)])


def kernel(logits, noise_std, training):
    del noise_std, training
    vals, idx = _router(logits)
    return vals.T, idx.T

# --- scband reference (transcript-rebuilt; emitter-appended) ---
"""Pipeline reference for scband-base-router-10909216932608 (READ-ONLY COPY).

The authoritative reference and input builder live on the scoring server;
editing this copy changes nothing except your own understanding.
"""

import jax, jax.numpy as jnp
import numpy as np

NUM_EXPERTS = 64
TOP_K = 8
B = 32768

def setup_inputs(seed: int = 0) -> dict:
    key = jax.random.key(seed)
    logits = jax.random.normal(key, (B, NUM_EXPERTS), dtype=jnp.float32)
    return {"logits": logits, "noise_std": 0, "training": 0}

def reference(logits, noise_std=0, training=0):
    # training=False path: no noise injection, no loss_dict tensors
    probs = jax.nn.softmax(logits, axis=1)
    topk_vals, topk_indices = jax.lax.top_k(probs, TOP_K)
    sum_vals = jnp.sum(topk_vals, axis=1, keepdims=True) + 1e-06
    topk_vals = topk_vals / sum_vals
    return (topk_vals, topk_indices)

if __name__ == "__main__":
    import jax
    _d = setup_inputs()
    print(jax.jit(kernel)(*tuple(_d.values())))

</pallas_src>

<mosaic_0001>
#map = affine_map<(d0, d1) -> (0, 0)>
module attributes {stable_mosaic.version = 14 : i64} {
  func.func @_router(%arg0: i32, %arg1: i32, %arg2: memref<32768x64xf32, #tpu.memory_space<hbm>>, %arg3: memref<8x32768xf32, #tpu.memory_space<hbm>>, %arg4: memref<8x32768xi32, #tpu.memory_space<hbm>>, %arg5: memref<256x64xf32, #tpu.memory_space<vmem>>, %arg6: memref<256x64xf32, #tpu.memory_space<vmem>>, %arg7: memref<8x1024xf32, #tpu.memory_space<vmem>>, %arg8: memref<8x1024xi32, #tpu.memory_space<vmem>>, %arg9: memref<!tpu.dma_semaphore, #tpu.memory_space<semaphore_mem>>, %arg10: memref<!tpu.dma_semaphore, #tpu.memory_space<semaphore_mem>>) attributes {dimension_semantics = [#tpu.dimension_semantics<core_parallel>, #tpu.dimension_semantics<subcore_parallel>], iteration_bounds = array<i64: 2, 16>, scalar_prefetch = 0 : i64, scratch_operands = 6 : i64, tpu.core_type = #tpu.core_type<sc_vector_subcore>, window_params = [{transform_indices = #map}, {transform_indices = #map}, {transform_indices = #map}]} {
    %mul3A = arith.constant 2 : i32
    %mul3A_0 = arith.muli %arg1, %mul3A : i32
    %add3A = arith.addi %mul3A_0, %arg0 : i32
    %mul3A_1 = arith.constant 1024 : i32
    %mul3A_2 = arith.muli %add3A, %mul3A_1 : i32
    %iota3A = tpu.iota {dimensions = array<i32: 0>} : vector<16xi32>
    %lt3A = arith.constant 8 : i32
    %lt3A_3 = vector.broadcast %lt3A : i32 to vector<16xi32>
    %lt3A_4 = arith.cmpi slt, %iota3A, %lt3A_3 : vector<16xi32>
    %and3A = arith.constant 7 : i32
    %and3A_5 = vector.broadcast %and3A : i32 to vector<16xi32>
    %and3A_6 = arith.andi %iota3A, %and3A_5 : vector<16xi32>
    %xor3A = arith.constant 8 : i32
    %xor3A_7 = vector.broadcast %xor3A : i32 to vector<16xi32>
    %xor3A_8 = arith.xori %iota3A, %xor3A_7 : vector<16xi32>
    %add3A_9 = arith.constant 0 : i32
    %add3A_10 = arith.addi %mul3A_2, %add3A_9 : i32
    %dma_start3A = arith.constant 0 : i32
    %dma_start3A_11 = tpu.memref_slice %arg2[%add3A_10, %dma_start3A] : memref<32768x64xf32, #tpu.memory_space<hbm>> -> memref<256x64xf32, #tpu.memory_space<hbm>>
    %dma_start3A_12 = arith.constant 0 : i32
    %dma_start3A_13 = tpu.memref_slice %arg2[%add3A_10, %dma_start3A_12] : memref<32768x64xf32, #tpu.memory_space<hbm>> -> memref<256x64xf32, #tpu.memory_space<hbm>>
    tpu.enqueue_dma source(%dma_start3A_13 : memref<256x64xf32, #tpu.memory_space<hbm>>) target(%arg5 : memref<256x64xf32, #tpu.memory_space<vmem>>) target_semaphore(%arg9 : memref<!tpu.dma_semaphore, #tpu.memory_space<semaphore_mem>>)
    %dma_wait3A = arith.constant 0 : i32
    %dma_wait3A_14 = tpu.memref_slice %arg2[%add3A_10, %dma_wait3A] : memref<32768x64xf32, #tpu.memory_space<hbm>> -> memref<256x64xf32, #tpu.memory_space<hbm>>
    %dma_wait3A_15 = arith.constant 0 : i32
    %dma_wait3A_16 = tpu.memref_slice %arg2[%add3A_10, %dma_wait3A_15] : memref<32768x64xf32, #tpu.memory_space<hbm>> -> memref<256x64xf32, #tpu.memory_space<hbm>>
    tpu.wait_dma2 semaphore(%arg9 : memref<!tpu.dma_semaphore, #tpu.memory_space<semaphore_mem>>) src(%dma_wait3A_16 : memref<256x64xf32, #tpu.memory_space<hbm>>) dst(%arg5 : memref<256x64xf32, #tpu.memory_space<vmem>>)
    %add3A_17 = arith.constant 256 : i32
    %add3A_18 = arith.addi %mul3A_2, %add3A_17 : i32
    %dma_start3A_19 = arith.constant 0 : i32
    %dma_start3A_20 = tpu.memref_slice %arg2[%add3A_18, %dma_start3A_19] : memref<32768x64xf32, #tpu.memory_space<hbm>> -> memref<256x64xf32, #tpu.memory_space<hbm>>
    %dma_start3A_21 = arith.constant 0 : i32
    %dma_start3A_22 = tpu.memref_slice %arg2[%add3A_18, %dma_start3A_21] : memref<32768x64xf32, #tpu.memory_space<hbm>> -> memref<256x64xf32, #tpu.memory_space<hbm>>
    tpu.enqueue_dma source(%dma_start3A_22 : memref<256x64xf32, #tpu.memory_space<hbm>>) target(%arg6 : memref<256x64xf32, #tpu.memory_space<vmem>>) target_semaphore(%arg10 : memref<!tpu.dma_semaphore, #tpu.memory_space<semaphore_mem>>)
    %parallel_loop3A = arith.constant 0 : i32
    %parallel_loop3A_23 = arith.constant 256 : i32
    %parallel_loop3A_24 = arith.constant 1 : i32
    scf.for %parallel_loop3A_58 = %parallel_loop3A to %parallel_loop3A_23 step %parallel_loop3A_24  : i32 {
      %parallel_loop3A_59 = arith.index_cast %parallel_loop3A_58 : i32 to index
      %parallel_loop3A_60 = arith.constant 0 : index
      %parallel_loop3A_61 = tpu.vector_load %arg5[%parallel_loop3A_59, %parallel_loop3A_60] {strides = array<i32>} : memref<256x64xf32, #tpu.memory_space<vmem>>, vector<16xf32>,
      %parallel_loop3A_62 = math.exp %parallel_loop3A_61 : vector<16xf32>
      %parallel_loop3A_63 = arith.index_cast %parallel_loop3A_58 : i32 to index
      %parallel_loop3A_64 = arith.constant 16 : index
      %parallel_loop3A_65 = tpu.vector_load %arg5[%parallel_loop3A_63, %parallel_loop3A_64] {strides = array<i32>} : memref<256x64xf32, #tpu.memory_space<vmem>>, vector<16xf32>,
      %parallel_loop3A_66 = math.exp %parallel_loop3A_65 : vector<16xf32>
      %parallel_loop3A_67 = arith.index_cast %parallel_loop3A_58 : i32 to index
      %parallel_loop3A_68 = arith.constant 32 : index
      %parallel_loop3A_69 = tpu.vector_load %arg5[%parallel_loop3A_67, %parallel_loop3A_68] {strides = array<i32>} : memref<256x64xf32, #tpu.memory_space<vmem>>, vector<16xf32>,
      %parallel_loop3A_70 = math.exp %parallel_loop3A_69 : vector<16xf32>
      %parallel_loop3A_71 = arith.index_cast %parallel_loop3A_58 : i32 to index
      %parallel_loop3A_72 = arith.constant 48 : index
      %parallel_loop3A_73 = tpu.vector_load %arg5[%parallel_loop3A_71, %parallel_loop3A_72] {strides = array<i32>} : memref<256x64xf32, #tpu.memory_space<vmem>>, vector<16xf32>,
      %parallel_loop3A_74 = math.exp %parallel_loop3A_73 : vector<16xf32>
      %parallel_loop3A_75 = arith.addf %parallel_loop3A_62, %parallel_loop3A_66 : vector<16xf32>
      %parallel_loop3A_76 = arith.addf %parallel_loop3A_70, %parallel_loop3A_74 : vector<16xf32>
      %parallel_loop3A_77 = arith.addf %parallel_loop3A_75, %parallel_loop3A_76 : vector<16xf32>
      %parallel_loop3A_78 = arith.constant true
      %parallel_loop3A_79 = vector.broadcast %parallel_loop3A_78 : i1 to vector<16xi1>
      %parallel_loop3A_80 = tpu.scan <sum>, %parallel_loop3A_77 masked %parallel_loop3A_79 : vector<16xf32>, vector<16xi1> -> vector<16xf32>
      %parallel_loop3A_81 = arith.constant 15 : i32
      %parallel_loop3A_82 = vector.broadcast %parallel_loop3A_81 : i32 to vector<16xi32>
      %parallel_loop3A_83 = arith.constant 0 : i32
      %parallel_loop3A_84 = vector.broadcast %parallel_loop3A_83 : i32 to vector<16xi32>
      %parallel_loop3A_85 = arith.cmpi slt, %parallel_loop3A_82, %parallel_loop3A_84 : vector<16xi32>
      %parallel_loop3A_86 = arith.constant 16 : i32
      %parallel_loop3A_87 = vector.broadcast %parallel_loop3A_86 : i32 to vector<16xi32>
      %parallel_loop3A_88 = arith.addi %parallel_loop3A_82, %parallel_loop3A_87 : vector<16xi32>
      %parallel_loop3A_89 = arith.select %parallel_loop3A_85, %parallel_loop3A_88, %parallel_loop3A_82 : vector<16xi1>, vector<16xi32>
      %parallel_loop3A_90 = vector.shape_cast %parallel_loop3A_89 : vector<16xi32> to vector<16x1xi32>
      %parallel_loop3A_91 = vector.shape_cast %parallel_loop3A_90 : vector<16x1xi32> to vector<16xi32>
      %parallel_loop3A_92 = tpu.dynamic_gather %parallel_loop3A_80[%parallel_loop3A_91] in [0] : vector<16xf32>, vector<16xi32> -> vector<16xf32>
      %parallel_loop3A_93 = arith.constant dense<true> : vector<16xi1>
      %parallel_loop3A_94, %parallel_loop3A_95, %parallel_loop3A_96 = tpu.sort %parallel_loop3A_62, %iota3A masked %parallel_loop3A_93 {descending = true} : (vector<16xf32>, vector<16xi32>, vector<16xi1>) -> (vector<16xi1>, vector<16xf32>, vector<16xi32>)
      %parallel_loop3A_97 = arith.constant 16 : i32
      %parallel_loop3A_98 = vector.broadcast %parallel_loop3A_97 : i32 to vector<16xi32>
      %parallel_loop3A_99 = arith.addi %iota3A, %parallel_loop3A_98 : vector<16xi32>
      %parallel_loop3A_100 = arith.constant dense<true> : vector<16xi1>
      %parallel_loop3A_101, %parallel_loop3A_102, %parallel_loop3A_103 = tpu.sort %parallel_loop3A_66, %parallel_loop3A_99 masked %parallel_loop3A_100 : (vector<16xf32>, vector<16xi32>, vector<16xi1>) -> (vector<16xi1>, vector<16xf32>, vector<16xi32>)
      %parallel_loop3A_104 = arith.constant 32 : i32
      %parallel_loop3A_105 = vector.broadcast %parallel_loop3A_104 : i32 to vector<16xi32>
      %parallel_loop3A_106 = arith.addi %iota3A, %parallel_loop3A_105 : vector<16xi32>
      %parallel_loop3A_107 = arith.constant dense<true> : vector<16xi1>
      %parallel_loop3A_108, %parallel_loop3A_109, %parallel_loop3A_110 = tpu.sort %parallel_loop3A_70, %parallel_loop3A_106 masked %parallel_loop3A_107 {descending = true} : (vector<16xf32>, vector<16xi32>, vector<16xi1>) -> (vector<16xi1>, vector<16xf32>, vector<16xi32>)
      %parallel_loop3A_111 = arith.constant 48 : i32
      %parallel_loop3A_112 = vector.broadcast %parallel_loop3A_111 : i32 to vector<16xi32>
      %parallel_loop3A_113 = arith.addi %iota3A, %parallel_loop3A_112 : vector<16xi32>
      %parallel_loop3A_114 = arith.constant dense<true> : vector<16xi1>
      %parallel_loop3A_115, %parallel_loop3A_116, %parallel_loop3A_117 = tpu.sort %parallel_loop3A_74, %parallel_loop3A_113 masked %parallel_loop3A_114 : (vector<16xf32>, vector<16xi32>, vector<16xi1>) -> (vector<16xi1>, vector<16xf32>, vector<16xi32>)
      %parallel_loop3A_118 = arith.select %lt3A_4, %parallel_loop3A_95, %parallel_loop3A_102 : vector<16xi1>, vector<16xf32>
      %parallel_loop3A_119 = arith.select %lt3A_4, %parallel_loop3A_96, %parallel_loop3A_103 : vector<16xi1>, vector<16xi32>
      %parallel_loop3A_120 = arith.constant 0 : i32
      %parallel_loop3A_121 = vector.broadcast %parallel_loop3A_120 : i32 to vector<16xi32>
      %parallel_loop3A_122 = arith.cmpi slt, %xor3A_8, %parallel_loop3A_121 : vector<16xi32>
      %parallel_loop3A_123 = arith.constant 16 : i32
      %parallel_loop3A_124 = vector.broadcast %parallel_loop3A_123 : i32 to vector<16xi32>
      %parallel_loop3A_125 = arith.addi %xor3A_8, %parallel_loop3A_124 : vector<16xi32>
      %parallel_loop3A_126 = arith.select %parallel_loop3A_122, %parallel_loop3A_125, %xor3A_8 : vector<16xi1>, vector<16xi32>
      %parallel_loop3A_127 = vector.shape_cast %parallel_loop3A_126 : vector<16xi32> to vector<16x1xi32>
      %parallel_loop3A_128 = vector.shape_cast %parallel_loop3A_127 : vector<16x1xi32> to vector<16xi32>
      %parallel_loop3A_129 = tpu.dynamic_gather %parallel_loop3A_118[%parallel_loop3A_128] in [0] : vector<16xf32>, vector<16xi32> -> vector<16xf32>
      %parallel_loop3A_130 = arith.constant 0 : i32
      %parallel_loop3A_131 = vector.broadcast %parallel_loop3A_130 : i32 to vector<16xi32>
      %parallel_loop3A_132 = arith.cmpi slt, %xor3A_8, %parallel_loop3A_131 : vector<16xi32>
      %parallel_loop3A_133 = arith.constant 16 : i32
      %parallel_loop3A_134 = vector.broadcast %parallel_loop3A_133 : i32 to vector<16xi32>
      %parallel_loop3A_135 = arith.addi %xor3A_8, %parallel_loop3A_134 : vector<16xi32>
      %parallel_loop3A_136 = arith.select %parallel_loop3A_132, %parallel_loop3A_135, %xor3A_8 : vector<16xi1>, vector<16xi32>
      %parallel_loop3A_137 = vector.shape_cast %parallel_loop3A_136 : vector<16xi32> to vector<16x1xi32>
      %parallel_loop3A_138 = vector.shape_cast %parallel_loop3A_137 : vector<16x1xi32> to vector<16xi32>
      %parallel_loop3A_139 = tpu.dynamic_gather %parallel_loop3A_119[%parallel_loop3A_138] in [0] : vector<16xi32>, vector<16xi32> -> vector<16xi32>
      %parallel_loop3A_140 = arith.cmpf oge, %parallel_loop3A_118, %parallel_loop3A_129 : vector<16xf32>
      %parallel_loop3A_141 = arith.select %parallel_loop3A_140, %parallel_loop3A_118, %parallel_loop3A_129 : vector<16xi1>, vector<16xf32>
      %parallel_loop3A_142 = arith.select %parallel_loop3A_140, %parallel_loop3A_119, %parallel_loop3A_139 : vector<16xi1>, vector<16xi32>
      %parallel_loop3A_143 = arith.select %lt3A_4, %parallel_loop3A_109, %parallel_loop3A_116 : vector<16xi1>, vector<16xf32>
      %parallel_loop3A_144 = arith.select %lt3A_4, %parallel_loop3A_110, %parallel_loop3A_117 : vector<16xi1>, vector<16xi32>
      %parallel_loop3A_145 = arith.constant 0 : i32
      %parallel_loop3A_146 = vector.broadcast %parallel_loop3A_145 : i32 to vector<16xi32>
      %parallel_loop3A_147 = arith.cmpi slt, %xor3A_8, %parallel_loop3A_146 : vector<16xi32>
      %parallel_loop3A_148 = arith.constant 16 : i32
      %parallel_loop3A_149 = vector.broadcast %parallel_loop3A_148 : i32 to vector<16xi32>
      %parallel_loop3A_150 = arith.addi %xor3A_8, %parallel_loop3A_149 : vector<16xi32>
      %parallel_loop3A_151 = arith.select %parallel_loop3A_147, %parallel_loop3A_150, %xor3A_8 : vector<16xi1>, vector<16xi32>
      %parallel_loop3A_152 = vector.shape_cast %parallel_loop3A_151 : vector<16xi32> to vector<16x1xi32>
      %parallel_loop3A_153 = vector.shape_cast %parallel_loop3A_152 : vector<16x1xi32> to vector<16xi32>
      %parallel_loop3A_154 = tpu.dynamic_gather %parallel_loop3A_143[%parallel_loop3A_153] in [0] : vector<16xf32>, vector<16xi32> -> vector<16xf32>
      %parallel_loop3A_155 = arith.constant 0 : i32
      %parallel_loop3A_156 = vector.broadcast %parallel_loop3A_155 : i32 to vector<16xi32>
      %parallel_loop3A_157 = arith.cmpi slt, %xor3A_8, %parallel_loop3A_156 : vector<16xi32>
      %parallel_loop3A_158 = arith.constant 16 : i32
      %parallel_loop3A_159 = vector.broadcast %parallel_loop3A_158 : i32 to vector<16xi32>
      %parallel_loop3A_160 = arith.addi %xor3A_8, %parallel_loop3A_159 : vector<16xi32>
      %parallel_loop3A_161 = arith.select %parallel_loop3A_157, %parallel_loop3A_160, %xor3A_8 : vector<16xi1>, vector<16xi32>
      %parallel_loop3A_162 = vector.shape_cast %parallel_loop3A_161 : vector<16xi32> to vector<16x1xi32>
      %parallel_loop3A_163 = vector.shape_cast %parallel_loop3A_162 : vector<16x1xi32> to vector<16xi32>
      %parallel_loop3A_164 = tpu.dynamic_gather %parallel_loop3A_144[%parallel_loop3A_163] in [0] : vector<16xi32>, vector<16xi32> -> vector<16xi32>
      %parallel_loop3A_165 = arith.cmpf oge, %parallel_loop3A_143, %parallel_loop3A_154 : vector<16xf32>
      %parallel_loop3A_166 = arith.select %parallel_loop3A_165, %parallel_loop3A_143, %parallel_loop3A_154 : vector<16xi1>, vector<16xf32>
      %parallel_loop3A_167 = arith.select %parallel_loop3A_165, %parallel_loop3A_144, %parallel_loop3A_164 : vector<16xi1>, vector<16xi32>
      %parallel_loop3A_168 = arith.select %lt3A_4, %parallel_loop3A_141, %parallel_loop3A_166 : vector<16xi1>, vector<16xf32>
      %parallel_loop3A_169 = arith.select %lt3A_4, %parallel_loop3A_142, %parallel_loop3A_167 : vector<16xi1>, vector<16xi32>
      %parallel_loop3A_170 = arith.constant dense<true> : vector<16xi1>
      %parallel_loop3A_171, %parallel_loop3A_172, %parallel_loop3A_173 = tpu.sort %parallel_loop3A_168, %parallel_loop3A_169 masked %parallel_loop3A_170 {descending = true} : (vector<16xf32>, vector<16xi32>, vector<16xi1>) -> (vector<16xi1>, vector<16xf32>, vector<16xi32>)
      %parallel_loop3A_174 = arith.constant true
      %parallel_loop3A_175 = vector.broadcast %parallel_loop3A_174 : i1 to vector<16xi1>
      %parallel_loop3A_176 = tpu.scan <sum>, %parallel_loop3A_172 masked %parallel_loop3A_175 : vector<16xf32>, vector<16xi1> -> vector<16xf32>
      %parallel_loop3A_177 = arith.constant 7 : i32
      %parallel_loop3A_178 = vector.broadcast %parallel_loop3A_177 : i32 to vector<16xi32>
      %parallel_loop3A_179 = arith.constant 0 : i32
      %parallel_loop3A_180 = vector.broadcast %parallel_loop3A_179 : i32 to vector<16xi32>
      %parallel_loop3A_181 = arith.cmpi slt, %parallel_loop3A_178, %parallel_loop3A_180 : vector<16xi32>
      %parallel_loop3A_182 = arith.constant 16 : i32
      %parallel_loop3A_183 = vector.broadcast %parallel_loop3A_182 : i32 to vector<16xi32>
      %parallel_loop3A_184 = arith.addi %parallel_loop3A_178, %parallel_loop3A_183 : vector<16xi32>
      %parallel_loop3A_185 = arith.select %parallel_loop3A_181, %parallel_loop3A_184, %parallel_loop3A_178 : vector<16xi1>, vector<16xi32>
      %parallel_loop3A_186 = vector.shape_cast %parallel_loop3A_185 : vector<16xi32> to vector<16x1xi32>
      %parallel_loop3A_187 = vector.shape_cast %parallel_loop3A_186 : vector<16x1xi32> to vector<16xi32>
      %parallel_loop3A_188 = tpu.dynamic_gather %parallel_loop3A_176[%parallel_loop3A_187] in [0] : vector<16xf32>, vector<16xi32> -> vector<16xf32>
      %parallel_loop3A_189 = arith.constant 9.99999997E-7 : f32
      %parallel_loop3A_190 = vector.broadcast %parallel_loop3A_189 : f32 to vector<16xf32>
      %parallel_loop3A_191 = arith.mulf %parallel_loop3A_190, %parallel_loop3A_92 : vector<16xf32>
      %parallel_loop3A_192 = arith.addf %parallel_loop3A_188, %parallel_loop3A_191 : vector<16xf32>
      %parallel_loop3A_193 = arith.constant 1.000000e+00 : f32
      %parallel_loop3A_194 = vector.broadcast %parallel_loop3A_193 : f32 to vector<16xf32>
      %parallel_loop3A_195 = arith.divf %parallel_loop3A_194, %parallel_loop3A_192 : vector<16xf32>
      %parallel_loop3A_196 = arith.constant 0 : i32
      %parallel_loop3A_197 = arith.addi %parallel_loop3A_196, %parallel_loop3A_58 : i32
      %parallel_loop3A_198 = vector.broadcast %parallel_loop3A_197 : i32 to vector<16xi32>
      %parallel_loop3A_199 = arith.mulf %parallel_loop3A_172, %parallel_loop3A_195 : vector<16xf32>
      tpu.vector_store_idx %arg7[%and3A_6, %parallel_loop3A_198], %parallel_loop3A_199 masked %lt3A_4 : memref<8x1024xf32, #tpu.memory_space<vmem>>[vector<16xi32>, vector<16xi32>], vector<16xf32>, vector<16xi1>
      tpu.vector_store_idx %arg8[%and3A_6, %parallel_loop3A_198], %parallel_loop3A_173 masked %lt3A_4 : memref<8x1024xi32, #tpu.memory_space<vmem>>[vector<16xi32>, vector<16xi32>], vector<16xi32>, vector<16xi1>
    } {sc.loop_unroll_factor = 8 : i64, sc.parallel_access}
    %dma_wait3A_25 = arith.constant 0 : i32
    %dma_wait3A_26 = tpu.memref_slice %arg2[%add3A_18, %dma_wait3A_25] : memref<32768x64xf32, #tpu.memory_space<hbm>> -> memref<256x64xf32, #tpu.memory_space<hbm>>
    %dma_wait3A_27 = arith.constant 0 : i32
    %dma_wait3A_28 = tpu.memref_slice %arg2[%add3A_18, %dma_wait3A_27] : memref<32768x64xf32, #tpu.memory_space<hbm>> -> memref<256x64xf32, #tpu.memory_space<hbm>>
    tpu.wait_dma2 semaphore(%arg10 : memref<!tpu.dma_semaphore, #tpu.memory_space<semaphore_mem>>) src(%dma_wait3A_28 : memref<256x64xf32, #tpu.memory_space<hbm>>) dst(%arg6 : memref<256x64xf32, #tpu.memory_space<vmem>>)
    %add3A_29 = arith.constant 512 : i32
    %add3A_30 = arith.addi %mul3A_2, %add3A_29 : i32
    %dma_start3A_31 = arith.constant 0 : i32
    %dma_start3A_32 = tpu.memref_slice %arg2[%add3A_30, %dma_start3A_31] : memref<32768x64xf32, #tpu.memory_space<hbm>> -> memref<256x64xf32, #tpu.memory_space<hbm>>
    %dma_start3A_33 = arith.constant 0 : i32
    %dma_start3A_34 = tpu.memref_slice %arg2[%add3A_30, %dma_start3A_33] : memref<32768x64xf32, #tpu.memory_space<hbm>> -> memref<256x64xf32, #tpu.memory_space<hbm>>
    tpu.enqueue_dma source(%dma_start3A_34 : memref<256x64xf32, #tpu.memory_space<hbm>>) target(%arg5 : memref<256x64xf32, #tpu.memory_space<vmem>>) target_semaphore(%arg9 : memref<!tpu.dma_semaphore, #tpu.memory_space<semaphore_mem>>)
    %parallel_loop3A_35 = arith.constant 0 : i32
    %parallel_loop3A_36 = arith.constant 256 : i32
    %parallel_loop3A_37 = arith.constant 1 : i32
    scf.for %parallel_loop3A_58 = %parallel_loop3A_35 to %parallel_loop3A_36 step %parallel_loop3A_37  : i32 {
      %parallel_loop3A_59 = arith.index_cast %parallel_loop3A_58 : i32 to index
      %parallel_loop3A_60 = arith.constant 0 : index
      %parallel_loop3A_61 = tpu.vector_load %arg6[%parallel_loop3A_59, %parallel_loop3A_60] {strides = array<i32>} : memref<256x64xf32, #tpu.memory_space<vmem>>, vector<16xf32>,
      %parallel_loop3A_62 = math.exp %parallel_loop3A_61 : vector<16xf32>
      %parallel_loop3A_63 = arith.index_cast %parallel_loop3A_58 : i32 to index
      %parallel_loop3A_64 = arith.constant 16 : index
      %parallel_loop3A_65 = tpu.vector_load %arg6[%parallel_loop3A_63, %parallel_loop3A_64] {strides = array<i32>} : memref<256x64xf32, #tpu.memory_space<vmem>>, vector<16xf32>,
      %parallel_loop3A_66 = math.exp %parallel_loop3A_65 : vector<16xf32>
      %parallel_loop3A_67 = arith.index_cast %parallel_loop3A_58 : i32 to index
      %parallel_loop3A_68 = arith.constant 32 : index
      %parallel_loop3A_69 = tpu.vector_load %arg6[%parallel_loop3A_67, %parallel_loop3A_68] {strides = array<i32>} : memref<256x64xf32, #tpu.memory_space<vmem>>, vector<16xf32>,
      %parallel_loop3A_70 = math.exp %parallel_loop3A_69 : vector<16xf32>
      %parallel_loop3A_71 = arith.index_cast %parallel_loop3A_58 : i32 to index
      %parallel_loop3A_72 = arith.constant 48 : index
      %parallel_loop3A_73 = tpu.vector_load %arg6[%parallel_loop3A_71, %parallel_loop3A_72] {strides = array<i32>} : memref<256x64xf32, #tpu.memory_space<vmem>>, vector<16xf32>,
      %parallel_loop3A_74 = math.exp %parallel_loop3A_73 : vector<16xf32>
      %parallel_loop3A_75 = arith.addf %parallel_loop3A_62, %parallel_loop3A_66 : vector<16xf32>
      %parallel_loop3A_76 = arith.addf %parallel_loop3A_70, %parallel_loop3A_74 : vector<16xf32>
      %parallel_loop3A_77 = arith.addf %parallel_loop3A_75, %parallel_loop3A_76 : vector<16xf32>
      %parallel_loop3A_78 = arith.constant true
      %parallel_loop3A_79 = vector.broadcast %parallel_loop3A_78 : i1 to vector<16xi1>
      %parallel_loop3A_80 = tpu.scan <sum>, %parallel_loop3A_77 masked %parallel_loop3A_79 : vector<16xf32>, vector<16xi1> -> vector<16xf32>
      %parallel_loop3A_81 = arith.constant 15 : i32
      %parallel_loop3A_82 = vector.broadcast %parallel_loop3A_81 : i32 to vector<16xi32>
      %parallel_loop3A_83 = arith.constant 0 : i32
      %parallel_loop3A_84 = vector.broadcast %parallel_loop3A_83 : i32 to vector<16xi32>
      %parallel_loop3A_85 = arith.cmpi slt, %parallel_loop3A_82, %parallel_loop3A_84 : vector<16xi32>
      %parallel_loop3A_86 = arith.constant 16 : i32
      %parallel_loop3A_87 = vector.broadcast %parallel_loop3A_86 : i32 to vector<16xi32>
      %parallel_loop3A_88 = arith.addi %parallel_loop3A_82, %parallel_loop3A_87 : vector<16xi32>
      %parallel_loop3A_89 = arith.select %parallel_loop3A_85, %parallel_loop3A_88, %parallel_loop3A_82 : vector<16xi1>, vector<16xi32>
      %parallel_loop3A_90 = vector.shape_cast %parallel_loop3A_89 : vector<16xi32> to vector<16x1xi32>
      %parallel_loop3A_91 = vector.shape_cast %parallel_loop3A_90 : vector<16x1xi32> to vector<16xi32>
      %parallel_loop3A_92 = tpu.dynamic_gather %parallel_loop3A_80[%parallel_loop3A_91] in [0] : vector<16xf32>, vector<16xi32> -> vector<16xf32>
      %parallel_loop3A_93 = arith.constant dense<true> : vector<16xi1>
      %parallel_loop3A_94, %parallel_loop3A_95, %parallel_loop3A_96 = tpu.sort %parallel_loop3A_62, %iota3A masked %parallel_loop3A_93 {descending = true} : (vector<16xf32>, vector<16xi32>, vector<16xi1>) -> (vector<16xi1>, vector<16xf32>, vector<16xi32>)
      %parallel_loop3A_97 = arith.constant 16 : i32
      %parallel_loop3A_98 = vector.broadcast %parallel_loop3A_97 : i32 to vector<16xi32>
      %parallel_loop3A_99 = arith.addi %iota3A, %parallel_loop3A_98 : vector<16xi32>
      %parallel_loop3A_100 = arith.constant dense<true> : vector<16xi1>
      %parallel_loop3A_101, %parallel_loop3A_102, %parallel_loop3A_103 = tpu.sort %parallel_loop3A_66, %parallel_loop3A_99 masked %parallel_loop3A_100 : (vector<16xf32>, vector<16xi32>, vector<16xi1>) -> (vector<16xi1>, vector<16xf32>, vector<16xi32>)
      %parallel_loop3A_104 = arith.constant 32 : i32
      %parallel_loop3A_105 = vector.broadcast %parallel_loop3A_104 : i32 to vector<16xi32>
      %parallel_loop3A_106 = arith.addi %iota3A, %parallel_loop3A_105 : vector<16xi32>
      %parallel_loop3A_107 = arith.constant dense<true> : vector<16xi1>
      %parallel_loop3A_108, %parallel_loop3A_109, %parallel_loop3A_110 = tpu.sort %parallel_loop3A_70, %parallel_loop3A_106 masked %parallel_loop3A_107 {descending = true} : (vector<16xf32>, vector<16xi32>, vector<16xi1>) -> (vector<16xi1>, vector<16xf32>, vector<16xi32>)
      %parallel_loop3A_111 = arith.constant 48 : i32
      %parallel_loop3A_112 = vector.broadcast %parallel_loop3A_111 : i32 to vector<16xi32>
      %parallel_loop3A_113 = arith.addi %iota3A, %parallel_loop3A_112 : vector<16xi32>
      %parallel_loop3A_114 = arith.constant dense<true> : vector<16xi1>
      %parallel_loop3A_115, %parallel_loop3A_116, %parallel_loop3A_117 = tpu.sort %parallel_loop3A_74, %parallel_loop3A_113 masked %parallel_loop3A_114 : (vector<16xf32>, vector<16xi32>, vector<16xi1>) -> (vector<16xi1>, vector<16xf32>, vector<16xi32>)
      %parallel_loop3A_118 = arith.select %lt3A_4, %parallel_loop3A_95, %parallel_loop3A_102 : vector<16xi1>, vector<16xf32>
      %parallel_loop3A_119 = arith.select %lt3A_4, %parallel_loop3A_96, %parallel_loop3A_103 : vector<16xi1>, vector<16xi32>
      %parallel_loop3A_120 = arith.constant 0 : i32
      %parallel_loop3A_121 = vector.broadcast %parallel_loop3A_120 : i32 to vector<16xi32>
      %parallel_loop3A_122 = arith.cmpi slt, %xor3A_8, %parallel_loop3A_121 : vector<16xi32>
      %parallel_loop3A_123 = arith.constant 16 : i32
      %parallel_loop3A_124 = vector.broadcast %parallel_loop3A_123 : i32 to vector<16xi32>
      %parallel_loop3A_125 = arith.addi %xor3A_8, %parallel_loop3A_124 : vector<16xi32>
      %parallel_loop3A_126 = arith.select %parallel_loop3A_122, %parallel_loop3A_125, %xor3A_8 : vector<16xi1>, vector<16xi32>
      %parallel_loop3A_127 = vector.shape_cast %parallel_loop3A_126 : vector<16xi32> to vector<16x1xi32>
      %parallel_loop3A_128 = vector.shape_cast %parallel_loop3A_127 : vector<16x1xi32> to vector<16xi32>
      %parallel_loop3A_129 = tpu.dynamic_gather %parallel_loop3A_118[%parallel_loop3A_128] in [0] : vector<16xf32>, vector<16xi32> -> vector<16xf32>
      %parallel_loop3A_130 = arith.constant 0 : i32
      %parallel_loop3A_131 = vector.broadcast %parallel_loop3A_130 : i32 to vector<16xi32>
      %parallel_loop3A_132 = arith.cmpi slt, %xor3A_8, %parallel_loop3A_131 : vector<16xi32>
      %parallel_loop3A_133 = arith.constant 16 : i32
      %parallel_loop3A_134 = vector.broadcast %parallel_loop3A_133 : i32 to vector<16xi32>
      %parallel_loop3A_135 = arith.addi %xor3A_8, %parallel_loop3A_134 : vector<16xi32>
      %parallel_loop3A_136 = arith.select %parallel_loop3A_132, %parallel_loop3A_135, %xor3A_8 : vector<16xi1>, vector<16xi32>
      %parallel_loop3A_137 = vector.shape_cast %parallel_loop3A_136 : vector<16xi32> to vector<16x1xi32>
      %parallel_loop3A_138 = vector.shape_cast %parallel_loop3A_137 : vector<16x1xi32> to vector<16xi32>
      %parallel_loop3A_139 = tpu.dynamic_gather %parallel_loop3A_119[%parallel_loop3A_138] in [0] : vector<16xi32>, vector<16xi32> -> vector<16xi32>
      %parallel_loop3A_140 = arith.cmpf oge, %parallel_loop3A_118, %parallel_loop3A_129 : vector<16xf32>
      %parallel_loop3A_141 = arith.select %parallel_loop3A_140, %parallel_loop3A_118, %parallel_loop3A_129 : vector<16xi1>, vector<16xf32>
      %parallel_loop3A_142 = arith.select %parallel_loop3A_140, %parallel_loop3A_119, %parallel_loop3A_139 : vector<16xi1>, vector<16xi32>
      %parallel_loop3A_143 = arith.select %lt3A_4, %parallel_loop3A_109, %parallel_loop3A_116 : vector<16xi1>, vector<16xf32>
      %parallel_loop3A_144 = arith.select %lt3A_4, %parallel_loop3A_110, %parallel_loop3A_117 : vector<16xi1>, vector<16xi32>
      %parallel_loop3A_145 = arith.constant 0 : i32
      %parallel_loop3A_146 = vector.broadcast %parallel_loop3A_145 : i32 to vector<16xi32>
      %parallel_loop3A_147 = arith.cmpi slt, %xor3A_8, %parallel_loop3A_146 : vector<16xi32>
      %parallel_loop3A_148 = arith.constant 16 : i32
      %parallel_loop3A_149 = vector.broadcast %parallel_loop3A_148 : i32 to vector<16xi32>
      %parallel_loop3A_150 = arith.addi %xor3A_8, %parallel_loop3A_149 : vector<16xi32>
      %parallel_loop3A_151 = arith.select %parallel_loop3A_147, %parallel_loop3A_150, %xor3A_8 : vector<16xi1>, vector<16xi32>
      %parallel_loop3A_152 = vector.shape_cast %parallel_loop3A_151 : vector<16xi32> to vector<16x1xi32>
      %parallel_loop3A_153 = vector.shape_cast %parallel_loop3A_152 : vector<16x1xi32> to vector<16xi32>
      %parallel_loop3A_154 = tpu.dynamic_gather %parallel_loop3A_143[%parallel_loop3A_153] in [0] : vector<16xf32>, vector<16xi32> -> vector<16xf32>
      %parallel_loop3A_155 = arith.constant 0 : i32
      %parallel_loop3A_156 = vector.broadcast %parallel_loop3A_155 : i32 to vector<16xi32>
      %parallel_loop3A_157 = arith.cmpi slt, %xor3A_8, %parallel_loop3A_156 : vector<16xi32>
      %parallel_loop3A_158 = arith.constant 16 : i32
      %parallel_loop3A_159 = vector.broadcast %parallel_loop3A_158 : i32 to vector<16xi32>
      %parallel_loop3A_160 = arith.addi %xor3A_8, %parallel_loop3A_159 : vector<16xi32>
      %parallel_loop3A_161 = arith.select %parallel_loop3A_157, %parallel_loop3A_160, %xor3A_8 : vector<16xi1>, vector<16xi32>
      %parallel_loop3A_162 = vector.shape_cast %parallel_loop3A_161 : vector<16xi32> to vector<16x1xi32>
      %parallel_loop3A_163 = vector.shape_cast %parallel_loop3A_162 : vector<16x1xi32> to vector<16xi32>
      %parallel_loop3A_164 = tpu.dynamic_gather %parallel_loop3A_144[%parallel_loop3A_163] in [0] : vector<16xi32>, vector<16xi32> -> vector<16xi32>
      %parallel_loop3A_165 = arith.cmpf oge, %parallel_loop3A_143, %parallel_loop3A_154 : vector<16xf32>
      %parallel_loop3A_166 = arith.select %parallel_loop3A_165, %parallel_loop3A_143, %parallel_loop3A_154 : vector<16xi1>, vector<16xf32>
      %parallel_loop3A_167 = arith.select %parallel_loop3A_165, %parallel_loop3A_144, %parallel_loop3A_164 : vector<16xi1>, vector<16xi32>
      %parallel_loop3A_168 = arith.select %lt3A_4, %parallel_loop3A_141, %parallel_loop3A_166 : vector<16xi1>, vector<16xf32>
      %parallel_loop3A_169 = arith.select %lt3A_4, %parallel_loop3A_142, %parallel_loop3A_167 : vector<16xi1>, vector<16xi32>
      %parallel_loop3A_170 = arith.constant dense<true> : vector<16xi1>
      %parallel_loop3A_171, %parallel_loop3A_172, %parallel_loop3A_173 = tpu.sort %parallel_loop3A_168, %parallel_loop3A_169 masked %parallel_loop3A_170 {descending = true} : (vector<16xf32>, vector<16xi32>, vector<16xi1>) -> (vector<16xi1>, vector<16xf32>, vector<16xi32>)
      %parallel_loop3A_174 = arith.constant true
      %parallel_loop3A_175 = vector.broadcast %parallel_loop3A_174 : i1 to vector<16xi1>
      %parallel_loop3A_176 = tpu.scan <sum>, %parallel_loop3A_172 masked %parallel_loop3A_175 : vector<16xf32>, vector<16xi1> -> vector<16xf32>
      %parallel_loop3A_177 = arith.constant 7 : i32
      %parallel_loop3A_178 = vector.broadcast %parallel_loop3A_177 : i32 to vector<16xi32>
      %parallel_loop3A_179 = arith.constant 0 : i32
      %parallel_loop3A_180 = vector.broadcast %parallel_loop3A_179 : i32 to vector<16xi32>
      %parallel_loop3A_181 = arith.cmpi slt, %parallel_loop3A_178, %parallel_loop3A_180 : vector<16xi32>
      %parallel_loop3A_182 = arith.constant 16 : i32
      %parallel_loop3A_183 = vector.broadcast %parallel_loop3A_182 : i32 to vector<16xi32>
      %parallel_loop3A_184 = arith.addi %parallel_loop3A_178, %parallel_loop3A_183 : vector<16xi32>
      %parallel_loop3A_185 = arith.select %parallel_loop3A_181, %parallel_loop3A_184, %parallel_loop3A_178 : vector<16xi1>, vector<16xi32>
      %parallel_loop3A_186 = vector.shape_cast %parallel_loop3A_185 : vector<16xi32> to vector<16x1xi32>
      %parallel_loop3A_187 = vector.shape_cast %parallel_loop3A_186 : vector<16x1xi32> to vector<16xi32>
      %parallel_loop3A_188 = tpu.dynamic_gather %parallel_loop3A_176[%parallel_loop3A_187] in [0] : vector<16xf32>, vector<16xi32> -> vector<16xf32>
      %parallel_loop3A_189 = arith.constant 9.99999997E-7 : f32
      %parallel_loop3A_190 = vector.broadcast %parallel_loop3A_189 : f32 to vector<16xf32>
      %parallel_loop3A_191 = arith.mulf %parallel_loop3A_190, %parallel_loop3A_92 : vector<16xf32>
      %parallel_loop3A_192 = arith.addf %parallel_loop3A_188, %parallel_loop3A_191 : vector<16xf32>
      %parallel_loop3A_193 = arith.constant 1.000000e+00 : f32
      %parallel_loop3A_194 = vector.broadcast %parallel_loop3A_193 : f32 to vector<16xf32>
      %parallel_loop3A_195 = arith.divf %parallel_loop3A_194, %parallel_loop3A_192 : vector<16xf32>
      %parallel_loop3A_196 = arith.constant 256 : i32
      %parallel_loop3A_197 = arith.addi %parallel_loop3A_196, %parallel_loop3A_58 : i32
      %parallel_loop3A_198 = vector.broadcast %parallel_loop3A_197 : i32 to vector<16xi32>
      %parallel_loop3A_199 = arith.mulf %parallel_loop3A_172, %parallel_loop3A_195 : vector<16xf32>
      tpu.vector_store_idx %arg7[%and3A_6, %parallel_loop3A_198], %parallel_loop3A_199 masked %lt3A_4 : memref<8x1024xf32, #tpu.memory_space<vmem>>[vector<16xi32>, vector<16xi32>], vector<16xf32>, vector<16xi1>
      tpu.vector_store_idx %arg8[%and3A_6, %parallel_loop3A_198], %parallel_loop3A_173 masked %lt3A_4 : memref<8x1024xi32, #tpu.memory_space<vmem>>[vector<16xi32>, vector<16xi32>], vector<16xi32>, vector<16xi1>
    } {sc.loop_unroll_factor = 8 : i64, sc.parallel_access}
    %dma_wait3A_38 = arith.constant 0 : i32
    %dma_wait3A_39 = tpu.memref_slice %arg2[%add3A_30, %dma_wait3A_38] : memref<32768x64xf32, #tpu.memory_space<hbm>> -> memref<256x64xf32, #tpu.memory_space<hbm>>
    %dma_wait3A_40 = arith.constant 0 : i32
    %dma_wait3A_41 = tpu.memref_slice %arg2[%add3A_30, %dma_wait3A_40] : memref<32768x64xf32, #tpu.memory_space<hbm>> -> memref<256x64xf32, #tpu.memory_space<hbm>>
    tpu.wait_dma2 semaphore(%arg9 : memref<!tpu.dma_semaphore, #tpu.memory_space<semaphore_mem>>) src(%dma_wait3A_41 : memref<256x64xf32, #tpu.memory_space<hbm>>) dst(%arg5 : memref<256x64xf32, #tpu.memory_space<vmem>>)
    %add3A_42 = arith.constant 768 : i32
    %add3A_43 = arith.addi %mul3A_2, %add3A_42 : i32
    %dma_start3A_44 = arith.constant 0 : i32
    %dma_start3A_45 = tpu.memref_slice %arg2[%add3A_43, %dma_start3A_44] : memref<32768x64xf32, #tpu.memory_space<hbm>> -> memref<256x64xf32, #tpu.memory_space<hbm>>
    %dma_start3A_46 = arith.constant 0 : i32
    %dma_start3A_47 = tpu.memref_slice %arg2[%add3A_43, %dma_start3A_46] : memref<32768x64xf32, #tpu.memory_space<hbm>> -> memref<256x64xf32, #tpu.memory_space<hbm>>
    tpu.enqueue_dma source(%dma_start3A_47 : memref<256x64xf32, #tpu.memory_space<hbm>>) target(%arg6 : memref<256x64xf32, #tpu.memory_space<vmem>>) target_semaphore(%arg10 : memref<!tpu.dma_semaphore, #tpu.memory_space<semaphore_mem>>)
    %parallel_loop3A_48 = arith.constant 0 : i32
    %parallel_loop3A_49 = arith.constant 256 : i32
    %parallel_loop3A_50 = arith.constant 1 : i32
    scf.for %parallel_loop3A_58 = %parallel_loop3A_48 to %parallel_loop3A_49 step %parallel_loop3A_50  : i32 {
      %parallel_loop3A_59 = arith.index_cast %parallel_loop3A_58 : i32 to index
      %parallel_loop3A_60 = arith.constant 0 : index
      %parallel_loop3A_61 = tpu.vector_load %arg5[%parallel_loop3A_59, %parallel_loop3A_60] {strides = array<i32>} : memref<256x64xf32, #tpu.memory_space<vmem>>, vector<16xf32>,
      %parallel_loop3A_62 = math.exp %parallel_loop3A_61 : vector<16xf32>
      %parallel_loop3A_63 = arith.index_cast %parallel_loop3A_58 : i32 to index
      %parallel_loop3A_64 = arith.constant 16 : index
      %parallel_loop3A_65 = tpu.vector_load %arg5[%parallel_loop3A_63, %parallel_loop3A_64] {strides = array<i32>} : memref<256x64xf32, #tpu.memory_space<vmem>>, vector<16xf32>,
      %parallel_loop3A_66 = math.exp %parallel_loop3A_65 : vector<16xf32>
      %parallel_loop3A_67 = arith.index_cast %parallel_loop3A_58 : i32 to index
      %parallel_loop3A_68 = arith.constant 32 : index
      %parallel_loop3A_69 = tpu.vector_load %arg5[%parallel_loop3A_67, %parallel_loop3A_68] {strides = array<i32>} : memref<256x64xf32, #tpu.memory_space<vmem>>, vector<16xf32>,
      %parallel_loop3A_70 = math.exp %parallel_loop3A_69 : vector<16xf32>
      %parallel_loop3A_71 = arith.index_cast %parallel_loop3A_58 : i32 to index
      %parallel_loop3A_72 = arith.constant 48 : index
      %parallel_loop3A_73 = tpu.vector_load %arg5[%parallel_loop3A_71, %parallel_loop3A_72] {strides = array<i32>} : memref<256x64xf32, #tpu.memory_space<vmem>>, vector<16xf32>,
      %parallel_loop3A_74 = math.exp %parallel_loop3A_73 : vector<16xf32>
      %parallel_loop3A_75 = arith.addf %parallel_loop3A_62, %parallel_loop3A_66 : vector<16xf32>
      %parallel_loop3A_76 = arith.addf %parallel_loop3A_70, %parallel_loop3A_74 : vector<16xf32>
      %parallel_loop3A_77 = arith.addf %parallel_loop3A_75, %parallel_loop3A_76 : vector<16xf32>
      %parallel_loop3A_78 = arith.constant true
      %parallel_loop3A_79 = vector.broadcast %parallel_loop3A_78 : i1 to vector<16xi1>
      %parallel_loop3A_80 = tpu.scan <sum>, %parallel_loop3A_77 masked %parallel_loop3A_79 : vector<16xf32>, vector<16xi1> -> vector<16xf32>
      %parallel_loop3A_81 = arith.constant 15 : i32
      %parallel_loop3A_82 = vector.broadcast %parallel_loop3A_81 : i32 to vector<16xi32>
      %parallel_loop3A_83 = arith.constant 0 : i32
      %parallel_loop3A_84 = vector.broadcast %parallel_loop3A_83 : i32 to vector<16xi32>
      %parallel_loop3A_85 = arith.cmpi slt, %parallel_loop3A_82, %parallel_loop3A_84 : vector<16xi32>
      %parallel_loop3A_86 = arith.constant 16 : i32
      %parallel_loop3A_87 = vector.broadcast %parallel_loop3A_86 : i32 to vector<16xi32>
      %parallel_loop3A_88 = arith.addi %parallel_loop3A_82, %parallel_loop3A_87 : vector<16xi32>
      %parallel_loop3A_89 = arith.select %parallel_loop3A_85, %parallel_loop3A_88, %parallel_loop3A_82 : vector<16xi1>, vector<16xi32>
      %parallel_loop3A_90 = vector.shape_cast %parallel_loop3A_89 : vector<16xi32> to vector<16x1xi32>
      %parallel_loop3A_91 = vector.shape_cast %parallel_loop3A_90 : vector<16x1xi32> to vector<16xi32>
      %parallel_loop3A_92 = tpu.dynamic_gather %parallel_loop3A_80[%parallel_loop3A_91] in [0] : vector<16xf32>, vector<16xi32> -> vector<16xf32>
      %parallel_loop3A_93 = arith.constant dense<true> : vector<16xi1>
      %parallel_loop3A_94, %parallel_loop3A_95, %parallel_loop3A_96 = tpu.sort %parallel_loop3A_62, %iota3A masked %parallel_loop3A_93 {descending = true} : (vector<16xf32>, vector<16xi32>, vector<16xi1>) -> (vector<16xi1>, vector<16xf32>, vector<16xi32>)
      %parallel_loop3A_97 = arith.constant 16 : i32
      %parallel_loop3A_98 = vector.broadcast %parallel_loop3A_97 : i32 to vector<16xi32>
      %parallel_loop3A_99 = arith.addi %iota3A, %parallel_loop3A_98 : vector<16xi32>
      %parallel_loop3A_100 = arith.constant dense<true> : vector<16xi1>
      %parallel_loop3A_101, %parallel_loop3A_102, %parallel_loop3A_103 = tpu.sort %parallel_loop3A_66, %parallel_loop3A_99 masked %parallel_loop3A_100 : (vector<16xf32>, vector<16xi32>, vector<16xi1>) -> (vector<16xi1>, vector<16xf32>, vector<16xi32>)
      %parallel_loop3A_104 = arith.constant 32 : i32
      %parallel_loop3A_105 = vector.broadcast %parallel_loop3A_104 : i32 to vector<16xi32>
      %parallel_loop3A_106 = arith.addi %iota3A, %parallel_loop3A_105 : vector<16xi32>
      %parallel_loop3A_107 = arith.constant dense<true> : vector<16xi1>
      %parallel_loop3A_108, %parallel_loop3A_109, %parallel_loop3A_110 = tpu.sort %parallel_loop3A_70, %parallel_loop3A_106 masked %parallel_loop3A_107 {descending = true} : (vector<16xf32>, vector<16xi32>, vector<16xi1>) -> (vector<16xi1>, vector<16xf32>, vector<16xi32>)
      %parallel_loop3A_111 = arith.constant 48 : i32
      %parallel_loop3A_112 = vector.broadcast %parallel_loop3A_111 : i32 to vector<16xi32>
      %parallel_loop3A_113 = arith.addi %iota3A, %parallel_loop3A_112 : vector<16xi32>
      %parallel_loop3A_114 = arith.constant dense<true> : vector<16xi1>
      %parallel_loop3A_115, %parallel_loop3A_116, %parallel_loop3A_117 = tpu.sort %parallel_loop3A_74, %parallel_loop3A_113 masked %parallel_loop3A_114 : (vector<16xf32>, vector<16xi32>, vector<16xi1>) -> (vector<16xi1>, vector<16xf32>, vector<16xi32>)
      %parallel_loop3A_118 = arith.select %lt3A_4, %parallel_loop3A_95, %parallel_loop3A_102 : vector<16xi1>, vector<16xf32>
      %parallel_loop3A_119 = arith.select %lt3A_4, %parallel_loop3A_96, %parallel_loop3A_103 : vector<16xi1>, vector<16xi32>
      %parallel_loop3A_120 = arith.constant 0 : i32
      %parallel_loop3A_121 = vector.broadcast %parallel_loop3A_120 : i32 to vector<16xi32>
      %parallel_loop3A_122 = arith.cmpi slt, %xor3A_8, %parallel_loop3A_121 : vector<16xi32>
      %parallel_loop3A_123 = arith.constant 16 : i32
      %parallel_loop3A_124 = vector.broadcast %parallel_loop3A_123 : i32 to vector<16xi32>
      %parallel_loop3A_125 = arith.addi %xor3A_8, %parallel_loop3A_124 : vector<16xi32>
      %parallel_loop3A_126 = arith.select %parallel_loop3A_122, %parallel_loop3A_125, %xor3A_8 : vector<16xi1>, vector<16xi32>
      %parallel_loop3A_127 = vector.shape_cast %parallel_loop3A_126 : vector<16xi32> to vector<16x1xi32>
      %parallel_loop3A_128 = vector.shape_cast %parallel_loop3A_127 : vector<16x1xi32> to vector<16xi32>
      %parallel_loop3A_129 = tpu.dynamic_gather %parallel_loop3A_118[%parallel_loop3A_128] in [0] : vector<16xf32>, vector<16xi32> -> vector<16xf32>
      %parallel_loop3A_130 = arith.constant 0 : i32
      %parallel_loop3A_131 = vector.broadcast %parallel_loop3A_130 : i32 to vector<16xi32>
      %parallel_loop3A_132 = arith.cmpi slt, %xor3A_8, %parallel_loop3A_131 : vector<16xi32>
      %parallel_loop3A_133 = arith.constant 16 : i32
      %parallel_loop3A_134 = vector.broadcast %parallel_loop3A_133 : i32 to vector<16xi32>
      %parallel_loop3A_135 = arith.addi %xor3A_8, %parallel_loop3A_134 : vector<16xi32>
      %parallel_loop3A_136 = arith.select %parallel_loop3A_132, %parallel_loop3A_135, %xor3A_8 : vector<16xi1>, vector<16xi32>
      %parallel_loop3A_137 = vector.shape_cast %parallel_loop3A_136 : vector<16xi32> to vector<16x1xi32>
      %parallel_loop3A_138 = vector.shape_cast %parallel_loop3A_137 : vector<16x1xi32> to vector<16xi32>
      %parallel_loop3A_139 = tpu.dynamic_gather %parallel_loop3A_119[%parallel_loop3A_138] in [0] : vector<16xi32>, vector<16xi32> -> vector<16xi32>
      %parallel_loop3A_140 = arith.cmpf oge, %parallel_loop3A_118, %parallel_loop3A_129 : vector<16xf32>
      %parallel_loop3A_141 = arith.select %parallel_loop3A_140, %parallel_loop3A_118, %parallel_loop3A_129 : vector<16xi1>, vector<16xf32>
      %parallel_loop3A_142 = arith.select %parallel_loop3A_140, %parallel_loop3A_119, %parallel_loop3A_139 : vector<16xi1>, vector<16xi32>
      %parallel_loop3A_143 = arith.select %lt3A_4, %parallel_loop3A_109, %parallel_loop3A_116 : vector<16xi1>, vector<16xf32>
      %parallel_loop3A_144 = arith.select %lt3A_4, %parallel_loop3A_110, %parallel_loop3A_117 : vector<16xi1>, vector<16xi32>
      %parallel_loop3A_145 = arith.constant 0 : i32
      %parallel_loop3A_146 = vector.broadcast %parallel_loop3A_145 : i32 to vector<16xi32>
      %parallel_loop3A_147 = arith.cmpi slt, %xor3A_8, %parallel_loop3A_146 : vector<16xi32>
      %parallel_loop3A_148 = arith.constant 16 : i32
      %parallel_loop3A_149 = vector.broadcast %parallel_loop3A_148 : i32 to vector<16xi32>
      %parallel_loop3A_150 = arith.addi %xor3A_8, %parallel_loop3A_149 : vector<16xi32>
      %parallel_loop3A_151 = arith.select %parallel_loop3A_147, %parallel_loop3A_150, %xor3A_8 : vector<16xi1>, vector<16xi32>
      %parallel_loop3A_152 = vector.shape_cast %parallel_loop3A_151 : vector<16xi32> to vector<16x1xi32>
      %parallel_loop3A_153 = vector.shape_cast %parallel_loop3A_152 : vector<16x1xi32> to vector<16xi32>
      %parallel_loop3A_154 = tpu.dynamic_gather %parallel_loop3A_143[%parallel_loop3A_153] in [0] : vector<16xf32>, vector<16xi32> -> vector<16xf32>
      %parallel_loop3A_155 = arith.constant 0 : i32
      %parallel_loop3A_156 = vector.broadcast %parallel_loop3A_155 : i32 to vector<16xi32>
      %parallel_loop3A_157 = arith.cmpi slt, %xor3A_8, %parallel_loop3A_156 : vector<16xi32>
      %parallel_loop3A_158 = arith.constant 16 : i32
      %parallel_loop3A_159 = vector.broadcast %parallel_loop3A_158 : i32 to vector<16xi32>
      %parallel_loop3A_160 = arith.addi %xor3A_8, %parallel_loop3A_159 : vector<16xi32>
      %parallel_loop3A_161 = arith.select %parallel_loop3A_157, %parallel_loop3A_160, %xor3A_8 : vector<16xi1>, vector<16xi32>
      %parallel_loop3A_162 = vector.shape_cast %parallel_loop3A_161 : vector<16xi32> to vector<16x1xi32>
      %parallel_loop3A_163 = vector.shape_cast %parallel_loop3A_162 : vector<16x1xi32> to vector<16xi32>
      %parallel_loop3A_164 = tpu.dynamic_gather %parallel_loop3A_144[%parallel_loop3A_163] in [0] : vector<16xi32>, vector<16xi32> -> vector<16xi32>
      %parallel_loop3A_165 = arith.cmpf oge, %parallel_loop3A_143, %parallel_loop3A_154 : vector<16xf32>
      %parallel_loop3A_166 = arith.select %parallel_loop3A_165, %parallel_loop3A_143, %parallel_loop3A_154 : vector<16xi1>, vector<16xf32>
      %parallel_loop3A_167 = arith.select %parallel_loop3A_165, %parallel_loop3A_144, %parallel_loop3A_164 : vector<16xi1>, vector<16xi32>
      %parallel_loop3A_168 = arith.select %lt3A_4, %parallel_loop3A_141, %parallel_loop3A_166 : vector<16xi1>, vector<16xf32>
      %parallel_loop3A_169 = arith.select %lt3A_4, %parallel_loop3A_142, %parallel_loop3A_167 : vector<16xi1>, vector<16xi32>
      %parallel_loop3A_170 = arith.constant dense<true> : vector<16xi1>
      %parallel_loop3A_171, %parallel_loop3A_172, %parallel_loop3A_173 = tpu.sort %parallel_loop3A_168, %parallel_loop3A_169 masked %parallel_loop3A_170 {descending = true} : (vector<16xf32>, vector<16xi32>, vector<16xi1>) -> (vector<16xi1>, vector<16xf32>, vector<16xi32>)
      %parallel_loop3A_174 = arith.constant true
      %parallel_loop3A_175 = vector.broadcast %parallel_loop3A_174 : i1 to vector<16xi1>
      %parallel_loop3A_176 = tpu.scan <sum>, %parallel_loop3A_172 masked %parallel_loop3A_175 : vector<16xf32>, vector<16xi1> -> vector<16xf32>
      %parallel_loop3A_177 = arith.constant 7 : i32
      %parallel_loop3A_178 = vector.broadcast %parallel_loop3A_177 : i32 to vector<16xi32>
      %parallel_loop3A_179 = arith.constant 0 : i32
      %parallel_loop3A_180 = vector.broadcast %parallel_loop3A_179 : i32 to vector<16xi32>
      %parallel_loop3A_181 = arith.cmpi slt, %parallel_loop3A_178, %parallel_loop3A_180 : vector<16xi32>
      %parallel_loop3A_182 = arith.constant 16 : i32
      %parallel_loop3A_183 = vector.broadcast %parallel_loop3A_182 : i32 to vector<16xi32>
      %parallel_loop3A_184 = arith.addi %parallel_loop3A_178, %parallel_loop3A_183 : vector<16xi32>
      %parallel_loop3A_185 = arith.select %parallel_loop3A_181, %parallel_loop3A_184, %parallel_loop3A_178 : vector<16xi1>, vector<16xi32>
      %parallel_loop3A_186 = vector.shape_cast %parallel_loop3A_185 : vector<16xi32> to vector<16x1xi32>
      %parallel_loop3A_187 = vector.shape_cast %parallel_loop3A_186 : vector<16x1xi32> to vector<16xi32>
      %parallel_loop3A_188 = tpu.dynamic_gather %parallel_loop3A_176[%parallel_loop3A_187] in [0] : vector<16xf32>, vector<16xi32> -> vector<16xf32>
      %parallel_loop3A_189 = arith.constant 9.99999997E-7 : f32
      %parallel_loop3A_190 = vector.broadcast %parallel_loop3A_189 : f32 to vector<16xf32>
      %parallel_loop3A_191 = arith.mulf %parallel_loop3A_190, %parallel_loop3A_92 : vector<16xf32>
      %parallel_loop3A_192 = arith.addf %parallel_loop3A_188, %parallel_loop3A_191 : vector<16xf32>
      %parallel_loop3A_193 = arith.constant 1.000000e+00 : f32
      %parallel_loop3A_194 = vector.broadcast %parallel_loop3A_193 : f32 to vector<16xf32>
      %parallel_loop3A_195 = arith.divf %parallel_loop3A_194, %parallel_loop3A_192 : vector<16xf32>
      %parallel_loop3A_196 = arith.constant 512 : i32
      %parallel_loop3A_197 = arith.addi %parallel_loop3A_196, %parallel_loop3A_58 : i32
      %parallel_loop3A_198 = vector.broadcast %parallel_loop3A_197 : i32 to vector<16xi32>
      %parallel_loop3A_199 = arith.mulf %parallel_loop3A_172, %parallel_loop3A_195 : vector<16xf32>
      tpu.vector_store_idx %arg7[%and3A_6, %parallel_loop3A_198], %parallel_loop3A_199 masked %lt3A_4 : memref<8x1024xf32, #tpu.memory_space<vmem>>[vector<16xi32>, vector<16xi32>], vector<16xf32>, vector<16xi1>
      tpu.vector_store_idx %arg8[%and3A_6, %parallel_loop3A_198], %parallel_loop3A_173 masked %lt3A_4 : memref<8x1024xi32, #tpu.memory_space<vmem>>[vector<16xi32>, vector<16xi32>], vector<16xi32>, vector<16xi1>
    } {sc.loop_unroll_factor = 8 : i64, sc.parallel_access}
    %dma_wait3A_51 = arith.constant 0 : i32
    %dma_wait3A_52 = tpu.memref_slice %arg2[%add3A_43, %dma_wait3A_51] : memref<32768x64xf32, #tpu.memory_space<hbm>> -> memref<256x64xf32, #tpu.memory_space<hbm>>
    %dma_wait3A_53 = arith.constant 0 : i32
    %dma_wait3A_54 = tpu.memref_slice %arg2[%add3A_43, %dma_wait3A_53] : memref<32768x64xf32, #tpu.memory_space<hbm>> -> memref<256x64xf32, #tpu.memory_space<hbm>>
    tpu.wait_dma2 semaphore(%arg10 : memref<!tpu.dma_semaphore, #tpu.memory_space<semaphore_mem>>) src(%dma_wait3A_54 : memref<256x64xf32, #tpu.memory_space<hbm>>) dst(%arg6 : memref<256x64xf32, #tpu.memory_space<vmem>>)
    %parallel_loop3A_55 = arith.constant 0 : i32
    %parallel_loop3A_56 = arith.constant 256 : i32
    %parallel_loop3A_57 = arith.constant 1 : i32
    scf.for %parallel_loop3A_58 = %parallel_loop3A_55 to %parallel_loop3A_56 step %parallel_loop3A_57  : i32 {
      %parallel_loop3A_59 = arith.index_cast %parallel_loop3A_58 : i32 to index
      %parallel_loop3A_60 = arith.constant 0 : index
      %parallel_loop3A_61 = tpu.vector_load %arg6[%parallel_loop3A_59, %parallel_loop3A_60] {strides = array<i32>} : memref<256x64xf32, #tpu.memory_space<vmem>>, vector<16xf32>,
      %parallel_loop3A_62 = math.exp %parallel_loop3A_61 : vector<16xf32>
      %parallel_loop3A_63 = arith.index_cast %parallel_loop3A_58 : i32 to index
      %parallel_loop3A_64 = arith.constant 16 : index
      %parallel_loop3A_65 = tpu.vector_load %arg6[%parallel_loop3A_63, %parallel_loop3A_64] {strides = array<i32>} : memref<256x64xf32, #tpu.memory_space<vmem>>, vector<16xf32>,
      %parallel_loop3A_66 = math.exp %parallel_loop3A_65 : vector<16xf32>
      %parallel_loop3A_67 = arith.index_cast %parallel_loop3A_58 : i32 to index
      %parallel_loop3A_68 = arith.constant 32 : index
      %parallel_loop3A_69 = tpu.vector_load %arg6[%parallel_loop3A_67, %parallel_loop3A_68] {strides = array<i32>} : memref<256x64xf32, #tpu.memory_space<vmem>>, vector<16xf32>,
      %parallel_loop3A_70 = math.exp %parallel_loop3A_69 : vector<16xf32>
      %parallel_loop3A_71 = arith.index_cast %parallel_loop3A_58 : i32 to index
      %parallel_loop3A_72 = arith.constant 48 : index
      %parallel_loop3A_73 = tpu.vector_load %arg6[%parallel_loop3A_71, %parallel_loop3A_72] {strides = array<i32>} : memref<256x64xf32, #tpu.memory_space<vmem>>, vector<16xf32>,
      %parallel_loop3A_74 = math.exp %parallel_loop3A_73 : vector<16xf32>
      %parallel_loop3A_75 = arith.addf %parallel_loop3A_62, %parallel_loop3A_66 : vector<16xf32>
      %parallel_loop3A_76 = arith.addf %parallel_loop3A_70, %parallel_loop3A_74 : vector<16xf32>
      %parallel_loop3A_77 = arith.addf %parallel_loop3A_75, %parallel_loop3A_76 : vector<16xf32>
      %parallel_loop3A_78 = arith.constant true
      %parallel_loop3A_79 = vector.broadcast %parallel_loop3A_78 : i1 to vector<16xi1>
      %parallel_loop3A_80 = tpu.scan <sum>, %parallel_loop3A_77 masked %parallel_loop3A_79 : vector<16xf32>, vector<16xi1> -> vector<16xf32>
      %parallel_loop3A_81 = arith.constant 15 : i32
      %parallel_loop3A_82 = vector.broadcast %parallel_loop3A_81 : i32 to vector<16xi32>
      %parallel_loop3A_83 = arith.constant 0 : i32
      %parallel_loop3A_84 = vector.broadcast %parallel_loop3A_83 : i32 to vector<16xi32>
      %parallel_loop3A_85 = arith.cmpi slt, %parallel_loop3A_82, %parallel_loop3A_84 : vector<16xi32>
      %parallel_loop3A_86 = arith.constant 16 : i32
      %parallel_loop3A_87 = vector.broadcast %parallel_loop3A_86 : i32 to vector<16xi32>
      %parallel_loop3A_88 = arith.addi %parallel_loop3A_82, %parallel_loop3A_87 : vector<16xi32>
      %parallel_loop3A_89 = arith.select %parallel_loop3A_85, %parallel_loop3A_88, %parallel_loop3A_82 : vector<16xi1>, vector<16xi32>
      %parallel_loop3A_90 = vector.shape_cast %parallel_loop3A_89 : vector<16xi32> to vector<16x1xi32>
      %parallel_loop3A_91 = vector.shape_cast %parallel_loop3A_90 : vector<16x1xi32> to vector<16xi32>
      %parallel_loop3A_92 = tpu.dynamic_gather %parallel_loop3A_80[%parallel_loop3A_91] in [0] : vector<16xf32>, vector<16xi32> -> vector<16xf32>
      %parallel_loop3A_93 = arith.constant dense<true> : vector<16xi1>
      %parallel_loop3A_94, %parallel_loop3A_95, %parallel_loop3A_96 = tpu.sort %parallel_loop3A_62, %iota3A masked %parallel_loop3A_93 {descending = true} : (vector<16xf32>, vector<16xi32>, vector<16xi1>) -> (vector<16xi1>, vector<16xf32>, vector<16xi32>)
      %parallel_loop3A_97 = arith.constant 16 : i32
      %parallel_loop3A_98 = vector.broadcast %parallel_loop3A_97 : i32 to vector<16xi32>
      %parallel_loop3A_99 = arith.addi %iota3A, %parallel_loop3A_98 : vector<16xi32>
      %parallel_loop3A_100 = arith.constant dense<true> : vector<16xi1>
      %parallel_loop3A_101, %parallel_loop3A_102, %parallel_loop3A_103 = tpu.sort %parallel_loop3A_66, %parallel_loop3A_99 masked %parallel_loop3A_100 : (vector<16xf32>, vector<16xi32>, vector<16xi1>) -> (vector<16xi1>, vector<16xf32>, vector<16xi32>)
      %parallel_loop3A_104 = arith.constant 32 : i32
      %parallel_loop3A_105 = vector.broadcast %parallel_loop3A_104 : i32 to vector<16xi32>
      %parallel_loop3A_106 = arith.addi %iota3A, %parallel_loop3A_105 : vector<16xi32>
      %parallel_loop3A_107 = arith.constant dense<true> : vector<16xi1>
      %parallel_loop3A_108, %parallel_loop3A_109, %parallel_loop3A_110 = tpu.sort %parallel_loop3A_70, %parallel_loop3A_106 masked %parallel_loop3A_107 {descending = true} : (vector<16xf32>, vector<16xi32>, vector<16xi1>) -> (vector<16xi1>, vector<16xf32>, vector<16xi32>)
      %parallel_loop3A_111 = arith.constant 48 : i32
      %parallel_loop3A_112 = vector.broadcast %parallel_loop3A_111 : i32 to vector<16xi32>
      %parallel_loop3A_113 = arith.addi %iota3A, %parallel_loop3A_112 : vector<16xi32>
      %parallel_loop3A_114 = arith.constant dense<true> : vector<16xi1>
      %parallel_loop3A_115, %parallel_loop3A_116, %parallel_loop3A_117 = tpu.sort %parallel_loop3A_74, %parallel_loop3A_113 masked %parallel_loop3A_114 : (vector<16xf32>, vector<16xi32>, vector<16xi1>) -> (vector<16xi1>, vector<16xf32>, vector<16xi32>)
      %parallel_loop3A_118 = arith.select %lt3A_4, %parallel_loop3A_95, %parallel_loop3A_102 : vector<16xi1>, vector<16xf32>
      %parallel_loop3A_119 = arith.select %lt3A_4, %parallel_loop3A_96, %parallel_loop3A_103 : vector<16xi1>, vector<16xi32>
      %parallel_loop3A_120 = arith.constant 0 : i32
      %parallel_loop3A_121 = vector.broadcast %parallel_loop3A_120 : i32 to vector<16xi32>
      %parallel_loop3A_122 = arith.cmpi slt, %xor3A_8, %parallel_loop3A_121 : vector<16xi32>
      %parallel_loop3A_123 = arith.constant 16 : i32
      %parallel_loop3A_124 = vector.broadcast %parallel_loop3A_123 : i32 to vector<16xi32>
      %parallel_loop3A_125 = arith.addi %xor3A_8, %parallel_loop3A_124 : vector<16xi32>
      %parallel_loop3A_126 = arith.select %parallel_loop3A_122, %parallel_loop3A_125, %xor3A_8 : vector<16xi1>, vector<16xi32>
      %parallel_loop3A_127 = vector.shape_cast %parallel_loop3A_126 : vector<16xi32> to vector<16x1xi32>
      %parallel_loop3A_128 = vector.shape_cast %parallel_loop3A_127 : vector<16x1xi32> to vector<16xi32>
      %parallel_loop3A_129 = tpu.dynamic_gather %parallel_loop3A_118[%parallel_loop3A_128] in [0] : vector<16xf32>, vector<16xi32> -> vector<16xf32>
      %parallel_loop3A_130 = arith.constant 0 : i32
      %parallel_loop3A_131 = vector.broadcast %parallel_loop3A_130 : i32 to vector<16xi32>
      %parallel_loop3A_132 = arith.cmpi slt, %xor3A_8, %parallel_loop3A_131 : vector<16xi32>
      %parallel_loop3A_133 = arith.constant 16 : i32
      %parallel_loop3A_134 = vector.broadcast %parallel_loop3A_133 : i32 to vector<16xi32>
      %parallel_loop3A_135 = arith.addi %xor3A_8, %parallel_loop3A_134 : vector<16xi32>
      %parallel_loop3A_136 = arith.select %parallel_loop3A_132, %parallel_loop3A_135, %xor3A_8 : vector<16xi1>, vector<16xi32>
      %parallel_loop3A_137 = vector.shape_cast %parallel_loop3A_136 : vector<16xi32> to vector<16x1xi32>
      %parallel_loop3A_138 = vector.shape_cast %parallel_loop3A_137 : vector<16x1xi32> to vector<16xi32>
      %parallel_loop3A_139 = tpu.dynamic_gather %parallel_loop3A_119[%parallel_loop3A_138] in [0] : vector<16xi32>, vector<16xi32> -> vector<16xi32>
      %parallel_loop3A_140 = arith.cmpf oge, %parallel_loop3A_118, %parallel_loop3A_129 : vector<16xf32>
      %parallel_loop3A_141 = arith.select %parallel_loop3A_140, %parallel_loop3A_118, %parallel_loop3A_129 : vector<16xi1>, vector<16xf32>
      %parallel_loop3A_142 = arith.select %parallel_loop3A_140, %parallel_loop3A_119, %parallel_loop3A_139 : vector<16xi1>, vector<16xi32>
      %parallel_loop3A_143 = arith.select %lt3A_4, %parallel_loop3A_109, %parallel_loop3A_116 : vector<16xi1>, vector<16xf32>
      %parallel_loop3A_144 = arith.select %lt3A_4, %parallel_loop3A_110, %parallel_loop3A_117 : vector<16xi1>, vector<16xi32>
      %parallel_loop3A_145 = arith.constant 0 : i32
      %parallel_loop3A_146 = vector.broadcast %parallel_loop3A_145 : i32 to vector<16xi32>
      %parallel_loop3A_147 = arith.cmpi slt, %xor3A_8, %parallel_loop3A_146 : vector<16xi32>
      %parallel_loop3A_148 = arith.constant 16 : i32
      %parallel_loop3A_149 = vector.broadcast %parallel_loop3A_148 : i32 to vector<16xi32>
      %parallel_loop3A_150 = arith.addi %xor3A_8, %parallel_loop3A_149 : vector<16xi32>
      %parallel_loop3A_151 = arith.select %parallel_loop3A_147, %parallel_loop3A_150, %xor3A_8 : vector<16xi1>, vector<16xi32>
      %parallel_loop3A_152 = vector.shape_cast %parallel_loop3A_151 : vector<16xi32> to vector<16x1xi32>
      %parallel_loop3A_153 = vector.shape_cast %parallel_loop3A_152 : vector<16x1xi32> to vector<16xi32>
      %parallel_loop3A_154 = tpu.dynamic_gather %parallel_loop3A_143[%parallel_loop3A_153] in [0] : vector<16xf32>, vector<16xi32> -> vector<16xf32>
      %parallel_loop3A_155 = arith.constant 0 : i32
      %parallel_loop3A_156 = vector.broadcast %parallel_loop3A_155 : i32 to vector<16xi32>
      %parallel_loop3A_157 = arith.cmpi slt, %xor3A_8, %parallel_loop3A_156 : vector<16xi32>
      %parallel_loop3A_158 = arith.constant 16 : i32
      %parallel_loop3A_159 = vector.broadcast %parallel_loop3A_158 : i32 to vector<16xi32>
      %parallel_loop3A_160 = arith.addi %xor3A_8, %parallel_loop3A_159 : vector<16xi32>
      %parallel_loop3A_161 = arith.select %parallel_loop3A_157, %parallel_loop3A_160, %xor3A_8 : vector<16xi1>, vector<16xi32>
      %parallel_loop3A_162 = vector.shape_cast %parallel_loop3A_161 : vector<16xi32> to vector<16x1xi32>
      %parallel_loop3A_163 = vector.shape_cast %parallel_loop3A_162 : vector<16x1xi32> to vector<16xi32>
      %parallel_loop3A_164 = tpu.dynamic_gather %parallel_loop3A_144[%parallel_loop3A_163] in [0] : vector<16xi32>, vector<16xi32> -> vector<16xi32>
      %parallel_loop3A_165 = arith.cmpf oge, %parallel_loop3A_143, %parallel_loop3A_154 : vector<16xf32>
      %parallel_loop3A_166 = arith.select %parallel_loop3A_165, %parallel_loop3A_143, %parallel_loop3A_154 : vector<16xi1>, vector<16xf32>
      %parallel_loop3A_167 = arith.select %parallel_loop3A_165, %parallel_loop3A_144, %parallel_loop3A_164 : vector<16xi1>, vector<16xi32>
      %parallel_loop3A_168 = arith.select %lt3A_4, %parallel_loop3A_141, %parallel_loop3A_166 : vector<16xi1>, vector<16xf32>
      %parallel_loop3A_169 = arith.select %lt3A_4, %parallel_loop3A_142, %parallel_loop3A_167 : vector<16xi1>, vector<16xi32>
      %parallel_loop3A_170 = arith.constant dense<true> : vector<16xi1>
      %parallel_loop3A_171, %parallel_loop3A_172, %parallel_loop3A_173 = tpu.sort %parallel_loop3A_168, %parallel_loop3A_169 masked %parallel_loop3A_170 {descending = true} : (vector<16xf32>, vector<16xi32>, vector<16xi1>) -> (vector<16xi1>, vector<16xf32>, vector<16xi32>)
      %parallel_loop3A_174 = arith.constant true
      %parallel_loop3A_175 = vector.broadcast %parallel_loop3A_174 : i1 to vector<16xi1>
      %parallel_loop3A_176 = tpu.scan <sum>, %parallel_loop3A_172 masked %parallel_loop3A_175 : vector<16xf32>, vector<16xi1> -> vector<16xf32>
      %parallel_loop3A_177 = arith.constant 7 : i32
      %parallel_loop3A_178 = vector.broadcast %parallel_loop3A_177 : i32 to vector<16xi32>
      %parallel_loop3A_179 = arith.constant 0 : i32
      %parallel_loop3A_180 = vector.broadcast %parallel_loop3A_179 : i32 to vector<16xi32>
      %parallel_loop3A_181 = arith.cmpi slt, %parallel_loop3A_178, %parallel_loop3A_180 : vector<16xi32>
      %parallel_loop3A_182 = arith.constant 16 : i32
      %parallel_loop3A_183 = vector.broadcast %parallel_loop3A_182 : i32 to vector<16xi32>
      %parallel_loop3A_184 = arith.addi %parallel_loop3A_178, %parallel_loop3A_183 : vector<16xi32>
      %parallel_loop3A_185 = arith.select %parallel_loop3A_181, %parallel_loop3A_184, %parallel_loop3A_178 : vector<16xi1>, vector<16xi32>
      %parallel_loop3A_186 = vector.shape_cast %parallel_loop3A_185 : vector<16xi32> to vector<16x1xi32>
      %parallel_loop3A_187 = vector.shape_cast %parallel_loop3A_186 : vector<16x1xi32> to vector<16xi32>
      %parallel_loop3A_188 = tpu.dynamic_gather %parallel_loop3A_176[%parallel_loop3A_187] in [0] : vector<16xf32>, vector<16xi32> -> vector<16xf32>
      %parallel_loop3A_189 = arith.constant 9.99999997E-7 : f32
      %parallel_loop3A_190 = vector.broadcast %parallel_loop3A_189 : f32 to vector<16xf32>
      %parallel_loop3A_191 = arith.mulf %parallel_loop3A_190, %parallel_loop3A_92 : vector<16xf32>
      %parallel_loop3A_192 = arith.addf %parallel_loop3A_188, %parallel_loop3A_191 : vector<16xf32>
      %parallel_loop3A_193 = arith.constant 1.000000e+00 : f32
      %parallel_loop3A_194 = vector.broadcast %parallel_loop3A_193 : f32 to vector<16xf32>
      %parallel_loop3A_195 = arith.divf %parallel_loop3A_194, %parallel_loop3A_192 : vector<16xf32>
      %parallel_loop3A_196 = arith.constant 768 : i32
      %parallel_loop3A_197 = arith.addi %parallel_loop3A_196, %parallel_loop3A_58 : i32
      %parallel_loop3A_198 = vector.broadcast %parallel_loop3A_197 : i32 to vector<16xi32>
      %parallel_loop3A_199 = arith.mulf %parallel_loop3A_172, %parallel_loop3A_195 : vector<16xf32>
      tpu.vector_store_idx %arg7[%and3A_6, %parallel_loop3A_198], %parallel_loop3A_199 masked %lt3A_4 : memref<8x1024xf32, #tpu.memory_space<vmem>>[vector<16xi32>, vector<16xi32>], vector<16xf32>, vector<16xi1>
      tpu.vector_store_idx %arg8[%and3A_6, %parallel_loop3A_198], %parallel_loop3A_173 masked %lt3A_4 : memref<8x1024xi32, #tpu.memory_space<vmem>>[vector<16xi32>, vector<16xi32>], vector<16xi32>, vector<16xi1>
    } {sc.loop_unroll_factor = 8 : i64, sc.parallel_access}
    "tpu.region"() ({
      %run_scoped3A = tpu.sem_alloc : memref<!tpu.dma_semaphore, #tpu.memory_space<semaphore_mem>>
      %dma_start3A_58 = arith.constant 0 : i32
      %dma_start3A_59 = tpu.memref_slice %arg3[%dma_start3A_58, %mul3A_2] : memref<8x32768xf32, #tpu.memory_space<hbm>> -> memref<8x1024xf32, #tpu.memory_space<hbm>>
      %dma_start3A_60 = arith.constant 0 : i32
      %dma_start3A_61 = tpu.memref_slice %arg3[%dma_start3A_60, %mul3A_2] : memref<8x32768xf32, #tpu.memory_space<hbm>> -> memref<8x1024xf32, #tpu.memory_space<hbm>>
      tpu.enqueue_dma source(%arg7 : memref<8x1024xf32, #tpu.memory_space<vmem>>) target(%dma_start3A_61 : memref<8x1024xf32, #tpu.memory_space<hbm>>) target_semaphore(%run_scoped3A : memref<!tpu.dma_semaphore, #tpu.memory_space<semaphore_mem>>)
      %dma_wait3A_62 = arith.constant 0 : i32
      %dma_wait3A_63 = tpu.memref_slice %arg3[%dma_wait3A_62, %mul3A_2] : memref<8x32768xf32, #tpu.memory_space<hbm>> -> memref<8x1024xf32, #tpu.memory_space<hbm>>
      %dma_wait3A_64 = arith.constant 0 : i32
      %dma_wait3A_65 = tpu.memref_slice %arg3[%dma_wait3A_64, %mul3A_2] : memref<8x32768xf32, #tpu.memory_space<hbm>> -> memref<8x1024xf32, #tpu.memory_space<hbm>>
      tpu.wait_dma2 semaphore(%run_scoped3A : memref<!tpu.dma_semaphore, #tpu.memory_space<semaphore_mem>>) src(%arg7 : memref<8x1024xf32, #tpu.memory_space<vmem>>) dst(%dma_wait3A_65 : memref<8x1024xf32, #tpu.memory_space<hbm>>)
      tpu.yield
    }) : () -> ()
    "tpu.region"() ({
      %run_scoped3A = tpu.sem_alloc : memref<!tpu.dma_semaphore, #tpu.memory_space<semaphore_mem>>
      %dma_start3A_58 = arith.constant 0 : i32
      %dma_start3A_59 = tpu.memref_slice %arg4[%dma_start3A_58, %mul3A_2] : memref<8x32768xi32, #tpu.memory_space<hbm>> -> memref<8x1024xi32, #tpu.memory_space<hbm>>
      %dma_start3A_60 = arith.constant 0 : i32
      %dma_start3A_61 = tpu.memref_slice %arg4[%dma_start3A_60, %mul3A_2] : memref<8x32768xi32, #tpu.memory_space<hbm>> -> memref<8x1024xi32, #tpu.memory_space<hbm>>
      tpu.enqueue_dma source(%arg8 : memref<8x1024xi32, #tpu.memory_space<vmem>>) target(%dma_start3A_61 : memref<8x1024xi32, #tpu.memory_space<hbm>>) target_semaphore(%run_scoped3A : memref<!tpu.dma_semaphore, #tpu.memory_space<semaphore_mem>>)
      %dma_wait3A_62 = arith.constant 0 : i32
      %dma_wait3A_63 = tpu.memref_slice %arg4[%dma_wait3A_62, %mul3A_2] : memref<8x32768xi32, #tpu.memory_space<hbm>> -> memref<8x1024xi32, #tpu.memory_space<hbm>>
      %dma_wait3A_64 = arith.constant 0 : i32
      %dma_wait3A_65 = tpu.memref_slice %arg4[%dma_wait3A_64, %mul3A_2] : memref<8x32768xi32, #tpu.memory_space<hbm>> -> memref<8x1024xi32, #tpu.memory_space<hbm>>
      tpu.wait_dma2 semaphore(%run_scoped3A : memref<!tpu.dma_semaphore, #tpu.memory_space<semaphore_mem>>) src(%arg8 : memref<8x1024xi32, #tpu.memory_space<vmem>>) dst(%dma_wait3A_65 : memref<8x1024xi32, #tpu.memory_space<hbm>>)
      tpu.yield
    }) : () -> ()
    return
  }
}

</mosaic_0001>

<sc_bundles>
// kernel: kernel.3.cloned.1.call-start
scs
__scs_entry_jumppad:
0x0: {  	(pc) =	sbr.rel $0x88, $3  }
0x1: {  	(tag) =	ssettag $0x0;
	lr =	simm.s32 $0x1  }
0x2: {  	[smem:$0x3FA0] =	sst lr;
	_ =	strace $0xD0000000  }
0x3: {  	_ = 	snop  }
0x4: {  	_ = 	snop  }
0x5: {  	_ = 	snop  }
0x6: {  	_ = 	snop  }
0x7: {  	_ = 	snop  }
__scs_overlays_trampoline_lowered:
0x8: {  	[smem:$0x3FAF] =	sst s0  }
0x9: {  	[smem:$0x3FB0] =	sst s1  }
0xa: {  	[smem:$0x3FB1] =	sst s2  }
0xb: {  	[smem:$0x3FB2] =	sst s3  }
0xc: {  	[smem:$0x3FB3] =	sst s4  }
0xd: {  	[smem:$0x3FB4] =	sst s5  }
0xe: {  	[smem:$0x3FB5] =	sst s6  }
0xf: {  	[smem:$0x3FB6] =	sst s7  }
0x10: {  	[smem:$0x3FB7] =	sst s8  }
0x11: {  	[smem:$0x3FB8] =	sst s9;
	s0 =	simm.s32 @!p0 $0x0  }
0x12: {  	s1 =	sld [smem:$0x3F9E];
	s0 =	simm.s32 @p0 $0x1  }
0x13: {  	[smem:$0x3FB9] =	sst s0;
	s0 =	simm.s32 @!p1 $0x0  }
0x14: {  	s2 =	sld [smem:$0x3F9D];
	s0 =	simm.s32 @p1 $0x1  }
0x15: {  	[smem:$0x3FBA] =	sst s0;
	s0 =	simm.s32 @!p2 $0x0  }
0x16: {  	s3 =	sld [smem:$0x3FDB];
	s0 =	simm.s32 @p2 $0x1  }
0x17: {  	s4 =	simm.s32 $0x1BF5;
	[smem:$0x3FBC] =	sst s0  }
0x18: {  	s0 =	sld [smem:$0x3F9F];
	_ =	swait.ge [sflag:s4], $0x0  }
0x19: {  	s7 =	sld [smem:$0x3FA0]  }
0x1a: {  	s8 =	sadd.s32 $0xFFFFE003, lr  }
0x1b: {  	s9 =	sadd.s32 $0xFFFFFEF7, lr;
	s5 =	simm.s32 $0xFFFFFFFF;
	p2 =	slt.u32 s8, $0xFFFFF086  }
0x1c: {  	p1 =	slt.u32 s9, $0xF7A;
	s5 =	simm.s32 @!p2 $0x0  }
0x1d: {  	s5 =	simm.s32 @p1 $0x1;
	p0 =	seq.s32 s7, s2  }
0x1e: {  	s7 =	smul.u32 @!p0 $0xF7A, s2;
	p2 =	seq.s32 @!p0 s5, $0x0  }
0x1f: {  	s9 =	smul.u32 $0xF7A, s1;
	s8 =	simm.s32 @!p0 $0x1BF5;
	p2 =	por !p2, p0  }
0x20: {  	[sflag:s8] =	ssyncset.s32 @!p0 $0xFFFFF086;
	s6 =	sadd.s32 @!p0 s3, s7;
	s7 =	simm.s32 @!p0 $0x108  }
0x21: {  	s3 =	sadd.s32 s3, s9;
	s6 =	sadd.s32 @!p0 $0x88, s6;
	s7 =	simm.s32 @p2 $0x1082  }
0x22: {  	[simem:s7], [sflag:s8] =	dma.local @!p0 [hbm:s6], $0xF7A  }
0x23: {  	s9 =	sor.u32 $0xD0000000, s2;
	s6 =	simm.s32 $0x108;
	_ =	swait.ge @!p0 [sflag:s8], $0x0  }
0x24: {  	s3 =	sadd.s32 $0x88, s3;
	s6 =	simm.s32 @!p1 $0x1082;
	[sflag:s4] =	ssyncset.s32 $0xFFFFF086  }
0x25: {  	[simem:s6], [sflag:s4] =	dma.local [hbm:s3], $0xF7A  }
0x26: {  	[smem:$0x3FA0] =	sst s1;
	(tag) =	ssettag s2;
	_ =	strace s9  }
0x27: {  	s1 =	sld [smem:$0x3FB0]  }
0x28: {  	s2 =	sld [smem:$0x3FB1]  }
0x29: {  	s4 =	sld [smem:$0x3FB3]  }
0x2a: {  	p0 =	seq.s32 s5, $0x0;
	s5 =	sld [smem:$0x3FB4]  }
0x2b: {  	s6 =	sld [smem:$0x3FB5]  }
0x2c: {  	s7 =	sld [smem:$0x3FB6]  }
0x2d: {  	s3 =	simm.s32 $0x108;
	s8 =	sld [smem:$0x3FB7]  }
0x2e: {  	s3 =	simm.s32 @!p0 $0x1082;
	s9 =	sld [smem:$0x3FB8]  }
0x2f: {  	lr =	sadd.s32 s0, s3;
	s0 =	sld [smem:$0x3FAF]  }
0x30: {  	s3 =	sld [smem:$0x3FB2]  }
0x31: {  	[smem:$0x3FBB] =	sst s10  }
0x32: {  	s10 =	sld [smem:$0x3FB9];
	_ =	sdelay $0x3  }
0x33: {  	p0 =	seq.s32 s10, $0x1;
	s10 =	sld [smem:$0x3FBB];
	_ =	sdelay $0x3  }
0x34: {  	[smem:$0x3FBB] =	sst s10  }
0x35: {  	s10 =	sld [smem:$0x3FBA];
	_ =	sdelay $0x3  }
0x36: {  	p1 =	seq.s32 s10, $0x1;
	s10 =	sld [smem:$0x3FBB];
	_ =	sdelay $0x3  }
0x37: {  	[smem:$0x3FBB] =	sst s10  }
0x38: {  	s10 =	sld [smem:$0x3FBC]  }
0x39: {  	_ = 	snop;
	(pc) =	sbr.ind lr, $3  }
0x3a: {  	_ = 	snop  }
0x3b: {  	_ = 	snop  }
0x3c: {  	p2 =	seq.s32 s10, $0x1;
	s10 =	sld [smem:$0x3FBB]  }
0x3d: {  	_ =	shalt  }
0x3e: {  	_ =	shalt  }
0x3f: {  	_ =	shalt  }
0x40: {  	_ =	shalt  }
0x41: {  	_ =	shalt  }
0x42: {  	_ =	shalt  }
0x43: {  	_ =	shalt  }
0x44: {  	_ =	shalt  }
0x45: {  	_ =	shalt  }
0x46: {  	_ =	shalt  }
0x47: {  	_ =	shalt  }
0x48: {  	_ =	shalt  }
0x49: {  	_ =	shalt  }
0x4a: {  	_ =	shalt  }
0x4b: {  	_ =	shalt  }
0x4c: {  	_ =	shalt  }
0x4d: {  	_ =	shalt  }
0x4e: {  	_ =	shalt  }
0x4f: {  	_ =	shalt  }
0x50: {  	_ =	shalt  }
0x51: {  	_ =	shalt  }
0x52: {  	_ =	shalt  }
0x53: {  	_ =	shalt  }
0x54: {  	_ =	shalt  }
0x55: {  	_ =	shalt  }
0x56: {  	_ =	shalt  }
0x57: {  	_ =	shalt  }
0x58: {  	_ =	shalt  }
0x59: {  	_ =	shalt  }
0x5a: {  	_ =	shalt  }
0x5b: {  	_ =	shalt  }
0x5c: {  	_ =	shalt  }
0x5d: {  	_ =	shalt  }
0x5e: {  	_ =	shalt  }
0x5f: {  	_ =	shalt  }
0x60: {  	_ =	shalt  }
0x61: {  	_ =	shalt  }
0x62: {  	_ =	shalt  }
0x63: {  	_ =	shalt  }
0x64: {  	_ =	shalt  }
0x65: {  	_ =	shalt  }
0x66: {  	_ =	shalt  }
0x67: {  	_ =	shalt  }
0x68: {  	_ =	shalt  }
0x69: {  	_ =	shalt  }
0x6a: {  	_ =	shalt  }
0x6b: {  	_ =	shalt  }
0x6c: {  	_ =	shalt  }
0x6d: {  	_ =	shalt  }
0x6e: {  	_ =	shalt  }
0x6f: {  	_ =	shalt  }
0x70: {  	_ =	shalt  }
0x71: {  	_ =	shalt  }
0x72: {  	_ =	shalt  }
0x73: {  	_ =	shalt  }
0x74: {  	_ =	shalt  }
0x75: {  	_ =	shalt  }
0x76: {  	_ =	shalt  }
0x77: {  	_ =	shalt  }
0x78: {  	_ =	shalt  }
0x79: {  	_ =	shalt  }
0x7a: {  	_ =	shalt  }
0x7b: {  	_ =	shalt  }
0x7c: {  	_ =	shalt  }
0x7d: {  	_ =	shalt  }
0x7e: {  	_ =	shalt  }
0x7f: {  	_ =	shalt  }
0x80: {  	_ =	shalt  }
0x81: {  	_ =	shalt  }
0x82: {  	_ =	shalt  }
0x83: {  	_ =	shalt  }
0x84: {  	_ =	shalt  }
0x85: {  	_ =	shalt  }
0x86: {  	_ =	shalt  }
0x87: {  	_ =	shalt  }
.Lfunc_end0:
.L_simem_size_0:
called_computation_lowered:
.L_overlay_start_0:
0x88: {  	s2 =	sld [smem:$0x3FD9]  }
0x89: {  	s3 =	sld [smem:$0x3FFE];
	_ =	sdelay $0x1  }
0x8a: {  	s1 =	srdreg.scid  }
0x8b: {  	s0 =	sand.u32 $0x1, s1  }
0x8c: {  	s14 =	sshll.u32 s0, $0xA;
	s2 =	sadd.s32 s3, s2  }
0x8d: {  	s2 =	sadd.s32 s2, s14  }
0x8e: {  	[smem:$0x3FC7] =	sst s2  }
0x8f: {  	_ = 	snop  }
0x90: {  	s2 =	sld [smem:$0x3FD0];
	_ =	sdelay $0x2  }
0x91: {  	s15 =	simm.s32 $0xA;
	s4 =	simm.s32 $0x10  }
0x92: {  	[smem:s4], [sflag:s15] =	dma.local [hbm:s2], $0x1  }
0x93: {  	_ =	swait.eq [sflag:s15], $0x1  }
0x94: {  	[sflag:s15] =	ssyncset.done $0x0  }
0x95: {  	s16 =	sld [smem:$0x10];
	[sflag:s15] =	ssyncadd.s32 $0xFFFFFFFF  }
0x96: {  	s17 =	sld [smem:$0x11];
	(tm) =	ssettm $0x1  }
0x97: {  	s18 =	sld [smem:$0x3FFB];
	_ =	sdelay $0x3  }
0x98: {  	_ =	strace s18  }
0x99: {  	s4 =	sld [smem:$0x3FFC];
	_ =	sdelay $0x3  }
0x9a: {  	_ =	strace s4  }
0x9b: {  	s4 =	sld [smem:$0x3FFD];
	_ =	sdelay $0x3  }
0x9c: {  	_ =	strace s4  }
0x9d: {  	_ =	strace $0x8FFFFFFF  }
0x9e: {  	s19 =	sld [smem:$0x3FDB];
	_ =	sdelay $0x1  }
0x9f: {  	s5 =	simm.s32 $_scs_section_size  }
0xa0: {  	s6 =	simm.s32 $_size__tile_overlayer_lowered;
	s7 =	simm.s32 $_tile_overlayer_lowered  }
0xa1: {  	s22 =	simm.s32 $0x1BFF;
	s21 =	sshll.u32 s7, $0x1;
	s4 =	sadd.s32 s5, s19  }
0xa2: {  	s8 =	simm.s32 $0x0;
	s20 =	sshll.u32 s6, $0x1;
	s6 =	sadd.s32 s21, s4  }
0xa3: {  	[timem:s8], [sflag:s22] =	dma.local [hbm:s6], s20  }
0xa4: {  	_ =	swait.ge [sflag:s22], s20  }
0xa5: {  	s5 =	ssub.s32 $0x0, s20;
	[sflag:s22] =	ssyncset.done $0x0  }
0xa6: {  	[sflag:s22] =	ssyncadd.s32 s5;
	_ =	sdelay $0x1  }
0xa7: {  	s23 =	simm.s32 $0x1B8B  }
0xa8: {  	_ =	swait.ge [sflag:s23], $0x1  }
0xa9: {  	[sflag:s23] =	ssyncset.done $0x0  }
0xaa: {  	s25 =	simm.s32 $0x1B8E;
	s24 =	sld [smem:$0x3FFE];
	[sflag:s23] =	ssyncadd.s32 $0xFFFFFFFF  }
0xab: {  	s26 =	simm.s32 $execute0_lowered;
	[smem:$0x3FD2] =	sst s25  }
0xac: {  	s6 =	sshll.u32 s26, $0x1;
	_ =	strace $0x80000046;
	[dreg:$0x1] =	wrdreg $0xFFFFFFFF  }
0xad: {  	s28 =	simm.s32 $_size_execute0_lowered;
	s4 =	sadd.s32 s4, s6;
	[dreg:$0x0] =	wrdreg $0x0  }
0xae: {  	s6 =	sshll.u32 s28, $0x1;
	[dreg:$0x2] =	wrdreg s4  }
0xaf: {  	[dreg:$0x3] =	wrdreg s6  }
0xb0: {  	[dreg:$0x4] =	wrdreg $0xC0  }
0xb1: {  	_ =	task [dreg:s8], $0x5FFFF  }
0xb2: {  	[dreg:$0x1] =	wrdreg $0xFFFFFFFF  }
0xb3: {  	[dreg:$0x0] =	wrdreg $0x60  }
0xb4: {  	[dreg:$0x2] =	wrdreg s24  }
0xb5: {  	[dreg:$0x3] =	wrdreg s16  }
0xb6: {  	[dreg:$0x4] =	wrdreg s17  }
0xb7: {  	[dreg:$0x5] =	wrdreg $0x9  }
0xb8: {  	_ =	task.clear_ibuf [dreg:s8], $0x6FFFF;
	_ =	strace $0x90000046  }
0xb9: {  	s29 =	simm.s32 $0x9;
	_ =	strace $0x80000048  }
0xba: {  	_ =	swait.ge [sflag:s29], $0x1  }
0xbb: {  	[sflag:s29] =	ssyncadd.s32 $0xFFFFFFFF  }
0xbc: {  	_ =	strace $0x90000048  }
0xbd: {  	_ =	sfence  }
0xbe: {  	s30 =	sld [smem:$0x0];
	_ =	sdelay $0x2  }
0xbf: {  	s31 =	sshll.u32 s1, $0xD;
	s1 =	sshrl.u32 s1, $0x2  }
0xc0: {  	s3 =	sand.u32 $0x4000, s31;
	s1 =	sadd.s32 s1, s30  }
0xc1: {  	s0 =	sor.u32 s3, s0;
	s1 =	sshll.u32 s1, $0x11  }
0xc2: {  	s0 =	sor.u32 s1, s0  }
0xc3: {  	s0 =	sadd.s32 $0x8F2B, s0  }
0xc4: {  	[sflag:s0] =	ssyncadd.remote.s32 $0x1  }
0xc5: {  	_ =	sfence.sel $0xFFFF  }
0xc6: {  	[dreg:$0x0] =	wrdreg $0xFFFFFFFF;
	(pc) =	sbr.abs _section_cstart, $3  }
0xc7: {  	[dreg:$0x1] =	wrdreg $0xFFFFFFFF  }
0xc8: {  	_ =	task.clear_ibuf [dreg:s8], $0x2FFFF;
	_ =	strace $0x9FFFFFFF  }
0xc9: {  	(tm) =	ssettm $0x7FFFFFFF  }
tec
execute0_lowered:
.L_overlay_start_1:
0x0: {  	(tag) =	ssettag $0x1  }
0x1: {  	s3 =	rddreg [dreg:$0x0]  }
0x2: {  	s1 =	srdreg.scid;
	s7 =	rddreg [dreg:$0x1]  }
0x3: {  	s0 =	stileid.u32;
	s8 =	rddreg [dreg:$0x2];
	v0 =	vimm.s32 $0xFEDCBA98  }
0x4: {  	s2 =	simm.s32 $0x0;
	v1 =	vimm.s32 $0x76543210;
	s11 =	simm.s32 $0x8000;
	s12 =	simm.s32 $0x10000;
	v3 =	vunpack.c.l.s4.s8 v0  }
0x5: {  	s13 =	simm.s32 $0x12000;
	s14 =	simm.s32 $0x2;
	s15 =	simm.s32 $0x3;
	v5 =	vunpack.c.l.s4.s8 v1  }
0x6: {  	s4 =	sand.u32 $0x1, s1;
	s5 =	sshll.u32 s0, $0xB;
	s1 =	rddreg [dreg:$0x3];
	v0 =	vlaneseq.u32;
	v6 =	vunpack.c.0.s8.s32 v3  }
0x7: {  	[smem:$0x7FF] =	sst s2;
	s6 =	sshll.u32 s4, $0xA;
	s4 =	ssub.s32 $0x2, s4;
	v2 =	vor.u32 $0x10, v0;
	v5 =	vunpack.c.0.s8.s32 v5  }
0x8: {  	_ =	strace $0x80000047;
	v4 =	vor.u32 $0x30, v0;
	v7 =	vand.u32 $0x7, v0;
	s9 =	sor.u32 s6, s5;
	s31 =	sshrl.u32 s4, $0x1;
	[tilespmem:$0x1FFC0] =	vst v2;
	v6 =	vand.u32 $0xF, v6  }
0x9: {  	s16 =	simm.s32 $0x0;
	v3 =	vor.u32 $0x20, v0;
	[tilespmem:$0x1FFE0] =	vst v4;
	s5 =	sshll.u32 s9, $0x4;
	s10 =	ssub.s32 s4, s31;
	v0 =	vcombine.low v6, v5;
	v5 =	vmul.u32 $0x80, v7  }
0xa: {  	s7 =	sadd.s32 s7, s9;
	s8 =	sadd.s32 s8, s9;
	[tilespmem:$0x1FFD0] =	vst v3;
	s30 =	sadd.s32 s5, s3  }
0xb: {  	s9 =	smax.u32 s10, $0x1;
	s10 =	simm.s32 $0x1;
	s3 =	sadd.s32 $0x800, s30;
	[tilespmem:$0x1FFB0] =	vst v5  }
0xc: {  	vm0 =	vmmov $0xff;
	v1 =	vimm.s32 $0xF;
	s4 =	sadd.s32 $0x1800, s30;
	s5 =	sadd.s32 $0x2800, s30;
	s6 =	sadd.s32 $0x3800, s30;
	[tilespmem:$0x1FFF0] =	vst v0  }
.LBB2_1:
0xd: {  	[tilespmem:s2], [sflag:$0x1] =	stream.linear.gather [hbm4b:s3+s2], $0x8000, $0x38;
	[tilespmem:$0x14000] =	vst v63  }
0xe: {  	_ =	swait.ge [sflag:s10], $0x8000  }
0xf: {  	[sflag:s10] =	ssyncset.done $0x0  }
0x10: {  	s17 =	simm.s32 $0x200;
	[sflag:s10] =	ssyncadd.s32 $0xFFFF8000  }
0x11: {  	[tilespmem:s11], [sflag:$0x2] =	stream.linear.gather [hbm4b:s4+s2], $0x8000, $0x38;
	[tilespmem:$0x14000] =	vst v63  }
0x12: {  	v8 =	vld [tilespmem:s17+$0x180]  }
0x13: {  	v9 =	vld [tilespmem:s17+$0x190]  }
0x14: {  	v10 =	vld [tilespmem:s17+$0x1A0]  }
0x15: {  	v11 =	vld [tilespmem:s17+$0x1B0]  }
0x16: {  	v12 =	vld [tilespmem:s17+$0xFFFFFE10]  }
0x17: {  	v13 =	vld [tilespmem:s17+$0xFFFFFE20];
	v8 =	vmul.f32 $1.442695020e+00, v8  }
0x18: {  	v61 =	vld [tilespmem:s17+$0xFFFFFEA0];
	v9 =	vmul.f32 $1.442695020e+00, v9  }
0x19: {  	v10 =	vmul.f32 $1.442695020e+00, v10;
	(erf) = vpow2.f32 v8;
	v8 =	vld [tilespmem:s17+$0xFFFFFE30]  }
0x1a: {  	v11 =	vmul.f32 $1.442695020e+00, v11;
	(erf) = vpow2.f32 v9;
	v9 =	vld [tilespmem:s17+$0xFFFFFE80]  }
0x1b: {  	(erf) = vpow2.f32 v10;
	v10 =	vld [tilespmem:s17+$0xFFFFFE90]  }
0x1c: {  	v14 =	vld [tilespmem:s17+$0xFFFFFEB0];
	(erf) = vpow2.f32 v11;
	v11 =	vmul.f32 $1.442695020e+00, v12  }
0x1d: {  	v13 =	vmul.f32 $1.442695020e+00, v13;
	v12 =	vmul.f32 $1.442695020e+00, v61  }
0x1e: {  	v8 =	vmul.f32 $1.442695020e+00, v8;
	(erf) = vpow2.f32 v11  }
0x1f: {  	v15 =	vld [tilespmem:s17+$0xFFFFFF00];
	v9 =	vmul.f32 $1.442695020e+00, v9;
	(erf) = vpow2.f32 v13  }
0x20: {  	v11 =	vld [tilespmem:s17+$0xFFFFFF10];
	v10 =	vmul.f32 $1.442695020e+00, v10;
	(erf) = vpow2.f32 v8  }
0x21: {  	(erf) = vpow2.f32 v9;
	v9 =	vmul.f32 $1.442695020e+00, v14  }
0x22: {  	v5 =	vlaneseq.u32;
	v62 =	vld [tilespmem:s17+$0xFFFFFF20];
	v8 =	vpop (erf)  }
0x23: {  	v63 =	vld [tilespmem:s17+$0xFFFFFF30];
	(erf) = vpow2.f32 v10;
	v13 =	vpop (erf);
	(xrf1) =	vsort.dscd.msk.f32 $0xffff, v8, v5  }
0x24: {  	v16 =	vld [tilespmem:s17+$0xFFFFFF80];
	v10 =	vmul.f32 $1.442695020e+00, v15;
	(erf) = vpow2.f32 v12;
	v12 =	vpop (erf);
	(xrf1) =	vsort.ascd.msk.f32 $0xffff, v13, v2  }
0x25: {  	v17 =	vld [tilespmem:s17+$0xFFFFFF90];
	v11 =	vmul.f32 $1.442695020e+00, v11;
	(erf) = vpow2.f32 v9;
	v9 =	vpop (erf);
	(xrf1) =	vsort.dscd.msk.f32 $0xffff, v12, v3  }
0x26: {  	v18 =	vld [tilespmem:s17+$0xFFFFFFB0];
	(erf) = vpow2.f32 v10;
	(xrf1) =	vsort.ascd.msk.f32 $0xffff, v9, v4  }
0x27: {  	(erf) = vpow2.f32 v11;
	v11 =	vld [tilespmem:s17+$0xFFFFFFA0]  }
0x28: {  	v20 =	vld [tilespmem:s17+$0x0];
	v14 =	vmul.f32 $1.442695020e+00, v62;
	v10 =	vpop (erf)  }
0x29: {  	v22 =	vld [tilespmem:s17+$0x10];
	v15 =	vmul.f32 $1.442695020e+00, v63;
	v19 =	vpop (erf)  }
0x2a: {  	v24 =	vld [tilespmem:s17+$0x30];
	v16 =	vmul.f32 $1.442695020e+00, v16;
	(erf) = vpow2.f32 v14;
	v21 =	vpop (erf)  }
0x2b: {  	v17 =	vmul.f32 $1.442695020e+00, v17;
	(erf) = vpow2.f32 v15;
	v6 =	vpop (erf)  }
0x2c: {  	v23 =	vld [tilespmem:s17+$0x20];
	v7 =	vpop (erf);
	v11 =	vmul.f32 $1.442695020e+00, v11;
	(erf) = vpow2.f32 v16  }
0x2d: {  	v39 =	vmul.f32 $1.442695020e+00, v18;
	(xrf1) =	vsort.ascd.msk.f32 $0xffff, v10, v2;
	v25 =	vpop (erf);
	(erf) = vpow2.f32 v17  }
0x2e: {  	v26 =	vpop (erf);
	(erf) = vpow2.f32 v11;
	v11 =	vmul.f32 $1.442695020e+00, v22  }
0x2f: {  	v41 =	vmul.f32 $1.442695020e+00, v20;
	v24 =	vmul.f32 $1.442695020e+00, v24;
	(xrf1) =	vsort.dscd.msk.f32 $0xffff, v19, v3;
	v42 =	vpop (erf)  }
0x30: {  	v40 =	vld [tilespmem:s17+$0x80];
	(erf) = vpow2.f32 v39;
	v43 =	vpop (erf)  }
0x31: {  	v56 =	vmul.f32 $1.442695020e+00, v23;
	(erf) = vpow2.f32 v41;
	v58, v57, _ =	vpop (xrf1)  }
0x32: {  	(erf) = vpow2.f32 v11;
	v11, v27, _ =	vpop (xrf1)  }
0x33: {  	(erf) = vpow2.f32 v56;
	v59, v29, _ =	vpop (xrf1);
	v11 =	vsel vm0, v58, v11  }
0x34: {  	(xrf1) =	vsort.ascd.msk.f32 $0xffff, v21, v4;
	(erf) = vpow2.f32 v24;
	v23 =	vsel vm0, v57, v27;
	v60, v24, _ =	vpop (xrf1);
	v61 =	vperm.xlane v11, v0  }
0x35: {  	v28 =	vld [tilespmem:s17+$0xFFFFFE00];
	v18 =	vmul.f32 $1.442695020e+00, v40;
	(xrf1) =	vsort.dscd.msk.f32 $0xffff, v6, v5;
	v30 =	vpop (erf);
	v33 =	vperm.xlane v23, v0;
	v16 =	vsel vm0, v59, v60  }
0x36: {  	v31 =	vpop (erf);
	v24 =	vsel vm0, v29, v24;
	v27 =	vperm.xlane v16, v0;
	vm1 =	vge.f32 v11, v61  }
0x37: {  	v32 =	vpop (erf);
	v34 =	vperm.xlane v24, v0;
	v23 =	vsel vm1, v23, v33  }
0x38: {  	v62 =	vld [tilespmem:s17+$0x90];
	(xrf1) =	vsort.ascd.msk.f32 $0xffff, v7, v2;
	(erf) = vpow2.f32 v18;
	v36 =	vpop (erf);
	vm2 =	vge.f32 v16, v27  }
0x39: {  	v29 =	vld [tilespmem:s17+$0xA0];
	v63 =	vpop (erf);
	v24 =	vsel vm2, v24, v34  }
0x3a: {  	v35 =	vld [tilespmem:s17+$0xB0];
	v28 =	vmul.f32 $1.442695020e+00, v28;
	v11 =	vsel vm1, v11, v61;
	v33 =	vpop (erf);
	v16 =	vsel vm2, v16, v27  }
0x3b: {  	v19 =	vadd.f32 v21, v19;
	v11 =	vsel vm0, v11, v16;
	v44 =	vsel vm0, v23, v24;
	v21, v23, _ =	vpop (xrf1)  }
0x3c: {  	(erf) = vpow2.f32 v28;
	v27 =	vld [tilespmem:s17+$0x100];
	(xrf1) =	vsort.dscd.msk.f32 $0xffff, v11, v44;
	v24 =	vpop (erf)  }
0x3d: {  	v45 =	vld [tilespmem:s17+$0x110];
	v17 =	vmul.f32 $1.442695020e+00, v62;
	v51 =	vadd.f32 v26, v25;
	(xrf1) =	vsort.dscd.msk.f32 $0xffff, v25, v3;
	v52, v25, _ =	vpop (xrf1)  }
0x3e: {  	v46 =	vmul.f32 $1.442695020e+00, v29;
	v11 =	vld [tilespmem:s17+$0x120];
	v28 =	vpop (erf)  }
0x3f: {  	v47 =	vmul.f32 $1.442695020e+00, v35;
	(erf) = vpow2.f32 v17;
	v29 =	vld [tilespmem:s17+$0x130];
	v48 =	vpop (erf)  }
0x40: {  	v8 =	vadd.f32 v13, v8;
	v9 =	vadd.f32 v9, v12;
	(erf) = vpow2.f32 v46;
	v37 =	vpop (erf)  }
0x41: {  	(xrf1) =	vsort.ascd.msk.f32 $0xffff, v26, v4;
	v49 =	vmul.f32 $1.442695020e+00, v27;
	v27 =	vpop (erf);
	(erf) = vpow2.f32 v47  }
0x42: {  	v50 =	vmul.f32 $1.442695020e+00, v45;
	v8 =	vadd.f32 v9, v8  }
0x43: {  	v54, v53, _ =	vpop (xrf1);
	(xrf1) =	vsort.dscd.msk.f32 $0xffff, v42, v5;
	v11 =	vmul.f32 $1.442695020e+00, v11;
	(erf) = vpow2.f32 v49  }
0x44: {  	(xrf2) =	vadd.scan.msk.f32 $0xffff, v8;
	v55, v38, _ =	vpop (xrf1);
	v29 =	vmul.f32 $1.442695020e+00, v29;
	(erf) = vpow2.f32 v50  }
0x45: {  	v26 =	vadd.f32 v43, v42;
	(xrf1) =	vsort.ascd.msk.f32 $0xffff, v43, v2;
	v57 =	vpop (erf);
	(erf) = vpow2.f32 v11  }
0x46: {  	(xrf1) =	vsort.dscd.msk.f32 $0xffff, v30, v3;
	v11 =	vadd.f32 v31, v30;
	v30, v39, _ =	vpop (xrf1);
	(erf) = vpow2.f32 v29;
	v29 =	vadd.f32 v33, v63  }
0x47: {  	v14 =	vadd.f32 v7, v6;
	(xrf1) =	vsort.dscd.msk.f32 $0xffff, v57, v5;
	v20 =	vsel vm0, v55, v30  }
0x48: {  	v56 =	vadd.f32 v36, v32;
	v42 =	vpop (erf);
	(xrf1) =	vsort.ascd.msk.f32 $0xffff, v31, v4;
	v31 =	vperm.xlane v20, v0  }
0x49: {  	v40 =	vadd.f32 v28, v24;
	(xrf1) =	vsort.dscd.msk.f32 $0xffff, v32, v5;
	v11 =	vadd.f32 v11, v26;
	v26 =	vpop (erf)  }
0x4a: {  	v58 =	vsel vm0, v52, v54;
	(xrf1) =	vsort.ascd.msk.f32 $0xffff, v36, v2;
	v9 =	vadd.f32 v29, v56;
	v29 =	vpop (erf)  }
0x4b: {  	v59 =	vsel vm0, v25, v53;
	v25 =	vsel vm0, v38, v39;
	(xrf1) =	vsort.dscd.msk.f32 $0xffff, v63, v3;
	v17, v6, _ =	vpop (xrf1)  }
0x4c: {  	v16 =	vperm.xlane v58, v0;
	(xrf1) =	vsort.ascd.msk.f32 $0xffff, v33, v4;
	vm2 =	vge.f32 v20, v31;
	v30 =	vpop (erf)  }
0x4d: {  	v62 =	vperm.xlane v25, v0;
	v20 =	vsel vm2, v20, v31;
	(xrf1) =	vsort.dscd.msk.f32 $0xffff, v24, v5;
	v24, v31, _ =	vpop (xrf1)  }
0x4e: {  	v13 =	vadd.f32 v51, v14;
	v41 =	vadd.f32 v37, v48;
	v61 =	vpop (erf)  }
0x4f: {  	v60 =	vperm.xlane v59, v0;
	vm1 =	vge.f32 v58, v16;
	v18 =	vsel vm2, v25, v62;
	v46, v25, _ =	vpop (xrf1)  }
0x50: {  	v12 =	vadd.f32 v41, v40;
	v14 =	vsel vm1, v58, v16;
	(xrf1) =	vsort.ascd.msk.f32 $0xffff, v28, v2;
	v63 =	vpop (erf)  }
0x51: {  	v10 =	vadd.f32 v10, v57;
	v28 =	vadd.f32 v42, v27;
	(xrf1) =	vsort.dscd.msk.f32 $0xffff, v48, v3;
	v48, v49, _ =	vpop (xrf1)  }
0x52: {  	(xrf2) =	vadd.scan.msk.f32 $0xffff, v17;
	v47 =	vadd.f32 v29, v26;
	v22 =	vsel vm0, v24, v46;
	v24 =	vsel vm0, v31, v25;
	v25, _, _ =	vpop (xrf2)  }
0x53: {  	v15 =	vsel vm1, v59, v60;
	v19 =	vadd.f32 v19, v10;
	(xrf1) =	vsort.ascd.msk.f32 $0xffff, v37, v4;
	v45 =	vpop (erf)  }
0x54: {  	v50 =	vadd.f32 v61, v30;
	v10 =	vadd.f32 v47, v28;
	v38, v39, _ =	vpop (xrf1);
	(xrf1) =	vsort.dscd.msk.f32 $0xffff, v27, v5  }
0x55: {  	v31 =	vperm.xlane v24, v0;
	v25 =	vperm.xlane v25, v1;
	v28, v32, _ =	vpop (xrf1);
	(xrf1) =	vsort.ascd.msk.f32 $0xffff, v42, v2  }
0x56: {  	v27 =	vadd.f32 v45, v63;
	v33 =	vsel vm0, v49, v39;
	(xrf1) =	vsort.dscd.msk.f32 $0xffff, v26, v3  }
0x57: {  	v26 =	vperm.xlane v22, v0;
	v39 =	vperm.xlane v33, v0;
	v40, v41, _ =	vpop (xrf1);
	(xrf1) =	vsort.ascd.msk.f32 $0xffff, v29, v4  }
0x58: {  	v29 =	vsel vm0, v48, v38;
	v27 =	vadd.f32 v27, v50;
	v52, v51, _ =	vpop (xrf1);
	(xrf1) =	vsort.dscd.msk.f32 $0xffff, v30, v5  }
0x59: {  	v30 =	vperm.xlane v29, v0;
	vm1 =	vge.f32 v22, v26;
	v21 =	vsel vm0, v40, v21  }
0x5a: {  	v23 =	vsel vm0, v41, v23;
	v53, v43, _ =	vpop (xrf1);
	(xrf1) =	vsort.ascd.msk.f32 $0xffff, v61, v2;
	v37 =	vperm.xlane v21, v0  }
0x5b: {  	[tilespmem:$0x1FEF0] =	vst v6;
	v28 =	vsel vm0, v28, v52;
	v32 =	vsel vm0, v32, v51;
	v38 =	vperm.xlane v23, v0  }
0x5c: {  	v6 =	vimm.s32 $0x7;
	v22 =	vsel vm1, v22, v26;
	v24 =	vsel vm1, v24, v31;
	v55, v56, _ =	vpop (xrf1);
	(xrf1) =	vsort.dscd.msk.f32 $0xffff, v63, v3  }
0x5d: {  	v46 =	vperm.xlane v32, v0;
	vm4 =	vge.f32 v29, v30;
	v20 =	vsel vm0, v20, v22  }
0x5e: {  	v25 =	vmul.f32 $9.999999970e-07, v25;
	v18 =	vsel vm0, v18, v24;
	v57, v58, _ =	vpop (xrf1);
	(xrf1) =	vsort.ascd.msk.f32 $0xffff, v45, v4;
	v45 =	vperm.xlane v28, v0  }
0x5f: {  	v54, _, _ =	vpop (xrf2);
	v40 =	vsel vm0, v53, v55;
	vm8 =	vge.f32 v21, v37;
	v29 =	vsel vm4, v29, v30  }
0x60: {  	v33 =	vsel vm4, v33, v39;
	v34 =	vperm.xlane v54, v6;
	v41 =	vperm.xlane v40, v0  }
0x61: {  	v59, v44, _ =	vpop (xrf1);
	v21 =	vsel vm8, v21, v37;
	v23 =	vsel vm8, v23, v38;
	vm2 =	vge.f32 v28, v45  }
0x62: {  	v16 =	vsel vm0, v57, v59;
	v36 =	vsel vm0, v58, v44;
	v14 =	vsel vm0, v21, v14  }
0x63: {  	v15 =	vsel vm0, v23, v15;
	v60, v47, _ =	vpop (xrf1);
	v25 =	vadd.f32 v34, v25;
	v34 =	vsel vm0, v43, v56  }
0x64: {  	vm3 =	vge.f32 v40, v41;
	v44 =	vperm.xlane v16, v0;
	v54 =	vperm.xlane v36, v0;
	v61, v48, _ =	vpop (xrf1)  }
0x65: {  	(xrf2) =	vadd.scan.msk.f32 $0xffff, v19;
	v51 =	vperm.xlane v34, v0;
	v40 =	vsel vm3, v40, v41;
	v42 =	vsel vm0, v60, v61  }
0x66: {  	(xrf2) =	vadd.scan.msk.f32 $0xffff, v13;
	v49, v50, _ =	vpop (xrf1);
	v47 =	vsel vm0, v47, v48;
	vm9 =	vge.f32 v16, v44;
	v48 =	vperm.xlane v42, v0  }
0x67: {  	(xrf2) =	vadd.scan.msk.f32 $0xffff, v11;
	v62, v52, _ =	vpop (xrf1);
	v41 =	vsel vm3, v34, v51;
	v16 =	vsel vm9, v16, v44;
	v11 =	vsel vm9, v36, v54  }
0x68: {  	v63, v53, _ =	vpop (xrf1);
	v35 =	vsel vm0, v49, v62;
	v49 =	vsel vm0, v50, v52;
	v50 =	vperm.xlane v47, v0  }
0x69: {  	v13 =	vsel vm0, v40, v16;
	v11 =	vsel vm0, v41, v11;
	v55, v56, _ =	vpop (xrf1);
	v58 =	vperm.xlane v35, v0  }
0x6a: {  	v59 =	vperm.xlane v49, v0;
	v52, v57, _ =	vpop (xrf1);
	v43 =	vsel vm0, v63, v55;
	v53 =	vsel vm0, v53, v56  }
0x6b: {  	vm5 =	vge.f32 v42, v48;
	v7, v60, _ =	vpop (xrf1);
	v56 =	vperm.xlane v43, v0;
	v63 =	vperm.xlane v53, v0  }
0x6c: {  	vm7 =	vge.f32 v35, v58;
	v61, v62, _ =	vpop (xrf1);
	v52 =	vsel vm0, v52, v7;
	v57 =	vsel vm0, v57, v60  }
0x6d: {  	v55, v8, _ =	vpop (xrf1);
	vm6 =	vge.f32 v43, v56;
	v60 =	vperm.xlane v52, v0;
	v37 =	vperm.xlane v57, v0  }
0x6e: {  	v55 =	vsel vm0, v61, v55;
	v8 =	vsel vm0, v62, v8;
	v7, v61, _ =	vpop (xrf1);
	v51 =	vsel vm6, v43, v56  }
0x6f: {  	(xrf2) =	vadd.scan.msk.f32 $0xffff, v9;
	v9 =	vsel vm6, v53, v63;
	vm14 =	vge.f32 v52, v60;
	v26, v31, _ =	vpop (xrf1);
	v38 =	vperm.xlane v55, v0  }
0x70: {  	(xrf1) =	vsort.dscd.msk.f32 $0xffff, v14, v15;
	v26 =	vsel vm0, v7, v26;
	v31 =	vsel vm0, v61, v31  }
0x71: {  	v61 =	vperm.xlane v8, v0;
	v7 =	vsel vm2, v28, v45;
	v28 =	vsel vm2, v32, v46  }
0x72: {  	(xrf1) =	vsort.dscd.msk.f32 $0xffff, v20, v18;
	v46 =	vsel vm5, v42, v48;
	v48 =	vsel vm5, v47, v50  }
0x73: {  	v50 =	vsel vm7, v49, v59;
	v53 =	vsel vm14, v52, v60;
	v54 =	vsel vm14, v57, v37  }
0x74: {  	v30 =	vperm.xlane v26, v0;
	vm1 =	vge.f32 v55, v38;
	v62 =	vperm.xlane v31, v0  }
0x75: {  	(xrf2) =	vadd.scan.msk.f32 $0xffff, v12;
	v44 =	vsel vm0, v29, v7;
	v45 =	vsel vm0, v33, v28;
	v57 =	vsel vm0, v51, v53  }
0x76: {  	v9 =	vsel vm0, v9, v54;
	(xrf1) =	vsort.dscd.msk.f32 $0xffff, v44, v45;
	v55 =	vsel vm1, v55, v38  }
0x77: {  	v8 =	vsel vm1, v8, v61;
	(xrf1) =	vsort.dscd.msk.f32 $0xffff, v13, v11;
	v11 =	vsel vm7, v35, v58  }
0x78: {  	(xrf2) =	vadd.scan.msk.f32 $0xffff, v10;
	vm15 =	vge.f32 v26, v30;
	v13 =	vsel vm0, v48, v50;
	v11 =	vsel vm0, v46, v11  }
0x79: {  	v56 =	vsel vm15, v26, v30;
	v10 =	vsel vm15, v31, v62;
	(xrf1) =	vsort.dscd.msk.f32 $0xffff, v11, v13  }
0x7a: {  	s24 =	simm.s32 $0x600;
	v11 =	vsel vm0, v55, v56;
	v8 =	vsel vm0, v8, v10;
	(xrf1) =	vsort.dscd.msk.f32 $0xffff, v57, v9  }
0x7b: {  	(xrf1) =	vsort.dscd.msk.f32 $0xffff, v11, v8;
	v8 =	vld [tilespmem:s24+$0x180];
	_ =	sdelay $0x4  }
0x7c: {  	v12, _, _ =	vpop (xrf2);
	v8 =	vmul.f32 $1.442695020e+00, v8  }
0x7d: {  	(erf) = vrcp.f32 v25;
	v24, v7, _ =	vpop (xrf1)  }
0x7e: {  	v58, _, _ =	vpop (xrf2);
	[tilespmem:$0x1FF40] =	vst v7;
	(erf) = vpow2.f32 v8  }
0x7f: {  	v59, _, _ =	vpop (xrf2);
	v9 =	vld [tilespmem:s24+$0x190]  }
0x80: {  	v25, v60, _ =	vpop (xrf1)  }
0x81: {  	[tilespmem:$0x1FF50] =	vst v60;
	v26, v61, _ =	vpop (xrf1)  }
0x82: {  	v63, _, _ =	vpop (xrf2);
	v10 =	vld [tilespmem:s24+$0x1A0];
	[tilespmem:$0x1FF60] =	vst v61  }
0x83: {  	v30, v62, _ =	vpop (xrf1);
	v11 =	vld [tilespmem:s24+$0x1B0]  }
0x84: {  	(xrf2) =	vadd.scan.msk.f32 $0xffff, v27;
	v16, _, _ =	vpop (xrf2);
	[tilespmem:$0x1FFA0] =	vst v62;
	v9 =	vmul.f32 $1.442695020e+00, v9  }
0x85: {  	v41, _, _ =	vpop (xrf2);
	(xrf2) =	vadd.scan.msk.f32 $0xffff, v24;
	v15 =	vld [tilespmem:s24+$0xFFFFFE10]  }
0x86: {  	v28 =	vpop (erf);
	(xrf2) =	vadd.scan.msk.f32 $0xffff, v25;
	v36 =	vld [tilespmem:s24+$0xFFFFFE20];
	[tilespmem:$0x1FEE0] =	vst v41  }
0x87: {  	v12 =	vperm.xlane v12, v1;
	v42 =	vld [tilespmem:s24+$0xFFFFFE30];
	v10 =	vmul.f32 $1.442695020e+00, v10;
	v33 =	vpop (erf)  }
0x88: {  	v29 =	vld [tilespmem:s24+$0xFFFFFE80];
	(erf) = vpow2.f32 v9;
	v8 =	vmul.f32 $1.442695020e+00, v11;
	v9, v43, _ =	vpop (xrf1)  }
0x89: {  	v37 =	vperm.xlane v58, v1;
	(erf) = vpow2.f32 v10;
	[tilespmem:$0x1FEB0] =	vst v43;
	v31, v45, _ =	vpop (xrf1)  }
0x8a: {  	(xrf2) =	vadd.scan.msk.f32 $0xffff, v26;
	v21 =	vmul.f32 $1.442695020e+00, v15;
	(erf) = vpow2.f32 v8;
	v44 =	vld [tilespmem:s24+$0xFFFFFE90];
	[tilespmem:$0x1FEC0] =	vst v45;
	v11, v47, _ =	vpop (xrf1)  }
0x8b: {  	v38 =	vperm.xlane v59, v1;
	v48 =	vmul.f32 $1.442695020e+00, v36;
	(xrf1) =	vsort.dscd.msk.f32 $0xffff, v33, v5;
	v46 =	vld [tilespmem:s24+$0xFFFFFEA0];
	[tilespmem:$0x1FED0] =	vst v47  }
0x8c: {  	v23 =	vmul.f32 $1.442695020e+00, v42;
	(erf) = vpow2.f32 v21;
	v49 =	vld [tilespmem:s24+$0xFFFFFEB0]  }
0x8d: {  	v29 =	vmul.f32 $1.442695020e+00, v29;
	(erf) = vpow2.f32 v48;
	v50 =	vld [tilespmem:s24+$0xFFFFFF00]  }
0x8e: {  	v39 =	vperm.xlane v63, v1;
	v20, _, _ =	vpop (xrf2);
	v51 =	vld [tilespmem:s24+$0xFFFFFF10];
	(erf) = vpow2.f32 v23  }
0x8f: {  	v22, _, _ =	vpop (xrf2);
	v52 =	vld [tilespmem:s24+$0xFFFFFF20];
	(erf) = vpow2.f32 v29;
	v32 =	vmul.f32 $1.442695020e+00, v44  }
0x90: {  	v37 =	vmul.f32 $9.999999970e-07, v37;
	v27, _, _ =	vpop (xrf2);
	v53 =	vmul.f32 $1.442695020e+00, v46  }
0x91: {  	v34 =	vpop (erf);
	v29 =	vmul.f32 $1.442695020e+00, v49;
	(erf) = vpow2.f32 v32  }
0x92: {  	v55 =	vld [tilespmem:s24+$0xFFFFFF30];
	v35 =	vpop (erf);
	(xrf1) =	vsort.ascd.msk.f32 $0xffff, v34, v2;
	v54 =	vmul.f32 $1.442695020e+00, v50;
	(erf) = vpow2.f32 v53  }
0x93: {  	v56 =	vld [tilespmem:s24+$0xFFFFFF80];
	v41 =	vmul.f32 $1.442695020e+00, v51;
	(xrf1) =	vsort.dscd.msk.f32 $0xffff, v35, v3;
	v36 =	vpop (erf);
	(erf) = vpow2.f32 v29  }
0x94: {  	v21, _, _ =	vpop (xrf2);
	v59 =	vld [tilespmem:s24+$0xFFFFFFB0];
	v42 =	vmul.f32 $1.442695020e+00, v52;
	(xrf1) =	vsort.ascd.msk.f32 $0xffff, v36, v4;
	(erf) = vpow2.f32 v54  }
0x95: {  	v40 =	vperm.xlane v16, v1;
	v57 =	vld [tilespmem:s24+$0xFFFFFF90];
	v32 =	vpop (erf);
	(erf) = vpow2.f32 v41  }
0x96: {  	v16 =	vmul.f32 $9.999999970e-07, v12;
	v58 =	vld [tilespmem:s24+$0xFFFFFFA0];
	v45 =	vpop (erf);
	(erf) = vpow2.f32 v42  }
0x97: {  	v38 =	vmul.f32 $9.999999970e-07, v38;
	v60 =	vld [tilespmem:s24+$0x0];
	v43 =	vmul.f32 $1.442695020e+00, v55;
	v47 =	vpop (erf)  }
0x98: {  	v27 =	vperm.xlane v27, v6;
	v61 =	vld [tilespmem:s24+$0x10];
	v21 =	vperm.xlane v21, v6;
	v49 =	vpop (erf)  }
0x99: {  	v62 =	vld [tilespmem:s24+$0x20];
	v44 =	vmul.f32 $1.442695020e+00, v56;
	v7 =	vmul.f32 $1.442695020e+00, v59;
	v18, v52, _ =	vpop (xrf1)  }
0x9a: {  	(xrf2) =	vadd.scan.msk.f32 $0xffff, v30;
	v12 =	vld [tilespmem:s24+$0x80];
	v41 =	vmul.f32 $1.442695020e+00, v57;
	(erf) = vpow2.f32 v43;
	v51 =	vpop (erf)  }
0x9b: {  	(xrf2) =	vadd.scan.msk.f32 $0xffff, v9;
	v63 =	vld [tilespmem:s24+$0x30];
	v42 =	vmul.f32 $1.442695020e+00, v58;
	v43 =	vpop (erf);
	(erf) = vpow2.f32 v44  }
0x9c: {  	v13 =	vmul.f32 $1.442695020e+00, v60;
	v54 =	vpop (erf);
	(erf) = vpow2.f32 v41  }
0x9d: {  	v14 =	vmul.f32 $1.442695020e+00, v61;
	v55 =	vpop (erf);
	(erf) = vpow2.f32 v42  }
0x9e: {  	v34 =	vadd.f32 v34, v33;
	v15 =	vmul.f32 $1.442695020e+00, v62;
	v48 =	vpop (erf);
	(erf) = vpow2.f32 v7  }
0x9f: {  	v46 =	vmul.f32 $1.442695020e+00, v12;
	v35 =	vadd.f32 v36, v35;
	v50 =	vpop (erf);
	(erf) = vpow2.f32 v13  }
0xa0: {  	v33 =	vadd.f32 v27, v37;
	v53 =	vmul.f32 $1.442695020e+00, v63;
	(xrf1) =	vsort.ascd.msk.f32 $0xffff, v32, v2;
	v7, v19, _ =	vpop (xrf1);
	(erf) = vpow2.f32 v14  }
0xa1: {  	v57 =	vld [tilespmem:s24+$0xFFFFFE00];
	v34 =	vadd.f32 v35, v34;
	v35 =	vmul.f32 $9.999999970e-07, v40;
	v13, v12, _ =	vpop (xrf1);
	(erf) = vpow2.f32 v15  }
0xa2: {  	(xrf1) =	vsort.dscd.msk.f32 $0xffff, v45, v3;
	v40 =	vmul.f32 v17, v28;
	v41 =	vsel vm0, v18, v7;
	v15, v14, _ =	vpop (xrf1);
	(erf) = vpow2.f32 v53  }
0xa3: {  	v59 =	vld [tilespmem:s24+$0x90];
	(xrf1) =	vsort.ascd.msk.f32 $0xffff, v47, v4;
	v60 =	vpop (erf);
	v42 =	vsel vm0, v13, v15;
	(erf) = vpow2.f32 v46;
	v46 =	vperm.xlane v41, v0  }
0xa4: {  	v23, _, _ =	vpop (xrf2);
	v58 =	vld [tilespmem:s24+$0xB0];
	v52 =	vsel vm0, v52, v19;
	v53 =	vsel vm0, v12, v14;
	v18 =	vperm.xlane v42, v0  }
0xa5: {  	v29, _, _ =	vpop (xrf2);
	v44 =	vld [tilespmem:s24+$0xA0];
	v19 =	vperm.xlane v52, v0;
	v7 =	vperm.xlane v53, v0;
	vm1 =	vge.f32 v41, v46  }
0xa6: {  	(xrf1) =	vsort.dscd.msk.f32 $0xffff, v49, v5;
	v57 =	vmul.f32 $1.442695020e+00, v57;
	v61 =	vpop (erf);
	vm2 =	vge.f32 v42, v18;
	v41 =	vsel vm1, v41, v46  }
0xa7: {  	(xrf2) =	vadd.scan.msk.f32 $0xffff, v34;
	v13 =	vld [tilespmem:s24+$0x100];
	v62 =	vpop (erf);
	v52 =	vsel vm1, v52, v19;
	v42 =	vsel vm2, v42, v18;
	v12 =	vsel vm2, v53, v7  }
0xa8: {  	s18 =	simm.s32 $0x7;
	(xrf1) =	vsort.ascd.msk.f32 $0xffff, v51, v2;
	(erf) = vpow2.f32 v57;
	v14 =	vpop (erf);
	v53 =	vld [tilespmem:s24+$0x110];
	v41 =	vsel vm0, v41, v42;
	v12 =	vsel vm0, v52, v12  }
0xa9: {  	v45 =	vadd.f32 v47, v45;
	v18 =	vmul.f32 $1.442695020e+00, v59;
	v7 =	vmov s18;
	v46 =	vpop (erf);
	(xrf1) =	vsort.dscd.msk.f32 $0xffff, v41, v12  }
0xaa: {  	v44 =	vmul.f32 $1.442695020e+00, v44;
	v19 =	vmul.f32 $1.442695020e+00, v58;
	v15 =	vshll.u32 v7, $0x3;
	v59 =	vpop (erf)  }
0xab: {  	v42 =	vld [tilespmem:s24+$0x120];
	(erf) = vpow2.f32 v18;
	v41 =	vand.u32 $0x7F, v7;
	v7 =	vperm.xlane v22, v6;
	v52 =	vpop (erf)  }
0xac: {  	v36 =	vadd.f32 v51, v49;
	v13 =	vmul.f32 $1.442695020e+00, v13;
	v12 =	vld [tilespmem:s24+$0x130];
	(erf) = vpow2.f32 v44;
	v57 =	vpop (erf)  }
0xad: {  	(xrf1) =	vsort.dscd.msk.f32 $0xffff, v43, v3;
	v16 =	vadd.f32 v7, v16;
	v7 =	vadd.f32 v54, v43;
	v58 =	vpop (erf);
	v53 =	vmul.f32 $1.442695020e+00, v53  }
0xae: {  	(erf) = vpow2.f32 v19;
	(xrf1) =	vsort.ascd.msk.f32 $0xffff, v54, v4;
	v54 =	vperm.xlane v29, v6;
	v29 =	vadd.f32 v21, v38;
	v56, v18, _ =	vpop (xrf1)  }
0xaf: {  	v19 =	vand.u32 $0x400, v15;
	v63 =	vpop (erf);
	v34 =	vadd.f32 v7, v36;
	v7 =	vadd.f32 v52, v59  }
0xb0: {  	v38 =	vadd.f32 v48, v55;
	(erf) = vpow2.f32 v13;
	v42 =	vmul.f32 $1.442695020e+00, v42;
	v22, v15, _ =	vpop (xrf1)  }
0xb1: {  	(xrf1) =	vsort.dscd.msk.f32 $0xffff, v55, v5;
	v36 =	vadd.f32 v60, v50;
	v17 =	vadd.f32 v58, v57;
	v12 =	vmul.f32 $1.442695020e+00, v12;
	v47 =	vpop (erf)  }
0xb2: {  	v27 =	vmul.f32 $9.999999970e-07, v39;
	v19 =	vor.u32 v19, v41;
	(erf) = vpow2.f32 v53;
	v41, v53, _ =	vpop (xrf1)  }
0xb3: {  	(xrf1) =	vsort.ascd.msk.f32 $0xffff, v48, v2;
	(erf) = vpow2.f32 v42;
	v38 =	vadd.f32 v36, v38;
	v36 =	vadd.f32 v17, v7;
	v7, _, _ =	vpop (xrf2)  }
0xb4: {  	v44, v13, _ =	vpop (xrf1)  }
0xb5: {  	v23 =	vperm.xlane v23, v6;
	(xrf1) =	vsort.dscd.msk.f32 $0xffff, v50, v3;
	v39 =	vpop (erf)  }
0xb6: {  	(erf) = vpow2.f32 v12;
	(xrf1) =	vsort.dscd.msk.f32 $0xffff, v47, v5;
	v42, v12, _ =	vpop (xrf1)  }
0xb7: {  	v23 =	vadd.f32 v23, v27;
	(xrf1) =	vsort.ascd.msk.f32 $0xffff, v60, v4;
	v50, v27, _ =	vpop (xrf1)  }
0xb8: {  	v28 =	vadd.f32 v62, v61;
	v43 =	vpop (erf);
	(xrf2) =	vadd.scan.msk.f32 $0xffff, v50  }
0xb9: {  	v21 =	vadd.f32 v54, v35;
	v35 =	vadd.f32 v46, v14;
	(xrf1) =	vsort.dscd.msk.f32 $0xffff, v61, v5;
	v49 =	vpop (erf)  }
0xba: {  	(xrf1) =	vsort.ascd.msk.f32 $0xffff, v62, v2;
	v48 =	vpop (erf)  }
0xbb: {  	v37 =	vadd.f32 v35, v28;
	v22 =	vsel vm0, v22, v41;
	(erf) = vrcp.f32 v16;
	(xrf1) =	vsort.dscd.msk.f32 $0xffff, v14, v3;
	v51 =	vpop (erf)  }
0xbc: {  	v15 =	vsel vm0, v15, v53;
	v61 =	vperm.xlane v22, v0;
	(xrf1) =	vsort.ascd.msk.f32 $0xffff, v46, v4;
	v60 =	vpop (erf)  }
0xbd: {  	v28 =	vsel vm0, v44, v42;
	v12 =	vsel vm0, v13, v12;
	v41, v46, _ =	vpop (xrf1);
	(xrf1) =	vsort.dscd.msk.f32 $0xffff, v59, v5  }
0xbe: {  	v62 =	vperm.xlane v15, v0;
	vm1 =	vge.f32 v22, v61;
	v53, v54, _ =	vpop (xrf1);
	(xrf1) =	vsort.ascd.msk.f32 $0xffff, v52, v2  }
0xbf: {  	v35 =	vperm.xlane v28, v0;
	v16 =	vsel vm1, v22, v61;
	v13, v42, _ =	vpop (xrf1);
	(xrf1) =	vsort.dscd.msk.f32 $0xffff, v57, v3  }
0xc0: {  	v15 =	vsel vm1, v15, v62;
	v14 =	vpop (erf);
	v57 =	vperm.xlane v12, v0;
	(xrf1) =	vsort.ascd.msk.f32 $0xffff, v58, v4  }
0xc1: {  	v22 =	vperm.xlane v7, v1;
	vm2 =	vge.f32 v28, v35;
	v52, v55, _ =	vpop (xrf1);
	(xrf1) =	vsort.dscd.msk.f32 $0xffff, v63, v5  }
0xc2: {  	v62 =	vsel vm2, v28, v35;
	v17 =	vsel vm2, v12, v57;
	(xrf1) =	vsort.ascd.msk.f32 $0xffff, v39, v2;
	v12, _, _ =	vpop (xrf2)  }
0xc3: {  	v28 =	vadd.f32 v32, v47;
	v22 =	vmul.f32 $9.999999970e-07, v22;
	v58, v59, _ =	vpop (xrf1);
	v32 =	vperm.xlane v12, v6  }
0xc4: {  	v39 =	vadd.f32 v39, v63;
	v35 =	vpop (erf);
	(xrf1) =	vsort.dscd.msk.f32 $0xffff, v43, v3;
	v43 =	vadd.f32 v49, v43  }
0xc5: {  	v45 =	vadd.f32 v45, v28;
	v28 =	vmov s2;
	v44, v61, _ =	vpop (xrf1);
	(xrf1) =	vsort.ascd.msk.f32 $0xffff, v49, v4;
	v22 =	vadd.f32 v32, v22  }
0xc6: {  	v41 =	vsel vm0, v41, v53;
	v46 =	vsel vm0, v46, v54;
	v7 =	vshll.u32 v28, $0x3;
	v47, v57, _ =	vpop (xrf1);
	(xrf1) =	vsort.dscd.msk.f32 $0xffff, v48, v5  }
0xc7: {  	v28 =	vand.u32 $0x78, v28;
	v5 =	vadd.f32 v14, v60;
	v63, v12, _ =	vpop (xrf1);
	(xrf1) =	vsort.ascd.msk.f32 $0xffff, v51, v2;
	v2 =	vand.u32 $0x400, v7  }
0xc8: {  	v13 =	vsel vm0, v13, v52;
	v32 =	vadd.f32 v43, v39;
	v43, v49, _ =	vpop (xrf1);
	(erf) = vrcp.f32 v22  }
0xc9: {  	v42 =	vsel vm0, v42, v55;
	v48 =	vadd.f32 v51, v48;
	v44 =	vsel vm0, v44, v56;
	v22, v39, _ =	vpop (xrf1)  }
0xca: {  	v18 =	vsel vm0, v61, v18;
	v55 =	vperm.xlane v44, v0;
	v28 =	vor.u32 v2, v28;
	v2, v7, _ =	vpop (xrf1)  }
0xcb: {  	s25 =	simm.s32 $0xF;
	v47 =	vsel vm0, v58, v47;
	v57 =	vsel vm0, v59, v57;
	v48 =	vadd.f32 v5, v48;
	v51, v54, _ =	vpop (xrf1)  }
0xcc: {  	vm1 =	vge.f32 v44, v55;
	v52 =	vsel vm0, v39, v7;
	v7 =	vmov s25;
	v56, v5, _ =	vpop (xrf1)  }
0xcd: {  	v44 =	vsel vm1, v44, v55;
	v12 =	vsel vm0, v12, v49;
	(xrf1) =	vsort.dscd.msk.f32 $0xffff, v60, v3;
	v3 =	vshll.u32 v7, $0x3;
	v49, v59, _ =	vpop (xrf1)  }
0xce: {  	v22 =	vsel vm0, v22, v2;
	v54 =	vsel vm0, v54, v5;
	v5 =	vand.u32 $0x400, v3;
	v2, v61, _ =	vpop (xrf1)  }
0xcf: {  	v16 =	vsel vm0, v44, v16;
	(xrf1) =	vsort.ascd.msk.f32 $0xffff, v14, v4;
	v4 =	vand.u32 $0x7F, v7;
	v3 =	vperm.xlane v18, v0;
	v58, v60, _ =	vpop (xrf1)  }
0xd0: {  	v43 =	vsel vm0, v63, v43;
	v51 =	vsel vm0, v51, v56;
	v49 =	vsel vm0, v49, v2;
	v2, v7, _ =	vpop (xrf1)  }
0xd1: {  	v14 =	vor.u32 v5, v4;
	v59 =	vsel vm0, v59, v61;
	v18 =	vsel vm1, v18, v3;
	v5 =	vpop (erf)  }
0xd2: {  	v15 =	vsel vm0, v18, v15;
	v63 =	vperm.xlane v49, v0;
	v4, v39, _ =	vpop (xrf1);
	v53 =	vsel vm0, v58, v2  }
0xd3: {  	v56 =	vsel vm0, v60, v7;
	v50 =	vmul.f32 v50, v5;
	v5 =	vperm.xlane v41, v0;
	v2, v7, _ =	vpop (xrf1)  }
0xd4: {  	(xrf1) =	vsort.dscd.msk.f32 $0xffff, v16, v15;
	v55 =	vsel vm0, v4, v2;
	v4, v3, _ =	vpop (xrf1);
	v39 =	vsel vm0, v39, v7  }
0xd5: {  	v7 =	vperm.xlane v46, v0;
	v2 =	vperm.xlane v13, v0;
	vm1 =	vge.f32 v41, v5;
	v15, v16, _ =	vpop (xrf1)  }
0xd6: {  	v18 =	vsel vm1, v41, v5;
	v5 =	vperm.xlane v43, v0;
	v15 =	vsel vm0, v4, v15  }
0xd7: {  	v16 =	vsel vm0, v3, v16;
	v3 =	vperm.xlane v42, v0;
	v4 =	vperm.xlane v47, v0  }
0xd8: {  	vm2 =	vge.f32 v13, v2;
	v46 =	vsel vm1, v46, v7;
	v7 =	vperm.xlane v57, v0  }
0xd9: {  	v18 =	vsel vm0, v62, v18;
	v13 =	vsel vm2, v13, v2;
	v2 =	vperm.xlane v12, v0  }
0xda: {  	v17 =	vsel vm0, v17, v46;
	vm1 =	vge.f32 v47, v4;
	v42 =	vsel vm2, v42, v3  }
0xdb: {  	vm2 =	vge.f32 v43, v5;
	v3 =	vperm.xlane v22, v0;
	(xrf1) =	vsort.dscd.msk.f32 $0xffff, v18, v17  }
0xdc: {  	v41 =	vsel vm1, v47, v4;
	v44 =	vsel vm1, v57, v7;
	v4 =	vperm.xlane v51, v0  }
0xdd: {  	v43 =	vsel vm2, v43, v5;
	v5 =	vperm.xlane v52, v0;
	v12 =	vsel vm2, v12, v2  }
0xde: {  	v7 =	vperm.xlane v54, v0;
	v2 =	vperm.xlane v59, v0;
	v42 =	vsel vm0, v42, v44  }
0xdf: {  	vm1 =	vge.f32 v22, v3;
	v13 =	vsel vm0, v13, v41;
	vm2 =	vge.f32 v51, v4  }
0xe0: {  	v22 =	vsel vm1, v22, v3;
	v47 =	vsel vm1, v52, v5;
	v5 =	vperm.xlane v55, v0  }
0xe1: {  	v17, v18, _ =	vpop (xrf1);
	vm1 =	vge.f32 v49, v63;
	(xrf1) =	vsort.dscd.msk.f32 $0xffff, v13, v42;
	v61 =	vsel vm2, v54, v7  }
0xe2: {  	(xrf2) =	vadd.scan.msk.f32 $0xffff, v45;
	v7 =	vsel vm1, v49, v63;
	v45 =	vsel vm1, v59, v2;
	vm1 =	vge.f32 v55, v5;
	v13, v42, _ =	vpop (xrf1)  }
0xe3: {  	v13 =	vsel vm0, v17, v13;
	v17 =	vsel vm1, v55, v5;
	v5 =	vld [tilespmem:$0x1FFB0];
	_ =	sdelay $0x1  }
0xe4: {  	(xrf2) =	vadd.scan.msk.f32 $0xffff, v34  }
0xe5: {  	(xrf2) =	vadd.scan.msk.f32 $0xffff, v38  }
0xe6: {  	(xrf2) =	vadd.scan.msk.f32 $0xffff, v37;
	(erf) = vrcp.f32 v33  }
0xe7: {  	v20 =	vperm.xlane v20, v1;
	(erf) = vrcp.f32 v29;
	v19 =	vor.u32 v5, v19  }
0xe8: {  	(xrf2) =	vadd.scan.msk.f32 $0xffff, v36;
	v57 =	vperm.xlane v16, v0;
	v3 =	vperm.xlane v53, v0  }
0xe9: {  	(xrf2) =	vadd.scan.msk.f32 $0xffff, v32;
	v51 =	vsel vm2, v51, v4;
	v4 =	vperm.xlane v56, v0;
	v49 =	vperm.xlane v39, v0  }
0xea: {  	v22 =	vsel vm0, v43, v22;
	vm2 =	vge.f32 v53, v3;
	v54 =	vperm.xlane v13, v0  }
0xeb: {  	s26 =	simm.s32 $0x1;
	v12 =	vsel vm0, v12, v47;
	v34 =	vsel vm0, v51, v7;
	v46 =	vsel vm2, v53, v3  }
0xec: {  	v59 =	vld [tilespmem:$0x1FEE0];
	v2 =	vmov s26;
	v33 =	vsel vm2, v56, v4;
	vm2 =	vge.f32 v13, v54;
	[tilespmem:v19+s12+$0x0] =	vst.idx.msk $0xff, v40  }
0xed: {  	v62, _, _ =	vpop (xrf2);
	v61 =	vsel vm0, v61, v45;
	v7 =	vand.u32 $0x79, v2;
	v13 =	vsel vm2, v13, v54;
	v54 =	vld [tilespmem:$0x1FEF0]  }
0xee: {  	s28 =	simm.s32 $0x2;
	v63, _, _ =	vpop (xrf2);
	v53 =	vperm.xlane v15, v0;
	v56 =	vsel vm1, v39, v49;
	v18 =	vsel vm0, v18, v42  }
0xef: {  	(xrf2) =	vadd.scan.msk.f32 $0xffff, v48;
	v39 =	vmul.f32 $9.999999970e-07, v20;
	v3 =	vmov s28;
	v58 =	vperm.xlane v18, v0;
	v0, _, _ =	vpop (xrf2)  }
0xf0: {  	(xrf1) =	vsort.dscd.msk.f32 $0xffff, v22, v12;
	v20 =	vshll.u32 v2, $0x3;
	vm1 =	vge.f32 v15, v53;
	v4, _, _ =	vpop (xrf2);
	v14 =	vor.u32 v5, v14  }
0xf1: {  	v32 =	vsel vm0, v33, v56;
	(xrf1) =	vsort.dscd.msk.f32 $0xffff, v34, v61;
	v20 =	vand.u32 $0x400, v20;
	v16 =	vsel vm1, v16, v57;
	v56, v57, _ =	vpop (xrf1)  }
0xf2: {  	v45 =	vand.u32 $0x7A, v3;
	v17 =	vsel vm0, v46, v17;
	v15 =	vsel vm1, v15, v53;
	v29, _, _ =	vpop (xrf2);
	[tilespmem:v19+s13+$0x0] =	vst.idx.msk $0xff, v54  }
0xf3: {  	(xrf1) =	vsort.dscd.msk.f32 $0xffff, v17, v32;
	v18 =	vsel vm2, v18, v58;
	v46, _, _ =	vpop (xrf2);
	v13 =	vsel vm0, v15, v13;
	[tilespmem:$0x1FF00] =	vst v57  }
0xf4: {  	v17 =	vperm.xlane v46, v1;
	v15 =	vshll.u32 v3, $0x3;
	v52 =	vor.u32 v5, v28;
	[tilespmem:$0x1FF10] =	vst v56  }
0xf5: {  	v55 =	vor.u32 v20, v7;
	v16 =	vsel vm0, v16, v18;
	v49 =	vand.u32 $0x400, v15;
	v7, v20, _ =	vpop (xrf1);
	[tilespmem:v14+s12+$0x0] =	vst.idx.msk $0xff, v50  }
0xf6: {  	(xrf1) =	vsort.dscd.msk.f32 $0xffff, v13, v16;
	v13 =	vor.u32 v49, v45;
	v45 =	vmul.f32 $9.999999970e-07, v17;
	[tilespmem:$0x1FF20] =	vst v20  }
0xf7: {  	v24 =	vmul.f32 v24, v35;
	[tilespmem:v14+s13+$0x0] =	vst.idx.msk $0xff, v27  }
0xf8: {  	[tilespmem:$0x1FF30] =	vst v45  }
0xf9: {  	(xrf2) =	vadd.scan.msk.f32 $0xffff, v31;
	v58 =	vor.u32 v5, v55;
	[tilespmem:v52+s12+$0x0] =	vst.idx.msk $0xff, v24  }
0xfa: {  	v46 =	vld [tilespmem:$0x1FF40]  }
0xfb: {  	v51 =	vpop (erf)  }
0xfc: {  	v25 =	vmul.f32 v25, v51  }
0xfd: {  	v22 =	vperm.xlane v4, v1  }
0xfe: {  	v47 =	vperm.xlane v29, v1;
	v29, _, _ =	vpop (xrf2);
	[tilespmem:v58+s12+$0x0] =	vst.idx.msk $0xff, v25  }
0xff: {  	v42 =	vperm.xlane v29, v1;
	v29 =	vmul.f32 $9.999999970e-07, v22;
	v22 =	vor.u32 v5, v13;
	[tilespmem:v52+s13+$0x0] =	vst.idx.msk $0xff, v46  }
0x100: {  	v12 =	vperm.xlane v0, v1;
	v0 =	vld [tilespmem:$0x1FF50]  }
0x101: {  	v60 =	vperm.xlane v59, v1;
	v59 =	vpop (erf)  }
0x102: {  	(erf) = vrcp.f32 v23;
	v26 =	vmul.f32 v26, v59  }
0x103: {  	v48, _, _ =	vpop (xrf2)  }
0x104: {  	s29 =	simm.s32 $0x3;
	(xrf2) =	vadd.scan.msk.f32 $0xffff, v11;
	v36 =	vmul.f32 $9.999999970e-07, v60;
	v18 =	vperm.xlane v48, v6;
	[tilespmem:v22+s12+$0x0] =	vst.idx.msk $0xff, v26  }
0x105: {  	v4 =	vmov s29;
	[tilespmem:v58+s13+$0x0] =	vst.idx.msk $0xff, v0  }
0x106: {  	(erf) = vrcp.f32 v21;
	v21 =	vshll.u32 v4, $0x3;
	v53 =	vadd.f32 v18, v36;
	v0 =	vld [tilespmem:$0x1FF60]  }
0x107: {  	v16 =	vand.u32 $0x7B, v4;
	v27 =	vand.u32 $0x400, v21  }
0x108: {  	(erf) = vrcp.f32 v53;
	v24 =	vor.u32 v27, v16  }
0x109: {  	(xrf2) =	vadd.scan.msk.f32 $0xffff, v56;
	v24 =	vor.u32 v5, v24  }
0x10a: {  	s30 =	simm.s32 $0x4;
	v55 =	vmul.f32 $9.999999970e-07, v42  }
0x10b: {  	s19 =	simm.s32 $0xA00;
	v28 =	vmul.f32 $9.999999970e-07, v47;
	v47 =	vmov s30;
	v53 =	vpop (erf);
	[tilespmem:v22+s13+$0x0] =	vst.idx.msk $0xff, v0  }
0x10c: {  	v23, v61, _ =	vpop (xrf1);
	v30 =	vmul.f32 v30, v53;
	v36 =	vld [tilespmem:s19+$0x180];
	v25 =	vshll.u32 v47, $0x3;
	[tilespmem:$0x1FF70] =	vst v55  }
0x10d: {  	v44 =	vperm.xlane v62, v1;
	v49 =	vand.u32 $0x7C, v47;
	v62, v60, _ =	vpop (xrf1);
	v25 =	vand.u32 $0x400, v25;
	v37 =	vld [tilespmem:s19+$0x190];
	[tilespmem:$0x1FF80] =	vst v7  }
0x10e: {  	s31 =	simm.s32 $0x5;
	v10 =	vmov v9;
	v33 =	vperm.xlane v63, v1;
	v50, _, _ =	vpop (xrf2);
	v25 =	vor.u32 v25, v49;
	[tilespmem:v24+s12+$0x0] =	vst.idx.msk $0xff, v30  }
0x10f: {  	v34 =	vmul.f32 $9.999999970e-07, v44;
	v48 =	vmov s31;
	v57 =	vpop (erf);
	v40 =	vperm.xlane v50, v6;
	v59 =	vld [tilespmem:$0x1FFA0]  }
0x110: {  	v33 =	vmul.f32 $9.999999970e-07, v33;
	v32 =	vmul.f32 $9.999999970e-07, v12;
	v51 =	vand.u32 $0x7D, v48;
	v9, v27, _ =	vpop (xrf1)  }
0x111: {  	v39 =	vadd.f32 v40, v39;
	v35 =	vor.u32 v5, v25;
	v52 =	vshll.u32 v48, $0x3;
	v25 =	vpop (erf)  }
0x112: {  	(xrf2) =	vadd.scan.msk.f32 $0xffff, v7;
	v38 =	vmul.f32 v10, v57;
	v63, v26, _ =	vpop (xrf1);
	v54 =	vand.u32 $0x400, v52;
	v40 =	vld [tilespmem:s19+$0x1A0];
	[tilespmem:$0x1FF90] =	vst v23  }
0x113: {  	s21 =	simm.s32 $0x18;
	(xrf2) =	vadd.scan.msk.f32 $0xffff, v23;
	(erf) = vrcp.f32 v39;
	v31 =	vmul.f32 v31, v25;
	v56 =	vor.u32 v54, v51;
	v58, _, _ =	vpop (xrf2);
	v41 =	vld [tilespmem:s19+$0x1B0]  }
0x114: {  	s20 =	simm.s32 $0x0;
	s17 =	simm.s32 $0x10;
	s18 =	simm.s32 $0x8;
	(xrf2) =	vadd.scan.msk.f32 $0xffff, v62;
	v39 =	vperm.xlane v58, v6;
	v30 =	vor.u32 v5, v56;
	v42 =	vld [tilespmem:s19+$0xFFFFFE10];
	[tilespmem:v24+s13+$0x0] =	vst.idx.msk $0xff, v59;
	v25, v24, _ =	vpop (xrf1)  }
.LBB2_2:
0x115: {  	v43 =	vld [tilespmem:s19+$0xFFFFFE20]  }
0x116: {  	v13 =	vld [tilespmem:s19+$0xFFFFFE30]  }
0x117: {  	v0 =	vld [tilespmem:$0x1FEB0]  }
0x118: {  	v14 =	vmov v27;
	v27 =	vld [tilespmem:s19+$0xFFFFFE80]  }
0x119: {  	v17 =	vld [tilespmem:$0x1FEC0]  }
0x11a: {  	[tilespmem:$0x1FE20] =	vst v63;
	v20 =	vld [tilespmem:s19+$0xFFFFFEB0]  }
0x11b: {  	[tilespmem:$0x1FE70] =	vst v61;
	v59 =	vld [tilespmem:s19+$0xFFFFFF20]  }
0x11c: {  	[tilespmem:$0x1FEA0] =	vst v60;
	v60 =	vld [tilespmem:s19+$0xFFFFFF30]  }
0x11d: {  	[tilespmem:$0x1FE80] =	vst v62;
	v62 =	vld [tilespmem:s19+$0xFFFFFF90];
	v36 =	vmul.f32 $1.442695020e+00, v36;
	v37 =	vmul.f32 $1.442695020e+00, v37  }
0x11e: {  	[tilespmem:v30+s12+$0x0] =	vst.idx.msk $0xff, v31;
	v31 =	vld [tilespmem:s19+$0xFFFFFE90];
	v15 =	vmul.f32 $1.442695020e+00, v40;
	v16 =	vmul.f32 $1.442695020e+00, v41  }
0x11f: {  	(xrf2) =	vadd.scan.msk.f32 $0xffff, v9;
	v18 =	vmovc v26;
	v22 =	vld [tilespmem:s19+$0xFFFFFF00];
	[tilespmem:v35+s12+$0x0] =	vst.idx.msk $0xff, v38;
	v26 =	vmul.f32 $1.442695020e+00, v42;
	v19 =	vmul.f32 $1.442695020e+00, v43  }
0x120: {  	v61 =	vld [tilespmem:s19+$0xFFFFFF80];
	[tilespmem:v35+s13+$0x0] =	vst.idx.msk $0xff, v0;
	v21 =	vmul.f32 $1.442695020e+00, v13;
	v63 =	vmul.f32 $1.442695020e+00, v59  }
0x121: {  	[tilespmem:v30+s13+$0x0] =	vst.idx.msk $0xff, v17;
	v30 =	vld [tilespmem:s19+$0xFFFFFEA0];
	v48 =	vmul.f32 $1.442695020e+00, v60;
	(erf) = vpow2.f32 v36  }
0x122: {  	v51 =	vmul.f32 $1.442695020e+00, v62;
	v49 =	vld [tilespmem:s19+$0x0];
	v44, _, _ =	vpop (xrf2);
	(erf) = vpow2.f32 v37  }
0x123: {  	[tilespmem:$0x1FEB0] =	vst v14;
	v14 =	vimm.s32 $0x7;
	v31 =	vmul.f32 $1.442695020e+00, v31;
	v50 =	vld [tilespmem:s19+$0x10];
	(erf) = vpow2.f32 v15;
	v45, _, _ =	vpop (xrf2)  }
0x124: {  	v47 =	vld [tilespmem:s19+$0xFFFFFFB0];
	(erf) = vpow2.f32 v16;
	v45 =	vperm.xlane v45, v14  }
0x125: {  	v2 =	vld [tilespmem:$0x1FFC0];
	(erf) = vpow2.f32 v26;
	v26 =	vmul.f32 $1.442695020e+00, v27  }
0x126: {  	v27 =	vld [tilespmem:s19+$0xFFFFFF10];
	v30 =	vmul.f32 $1.442695020e+00, v30;
	(erf) = vpow2.f32 v19  }
0x127: {  	v3 =	vld [tilespmem:$0x1FFD0];
	v40 =	vpop (erf);
	v49 =	vmul.f32 $1.442695020e+00, v49;
	(erf) = vpow2.f32 v21  }
0x128: {  	v4 =	vld [tilespmem:$0x1FFE0];
	v23, _, _ =	vpop (xrf2);
	v50 =	vmul.f32 $1.442695020e+00, v50;
	(erf) = vpow2.f32 v26  }
0x129: {  	v52 =	vld [tilespmem:s19+$0x20];
	v46, _, _ =	vpop (xrf2);
	v26 =	vmul.f32 $1.442695020e+00, v20;
	(erf) = vpow2.f32 v31  }
0x12a: {  	[tilespmem:$0x1FE90] =	vst v9;
	v9 =	vlaneseq.u32;
	v54 =	vld [tilespmem:s19+$0x30];
	v31 =	vmul.f32 $1.442695020e+00, v22;
	(erf) = vpow2.f32 v30;
	v35 =	vpop (erf)  }
0x12b: {  	v34 =	vadd.f32 v39, v34;
	v58 =	vld [tilespmem:s19+$0xA0];
	v27 =	vmul.f32 $1.442695020e+00, v27;
	(erf) = vpow2.f32 v26;
	v36 =	vpop (erf);
	(xrf1) =	vsort.dscd.msk.f32 $0xffff, v35, v9  }
0x12c: {  	[tilespmem:$0x1FEC0] =	vst v18;
	v18 =	vld [tilespmem:s19+$0x120];
	v46 =	vperm.xlane v46, v14;
	(erf) = vpow2.f32 v31;
	v39 =	vpop (erf);
	(xrf1) =	vsort.ascd.msk.f32 $0xffff, v36, v2  }
0x12d: {  	v21 =	vperm.xlane v23, v14;
	v23 =	vld [tilespmem:s19+$0xB0];
	(erf) = vpow2.f32 v27;
	v41 =	vpop (erf);
	(xrf1) =	vsort.dscd.msk.f32 $0xffff, v39, v3  }
0x12e: {  	v52 =	vmul.f32 $1.442695020e+00, v52;
	v30 =	vld [tilespmem:s19+$0xFFFFFFA0];
	v37 =	vpop (erf);
	(erf) = vpow2.f32 v63;
	(xrf1) =	vsort.ascd.msk.f32 $0xffff, v41, v4  }
0x12f: {  	v13 =	vmul.f32 $1.442695020e+00, v54;
	v46 =	vadd.f32 v46, v28;
	v53 =	vpop (erf);
	(erf) = vpow2.f32 v48  }
0x130: {  	s22 =	sadd.s32 $0x6, s20;
	v16 =	vld [tilespmem:$0x1FFB0];
	v7 =	vadd.f32 v45, v32;
	v43 =	vmul.f32 $1.442695020e+00, v58;
	v20 =	vmul.f32 $1.442695020e+00, v47;
	v55 =	vpop (erf)  }
0x131: {  	v56 =	vld [tilespmem:s19+$0x90];
	v17 =	vadd.f32 v21, v29;
	[tilespmem:$0x1FE60] =	vst v46;
	v46 =	vmul.f32 $1.442695020e+00, v18;
	v26 =	vmov s22;
	v47 =	vpop (erf)  }
0x132: {  	v19 =	vld [tilespmem:s19+$0x130];
	v31 =	vand.u32 $0x7E, v26;
	v26 =	vshll.u32 v26, $0x3;
	v27 =	vmul.f32 $1.442695020e+00, v61;
	v57 =	vpop (erf)  }
0x133: {  	v60 =	vmul.f32 $1.442695020e+00, v23;
	v26 =	vand.u32 $0x400, v26;
	v6 =	vmul.f32 $1.442695020e+00, v30;
	v59 =	vpop (erf)  }
0x134: {  	v26 =	vor.u32 v26, v31;
	v30 =	vperm.xlane v44, v14;
	v61 =	vpop (erf);
	(erf) = vpow2.f32 v27  }
0x135: {  	v42 =	vor.u32 v16, v26;
	v26 =	vld [tilespmem:s19+$0x80];
	v22 =	vadd.f32 v57, v47;
	v54 =	vpop (erf);
	(erf) = vpow2.f32 v51  }
0x136: {  	[tilespmem:$0x1FE30] =	vst v7;
	v14 =	vld [tilespmem:s19+$0x100];
	v48 =	vmul.f32 $1.442695020e+00, v56;
	v63 =	vpop (erf);
	(erf) = vpow2.f32 v6  }
0x137: {  	v15 =	vld [tilespmem:s19+$0x110];
	[tilespmem:$0x1FE50] =	vst v17;
	v44 =	vmul.f32 $1.442695020e+00, v19;
	v7 =	vpop (erf);
	(erf) = vpow2.f32 v20  }
0x138: {  	v0 =	vld [tilespmem:$0x1FFF0];
	(xrf1) =	vsort.ascd.msk.f32 $0xffff, v37, v2;
	v38 =	vadd.f32 v55, v53;
	v27 =	vadd.f32 v61, v59;
	v58 =	vpop (erf);
	(erf) = vpow2.f32 v49  }
0x139: {  	(xrf1) =	vsort.dscd.msk.f32 $0xffff, v53, v3;
	v5 =	vadd.f32 v63, v54;
	v1 =	vadd.f32 v58, v7;
	(erf) = vpow2.f32 v50;
	v21, v20, _ =	vpop (xrf1)  }
0x13a: {  	v51 =	vmul.f32 $1.442695020e+00, v26;
	v29 =	vadd.f32 v27, v22;
	(xrf1) =	vsort.ascd.msk.f32 $0xffff, v55, v4;
	(erf) = vpow2.f32 v52;
	v23, v22, _ =	vpop (xrf1)  }
0x13b: {  	v45 =	vmul.f32 $1.442695020e+00, v14;
	v49 =	vld [tilespmem:s19+$0xFFFFFE00];
	(xrf1) =	vsort.dscd.msk.f32 $0xffff, v47, v9;
	v28 =	vadd.f32 v1, v5;
	(erf) = vpow2.f32 v13;
	v13, v6, _ =	vpop (xrf1)  }
0x13c: {  	v1 =	vmul.f32 $1.442695020e+00, v15;
	v14 =	vsel vm0, v21, v23;
	(xrf1) =	vsort.ascd.msk.f32 $0xffff, v57, v2;
	(erf) = vpow2.f32 v51;
	v15, v17, _ =	vpop (xrf1)  }
0x13d: {  	v31 =	vadd.f32 v30, v33;
	v52 =	vperm.xlane v14, v0;
	v32 =	vsel vm0, v13, v15;
	v50 =	vpop (erf)  }
0x13e: {  	v53 =	vsel vm0, v20, v22;
	v33 =	vsel vm0, v6, v17;
	v18 =	vperm.xlane v32, v0;
	v55 =	vpop (erf)  }
0x13f: {  	v19 =	vperm.xlane v53, v0;
	vm1 =	vge.f32 v14, v52;
	v20 =	vperm.xlane v33, v0;
	v62 =	vpop (erf)  }
0x140: {  	v49 =	vmul.f32 $1.442695020e+00, v49;
	v8 =	vsel vm1, v14, v52;
	vm2 =	vge.f32 v32, v18;
	v6 =	vpop (erf)  }
0x141: {  	v21 =	vsel vm1, v53, v19;
	v32 =	vsel vm2, v32, v18;
	v33 =	vsel vm2, v33, v20;
	v51 =	vpop (erf)  }
0x142: {  	(erf) = vpow2.f32 v49;
	v32 =	vsel vm0, v8, v32;
	v33 =	vsel vm0, v21, v33;
	v47 =	vpop (erf)  }
0x143: {  	v5 =	vld [tilespmem:$0x1FED0];
	v53 =	vpop (erf);
	(erf) = vpow2.f32 v48;
	(xrf1) =	vsort.dscd.msk.f32 $0xffff, v32, v33  }
0x144: {  	v22 =	vadd.f32 v55, v50;
	v23 =	vadd.f32 v6, v62;
	v56 =	vpop (erf);
	(erf) = vpow2.f32 v43  }
0x145: {  	v21 =	vadd.f32 v36, v35;
	v48 =	vmul.f32 v11, v40;
	v57 =	vpop (erf);
	(erf) = vpow2.f32 v60  }
0x146: {  	v32 =	vadd.f32 v23, v22;
	v22 =	vadd.f32 v41, v39;
	v60, v8, _ =	vpop (xrf1);
	(erf) = vpow2.f32 v45  }
0x147: {  	(xrf1) =	vsort.dscd.msk.f32 $0xffff, v59, v3;
	[tilespmem:v42+s12+$0x0] =	vst.idx.msk $0xff, v48;
	v52, v59, _ =	vpop (xrf1);
	(erf) = vpow2.f32 v1  }
0x148: {  	(xrf1) =	vsort.ascd.msk.f32 $0xffff, v61, v4;
	[tilespmem:v42+s13+$0x0] =	vst.idx.msk $0xff, v5;
	v61 =	vadd.f32 v22, v21;
	v1, v42, _ =	vpop (xrf1)  }
0x149: {  	(xrf1) =	vsort.dscd.msk.f32 $0xffff, v54, v9;
	v14, v15, _ =	vpop (xrf1);
	(erf) = vpow2.f32 v46  }
0x14a: {  	v13 =	vadd.f32 v47, v51;
	(xrf2) =	vadd.scan.msk.f32 $0xffff, v61;
	v18, v19, _ =	vpop (xrf1);
	(erf) = vpow2.f32 v44  }
0x14b: {  	v11 =	vadd.f32 v56, v53;
	(xrf1) =	vsort.ascd.msk.f32 $0xffff, v63, v2;
	v23 =	vpop (erf)  }
0x14c: {  	(xrf1) =	vsort.dscd.msk.f32 $0xffff, v7, v3;
	v41 =	vpop (erf)  }
0x14d: {  	v10 =	vmov v25;
	v25 =	vadd.f32 v11, v13;
	v1 =	vsel vm0, v52, v1;
	(xrf1) =	vsort.dscd.msk.f32 $0xffff, v23, v9;
	v54 =	vpop (erf)  }
0x14e: {  	v13 =	vmov v24;
	v24 =	vsel vm0, v59, v42;
	v17 =	vperm.xlane v1, v0;
	(xrf1) =	vsort.ascd.msk.f32 $0xffff, v58, v4;
	v58 =	vpop (erf)  }
0x14f: {  	v49 =	vperm.xlane v24, v0;
	v20 =	vsel vm0, v14, v18;
	v40 =	vsel vm0, v15, v19;
	v7 =	vpop (erf)  }
0x150: {  	s20 =	smov.u32 s18;
	[tilespmem:$0x1FE40] =	vst v10;
	v48 =	vperm.xlane v20, v0;
	vm1 =	vge.f32 v1, v17;
	v63 =	vadd.f32 v37, v23;
	v39 =	vpop (erf)  }
0x151: {  	v11 =	vmov s20;
	v45 =	vperm.xlane v40, v0;
	v33 =	vsel vm1, v1, v17;
	(xrf1) =	vsort.dscd.msk.f32 $0xffff, v50, v9;
	v52, v43, _ =	vpop (xrf1)  }
0x152: {  	v10 =	vshll.u32 v11, $0x3;
	v35 =	vsel vm1, v24, v49;
	v24 =	vadd.f32 v41, v57;
	(xrf1) =	vsort.ascd.msk.f32 $0xffff, v55, v2;
	v55 =	vpop (erf)  }
0x153: {  	[tilespmem:$0x1FED0] =	vst v13;
	vm2 =	vge.f32 v20, v48;
	v1 =	vadd.f32 v38, v63;
	v5 =	vadd.f32 v58, v54;
	v59 =	vpop (erf)  }
0x154: {  	v10 =	vand.u32 $0x400, v10;
	v36 =	vsel vm2, v20, v48;
	v37 =	vsel vm2, v40, v45;
	(xrf1) =	vsort.dscd.msk.f32 $0xffff, v62, v3;
	v63, _, _ =	vpop (xrf2)  }
0x155: {  	v38 =	vadd.f32 v39, v7;
	v40 =	vadd.f32 v5, v24;
	v24 =	vand.u32 $0x78, v11;
	(xrf2) =	vadd.scan.msk.f32 $0xffff, v52;
	v13, v14, _ =	vpop (xrf1)  }
0x156: {  	v5 =	vimm.s32 $0xF;
	v30 =	vor.u32 v10, v24;
	v61 =	vadd.f32 v59, v55;
	(xrf1) =	vsort.ascd.msk.f32 $0xffff, v6, v4;
	v17, v15, _ =	vpop (xrf1)  }
0x157: {  	v10 =	vperm.xlane v63, v5;
	(xrf1) =	vsort.dscd.msk.f32 $0xffff, v51, v9;
	v44 =	vsel vm0, v13, v17  }
0x158: {  	v45 =	vsel vm0, v14, v15;
	v18, v19, _ =	vpop (xrf1);
	(xrf1) =	vsort.ascd.msk.f32 $0xffff, v47, v2;
	v42 =	vadd.f32 v61, v38  }
0x159: {  	v46 =	vperm.xlane v44, v0;
	v47 =	vperm.xlane v45, v0;
	v21, v20, _ =	vpop (xrf1);
	(xrf1) =	vsort.dscd.msk.f32 $0xffff, v53, v3  }
0x15a: {  	v48 =	vsel vm0, v18, v21;
	v49 =	vsel vm0, v19, v20;
	v22, v23, _ =	vpop (xrf1);
	(xrf1) =	vsort.ascd.msk.f32 $0xffff, v56, v4  }
0x15b: {  	v12 =	vimm.s32 $0x7;
	v50 =	vperm.xlane v48, v0;
	(xrf1) =	vsort.dscd.msk.f32 $0xffff, v57, v9;
	vm1 =	vge.f32 v44, v46  }
0x15c: {  	s25 =	sadd.s32 $0x1, s20;
	(erf) = vrcp.f32 v34;
	v51 =	vperm.xlane v49, v0;
	v14, v13, _ =	vpop (xrf1);
	(xrf1) =	vsort.ascd.msk.f32 $0xffff, v41, v2;
	v44 =	vsel vm1, v44, v46  }
0x15d: {  	v34 =	vmov s25;
	v45 =	vsel vm1, v45, v47;
	v57 =	vsel vm0, v14, v60;
	v15, v17, _ =	vpop (xrf1);
	(xrf1) =	vsort.dscd.msk.f32 $0xffff, v54, v3  }
0x15e: {  	v8 =	vsel vm0, v13, v8;
	vm5 =	vge.f32 v48, v50;
	v36 =	vsel vm0, v36, v44  }
0x15f: {  	s18 =	smov.u32 s17;
	v24 =	vmovc v16;
	v37 =	vsel vm0, v37, v45;
	v54 =	vperm.xlane v57, v0;
	v53 =	vsel vm0, v22, v15  }
0x160: {  	s28 =	sadd.s32 $0x7, s18;
	v19 =	vmul.f32 $9.999999970e-07, v10;
	v56 =	vsel vm0, v23, v17;
	(xrf1) =	vsort.ascd.msk.f32 $0xffff, v58, v4;
	v58 =	vperm.xlane v8, v0;
	v21, v20, _ =	vpop (xrf1)  }
0x161: {  	v17 =	vmov s28;
	v46 =	vsel vm5, v49, v51;
	v18, _, _ =	vpop (xrf2);
	v60 =	vperm.xlane v53, v0  }
0x162: {  	(xrf1) =	vsort.dscd.msk.f32 $0xffff, v7, v9;
	v26 =	vperm.xlane v56, v0;
	v22, v9, _ =	vpop (xrf1);
	v14 =	vshll.u32 v17, $0x3;
	v6 =	vperm.xlane v18, v12  }
0x163: {  	v17 =	vand.u32 $0x7F, v17;
	(xrf1) =	vsort.ascd.msk.f32 $0xffff, v39, v2;
	v61 =	vsel vm0, v21, v22;
	v9 =	vsel vm0, v20, v9  }
0x164: {  	vm4 =	vge.f32 v57, v54;
	v62 =	vand.u32 $0x400, v14;
	(xrf1) =	vsort.dscd.msk.f32 $0xffff, v55, v3;
	v55 =	vperm.xlane v61, v0  }
0x165: {  	v38 =	vpop (erf);
	vm2 =	vge.f32 v53, v60;
	v17 =	vor.u32 v62, v17;
	v6 =	vadd.f32 v6, v19  }
0x166: {  	v54 =	vsel vm4, v57, v54;
	v8 =	vsel vm4, v8, v58;
	v2, v23, _ =	vpop (xrf1);
	v17 =	vor.u32 v16, v17  }
0x167: {  	(xrf1) =	vsort.ascd.msk.f32 $0xffff, v59, v4;
	v33 =	vsel vm0, v54, v33;
	v8 =	vsel vm0, v8, v35;
	(erf) = vrcp.f32 v6;
	v3, v11, _ =	vpop (xrf1)  }
0x168: {  	vm3 =	vge.f32 v61, v55;
	v6 =	vperm.xlane v9, v0;
	v59 =	vsel vm0, v2, v3;
	v4, v7, _ =	vpop (xrf1)  }
0x169: {  	v49 =	vsel vm3, v61, v55;
	v11 =	vsel vm0, v23, v11;
	v12 =	vperm.xlane v59, v0;
	v19, v20, _ =	vpop (xrf1)  }
0x16a: {  	v13 =	vperm.xlane v11, v0;
	v19 =	vsel vm0, v4, v19;
	v20 =	vsel vm0, v7, v20;
	v7, v21, _ =	vpop (xrf1)  }
0x16b: {  	v6 =	vsel vm3, v9, v6;
	v10 =	vperm.xlane v19, v0;
	v4, v14, _ =	vpop (xrf1);
	v63 =	vperm.xlane v20, v0  }
0x16c: {  	(xrf2) =	vadd.scan.msk.f32 $0xffff, v1;
	vm7 =	vge.f32 v59, v12;
	v1 =	vsel vm0, v7, v4;
	v14 =	vsel vm0, v21, v14  }
0x16d: {  	(xrf2) =	vadd.scan.msk.f32 $0xffff, v29;
	v2, v7, _ =	vpop (xrf1);
	v9 =	vsel vm7, v59, v12;
	v11 =	vsel vm7, v11, v13;
	v15 =	vperm.xlane v1, v0  }
0x16e: {  	v3, v18, _ =	vpop (xrf1);
	v22 =	vperm.xlane v14, v0;
	vm9 =	vge.f32 v19, v10;
	v9 =	vsel vm0, v49, v9  }
0x16f: {  	v6 =	vsel vm0, v6, v11;
	v16 =	vsel vm0, v2, v3;
	v18 =	vsel vm0, v7, v18;
	v21, v29, _ =	vpop (xrf1)  }
0x170: {  	v10 =	vsel vm9, v19, v10;
	v51 =	vsel vm9, v20, v63;
	v62 =	vperm.xlane v16, v0;
	v4 =	vpop (erf)  }
0x171: {  	(xrf2) =	vadd.scan.msk.f32 $0xffff, v28;
	v23 =	vperm.xlane v18, v0;
	vm6 =	vge.f32 v1, v15;
	v7, v3, _ =	vpop (xrf1);
	v27 =	vmul.f32 v52, v4  }
0x172: {  	v21 =	vsel vm0, v21, v7;
	v3 =	vsel vm0, v29, v3;
	v28, v29, _ =	vpop (xrf1);
	v1 =	vsel vm6, v1, v15  }
0x173: {  	(xrf2) =	vadd.scan.msk.f32 $0xffff, v32;
	v14 =	vsel vm6, v14, v22;
	vm8 =	vge.f32 v16, v62;
	v2, v7, _ =	vpop (xrf1);
	[tilespmem:v17+s12+$0x0] =	vst.idx.msk $0xff, v27  }
0x174: {  	(erf) = vrcp.f32 v31;
	v52 =	vperm.xlane v21, v0;
	v2 =	vsel vm0, v28, v2;
	[tilespmem:v17+s13+$0x0] =	vst.idx.msk $0xff, v43;
	v17, v28, _ =	vpop (xrf1)  }
0x175: {  	v4 =	vperm.xlane v3, v0;
	v7 =	vsel vm0, v29, v7;
	v29 =	vperm.xlane v2, v0;
	v32, v43, _ =	vpop (xrf1)  }
0x176: {  	v1 =	vsel vm0, v10, v1;
	v31 =	vperm.xlane v7, v0;
	v17 =	vsel vm0, v17, v32;
	v32, _, _ =	vpop (xrf2);
	(xrf2) =	vadd.scan.msk.f32 $0xffff, v25  }
0x177: {  	v11 =	vsel vm0, v51, v14;
	vm10 =	vge.f32 v21, v52;
	vm11 =	vge.f32 v2, v29;
	v47, _, _ =	vpop (xrf2);
	(xrf2) =	vadd.scan.msk.f32 $0xffff, v40  }
0x178: {  	s26 =	sadd.s32 $0x2, s20;
	v25 =	vsel vm5, v48, v50;
	v48 =	vsel vm2, v53, v60;
	v60 =	vsel vm11, v7, v31;
	v31 =	vld [tilespmem:$0x1FE20]  }
0x179: {  	v41 =	vmov s26;
	v54 =	vld [tilespmem:$0x1FF10];
	v55 =	vsel vm8, v16, v62;
	v59 =	vsel vm10, v21, v52;
	(xrf1) =	vsort.dscd.msk.f32 $0xffff, v33, v8  }
0x17a: {  	v45 =	vshll.u32 v34, $0x3;
	v3 =	vsel vm10, v3, v4;
	v28 =	vsel vm0, v28, v43;
	(xrf1) =	vsort.dscd.msk.f32 $0xffff, v36, v37  }
0x17b: {  	v2 =	vsel vm11, v2, v29;
	v50 =	vor.u32 v24, v30;
	v43 =	vperm.xlane v17, v0;
	v53, _, _ =	vpop (xrf2);
	(xrf2) =	vadd.scan.msk.f32 $0xffff, v42;
	v42 =	vld [tilespmem:$0x1FE30]  }
0x17c: {  	v57 =	vperm.xlane v28, v0;
	v0 =	vsel vm2, v56, v26;
	v56 =	vsel vm8, v18, v23  }
0x17d: {  	v25 =	vsel vm0, v25, v48;
	v40 =	vsel vm0, v55, v59;
	v0 =	vsel vm0, v46, v0;
	v63, _, _ =	vpop (xrf2);
	(xrf2) =	vadd.scan.msk.f32 $0xffff, v31  }
0x17e: {  	s29 =	sadd.s32 $0x3, s20;
	v39 =	vand.u32 $0x79, v34;
	v55 =	vmul.f32 v54, v38;
	vm1 =	vge.f32 v17, v43;
	(xrf1) =	vsort.dscd.msk.f32 $0xffff, v25, v0  }
0x17f: {  	v22 =	vmov s29;
	v59 =	vld [tilespmem:$0x1FF90];
	v3 =	vsel vm0, v56, v3;
	v58 =	vpop (erf);
	v61 =	vsel vm1, v17, v43;
	(xrf1) =	vsort.dscd.msk.f32 $0xffff, v9, v6  }
0x180: {  	v62 =	vsel vm1, v28, v57;
	v46 =	vperm.xlane v63, v5;
	v57 =	vld [tilespmem:$0x1FF80];
	(xrf1) =	vsort.dscd.msk.f32 $0xffff, v1, v11;
	(erf) = vrcp.f32 v42;
	v10, _, _ =	vpop (xrf2)  }
0x181: {  	v27 =	vand.u32 $0x7A, v41;
	v63 =	vld [tilespmem:$0x1FF00];
	v2 =	vsel vm0, v2, v61;
	v4 =	vsel vm0, v60, v62;
	(xrf1) =	vsort.dscd.msk.f32 $0xffff, v40, v3;
	v44, _, _ =	vpop (xrf2)  }
0x182: {  	v48 =	vand.u32 $0x400, v45;
	v8 =	vperm.xlane v47, v5;
	v11 =	vld [tilespmem:$0x1FE40];
	(xrf1) =	vsort.dscd.msk.f32 $0xffff, v2, v4;
	v14 =	vperm.xlane v44, v5  }
0x183: {  	v47 =	vshll.u32 v41, $0x3;
	v51 =	vor.u32 v48, v39;
	v13 =	vperm.xlane v53, v5;
	v61 =	vld [tilespmem:$0x1FF30]  }
0x184: {  	s30 =	sadd.s32 $0x4, s20;
	v56 =	vimm.s32 $0x7;
	v2 =	vor.u32 v24, v51;
	v52 =	vmul.f32 $9.999999970e-07, v14;
	v14 =	vld [tilespmem:$0x1FE50]  }
0x185: {  	v48 =	vmov s30;
	v43 =	vperm.xlane v32, v5;
	v32 =	vmul.f32 $9.999999970e-07, v13;
	v13 =	vld [tilespmem:$0x1FF20]  }
0x186: {  	v0 =	vand.u32 $0x400, v47;
	v7 =	vand.u32 $0x7C, v48;
	v33 =	vmul.f32 $9.999999970e-07, v8;
	v17 =	vld [tilespmem:$0x1FE60];
	v49, _, _ =	vpop (xrf2)  }
0x187: {  	v0 =	vor.u32 v0, v27;
	[tilespmem:v50+s12+$0x0] =	vst.idx.msk $0xff, v55;
	v8 =	vmul.f32 v57, v58;
	v53, _, _ =	vpop (xrf2);
	(xrf2) =	vadd.scan.msk.f32 $0xffff, v11  }
0x188: {  	v0 =	vor.u32 v24, v0;
	v34 =	vmul.f32 $9.999999970e-07, v43;
	[tilespmem:v50+s13+$0x0] =	vst.idx.msk $0xff, v63;
	v15, v16, _ =	vpop (xrf1);
	v6 =	vperm.xlane v53, v56  }
0x189: {  	v20 =	vld [tilespmem:$0x1FE70];
	v29 =	vmul.f32 $9.999999970e-07, v46;
	[tilespmem:v2+s12+$0x0] =	vst.idx.msk $0xff, v8;
	v9 =	vpop (erf);
	(xrf2) =	vadd.scan.msk.f32 $0xffff, v15;
	(erf) = vrcp.f32 v14  }
0x18a: {  	v46 =	vshll.u32 v22, $0x3;
	v10 =	vperm.xlane v10, v5;
	[tilespmem:v2+s13+$0x0] =	vst.idx.msk $0xff, v13;
	v6 =	vadd.f32 v6, v61  }
0x18b: {  	v4 =	vand.u32 $0x400, v46;
	[tilespmem:$0x1FF00] =	vst v16;
	v18, v19, _ =	vpop (xrf1);
	v60 =	vmul.f32 v59, v9;
	(erf) = vrcp.f32 v17  }
0x18c: {  	v51 =	vimm.s32 $0x7;
	v58 =	vmov v24;
	[tilespmem:$0x1FF10] =	vst v15;
	v21, v61, _ =	vpop (xrf1);
	(erf) = vrcp.f32 v6  }
0x18d: {  	s31 =	sadd.s32 $0x5, s20;
	v1 =	vperm.xlane v49, v5;
	v28 =	vmul.f32 $9.999999970e-07, v10;
	v49 =	vshll.u32 v48, $0x3;
	[tilespmem:v0+s12+$0x0] =	vst.idx.msk $0xff, v60;
	v45, v23, _ =	vpop (xrf1)  }
0x18e: {  	v62 =	vmov v52;
	v53 =	vld [tilespmem:$0x1FE80];
	v9 =	vmov s31;
	[tilespmem:v0+s13+$0x0] =	vst.idx.msk $0xff, v20;
	v47, v27, _ =	vpop (xrf1);
	v0 =	vand.u32 $0x7B, v22  }
0x18f: {  	v57 =	vld [tilespmem:$0x1FF70];
	[tilespmem:$0x1FF20] =	vst v19;
	v50 =	vand.u32 $0x7D, v9;
	v9 =	vshll.u32 v9, $0x3;
	v8, v26, _ =	vpop (xrf1);
	v0 =	vor.u32 v4, v0  }
0x190: {  	v1 =	vmul.f32 $9.999999970e-07, v1;
	[tilespmem:$0x1FF80] =	vst v18;
	v56 =	vld [tilespmem:$0x1FE90];
	v9 =	vand.u32 $0x400, v9;
	v25, v24, _ =	vpop (xrf1);
	v0 =	vor.u32 v58, v0  }
0x191: {  	p0 =	slt.u32 s21, $0xF8;
	s19 =	sadd.s32 $0x400, s19;
	v63 =	vld [tilespmem:$0x1FEA0];
	[tilespmem:$0x1FF30] =	vst v62;
	(xrf2) =	vadd.scan.msk.f32 $0xffff, v18;
	v54 =	vor.u32 v9, v50;
	v62 =	vmov v45;
	v10, _, _ =	vpop (xrf2)  }
.Ltmp0:
0x192: {  	v36 =	vld [tilespmem:s19+$0x180];
	[tilespmem:$0x1FF90] =	vst v21;
	v4 =	vand.u32 $0x400, v49;
	v60 =	vmov v1;
	v52 =	vperm.xlane v10, v51;
	v10 =	vpop (erf);
	(pc) =	sbr.rel @p0 .LBB2_2-.Ltmp0, $4  }
0x193: {  	v37 =	vld [tilespmem:s19+$0x190];
	(xrf2) =	vadd.scan.msk.f32 $0xffff, v21;
	v30 =	vor.u32 v58, v54;
	v4 =	vor.u32 v4, v7;
	v59, _, _ =	vpop (xrf2);
	v10 =	vmul.f32 v53, v10  }
0x194: {  	v41 =	vld [tilespmem:s19+$0x1B0];
	[tilespmem:$0x1FF70] =	vst v60;
	v9 =	vmov v47;
	v35 =	vor.u32 v58, v4;
	v2 =	vadd.f32 v52, v57;
	v55 =	vpop (erf)  }
0x195: {  	v40 =	vld [tilespmem:s19+$0x1A0];
	v60 =	vmov v23;
	v39 =	vperm.xlane v59, v51;
	v38 =	vmul.f32 v56, v55;
	v58 =	vpop (erf);
	[tilespmem:v0+s12+$0x0] =	vst.idx.msk $0xff, v10  }
0x196: {  	s17 =	smov.u32 s21;
	s21 =	sadd.s32 $0x8, s21;
	v42 =	vld [tilespmem:s19+$0xFFFFFE10];
	(xrf2) =	vadd.scan.msk.f32 $0xffff, v62;
	(erf) = vrcp.f32 v2;
	v31 =	vmul.f32 v31, v58;
	[tilespmem:v0+s13+$0x0] =	vst.idx.msk $0xff, v63;
	v63 =	vmovc v8  }
0x197: {  	v0 =	vmul.f32 $1.442695020e+00, v36  }
0x198: {  	v2 =	vld [tilespmem:s19+$0xFFFFFE20];
	v1 =	vmul.f32 $1.442695020e+00, v37  }
0x199: {  	v53 =	vld [tilespmem:s19+$0xFFFFFE30];
	(erf) = vpow2.f32 v0  }
0x19a: {  	v54 =	vld [tilespmem:s19+$0xFFFFFE80];
	v3 =	vmul.f32 $1.442695020e+00, v40;
	(erf) = vpow2.f32 v1  }
0x19b: {  	v55 =	vld [tilespmem:s19+$0xFFFFFE90];
	v4 =	vmul.f32 $1.442695020e+00, v41  }
0x19c: {  	v6 =	vld [tilespmem:s19+$0xFFFFFEA0];
	v58 =	vmul.f32 $1.442695020e+00, v42;
	(erf) = vpow2.f32 v3  }
0x19d: {  	v2 =	vmul.f32 $1.442695020e+00, v2;
	(erf) = vpow2.f32 v4  }
0x19e: {  	v0 =	vmul.f32 $1.442695020e+00, v53;
	(erf) = vpow2.f32 v58  }
0x19f: {  	v59 =	vld [tilespmem:s19+$0xFFFFFF10];
	v1 =	vmul.f32 $1.442695020e+00, v54;
	(erf) = vpow2.f32 v2  }
0x1a0: {  	v7 =	vld [tilespmem:s19+$0xFFFFFEB0];
	v5 =	vmul.f32 $1.442695020e+00, v55;
	(erf) = vpow2.f32 v0  }
0x1a1: {  	v8 =	vld [tilespmem:s19+$0xFFFFFF00];
	v41 =	vmul.f32 $1.442695020e+00, v6;
	v36 =	vpop (erf);
	(erf) = vpow2.f32 v1  }
0x1a2: {  	v49 =	vld [tilespmem:s19+$0xFFFFFF20];
	v44 =	vpop (erf);
	(erf) = vpow2.f32 v5  }
0x1a3: {  	v2 =	vpop (erf);
	(erf) = vpow2.f32 v41;
	v41 =	vld [tilespmem:$0x1FFC0]  }
0x1a4: {  	v4 =	vmul.f32 $1.442695020e+00, v59;
	v59 =	vld [tilespmem:$0x1FFD0]  }
0x1a5: {  	v58 =	vld [tilespmem:$0x1FFE0]  }
0x1a6: {  	v48 =	vlaneseq.u32;
	v52 =	vld [tilespmem:s19+$0xFFFFFF30];
	v47 =	vmul.f32 $1.442695020e+00, v7  }
0x1a7: {  	(xrf1) =	vsort.dscd.msk.f32 $0xffff, v44, v48  }
0x1a8: {  	v50 =	vmul.f32 $1.442695020e+00, v8;
	v8 =	vld [tilespmem:s19+$0xFFFFFF80];
	v0 =	vpop (erf);
	(erf) = vpow2.f32 v47;
	(xrf1) =	vsort.ascd.msk.f32 $0xffff, v2, v41  }
0x1a9: {  	v53 =	vld [tilespmem:s19+$0xFFFFFF90];
	v1 =	vpop (erf);
	(xrf1) =	vsort.dscd.msk.f32 $0xffff, v0, v59  }
0x1aa: {  	v45 =	vld [tilespmem:s19+$0xFFFFFFA0];
	v3 =	vmul.f32 $1.442695020e+00, v49;
	[tilespmem:$0x1FE90] =	vst v9;
	(erf) = vpow2.f32 v50;
	(xrf1) =	vsort.ascd.msk.f32 $0xffff, v1, v58  }
0x1ab: {  	(xrf2) =	vadd.scan.msk.f32 $0xffff, v9;
	v7 =	vmul.f32 $1.442695020e+00, v52;
	v9 =	vld [tilespmem:s19+$0xFFFFFFB0];
	(erf) = vpow2.f32 v4;
	v37 =	vpop (erf)  }
0x1ac: {  	v56 =	vmov v11;
	v11 =	vld [tilespmem:s19+$0x0];
	v10 =	vpop (erf)  }
0x1ad: {  	v14 =	vld [tilespmem:s19+$0x20];
	v8 =	vmul.f32 $1.442695020e+00, v8;
	(erf) = vpow2.f32 v3;
	v12 =	vpop (erf)  }
0x1ae: {  	v15 =	vld [tilespmem:s19+$0x30];
	v6 =	vmul.f32 $1.442695020e+00, v53;
	v3 =	vpop (erf);
	(erf) = vpow2.f32 v7  }
0x1af: {  	v13 =	vld [tilespmem:s19+$0x10];
	v4 =	vmul.f32 $1.442695020e+00, v45;
	v7 =	vpop (erf);
	(erf) = vpow2.f32 v8  }
0x1b0: {  	v8 =	vmul.f32 $1.442695020e+00, v9;
	v16 =	vpop (erf);
	(erf) = vpow2.f32 v6  }
0x1b1: {  	v17 =	vpop (erf);
	(erf) = vpow2.f32 v4  }
0x1b2: {  	v46 =	vmul.f32 $1.442695020e+00, v11;
	v9 =	vld [tilespmem:s19+$0x80];
	(erf) = vpow2.f32 v8  }
0x1b3: {  	v18 =	vpop (erf);
	v8 =	vmul.f32 $1.442695020e+00, v14;
	v14 =	vmul.f32 $1.442695020e+00, v15  }
0x1b4: {  	v47 =	vmul.f32 $1.442695020e+00, v13;
	v13 =	vpop (erf)  }
0x1b5: {  	v5 =	vld [tilespmem:$0x1FFF0];
	(erf) = vpow2.f32 v46;
	v48, v11, _ =	vpop (xrf1)  }
0x1b6: {  	(erf) = vpow2.f32 v47;
	v49, v15, _ =	vpop (xrf1)  }
0x1b7: {  	v9 =	vmul.f32 $1.442695020e+00, v9;
	(erf) = vpow2.f32 v8;
	v8, v19, _ =	vpop (xrf1)  }
0x1b8: {  	(erf) = vpow2.f32 v14;
	v50, v14, _ =	vpop (xrf1)  }
0x1b9: {  	(xrf1) =	vsort.ascd.msk.f32 $0xffff, v37, v41;
	v20 =	vpop (erf);
	(erf) = vpow2.f32 v9;
	v4 =	vsel vm0, v48, v49;
	v6 =	vsel vm0, v8, v50  }
0x1ba: {  	v21 =	vld [tilespmem:s19+$0xFFFFFE00];
	v11 =	vsel vm0, v11, v15;
	v14 =	vsel vm0, v19, v14;
	v15 =	vperm.xlane v6, v5  }
0x1bb: {  	(xrf1) =	vsort.dscd.msk.f32 $0xffff, v10, v59;
	v22 =	vpop (erf);
	v9 =	vperm.xlane v4, v5;
	v8 =	vld [tilespmem:s19+$0x90];
	v46 =	vperm.xlane v14, v5  }
0x1bc: {  	(xrf1) =	vsort.ascd.msk.f32 $0xffff, v12, v58;
	v23 =	vpop (erf);
	v19 =	vld [tilespmem:s19+$0xA0];
	vm2 =	vge.f32 v6, v15  }
0x1bd: {  	v47 =	vld [tilespmem:s19+$0xB0];
	v48 =	vpop (erf);
	v45 =	vperm.xlane v11, v5;
	vm1 =	vge.f32 v4, v9;
	v14 =	vsel vm2, v14, v46  }
0x1be: {  	v51 =	vlaneseq.u32;
	v49 =	vpop (erf);
	v4 =	vsel vm1, v4, v9;
	v9 =	vld [tilespmem:s19+$0x100]  }
0x1bf: {  	v21 =	vmul.f32 $1.442695020e+00, v21;
	v50 =	vpop (erf);
	v11 =	vsel vm1, v11, v45;
	v6 =	vsel vm2, v6, v15;
	v15 =	vld [tilespmem:s19+$0x110]  }
0x1c0: {  	v2 =	vadd.f32 v2, v44;
	(xrf1) =	vsort.dscd.msk.f32 $0xffff, v3, v51;
	v52 =	vsel vm0, v11, v14;
	v8 =	vmul.f32 $1.442695020e+00, v8;
	v11 =	vld [tilespmem:s19+$0x120];
	v14 =	vpop (erf)  }
0x1c1: {  	v0 =	vadd.f32 v1, v0;
	(erf) = vpow2.f32 v21;
	v53 =	vmul.f32 $1.442695020e+00, v19;
	v19 =	vpop (erf)  }
0x1c2: {  	v54 =	vld [tilespmem:s19+$0x130];
	(xrf1) =	vsort.ascd.msk.f32 $0xffff, v7, v41;
	v21 =	vmul.f32 $1.442695020e+00, v47;
	v4 =	vsel vm0, v4, v6;
	(erf) = vpow2.f32 v8;
	v47 =	vpop (erf)  }
0x1c3: {  	(xrf1) =	vsort.dscd.msk.f32 $0xffff, v4, v52;
	v8 =	vmul.f32 $1.442695020e+00, v9;
	(erf) = vpow2.f32 v53;
	v9 =	vpop (erf)  }
0x1c4: {  	v0 =	vadd.f32 v0, v2;
	v55 =	vmul.f32 $1.442695020e+00, v15;
	v15 =	vpop (erf);
	(erf) = vpow2.f32 v21  }
0x1c5: {  	v11 =	vmul.f32 $1.442695020e+00, v11;
	(erf) = vpow2.f32 v8  }
0x1c6: {  	s31 =	sadd.s32 $0x6, s20;
	[tilespmem:v35+s12+$0x0] =	vst.idx.msk $0xff, v38;
	(xrf2) =	vadd.scan.msk.f32 $0xffff, v0;
	(erf) = vpow2.f32 v55  }
0x1c7: {  	v46, v45, _ =	vpop (xrf1);
	v6 =	vmul.f32 $1.442695020e+00, v54;
	(xrf1) =	vsort.dscd.msk.f32 $0xffff, v16, v59;
	(erf) = vpow2.f32 v11;
	v11 =	vmov s31  }
0x1c8: {  	v40, _, _ =	vpop (xrf2);
	(xrf1) =	vsort.ascd.msk.f32 $0xffff, v17, v58;
	v38 =	vshll.u32 v11, $0x3;
	v1 =	vand.u32 $0x7E, v11;
	v11 =	vld [tilespmem:$0x1FEB0]  }
0x1c9: {  	(xrf1) =	vsort.dscd.msk.f32 $0xffff, v18, v51;
	v4, v8, _ =	vpop (xrf1);
	(erf) = vpow2.f32 v6;
	v6 =	vand.u32 $0x400, v38  }
0x1ca: {  	v10 =	vadd.f32 v12, v10;
	v3 =	vadd.f32 v7, v3;
	(xrf1) =	vsort.ascd.msk.f32 $0xffff, v13, v41;
	v21, v51, _ =	vpop (xrf1)  }
0x1cb: {  	v57, _, _ =	vpop (xrf2);
	(xrf1) =	vsort.dscd.msk.f32 $0xffff, v20, v59;
	v4 =	vsel vm0, v4, v21;
	v8 =	vsel vm0, v8, v51  }
0x1cc: {  	v38 =	vadd.f32 v39, v34;
	v39 =	vlaneseq.u32;
	v1 =	vor.u32 v6, v1;
	v6 =	vpop (erf)  }
0x1cd: {  	v43, _, _ =	vpop (xrf2);
	[tilespmem:v35+s13+$0x0] =	vst.idx.msk $0xff, v11;
	v35 =	vimm.s32 $0x7;
	(xrf1) =	vsort.dscd.msk.f32 $0xffff, v6, v39;
	v6 =	vadd.f32 v37, v6  }
0x1ce: {  	v44, v52, _ =	vpop (xrf1);
	v34 =	vperm.xlane v40, v35;
	(xrf1) =	vsort.ascd.msk.f32 $0xffff, v22, v58;
	v43 =	vperm.xlane v43, v35  }
0x1cf: {  	v42, _, _ =	vpop (xrf2);
	v11 =	vperm.xlane v57, v35;
	v57 =	vimm.s32 $0x7;
	v40 =	vadd.f32 v17, v16;
	(xrf1) =	vsort.dscd.msk.f32 $0xffff, v23, v39  }
0x1d0: {  	v53, v54, _ =	vpop (xrf1);
	v17 =	vperm.xlane v42, v57;
	v42 =	vadd.f32 v13, v18;
	v2 =	vadd.f32 v43, v29  }
0x1d1: {  	v34 =	vadd.f32 v34, v33;
	v33 =	vadd.f32 v11, v32;
	v16, v32, _ =	vpop (xrf1);
	(xrf1) =	vsort.ascd.msk.f32 $0xffff, v48, v41  }
0x1d2: {  	v21 =	vsel vm0, v44, v53;
	v18 =	vadd.f32 v48, v23;
	(xrf2) =	vadd.scan.msk.f32 $0xffff, v16;
	v11 =	vadd.f32 v17, v28  }
0x1d3: {  	v53, _, _ =	vpop (xrf2);
	v23 =	vadd.f32 v19, v14;
	v6 =	vadd.f32 v10, v6;
	(xrf1) =	vsort.dscd.msk.f32 $0xffff, v49, v59  }
0x1d4: {  	v55 =	vpop (erf);
	v43 =	vadd.f32 v22, v20;
	(xrf1) =	vsort.ascd.msk.f32 $0xffff, v50, v58;
	[tilespmem:$0x1FD90] =	vst v11;
	v11 =	vlaneseq.u32  }
0x1d5: {  	v35 =	vadd.f32 v40, v3;
	v20 =	vadd.f32 v50, v49;
	[tilespmem:$0x1FD80] =	vst v2;
	(xrf1) =	vsort.dscd.msk.f32 $0xffff, v14, v11;
	v0, v2, _ =	vpop (xrf1)  }
0x1d6: {  	v29 =	vadd.f32 v9, v47;
	v40 =	vadd.f32 v43, v42;
	(xrf1) =	vsort.ascd.msk.f32 $0xffff, v19, v41;
	v14, v17, _ =	vpop (xrf1)  }
0x1d7: {  	v39 =	vadd.f32 v20, v18;
	v20 =	vperm.xlane v4, v5;
	(xrf1) =	vsort.dscd.msk.f32 $0xffff, v47, v59;
	v18, v19, _ =	vpop (xrf1)  }
0x1d8: {  	v28 =	vadd.f32 v29, v23;
	v29 =	vperm.xlane v8, v5;
	(xrf1) =	vsort.ascd.msk.f32 $0xffff, v9, v58;
	v23, v47, _ =	vpop (xrf1)  }
0x1d9: {  	(erf) = vrcp.f32 v38;
	v43 =	vperm.xlane v21, v5;
	vm1 =	vge.f32 v4, v20;
	v49, v50, _ =	vpop (xrf1);
	(xrf1) =	vsort.dscd.msk.f32 $0xffff, v15, v11  }
0x1da: {  	v38 =	vmov v58;
	v12 =	vpop (erf);
	v42 =	vsel vm1, v8, v29;
	v9 =	vsel vm0, v52, v54;
	(xrf1) =	vsort.ascd.msk.f32 $0xffff, v55, v41  }
0x1db: {  	v7 =	vpop (erf);
	v52 =	vlaneseq.u32;
	v0 =	vsel vm0, v0, v14;
	v2 =	vsel vm0, v2, v17;
	(xrf1) =	vsort.dscd.msk.f32 $0xffff, v12, v59  }
0x1dc: {  	v13 =	vpop (erf);
	v54 =	vimm.s32 $0xF;
	v8 =	vperm.xlane v9, v5;
	v11 =	vsel vm1, v4, v20;
	(xrf1) =	vsort.ascd.msk.f32 $0xffff, v7, v58;
	v58 =	vld [tilespmem:$0x1FFB0]  }
0x1dd: {  	v3 =	vpop (erf);
	v4 =	vperm.xlane v53, v54;
	vm1 =	vge.f32 v21, v43;
	v15 =	vadd.f32 v55, v15  }
0x1de: {  	v17 =	vsel vm0, v18, v23;
	v18 =	vsel vm0, v19, v47;
	v43 =	vsel vm1, v21, v43;
	v20, _, _ =	vpop (xrf2)  }
0x1df: {  	v22 =	vpop (erf);
	v44 =	vsel vm1, v9, v8;
	v20 =	vperm.xlane v20, v57;
	[tilespmem:v30+s12+$0x0] =	vst.idx.msk $0xff, v31  }
0x1e0: {  	v9 =	vmul.f32 v56, v36;
	v4 =	vmul.f32 $9.999999970e-07, v4;
	v21, v51, _ =	vpop (xrf1);
	v7 =	vadd.f32 v7, v12;
	v56 =	vld [tilespmem:$0x1FEC0]  }
0x1e1: {  	v48 =	vpop (erf);
	v21 =	vsel vm0, v21, v46;
	(xrf1) =	vsort.dscd.msk.f32 $0xffff, v13, v52;
	v1 =	vor.u32 v58, v1  }
0x1e2: {  	v23 =	vsel vm0, v51, v45;
	v8, v52, _ =	vpop (xrf1);
	v4 =	vadd.f32 v20, v4;
	(xrf1) =	vsort.ascd.msk.f32 $0xffff, v3, v41  }
0x1e3: {  	v3 =	vadd.f32 v3, v13;
	v8 =	vsel vm0, v49, v8;
	v49 =	vperm.xlane v0, v5;
	v20, v37, _ =	vpop (xrf1)  }
0x1e4: {  	v7 =	vadd.f32 v7, v15;
	(erf) = vrcp.f32 v4;
	v4 =	vmov s18;
	v12, v36, _ =	vpop (xrf1)  }
0x1e5: {  	v47 =	vsel vm0, v50, v52;
	vm2 =	vge.f32 v0, v49;
	v13 =	vshll.u32 v4, $0x3;
	v10, v31, _ =	vpop (xrf1);
	[tilespmem:v30+s13+$0x0] =	vst.idx.msk $0xff, v56  }
0x1e6: {  	v4 =	vand.u32 $0x78, v4;
	v15, v30, _ =	vpop (xrf1);
	[tilespmem:v1+s12+$0x0] =	vst.idx.msk $0xff, v9;
	v9 =	vand.u32 $0x400, v13;
	v13 =	vadd.f32 v48, v22  }
0x1e7: {  	v29 =	vpop (erf);
	v12 =	vsel vm0, v20, v12;
	v10 =	vsel vm0, v10, v15;
	v15 =	vperm.xlane v2, v5  }
0x1e8: {  	v0 =	vsel vm2, v0, v49;
	v20 =	vsel vm0, v37, v36;
	v49 =	vperm.xlane v12, v5;
	v53, v54, _ =	vpop (xrf1);
	v56 =	vld [tilespmem:$0x1FED0]  }
0x1e9: {  	v0 =	vsel vm0, v43, v0;
	v2 =	vsel vm2, v2, v15;
	v9 =	vor.u32 v9, v4;
	v4, v14, _ =	vpop (xrf1)  }
0x1ea: {  	v15 =	vperm.xlane v20, v5;
	vm2 =	vge.f32 v12, v49;
	v3 =	vadd.f32 v13, v3;
	v13, v19, _ =	vpop (xrf1)  }
0x1eb: {  	v12 =	vsel vm2, v12, v49;
	v2 =	vsel vm0, v44, v2;
	v4 =	vsel vm0, v53, v4;
	v45, v46, _ =	vpop (xrf1)  }
0x1ec: {  	s20 =	sadd.s32 $0x7, s17;
	v14 =	vsel vm0, v54, v14;
	v15 =	vsel vm2, v20, v15;
	v9 =	vor.u32 v58, v9;
	v36, v37, _ =	vpop (xrf1)  }
0x1ed: {  	[tilespmem:v1+s13+$0x0] =	vst.idx.msk $0xff, v56;
	v1 =	vsel vm0, v31, v30;
	v30 =	vmov s20;
	v56 =	vpop (erf);
	v13 =	vsel vm0, v13, v45  }
0x1ee: {  	(xrf1) =	vsort.dscd.msk.f32 $0xffff, v22, v59;
	v19 =	vsel vm0, v19, v46;
	v50, v51, _ =	vpop (xrf1);
	v22 =	vshll.u32 v30, $0x3;
	v30 =	vand.u32 $0x7F, v30  }
0x1ef: {  	(xrf1) =	vsort.ascd.msk.f32 $0xffff, v48, v38;
	v16 =	vmul.f32 v16, v56;
	v49 =	vperm.xlane v13, v5;
	v31, v52, _ =	vpop (xrf1);
	v22 =	vand.u32 $0x400, v22  }
0x1f0: {  	v20 =	vperm.xlane v19, v5;
	v54, v55, _ =	vpop (xrf1);
	v22 =	vor.u32 v22, v30;
	v30 =	vsel vm0, v36, v50  }
0x1f1: {  	v36 =	vsel vm0, v37, v51;
	v50 =	vperm.xlane v21, v5;
	v31 =	vsel vm0, v31, v54  }
0x1f2: {  	(xrf2) =	vadd.scan.msk.f32 $0xffff, v6;
	v37, v48, _ =	vpop (xrf1);
	v46 =	vsel vm0, v52, v55;
	v52 =	vperm.xlane v17, v5;
	v55 =	vperm.xlane v23, v5  }
0x1f3: {  	(xrf2) =	vadd.scan.msk.f32 $0xffff, v35;
	v22 =	vor.u32 v58, v22;
	v53 =	vperm.xlane v30, v5;
	v6 =	vperm.xlane v36, v5;
	v56, v51, _ =	vpop (xrf1)  }
0x1f4: {  	(xrf2) =	vadd.scan.msk.f32 $0xffff, v40;
	vm1 =	vge.f32 v21, v50;
	v40 =	vperm.xlane v46, v5;
	v37 =	vsel vm0, v37, v56  }
0x1f5: {  	(xrf2) =	vadd.scan.msk.f32 $0xffff, v39;
	v48 =	vsel vm0, v48, v51;
	v51 =	vperm.xlane v18, v5;
	v21 =	vsel vm1, v21, v50  }
0x1f6: {  	(xrf2) =	vadd.scan.msk.f32 $0xffff, v28;
	v50 =	vperm.xlane v8, v5;
	v23 =	vsel vm1, v23, v55;
	vm1 =	vge.f32 v17, v52  }
0x1f7: {  	(xrf2) =	vadd.scan.msk.f32 $0xffff, v7;
	v56 =	vperm.xlane v47, v5;
	vm4 =	vge.f32 v30, v53;
	v17 =	vsel vm1, v17, v52  }
0x1f8: {  	(xrf2) =	vadd.scan.msk.f32 $0xffff, v3;
	v52 =	vperm.xlane v10, v5;
	v54 =	vperm.xlane v37, v5;
	v3 =	vsel vm4, v36, v6  }
0x1f9: {  	v36 =	vsel vm0, v21, v11;
	v21 =	vsel vm0, v23, v42;
	vm3 =	vge.f32 v8, v50  }
0x1fa: {  	v18 =	vsel vm1, v18, v51;
	v51 =	vperm.xlane v1, v5;
	(xrf1) =	vsort.dscd.msk.f32 $0xffff, v36, v21  }
0x1fb: {  	v8 =	vsel vm3, v8, v50;
	v50 =	vperm.xlane v4, v5;
	v45 =	vsel vm3, v47, v56  }
0x1fc: {  	v56 =	vperm.xlane v14, v5;
	vm1 =	vge.f32 v10, v52;
	[tilespmem:v22+s12+$0x0] =	vst.idx.msk $0xff, v16  }
0x1fd: {  	vm3 =	vge.f32 v13, v49;
	v16 =	vperm.xlane v31, v5;
	vm5 =	vge.f32 v37, v54  }
0x1fe: {  	(xrf1) =	vsort.dscd.msk.f32 $0xffff, v0, v2;
	v10 =	vsel vm1, v10, v52;
	v1 =	vsel vm1, v1, v51  }
0x1ff: {  	v13 =	vsel vm3, v13, v49;
	v19 =	vsel vm3, v19, v20;
	v20 =	vsel vm4, v30, v53  }
0x200: {  	(erf) = vrcp.f32 v34;
	v55, v35, _ =	vpop (xrf1);
	[tilespmem:v22+s13+$0x0] =	vst.idx.msk $0xff, v32;
	vm2 =	vge.f32 v4, v50;
	v10 =	vsel vm0, v12, v10  }
0x201: {  	v4 =	vsel vm2, v4, v50;
	v14 =	vsel vm2, v14, v56;
	vm2 =	vge.f32 v31, v16;
	v52, v56, _ =	vpop (xrf1)  }
0x202: {  	v32 =	vld [tilespmem:$0x1FF10];
	v34 =	vsel vm0, v55, v52;
	v52 =	vsel vm0, v17, v8;
	v8 =	vsel vm0, v18, v45  }
0x203: {  	v1 =	vsel vm0, v15, v1;
	v16 =	vsel vm2, v31, v16;
	(xrf1) =	vsort.dscd.msk.f32 $0xffff, v52, v8  }
0x204: {  	s21 =	sadd.s32 $0x1, s18;
	v4 =	vsel vm0, v4, v13;
	(xrf1) =	vsort.dscd.msk.f32 $0xffff, v10, v1;
	v10 =	vsel vm0, v14, v19  }
0x205: {  	v23 =	vmov s21;
	v21 =	vsel vm2, v46, v40;
	(xrf1) =	vsort.dscd.msk.f32 $0xffff, v4, v10;
	v10 =	vsel vm0, v20, v16;
	v16 =	vld [tilespmem:$0x1FF80]  }
0x206: {  	v12 =	vshll.u32 v23, $0x3;
	v3 =	vsel vm0, v3, v21;
	v55 =	vperm.xlane v48, v5  }
0x207: {  	v49 =	vand.u32 $0x79, v23;
	v12 =	vand.u32 $0x400, v12;
	(xrf1) =	vsort.dscd.msk.f32 $0xffff, v10, v3;
	v3 =	vmul.f32 v32, v29  }
0x208: {  	v8 =	vsel vm5, v48, v55;
	v55 =	vor.u32 v12, v49  }
0x209: {  	v13 =	vpop (erf);
	v4 =	vor.u32 v58, v55;
	[tilespmem:v9+s12+$0x0] =	vst.idx.msk $0xff, v3  }
0x20a: {  	v35 =	vsel vm0, v35, v56;
	v56 =	vperm.xlane v34, v5;
	v13 =	vmul.f32 v16, v13;
	v16 =	vld [tilespmem:$0x1FF00]  }
0x20b: {  	v7 =	vperm.xlane v35, v5  }
0x20c: {  	vm1 =	vge.f32 v34, v56  }
0x20d: {  	v15 =	vimm.s32 $0xF;
	v17, _, _ =	vpop (xrf2);
	v7 =	vsel vm1, v35, v7  }
0x20e: {  	v7 =	vsel vm0, v8, v7;
	v8 =	vperm.xlane v17, v15;
	[tilespmem:v4+s12+$0x0] =	vst.idx.msk $0xff, v13  }
0x20f: {  	[tilespmem:v9+s13+$0x0] =	vst.idx.msk $0xff, v16  }
0x210: {  	v13 =	vmul.f32 $9.999999970e-07, v8;
	v8 =	vld [tilespmem:$0x1FF20];
	_ =	sdelay $0x4  }
0x211: {  	[tilespmem:v4+s13+$0x0] =	vst.idx.msk $0xff, v8  }
0x212: {  	v8 =	vld [tilespmem:$0x1FD80];
	_ =	sdelay $0x1  }
0x213: {  	(erf) = vrcp.f32 v33;
	(xrf2) =	vadd.scan.msk.f32 $0xffff, v63  }
0x214: {  	v53, _, _ =	vpop (xrf2);
	(xrf2) =	vadd.scan.msk.f32 $0xffff, v25;
	_ =	sdelay $0x1  }
0x215: {  	(erf) = vrcp.f32 v8;
	v8 =	vld [tilespmem:$0x1FD90]  }
0x216: {  	v51 =	vsel vm5, v37, v54;
	v54, _, _ =	vpop (xrf2)  }
0x217: {  	v14 =	vsel vm1, v34, v56;
	v56, _, _ =	vpop (xrf2)  }
0x218: {  	v12, _, _ =	vpop (xrf2)  }
0x219: {  	v10, _, _ =	vpop (xrf2);
	v9 =	vperm.xlane v12, v15  }
0x21a: {  	v39 =	vimm.s32 $0xF;
	v0 =	vsel vm0, v51, v14;
	v14, _, _ =	vpop (xrf2);
	(erf) = vrcp.f32 v8  }
0x21b: {  	v35 =	vpop (erf);
	v8 =	vperm.xlane v14, v39;
	v14 =	vmul.f32 $9.999999970e-07, v9;
	v9 =	vld [tilespmem:$0x1FF30]  }
0x21c: {  	v2 =	vperm.xlane v53, v15;
	v34, _, _ =	vpop (xrf2)  }
0x21d: {  	s23 =	sadd.s32 $0x3, s18;
	v1 =	vperm.xlane v54, v15;
	v33 =	vperm.xlane v56, v15;
	v45, _, _ =	vpop (xrf2);
	v11 =	vld [tilespmem:$0x1FF90]  }
0x21e: {  	v44 =	vmov s23;
	(xrf1) =	vsort.dscd.msk.f32 $0xffff, v0, v7;
	v6 =	vperm.xlane v34, v57;
	v12 =	vperm.xlane v10, v15;
	v15, v20, _ =	vpop (xrf1)  }
0x21f: {  	v17 =	vshll.u32 v44, $0x3;
	(xrf2) =	vadd.scan.msk.f32 $0xffff, v15;
	v16, v10, _ =	vpop (xrf1)  }
0x220: {  	(xrf2) =	vadd.scan.msk.f32 $0xffff, v16;
	v6 =	vadd.f32 v6, v9;
	v19, v9, _ =	vpop (xrf1)  }
0x221: {  	v23 =	vmul.f32 $9.999999970e-07, v8;
	v21, v8, _ =	vpop (xrf1);
	(xrf2) =	vadd.scan.msk.f32 $0xffff, v19  }
0x222: {  	v0 =	vmul.f32 v11, v35;
	v18, v11, _ =	vpop (xrf1);
	(xrf2) =	vadd.scan.msk.f32 $0xffff, v21  }
0x223: {  	s22 =	sadd.s32 $0x2, s18;
	v28 =	vand.u32 $0x400, v17;
	(erf) = vrcp.f32 v6;
	(xrf2) =	vadd.scan.msk.f32 $0xffff, v18;
	v22, v17, _ =	vpop (xrf1)  }
0x224: {  	v42 =	vmov s22;
	v30 =	vld [tilespmem:$0x1FF70]  }
0x225: {  	s30 =	sadd.s32 $0x3, s17;
	v7 =	vshll.u32 v42, $0x3  }
0x226: {  	s26 =	sadd.s32 $0x6, s18;
	v43 =	vand.u32 $0x7A, v42;
	v37 =	vmov s30;
	v7 =	vand.u32 $0x400, v7  }
0x227: {  	s24 =	sadd.s32 $0x4, s18;
	v50 =	vmov s26;
	v4 =	vor.u32 v7, v43;
	v7 =	vperm.xlane v45, v57  }
0x228: {  	s25 =	sadd.s32 $0x5, s18;
	v52 =	vand.u32 $0x7E, v50;
	v2 =	vmul.f32 $9.999999970e-07, v2;
	v29 =	vmov s24  }
0x229: {  	v1 =	vmul.f32 $9.999999970e-07, v1;
	v7 =	vadd.f32 v7, v30;
	v30 =	vmov s25  }
0x22a: {  	v42 =	vshll.u32 v37, $0x3;
	v46 =	vand.u32 $0x7D, v30;
	v30 =	vshll.u32 v30, $0x3  }
0x22b: {  	v3 =	vmul.f32 $9.999999970e-07, v33;
	v12 =	vmul.f32 $9.999999970e-07, v12;
	v30 =	vand.u32 $0x400, v30  }
0x22c: {  	v6 =	vand.u32 $0x7B, v44;
	v31 =	vpop (erf);
	(erf) = vrcp.f32 v7;
	v7 =	vor.u32 v30, v46;
	v30 =	vld [tilespmem:$0x1FE90]  }
0x22d: {  	v6 =	vor.u32 v28, v6;
	v28 =	vshll.u32 v29, $0x3;
	v29 =	vand.u32 $0x7C, v29;
	v47, _, _ =	vpop (xrf2)  }
0x22e: {  	v4 =	vor.u32 v58, v4;
	v28 =	vand.u32 $0x400, v28;
	v34, v35, _ =	vpop (xrf1);
	(xrf2) =	vadd.scan.msk.f32 $0xffff, v22;
	v32 =	vperm.xlane v47, v57  }
0x22f: {  	s28 =	sadd.s32 $0x1, s17;
	v6 =	vor.u32 v58, v6;
	v28 =	vor.u32 v28, v29;
	v31 =	vmul.f32 v62, v31;
	v48, _, _ =	vpop (xrf2)  }
0x230: {  	v62 =	vmov s28;
	v29 =	vpop (erf);
	v13 =	vadd.f32 v32, v13;
	v32 =	vshll.u32 v50, $0x3  }
0x231: {  	v32 =	vand.u32 $0x400, v32;
	v51, _, _ =	vpop (xrf2);
	(xrf2) =	vadd.scan.msk.f32 $0xffff, v34;
	v29 =	vmul.f32 v30, v29;
	v30 =	vperm.xlane v48, v57  }
0x232: {  	v28 =	vor.u32 v58, v28;
	v32 =	vor.u32 v32, v52;
	v49 =	vpop (erf);
	v36 =	vperm.xlane v51, v57  }
0x233: {  	v32 =	vor.u32 v58, v32;
	(erf) = vrcp.f32 v13;
	v53 =	vmul.f32 v63, v49;
	[tilespmem:v4+s12+$0x0] =	vst.idx.msk $0xff, v0  }
0x234: {  	v63 =	vand.u32 $0x79, v62;
	v0 =	vand.u32 $0x7B, v37;
	[tilespmem:v4+s13+$0x0] =	vst.idx.msk $0xff, v61;
	v4 =	vshll.u32 v62, $0x3  }
0x235: {  	v7 =	vor.u32 v58, v7;
	v4 =	vand.u32 $0x400, v4;
	v2 =	vadd.f32 v30, v2;
	v30, _, _ =	vpop (xrf2)  }
0x236: {  	v1 =	vadd.f32 v36, v1;
	v4 =	vor.u32 v4, v63;
	v13, _, _ =	vpop (xrf2);
	v30 =	vperm.xlane v30, v57  }
0x237: {  	v4 =	vor.u32 v58, v4;
	(erf) = vrcp.f32 v2;
	v13 =	vperm.xlane v13, v57  }
0x238: {  	[tilespmem:v28+s12+$0x0] =	vst.idx.msk $0xff, v29;
	(erf) = vrcp.f32 v1;
	v29, _, _ =	vpop (xrf2);
	v3 =	vadd.f32 v30, v3;
	v30 =	vmov s17  }
0x239: {  	v54 =	vpop (erf);
	v33 =	vperm.xlane v29, v57;
	v55 =	vadd.f32 v13, v14;
	v14 =	vshll.u32 v30, $0x3  }
0x23a: {  	[tilespmem:v6+s12+$0x0] =	vst.idx.msk $0xff, v31;
	v13 =	vmul.f32 v25, v54;
	v56 =	vand.u32 $0x78, v30;
	v14 =	vand.u32 $0x400, v14  }
0x23b: {  	s29 =	sadd.s32 $0x2, s17;
	[tilespmem:v6+s13+$0x0] =	vst.idx.msk $0xff, v60;
	(erf) = vrcp.f32 v3;
	v6 =	vadd.f32 v33, v12;
	v12, _, _ =	vpop (xrf2);
	v61 =	vor.u32 v14, v56  }
0x23c: {  	s19 =	sadd.s32 $0x5, s17;
	s31 =	sadd.s32 $0x4, s17;
	v14 =	vmov s29;
	(erf) = vrcp.f32 v55;
	v40 =	vperm.xlane v12, v57  }
0x23d: {  	v30 =	vpop (erf);
	[tilespmem:v32+s12+$0x0] =	vst.idx.msk $0xff, v13;
	v12 =	vmov s31;
	v13 =	vmov s19;
	v1 =	vor.u32 v58, v61  }
0x23e: {  	[tilespmem:v7+s12+$0x0] =	vst.idx.msk $0xff, v53;
	v25 =	vshll.u32 v14, $0x3;
	v14 =	vand.u32 $0x7A, v14;
	v15 =	vmul.f32 v15, v30  }
0x23f: {  	[tilespmem:v7+s13+$0x0] =	vst.idx.msk $0xff, v26;
	(erf) = vrcp.f32 v6;
	v6 =	vand.u32 $0x400, v42;
	v25 =	vand.u32 $0x400, v25  }
0x240: {  	[tilespmem:v28+s13+$0x0] =	vst.idx.msk $0xff, v27;
	v44 =	vshll.u32 v12, $0x3;
	v2 =	vadd.f32 v40, v23;
	v27 =	vpop (erf);
	v36 =	vor.u32 v25, v14  }
0x241: {  	[tilespmem:v32+s13+$0x0] =	vst.idx.msk $0xff, v24;
	v45 =	vand.u32 $0x7C, v12;
	v14 =	vmul.f32 v16, v27;
	v3 =	vor.u32 v58, v36  }
0x242: {  	v47 =	vand.u32 $0x7D, v13;
	v0 =	vor.u32 v6, v0;
	(erf) = vrcp.f32 v2;
	[tilespmem:v1+s12+$0x0] =	vst.idx.msk $0xff, v15  }
0x243: {  	v48 =	vshll.u32 v13, $0x3;
	v46 =	vand.u32 $0x400, v44;
	v0 =	vor.u32 v58, v0;
	v43 =	vpop (erf);
	[tilespmem:v4+s12+$0x0] =	vst.idx.msk $0xff, v14  }
0x244: {  	s20 =	sadd.s32 $0x6, s17;
	v49 =	vand.u32 $0x400, v48;
	v7 =	vmul.f32 v19, v43;
	[tilespmem:v1+s13+$0x0] =	vst.idx.msk $0xff, v20;
	v1 =	vor.u32 v46, v45  }
0x245: {  	v2 =	vor.u32 v49, v47;
	[tilespmem:v4+s13+$0x0] =	vst.idx.msk $0xff, v10;
	v10 =	vmov s20;
	v1 =	vor.u32 v58, v1;
	v50 =	vpop (erf)  }
0x246: {  	v2 =	vor.u32 v58, v2;
	v51 =	vshll.u32 v10, $0x3;
	[tilespmem:v3+s12+$0x0] =	vst.idx.msk $0xff, v7;
	v6 =	vmul.f32 v21, v50  }
0x247: {  	v53 =	vand.u32 $0x7E, v10;
	v52 =	vpop (erf);
	v4 =	vand.u32 $0x400, v51;
	[tilespmem:v3+s13+$0x0] =	vst.idx.msk $0xff, v9  }
0x248: {  	v3 =	vmul.f32 v18, v52;
	v4 =	vor.u32 v4, v53;
	v54 =	vpop (erf);
	[tilespmem:v0+s12+$0x0] =	vst.idx.msk $0xff, v6  }
0x249: {  	v55 =	vor.u32 v58, v4;
	v56 =	vmul.f32 v22, v54;
	[tilespmem:v0+s13+$0x0] =	vst.idx.msk $0xff, v8  }
0x24a: {  	[tilespmem:v1+s12+$0x0] =	vst.idx.msk $0xff, v3  }
0x24b: {  	v58 =	vpop (erf);
	[tilespmem:v2+s12+$0x0] =	vst.idx.msk $0xff, v56  }
0x24c: {  	[tilespmem:v1+s13+$0x0] =	vst.idx.msk $0xff, v11;
	v1 =	vmul.f32 v34, v58  }
0x24d: {  	[tilespmem:v2+s13+$0x0] =	vst.idx.msk $0xff, v17  }
0x24e: {  	[tilespmem:v55+s12+$0x0] =	vst.idx.msk $0xff, v1  }
0x24f: {  	[tilespmem:v55+s13+$0x0] =	vst.idx.msk $0xff, v35  }
0x250: {  	_ =	swait.ge [sflag:s14], $0x8000  }
0x251: {  	[sflag:s14] =	ssyncset.done $0x0  }
0x252: {  	s21 =	simm.s32 $0x8200;
	[sflag:s14] =	ssyncadd.s32 $0xFFFF8000  }
0x253: {  	[tilespmem:s2], [sflag:$0x1] =	stream.linear.gather [hbm4b:s5+s2], $0x8000, $0x38;
	[tilespmem:$0x14000] =	vst v63  }
0x254: {  	v60 =	vld [tilespmem:s21+$0x180]  }
0x255: {  	v61 =	vld [tilespmem:s21+$0x190]  }
0x256: {  	v62 =	vld [tilespmem:s21+$0x1A0]  }
0x257: {  	v63 =	vld [tilespmem:s21+$0x1B0];
	_ =	sdelay $0x1  }
0x258: {  	v32 =	vld [tilespmem:s21+$0xFFFFFE10];
	v0 =	vmul.f32 $1.442695020e+00, v60  }
0x259: {  	v33 =	vld [tilespmem:s21+$0xFFFFFE20];
	v1 =	vmul.f32 $1.442695020e+00, v61  }
0x25a: {  	v34 =	vld [tilespmem:s21+$0xFFFFFE30];
	v2 =	vmul.f32 $1.442695020e+00, v62;
	(erf) = vpow2.f32 v0  }
0x25b: {  	v35 =	vld [tilespmem:s21+$0xFFFFFE80];
	v3 =	vmul.f32 $1.442695020e+00, v63;
	(erf) = vpow2.f32 v1  }
0x25c: {  	v36 =	vld [tilespmem:s21+$0xFFFFFE90];
	(erf) = vpow2.f32 v2  }
0x25d: {  	v40 =	vld [tilespmem:s21+$0xFFFFFEA0];
	v37 =	vmul.f32 $1.442695020e+00, v32;
	(erf) = vpow2.f32 v3  }
0x25e: {  	v42 =	vld [tilespmem:s21+$0xFFFFFEB0];
	v6 =	vmul.f32 $1.442695020e+00, v33  }
0x25f: {  	v8 =	vld [tilespmem:s21+$0xFFFFFF00];
	v0 =	vmul.f32 $1.442695020e+00, v34;
	(erf) = vpow2.f32 v37  }
0x260: {  	v43 =	vld [tilespmem:s21+$0xFFFFFF10];
	v1 =	vmul.f32 $1.442695020e+00, v35;
	(erf) = vpow2.f32 v6  }
0x261: {  	v46 =	vld [tilespmem:s21+$0xFFFFFF20];
	v2 =	vmul.f32 $1.442695020e+00, v36;
	(erf) = vpow2.f32 v0  }
0x262: {  	v44 =	vmul.f32 $1.442695020e+00, v40;
	(erf) = vpow2.f32 v1  }
0x263: {  	v23 =	vlaneseq.u32;
	v45 =	vmul.f32 $1.442695020e+00, v42;
	(erf) = vpow2.f32 v2;
	v9 =	vpop (erf)  }
0x264: {  	v48 =	vld [tilespmem:s21+$0xFFFFFF30];
	v47 =	vmul.f32 $1.442695020e+00, v8;
	(erf) = vpow2.f32 v44;
	v10 =	vpop (erf);
	(xrf1) =	vsort.dscd.msk.f32 $0xffff, v9, v23  }
0x265: {  	v50 =	vld [tilespmem:s21+$0xFFFFFF80];
	v3 =	vmul.f32 $1.442695020e+00, v43;
	(erf) = vpow2.f32 v45;
	v0 =	vpop (erf);
	(xrf1) =	vsort.ascd.msk.f32 $0xffff, v10, v41  }
0x266: {  	v51 =	vld [tilespmem:s21+$0xFFFFFF90];
	v2 =	vmul.f32 $1.442695020e+00, v46;
	(erf) = vpow2.f32 v47;
	v49 =	vpop (erf);
	(xrf1) =	vsort.dscd.msk.f32 $0xffff, v0, v59  }
0x267: {  	v13 =	vld [tilespmem:s21+$0x0];
	(erf) = vpow2.f32 v3;
	(xrf1) =	vsort.ascd.msk.f32 $0xffff, v49, v38  }
0x268: {  	v52 =	vld [tilespmem:s21+$0xFFFFFFA0];
	v12 =	vpop (erf);
	(erf) = vpow2.f32 v2  }
0x269: {  	v8 =	vld [tilespmem:s21+$0xFFFFFFB0];
	v11 =	vpop (erf)  }
0x26a: {  	v15 =	vld [tilespmem:s21+$0x10];
	v6 =	vmul.f32 $1.442695020e+00, v48;
	v14 =	vpop (erf)  }
0x26b: {  	v17 =	vld [tilespmem:s21+$0x30];
	v7 =	vmul.f32 $1.442695020e+00, v50;
	v4 =	vmul.f32 $1.442695020e+00, v51;
	v53 =	vpop (erf)  }
0x26c: {  	v16 =	vld [tilespmem:s21+$0x20];
	v56 =	vmul.f32 $1.442695020e+00, v13;
	(erf) = vpow2.f32 v6;
	v54 =	vpop (erf)  }
0x26d: {  	v3 =	vmul.f32 $1.442695020e+00, v52;
	(erf) = vpow2.f32 v7;
	v18 =	vpop (erf)  }
0x26e: {  	v55 =	vmul.f32 $1.442695020e+00, v8;
	v8 =	vld [tilespmem:s21+$0x80];
	(xrf1) =	vsort.ascd.msk.f32 $0xffff, v12, v41;
	(erf) = vpow2.f32 v4;
	v19 =	vpop (erf)  }
0x26f: {  	v58 =	vmul.f32 $1.442695020e+00, v15;
	(xrf1) =	vsort.dscd.msk.f32 $0xffff, v11, v59;
	(erf) = vpow2.f32 v3;
	v13 =	vpop (erf)  }
0x270: {  	v17 =	vmul.f32 $1.442695020e+00, v17;
	(xrf1) =	vsort.ascd.msk.f32 $0xffff, v14, v38;
	(erf) = vpow2.f32 v55;
	v15 =	vpop (erf)  }
0x271: {  	v60 =	vmul.f32 $1.442695020e+00, v16;
	(xrf1) =	vsort.dscd.msk.f32 $0xffff, v53, v23;
	(erf) = vpow2.f32 v56;
	v23 =	vpop (erf)  }
0x272: {  	(erf) = vpow2.f32 v58;
	v61, v16, _ =	vpop (xrf1)  }
0x273: {  	v21 =	vld [tilespmem:s21+$0xFFFFFE00];
	v8 =	vmul.f32 $1.442695020e+00, v8;
	(erf) = vpow2.f32 v60;
	v62, v20, _ =	vpop (xrf1)  }
0x274: {  	v33 =	vld [tilespmem:s21+$0x90];
	(erf) = vpow2.f32 v17;
	v63, v22, _ =	vpop (xrf1)  }
0x275: {  	(erf) = vpow2.f32 v8;
	v3 =	vsel vm0, v61, v62;
	v32, v17, _ =	vpop (xrf1)  }
0x276: {  	v16 =	vsel vm0, v16, v20;
	v8 =	vperm.xlane v3, v5;
	v4 =	vsel vm0, v63, v32  }
0x277: {  	v24 =	vpop (erf);
	v26 =	vperm.xlane v16, v5;
	v17 =	vsel vm0, v22, v17;
	v20 =	vperm.xlane v4, v5  }
0x278: {  	v21 =	vmul.f32 $1.442695020e+00, v21;
	v25 =	vpop (erf);
	v22 =	vld [tilespmem:s21+$0xA0];
	vm1 =	vge.f32 v3, v8;
	v27 =	vperm.xlane v17, v5  }
0x279: {  	v28 =	vld [tilespmem:s21+$0xB0];
	v7 =	vmul.f32 $1.442695020e+00, v33;
	(xrf1) =	vsort.ascd.msk.f32 $0xffff, v54, v41;
	v29 =	vpop (erf);
	v3 =	vsel vm1, v3, v8;
	vm2 =	vge.f32 v4, v20  }
0x27a: {  	v30 =	vpop (erf);
	v8 =	vsel vm1, v16, v26;
	v4 =	vsel vm2, v4, v20;
	v16 =	vsel vm2, v17, v27  }
0x27b: {  	(erf) = vpow2.f32 v21;
	v26 =	vpop (erf);
	v17 =	vld [tilespmem:s21+$0x100];
	v3 =	vsel vm0, v3, v4;
	v34 =	vsel vm0, v8, v16  }
0x27c: {  	v16 =	vld [tilespmem:s21+$0x110];
	v27 =	vpop (erf);
	(xrf1) =	vsort.dscd.msk.f32 $0xffff, v3, v34  }
0x27d: {  	v35 =	vld [tilespmem:s21+$0x120];
	(erf) = vpow2.f32 v7;
	v36 =	vmul.f32 $1.442695020e+00, v22;
	v21 =	vpop (erf)  }
0x27e: {  	v46 =	vlaneseq.u32;
	v20 =	vld [tilespmem:s21+$0x130];
	v8 =	vmul.f32 $1.442695020e+00, v28;
	v22 =	vpop (erf)  }
0x27f: {  	v48 =	vadd.f32 v10, v9;
	v0 =	vadd.f32 v49, v0;
	(erf) = vpow2.f32 v36;
	(xrf1) =	vsort.dscd.msk.f32 $0xffff, v18, v59;
	v40 =	vpop (erf)  }
0x280: {  	v42 =	vadd.f32 v14, v11;
	v11 =	vmul.f32 $1.442695020e+00, v17;
	v14 =	vpop (erf);
	(erf) = vpow2.f32 v8  }
0x281: {  	v0 =	vadd.f32 v0, v48;
	v2 =	vadd.f32 v54, v53;
	v44, v28, _ =	vpop (xrf1);
	(xrf1) =	vsort.ascd.msk.f32 $0xffff, v19, v38;
	v43 =	vmul.f32 $1.442695020e+00, v16  }
0x282: {  	v37 =	vadd.f32 v19, v18;
	v3 =	vmul.f32 $1.442695020e+00, v35;
	v18, v31, _ =	vpop (xrf1);
	(xrf1) =	vsort.dscd.msk.f32 $0xffff, v13, v46;
	(erf) = vpow2.f32 v11  }
0x283: {  	v49 =	vadd.f32 v26, v30;
	(xrf1) =	vsort.ascd.msk.f32 $0xffff, v15, v41;
	v11 =	vmul.f32 $1.442695020e+00, v20;
	v45, v20, _ =	vpop (xrf1);
	(erf) = vpow2.f32 v43  }
0x284: {  	v9 =	vadd.f32 v21, v27;
	v16 =	vadd.f32 v24, v23;
	(xrf1) =	vsort.dscd.msk.f32 $0xffff, v23, v59;
	v23 =	vpop (erf)  }
0x285: {  	v19 =	vadd.f32 v29, v25;
	v17 =	vadd.f32 v15, v13;
	v13, v47, _ =	vpop (xrf1);
	(erf) = vpow2.f32 v3  }
0x286: {  	(xrf2) =	vadd.scan.msk.f32 $0xffff, v0;
	v8 =	vadd.f32 v37, v2;
	v15 =	vadd.f32 v40, v22;
	v53 =	vpop (erf)  }
0x287: {  	v10 =	vadd.f32 v49, v19;
	(xrf1) =	vsort.dscd.msk.f32 $0xffff, v23, v46;
	v2 =	vsel vm0, v18, v45;
	v50, v51, _ =	vpop (xrf1);
	(erf) = vpow2.f32 v11  }
0x288: {  	v52 =	vlaneseq.u32;
	v54 =	vsel vm0, v31, v20;
	(xrf1) =	vsort.ascd.msk.f32 $0xffff, v24, v38;
	v11 =	vadd.f32 v16, v17;
	v18 =	vpop (erf)  }
0x289: {  	v17 =	vsel vm0, v13, v50;
	(xrf1) =	vsort.dscd.msk.f32 $0xffff, v25, v52;
	v24 =	vsel vm0, v47, v51;
	v19 =	vpop (erf)  }
0x28a: {  	v25 =	vperm.xlane v17, v5;
	(xrf1) =	vsort.ascd.msk.f32 $0xffff, v29, v41;
	v29 =	vperm.xlane v24, v5;
	v20, v13, _ =	vpop (xrf1)  }
0x28b: {  	v9 =	vadd.f32 v15, v9;
	v61 =	vadd.f32 v12, v23;
	(xrf1) =	vsort.dscd.msk.f32 $0xffff, v30, v59;
	v31 =	vpop (erf)  }
0x28c: {  	v55 =	vperm.xlane v2, v5;
	vm2 =	vge.f32 v17, v25;
	(xrf1) =	vsort.ascd.msk.f32 $0xffff, v26, v38;
	v56 =	vpop (erf)  }
0x28d: {  	v60 =	vsel vm2, v17, v25;
	v25 =	vadd.f32 v19, v18;
	(xrf1) =	vsort.dscd.msk.f32 $0xffff, v27, v52;
	v26, v27, _ =	vpop (xrf1)  }
0x28e: {  	v15 =	vperm.xlane v54, v5;
	v12 =	vadd.f32 v53, v14;
	v3 =	vadd.f32 v42, v61;
	v58 =	vpop (erf)  }
0x28f: {  	vm1 =	vge.f32 v2, v55;
	v23 =	vsel vm2, v24, v29;
	(xrf1) =	vsort.ascd.msk.f32 $0xffff, v21, v41;
	v21, v29, _ =	vpop (xrf1)  }
0x290: {  	v16 =	vsel vm1, v54, v15;
	[tilespmem:$0x1FDE0] =	vst v13;
	v13 =	vsel vm1, v2, v55;
	(xrf1) =	vsort.dscd.msk.f32 $0xffff, v22, v59;
	v24 =	vpop (erf)  }
0x291: {  	v63 =	vlaneseq.u32;
	v12 =	vadd.f32 v25, v12;
	v62 =	vadd.f32 v56, v31;
	v25, v30, _ =	vpop (xrf1);
	(xrf1) =	vsort.ascd.msk.f32 $0xffff, v40, v38  }
0x292: {  	(xrf2) =	vadd.scan.msk.f32 $0xffff, v20;
	v7 =	vsel vm0, v26, v21;
	v21 =	vsel vm0, v27, v29;
	v22 =	vadd.f32 v24, v58  }
0x293: {  	v26, v27, _ =	vpop (xrf1);
	(xrf1) =	vsort.dscd.msk.f32 $0xffff, v14, v63;
	v29 =	vperm.xlane v7, v5;
	v32 =	vperm.xlane v21, v5  }
0x294: {  	v37, v40, _ =	vpop (xrf1);
	(xrf1) =	vsort.ascd.msk.f32 $0xffff, v53, v41;
	v1 =	vsel vm0, v25, v26;
	v25 =	vsel vm0, v30, v27  }
0x295: {  	v26, _, _ =	vpop (xrf2);
	(xrf1) =	vsort.dscd.msk.f32 $0xffff, v18, v59;
	v18 =	vperm.xlane v1, v5;
	v27 =	vperm.xlane v25, v5  }
0x296: {  	v30, v42, _ =	vpop (xrf1);
	vm1 =	vge.f32 v7, v29;
	v14 =	vadd.f32 v22, v62;
	v22 =	vperm.xlane v26, v39  }
0x297: {  	(xrf1) =	vsort.ascd.msk.f32 $0xffff, v19, v38;
	v6 =	vsel vm0, v30, v44;
	v0 =	vsel vm0, v42, v28  }
0x298: {  	v43, v19, _ =	vpop (xrf1);
	v7 =	vsel vm1, v7, v29;
	v21 =	vsel vm1, v21, v32;
	(xrf1) =	vsort.dscd.msk.f32 $0xffff, v31, v63  }
0x299: {  	v28 =	vperm.xlane v6, v5;
	v2 =	vsel vm0, v37, v43;
	v19 =	vsel vm0, v40, v19  }
0x29a: {  	v34 =	vperm.xlane v0, v5;
	vm12 =	vge.f32 v1, v18;
	v7 =	vsel vm0, v60, v7  }
0x29b: {  	v61 =	vmovc v41;
	(xrf1) =	vsort.ascd.msk.f32 $0xffff, v56, v41;
	v36 =	vperm.xlane v2, v5;
	v37 =	vperm.xlane v19, v5  }
0x29c: {  	v30, v31, _ =	vpop (xrf1);
	v1 =	vsel vm12, v1, v18;
	v25 =	vsel vm12, v25, v27;
	vm8 =	vge.f32 v6, v28  }
0x29d: {  	v15 =	vmov v38;
	(xrf1) =	vsort.dscd.msk.f32 $0xffff, v58, v59;
	v26, _, _ =	vpop (xrf2);
	vm2 =	vge.f32 v2, v36;
	v6 =	vsel vm8, v6, v28  }
0x29e: {  	v22 =	vmul.f32 $9.999999970e-07, v22;
	v0 =	vsel vm8, v0, v34;
	v44 =	vperm.xlane v26, v57;
	v26, v45, _ =	vpop (xrf1);
	(xrf1) =	vsort.ascd.msk.f32 $0xffff, v24, v38  }
0x29f: {  	v2 =	vsel vm2, v2, v36;
	v6 =	vsel vm0, v6, v13;
	v24, v46, _ =	vpop (xrf1);
	v26 =	vsel vm0, v30, v26  }
0x2a0: {  	v30, v47, _ =	vpop (xrf1);
	v4 =	vadd.f32 v44, v22;
	v22 =	vsel vm0, v31, v45;
	v31 =	vperm.xlane v26, v5  }
0x2a1: {  	v0 =	vsel vm0, v0, v16;
	v13 =	vsel vm0, v23, v21;
	v49, v48, _ =	vpop (xrf1);
	v42 =	vperm.xlane v22, v5  }
0x2a2: {  	v24 =	vsel vm0, v24, v30;
	v35 =	vsel vm0, v46, v47;
	v50, v51, _ =	vpop (xrf1);
	vm3 =	vge.f32 v26, v31  }
0x2a3: {  	(xrf2) =	vadd.scan.msk.f32 $0xffff, v3;
	v38 =	vperm.xlane v24, v5;
	v45 =	vperm.xlane v35, v5;
	v30, v52, _ =	vpop (xrf1);
	v33 =	vsel vm0, v49, v50  }
0x2a4: {  	(xrf2) =	vadd.scan.msk.f32 $0xffff, v8;
	v39 =	vsel vm0, v48, v51;
	v8 =	vsel vm3, v26, v31;
	v54, v53, _ =	vpop (xrf1);
	v41 =	vperm.xlane v33, v5  }
0x2a5: {  	v43 =	vperm.xlane v39, v5;
	vm9 =	vge.f32 v24, v38;
	v30 =	vsel vm0, v30, v54  }
0x2a6: {  	(xrf2) =	vadd.scan.msk.f32 $0xffff, v11;
	v55, v56, _ =	vpop (xrf1);
	v40 =	vsel vm0, v52, v53;
	v11 =	vsel vm9, v35, v45;
	v35 =	vsel vm0, v1, v2  }
0x2a7: {  	v58, v57, _ =	vpop (xrf1);
	v49 =	vperm.xlane v30, v5;
	v50 =	vperm.xlane v40, v5;
	vm7 =	vge.f32 v33, v41  }
0x2a8: {  	(xrf1) =	vsort.dscd.msk.f32 $0xffff, v6, v0;
	v44 =	vsel vm0, v55, v58;
	v46, v51, _ =	vpop (xrf1);
	v47 =	vsel vm0, v56, v57  }
0x2a9: {  	v41 =	vsel vm7, v33, v41;
	v48 =	vperm.xlane v44, v5;
	v52, v63, _ =	vpop (xrf1);
	v54 =	vperm.xlane v47, v5  }
0x2aa: {  	vm6 =	vge.f32 v30, v49;
	v55, v56, _ =	vpop (xrf1);
	v46 =	vsel vm0, v46, v52;
	v51 =	vsel vm0, v51, v63  }
0x2ab: {  	(xrf1) =	vsort.dscd.msk.f32 $0xffff, v7, v13;
	v45 =	vsel vm6, v40, v50;
	v52, v63, _ =	vpop (xrf1);
	v57 =	vperm.xlane v46, v5  }
0x2ac: {  	vm13 =	vge.f32 v44, v48;
	v52 =	vsel vm0, v55, v52;
	v53 =	vsel vm0, v56, v63;
	v55, v56, _ =	vpop (xrf1)  }
0x2ad: {  	v28 =	vperm.xlane v51, v5;
	v50 =	vsel vm13, v47, v54;
	v63, v58, _ =	vpop (xrf1);
	vm14 =	vge.f32 v46, v57  }
0x2ae: {  	v34 =	vsel vm0, v55, v63;
	v56 =	vsel vm0, v56, v58;
	v63 =	vsel vm2, v19, v37  }
0x2af: {  	(xrf2) =	vadd.scan.msk.f32 $0xffff, v10;
	v19 =	vsel vm3, v22, v42;
	v22 =	vsel vm9, v24, v38;
	v36 =	vsel vm0, v25, v63  }
0x2b0: {  	v37 =	vsel vm0, v8, v22;
	v38 =	vsel vm0, v19, v11;
	(xrf1) =	vsort.dscd.msk.f32 $0xffff, v35, v36  }
0x2b1: {  	v42 =	vsel vm7, v39, v43;
	v43 =	vsel vm6, v30, v49;
	(xrf1) =	vsort.dscd.msk.f32 $0xffff, v37, v38  }
0x2b2: {  	v49 =	vsel vm13, v44, v48;
	v54 =	vsel vm14, v46, v57;
	v58 =	vperm.xlane v34, v5  }
0x2b3: {  	(xrf2) =	vadd.scan.msk.f32 $0xffff, v9;
	v18 =	vperm.xlane v56, v5;
	v8 =	vsel vm14, v51, v28;
	v0 =	vsel vm0, v41, v43  }
0x2b4: {  	(xrf2) =	vadd.scan.msk.f32 $0xffff, v12;
	v1 =	vsel vm0, v42, v45;
	v57 =	vsel vm0, v50, v8;
	vm15 =	vge.f32 v34, v58  }
0x2b5: {  	v12 =	vsel vm15, v56, v18;
	v56 =	vsel vm0, v49, v54;
	(xrf1) =	vsort.dscd.msk.f32 $0xffff, v0, v1  }
0x2b6: {  	(xrf1) =	vsort.dscd.msk.f32 $0xffff, v56, v57;
	_ =	sdelay $0x1  }
0x2b7: {  	s22 =	simm.s32 $0x8600;
	v30, _, _ =	vpop (xrf2)  }
0x2b8: {  	v55 =	vperm.xlane v52, v5;
	v31, _, _ =	vpop (xrf2);
	v63 =	vld [tilespmem:s22+$0x180]  }
0x2b9: {  	v29 =	vperm.xlane v53, v5;
	v28, _, _ =	vpop (xrf2)  }
0x2ba: {  	vm1 =	vge.f32 v52, v55;
	v32, _, _ =	vpop (xrf2)  }
0x2bb: {  	v9 =	vsel vm1, v52, v55;
	v10 =	vsel vm1, v53, v29;
	v11 =	vsel vm15, v34, v58;
	v22, v35, _ =	vpop (xrf1)  }
0x2bc: {  	v58 =	vsel vm0, v9, v11;
	v60 =	vsel vm0, v10, v12;
	[tilespmem:$0x1FDF0] =	vst v35;
	v21, v36, _ =	vpop (xrf1)  }
0x2bd: {  	(erf) = vrcp.f32 v4;
	(xrf1) =	vsort.dscd.msk.f32 $0xffff, v58, v60;
	v0 =	vmul.f32 $1.442695020e+00, v63;
	v1 =	vld [tilespmem:s22+$0x190];
	[tilespmem:$0x1FE00] =	vst v36;
	v24, v37, _ =	vpop (xrf1)  }
0x2be: {  	v2 =	vld [tilespmem:s22+$0x1A0];
	[tilespmem:$0x1FE10] =	vst v37;
	v10, v38, _ =	vpop (xrf1)  }
0x2bf: {  	(xrf2) =	vadd.scan.msk.f32 $0xffff, v14;
	v39, _, _ =	vpop (xrf2);
	(erf) = vpow2.f32 v0;
	v3 =	vld [tilespmem:s22+$0x1B0];
	[tilespmem:$0x1FDA0] =	vst v38  }
0x2c0: {  	(xrf2) =	vadd.scan.msk.f32 $0xffff, v22;
	v4 =	vld [tilespmem:s22+$0xFFFFFE10];
	[tilespmem:$0x1FDD0] =	vst v39  }
0x2c1: {  	v6 =	vld [tilespmem:s22+$0xFFFFFE20]  }
0x2c2: {  	(xrf2) =	vadd.scan.msk.f32 $0xffff, v21;
	v1 =	vmul.f32 $1.442695020e+00, v1;
	v12, v42, _ =	vpop (xrf1);
	v40 =	vld [tilespmem:s22+$0xFFFFFE30]  }
0x2c3: {  	v2 =	vmul.f32 $1.442695020e+00, v2;
	v23, v43, _ =	vpop (xrf1);
	v41 =	vld [tilespmem:s22+$0xFFFFFE80];
	[tilespmem:$0x1FDB0] =	vst v42  }
0x2c4: {  	(erf) = vpow2.f32 v1;
	v1 =	vld [tilespmem:s22+$0xFFFFFE90];
	[tilespmem:$0x1FDC0] =	vst v43;
	v3 =	vmul.f32 $1.442695020e+00, v3  }
0x2c5: {  	(erf) = vpow2.f32 v2;
	v45 =	vld [tilespmem:s22+$0xFFFFFEA0]  }
0x2c6: {  	v29 =	vpop (erf);
	(xrf2) =	vadd.scan.msk.f32 $0xffff, v24;
	v44 =	vmul.f32 $1.442695020e+00, v4;
	(erf) = vpow2.f32 v3  }
0x2c7: {  	v25, _, _ =	vpop (xrf2);
	v46 =	vmul.f32 $1.442695020e+00, v6;
	v7 =	vmul.f32 $1.442695020e+00, v40  }
0x2c8: {  	v62 =	vlaneseq.u32;
	v47 =	vld [tilespmem:s22+$0xFFFFFEB0];
	v0 =	vmul.f32 $1.442695020e+00, v41;
	v41 =	vpop (erf);
	(erf) = vpow2.f32 v44  }
0x2c9: {  	v26, _, _ =	vpop (xrf2);
	v27 =	vld [tilespmem:s22+$0xFFFFFF00];
	v1 =	vmul.f32 $1.442695020e+00, v1;
	(xrf1) =	vsort.dscd.msk.f32 $0xffff, v41, v62;
	(erf) = vpow2.f32 v46  }
0x2ca: {  	v37, _, _ =	vpop (xrf2);
	v48 =	vld [tilespmem:s22+$0xFFFFFF10];
	v4 =	vmul.f32 $1.442695020e+00, v45;
	(erf) = vpow2.f32 v7  }
0x2cb: {  	v13, v14, _ =	vpop (xrf1);
	v49 =	vld [tilespmem:s22+$0xFFFFFF20];
	(erf) = vpow2.f32 v0  }
0x2cc: {  	v36, _, _ =	vpop (xrf2);
	(erf) = vpow2.f32 v1  }
0x2cd: {  	v16 =	vpop (erf);
	v50 =	vmul.f32 $1.442695020e+00, v47;
	(erf) = vpow2.f32 v4  }
0x2ce: {  	v52 =	vld [tilespmem:s22+$0xFFFFFF30];
	v51 =	vmul.f32 $1.442695020e+00, v27;
	(xrf1) =	vsort.ascd.msk.f32 $0xffff, v16, v61;
	v4 =	vpop (erf)  }
0x2cf: {  	v53 =	vld [tilespmem:s22+$0xFFFFFF80];
	v2 =	vmul.f32 $1.442695020e+00, v48;
	(erf) = vpow2.f32 v50;
	(xrf1) =	vsort.dscd.msk.f32 $0xffff, v4, v59;
	v8 =	vpop (erf)  }
0x2d0: {  	v54 =	vld [tilespmem:s22+$0xFFFFFF90];
	v34, _, _ =	vpop (xrf2);
	v3 =	vmul.f32 $1.442695020e+00, v49;
	(erf) = vpow2.f32 v51;
	(xrf1) =	vsort.ascd.msk.f32 $0xffff, v8, v15  }
0x2d1: {  	v57 =	vld [tilespmem:s22+$0x0];
	(erf) = vpow2.f32 v2;
	v33 =	vpop (erf)  }
0x2d2: {  	v55 =	vld [tilespmem:s22+$0xFFFFFFA0];
	(erf) = vpow2.f32 v3;
	v42 =	vpop (erf)  }
0x2d3: {  	v56 =	vld [tilespmem:s22+$0xFFFFFFB0];
	v45 =	vpop (erf)  }
0x2d4: {  	v29 =	vmul.f32 v20, v29;
	v60 =	vld [tilespmem:s22+$0x20];
	v6 =	vmul.f32 $1.442695020e+00, v52;
	v38 =	vpop (erf)  }
0x2d5: {  	v58 =	vld [tilespmem:s22+$0x10];
	v7 =	vmul.f32 $1.442695020e+00, v53;
	v2 =	vmul.f32 $1.442695020e+00, v54;
	v39 =	vpop (erf)  }
0x2d6: {  	(xrf2) =	vadd.scan.msk.f32 $0xffff, v10;
	v54 =	vmul.f32 $1.442695020e+00, v57;
	(erf) = vpow2.f32 v6;
	v40 =	vpop (erf)  }
0x2d7: {  	v63 =	vld [tilespmem:s22+$0x30];
	v3 =	vmul.f32 $1.442695020e+00, v55;
	(erf) = vpow2.f32 v7;
	v57, v46, _ =	vpop (xrf1)  }
0x2d8: {  	v52 =	vmul.f32 $1.442695020e+00, v56;
	v53 =	vld [tilespmem:s22+$0x80];
	v43 =	vpop (erf);
	(erf) = vpow2.f32 v2  }
0x2d9: {  	v56 =	vmul.f32 $1.442695020e+00, v60;
	v44 =	vpop (erf);
	(erf) = vpow2.f32 v3  }
0x2da: {  	v0 =	vimm.s32 $0xF;
	v55 =	vmul.f32 $1.442695020e+00, v58;
	(xrf1) =	vsort.ascd.msk.f32 $0xffff, v33, v61;
	v50 =	vpop (erf);
	(erf) = vpow2.f32 v52  }
0x2db: {  	v30 =	vperm.xlane v30, v0;
	v47 =	vpop (erf);
	(erf) = vpow2.f32 v54  }
0x2dc: {  	v17 =	vmov v59;
	v6 =	vmul.f32 $1.442695020e+00, v63;
	v58, v48, _ =	vpop (xrf1);
	(erf) = vpow2.f32 v55  }
0x2dd: {  	v9 =	vmov v61;
	v49 =	vmul.f32 $1.442695020e+00, v53;
	v51 =	vld [tilespmem:s22+$0xFFFFFE00];
	(xrf1) =	vsort.dscd.msk.f32 $0xffff, v42, v59;
	(erf) = vpow2.f32 v56;
	v60, v59, _ =	vpop (xrf1)  }
0x2de: {  	v30 =	vmul.f32 $9.999999970e-07, v30;
	(xrf1) =	vsort.ascd.msk.f32 $0xffff, v45, v15;
	v2 =	vsel vm0, v57, v58;
	(erf) = vpow2.f32 v6;
	v57, v63, _ =	vpop (xrf1)  }
0x2df: {  	v53 =	vld [tilespmem:s22+$0x90];
	(xrf1) =	vsort.dscd.msk.f32 $0xffff, v38, v62;
	v54 =	vpop (erf);
	(erf) = vpow2.f32 v49;
	v49 =	vperm.xlane v2, v5;
	v3 =	vsel vm0, v60, v57  }
0x2e0: {  	v35, _, _ =	vpop (xrf2);
	v7 =	vld [tilespmem:s22+$0xA0];
	v46 =	vsel vm0, v46, v48;
	v6 =	vsel vm0, v59, v63;
	v48 =	vperm.xlane v3, v5  }
0x2e1: {  	(xrf2) =	vadd.scan.msk.f32 $0xffff, v12;
	v52 =	vld [tilespmem:s22+$0xB0];
	v55 =	vpop (erf);
	v57 =	vperm.xlane v46, v5;
	vm1 =	vge.f32 v2, v49;
	v58 =	vperm.xlane v6, v5  }
0x2e2: {  	v51 =	vmul.f32 $1.442695020e+00, v51;
	(xrf1) =	vsort.ascd.msk.f32 $0xffff, v39, v61;
	v56 =	vpop (erf);
	v59 =	vld [tilespmem:s22+$0x100];
	v2 =	vsel vm1, v2, v49;
	vm2 =	vge.f32 v3, v48  }
0x2e3: {  	v60 =	vpop (erf);
	v46 =	vsel vm1, v46, v57;
	v3 =	vsel vm2, v3, v48;
	v6 =	vsel vm2, v6, v58;
	v48 =	vld [tilespmem:s22+$0x110]  }
0x2e4: {  	v53 =	vmul.f32 $1.442695020e+00, v53;
	v61 =	vld [tilespmem:s22+$0x120];
	v49 =	vpop (erf);
	v2 =	vsel vm0, v2, v3;
	v58 =	vsel vm0, v46, v6  }
0x2e5: {  	v11 =	vlaneseq.u32;
	v7 =	vmul.f32 $1.442695020e+00, v7;
	(erf) = vpow2.f32 v51;
	v57 =	vpop (erf);
	(xrf1) =	vsort.dscd.msk.f32 $0xffff, v2, v58;
	v2 =	vld [tilespmem:s22+$0x130]  }
0x2e6: {  	v4 =	vadd.f32 v8, v4;
	v62 =	vmul.f32 $1.442695020e+00, v52;
	(erf) = vpow2.f32 v53;
	v51 =	vpop (erf)  }
0x2e7: {  	v8 =	vimm.s32 $0x7;
	(erf) = vpow2.f32 v7;
	v63 =	vmul.f32 $1.442695020e+00, v59;
	v52 =	vpop (erf)  }
0x2e8: {  	s23 =	simm.s32 $0x107;
	v42 =	vadd.f32 v45, v42;
	(erf) = vpow2.f32 v62;
	v59, v46, _ =	vpop (xrf1);
	v48 =	vmul.f32 $1.442695020e+00, v48  }
0x2e9: {  	v3 =	vmov s23;
	v6 =	vmul.f32 $1.442695020e+00, v61;
	(erf) = vpow2.f32 v63;
	v58 =	vpop (erf)  }
0x2ea: {  	v53 =	vshll.u32 v3, $0x3;
	(xrf1) =	vsort.dscd.msk.f32 $0xffff, v40, v17;
	v7 =	vpop (erf);
	v2 =	vmul.f32 $1.442695020e+00, v2;
	(erf) = vpow2.f32 v48  }
0x2eb: {  	v3 =	vand.u32 $0x7F, v3;
	v61, v62, _ =	vpop (xrf1);
	v53 =	vand.u32 $0xC00, v53;
	(xrf1) =	vsort.ascd.msk.f32 $0xffff, v43, v15;
	(erf) = vpow2.f32 v6  }
0x2ec: {  	v27, _, _ =	vpop (xrf2);
	v19 =	vor.u32 v53, v3;
	(xrf1) =	vsort.dscd.msk.f32 $0xffff, v44, v11;
	(erf) = vpow2.f32 v2;
	v2 =	vadd.f32 v16, v41  }
0x2ed: {  	v3 =	vperm.xlane v31, v0;
	v31 =	vperm.xlane v37, v8;
	v48, v63, _ =	vpop (xrf1);
	(xrf1) =	vsort.ascd.msk.f32 $0xffff, v50, v9  }
0x2ee: {  	v53 =	vpop (erf);
	v2 =	vadd.f32 v4, v2;
	v4 =	vperm.xlane v28, v0;
	v28 =	vperm.xlane v32, v0  }
0x2ef: {  	v20 =	vadd.f32 v39, v38;
	v30 =	vadd.f32 v31, v30;
	v37 =	vpop (erf);
	(xrf1) =	vsort.dscd.msk.f32 $0xffff, v47, v17  }
0x2f0: {  	v39 =	vadd.f32 v56, v55;
	v3 =	vmul.f32 $9.999999970e-07, v3;
	v31 =	vperm.xlane v36, v8;
	v6, v1, _ =	vpop (xrf1)  }
0x2f1: {  	(erf) = vrcp.f32 v30;
	v30 =	vadd.f32 v51, v57;
	v16, v41, _ =	vpop (xrf1);
	(xrf1) =	vsort.dscd.msk.f32 $0xffff, v53, v11;
	v11 =	vlaneseq.u32  }
0x2f2: {  	v32 =	vpop (erf);
	v53 =	vadd.f32 v33, v53;
	(xrf2) =	vadd.scan.msk.f32 $0xffff, v2;
	v2 =	vmul.f32 $9.999999970e-07, v4;
	v4 =	vperm.xlane v34, v8  }
0x2f3: {  	(xrf1) =	vsort.ascd.msk.f32 $0xffff, v54, v15;
	v0 =	vmul.f32 $9.999999970e-07, v28;
	v34 =	vadd.f32 v31, v3;
	v3 =	vperm.xlane v35, v8;
	v35, v28, _ =	vpop (xrf1)  }
0x2f4: {  	v36 =	vpop (erf);
	v6 =	vsel vm0, v6, v16;
	v1 =	vsel vm0, v1, v41;
	v42 =	vadd.f32 v42, v53;
	(xrf2) =	vadd.scan.msk.f32 $0xffff, v35  }
0x2f5: {  	v45 =	vpop (erf);
	(xrf1) =	vsort.dscd.msk.f32 $0xffff, v55, v11;
	v31 =	vadd.f32 v4, v2;
	v2 =	vadd.f32 v43, v40  }
0x2f6: {  	(xrf1) =	vsort.ascd.msk.f32 $0xffff, v56, v9;
	v3 =	vadd.f32 v3, v0;
	v0 =	vadd.f32 v50, v44;
	v38 =	vpop (erf)  }
0x2f7: {  	(xrf1) =	vsort.dscd.msk.f32 $0xffff, v60, v17;
	v4 =	vadd.f32 v54, v47;
	v44 =	vadd.f32 v49, v60;
	v40 =	vpop (erf)  }
0x2f8: {  	v60 =	vadd.f32 v58, v52;
	(xrf1) =	vsort.ascd.msk.f32 $0xffff, v49, v15;
	v47, v49, _ =	vpop (xrf1);
	v2 =	vadd.f32 v2, v20  }
0x2f9: {  	(xrf1) =	vsort.dscd.msk.f32 $0xffff, v57, v11;
	v4 =	vadd.f32 v4, v0;
	v0 =	vadd.f32 v44, v39;
	v54, v55, _ =	vpop (xrf1)  }
0x2fa: {  	v20 =	vadd.f32 v60, v30;
	v44 =	vsel vm0, v61, v48;
	(xrf1) =	vsort.ascd.msk.f32 $0xffff, v51, v9;
	v51, v56, _ =	vpop (xrf1)  }
0x2fb: {  	v48 =	vsel vm0, v62, v63;
	v57 =	vperm.xlane v44, v5;
	(xrf1) =	vsort.dscd.msk.f32 $0xffff, v52, v17;
	v30, v39, _ =	vpop (xrf1)  }
0x2fc: {  	v18 =	vimm.s32 $0xF;
	v60 =	vperm.xlane v6, v5;
	v61 =	vperm.xlane v48, v5;
	(xrf1) =	vsort.ascd.msk.f32 $0xffff, v58, v15;
	v16, _, _ =	vpop (xrf2)  }
0x2fd: {  	vm1 =	vge.f32 v44, v57;
	(xrf1) =	vsort.dscd.msk.f32 $0xffff, v7, v11;
	v50, v52, _ =	vpop (xrf1);
	v16 =	vperm.xlane v16, v18  }
0x2fe: {  	v8 =	vimm.s32 $0x7;
	v44 =	vsel vm1, v44, v57;
	v48 =	vsel vm1, v48, v61;
	(xrf1) =	vsort.ascd.msk.f32 $0xffff, v37, v9;
	v62, _, _ =	vpop (xrf2)  }
0x2ff: {  	v43 =	vpop (erf);
	vm1 =	vge.f32 v6, v60;
	v16 =	vmul.f32 $9.999999970e-07, v16;
	v57 =	vperm.xlane v62, v8  }
0x300: {  	v33 =	vpop (erf);
	v7 =	vadd.f32 v37, v7;
	(xrf1) =	vsort.dscd.msk.f32 $0xffff, v32, v17;
	v32 =	vadd.f32 v36, v32  }
0x301: {  	v41, v58, _ =	vpop (xrf1);
	(xrf1) =	vsort.ascd.msk.f32 $0xffff, v36, v15;
	v16 =	vadd.f32 v57, v16;
	v57 =	vperm.xlane v1, v5  }
0x302: {  	v47 =	vsel vm0, v47, v54;
	v6 =	vsel vm1, v6, v60;
	v7 =	vadd.f32 v32, v7;
	v62, v63, _ =	vpop (xrf1)  }
0x303: {  	v32 =	vadd.f32 v43, v40;
	(xrf1) =	vsort.dscd.msk.f32 $0xffff, v45, v11;
	v45 =	vadd.f32 v38, v45;
	v37, v60, _ =	vpop (xrf1)  }
0x304: {  	v49 =	vsel vm0, v49, v55;
	v55 =	vsel vm0, v56, v39;
	v36, v61, _ =	vpop (xrf1);
	(erf) = vrcp.f32 v16  }
0x305: {  	(xrf1) =	vsort.ascd.msk.f32 $0xffff, v38, v9;
	v39 =	vadd.f32 v32, v45;
	v32 =	vsel vm0, v41, v59;
	v16, v38, _ =	vpop (xrf1)  }
0x306: {  	v30 =	vsel vm0, v51, v30;
	v56 =	vperm.xlane v32, v5;
	v1 =	vsel vm1, v1, v57;
	v53, v57, _ =	vpop (xrf1)  }
0x307: {  	v46 =	vsel vm0, v58, v46;
	v50 =	vsel vm0, v50, v62;
	v52 =	vsel vm0, v52, v63;
	v51, v54, _ =	vpop (xrf1)  }
0x308: {  	s24 =	simm.s32 $0x10F;
	v36 =	vsel vm0, v37, v36;
	v37 =	vsel vm0, v60, v61;
	vm1 =	vge.f32 v32, v56;
	v41, v45, _ =	vpop (xrf1)  }
0x309: {  	v16 =	vsel vm0, v16, v53;
	v53 =	vsel vm0, v38, v57;
	v38 =	vmov s24;
	v58, v59, _ =	vpop (xrf1)  }
0x30a: {  	(xrf1) =	vsort.dscd.msk.f32 $0xffff, v40, v17;
	v32 =	vsel vm1, v32, v56;
	v63 =	vshll.u32 v38, $0x3;
	v38 =	vand.u32 $0x7F, v38;
	v60, v61, _ =	vpop (xrf1)  }
0x30b: {  	v56 =	vperm.xlane v47, v5;
	v32 =	vsel vm0, v32, v44;
	v40 =	vsel vm0, v51, v41;
	v57, v62, _ =	vpop (xrf1)  }
0x30c: {  	(xrf1) =	vsort.ascd.msk.f32 $0xffff, v43, v15;
	v41 =	vsel vm0, v54, v45;
	v43 =	vand.u32 $0xC00, v63;
	v63 =	vperm.xlane v55, v5;
	v51, v54, _ =	vpop (xrf1)  }
0x30d: {  	v43 =	vor.u32 v43, v38;
	v59 =	vsel vm0, v59, v61;
	v61 =	vperm.xlane v46, v5;
	v38 =	vpop (erf)  }
0x30e: {  	v45 =	vsel vm0, v58, v60;
	v58, v60, _ =	vpop (xrf1);
	v51 =	vsel vm0, v57, v51;
	v54 =	vsel vm0, v62, v54  }
0x30f: {  	v38 =	vmul.f32 v35, v38;
	v46 =	vsel vm1, v46, v61;
	vm1 =	vge.f32 v47, v56;
	v57, v62, _ =	vpop (xrf1)  }
0x310: {  	v61 =	vperm.xlane v52, v5;
	v46 =	vsel vm0, v46, v48;
	v35 =	vsel vm0, v58, v57  }
0x311: {  	v57 =	vperm.xlane v49, v5;
	v58 =	vsel vm0, v60, v62;
	v62 =	vperm.xlane v30, v5  }
0x312: {  	v47 =	vsel vm1, v47, v56;
	v56 =	vperm.xlane v50, v5;
	v44, v60, _ =	vpop (xrf1);
	(xrf1) =	vsort.dscd.msk.f32 $0xffff, v32, v46  }
0x313: {  	v6 =	vsel vm0, v6, v47;
	vm2 =	vge.f32 v30, v62;
	v49 =	vsel vm1, v49, v57  }
0x314: {  	vm1 =	vge.f32 v50, v56;
	v30 =	vsel vm2, v30, v62;
	v62 =	vperm.xlane v36, v5  }
0x315: {  	v50 =	vsel vm1, v50, v56;
	v56 =	vperm.xlane v16, v5;
	v52 =	vsel vm1, v52, v61  }
0x316: {  	v32, v46, _ =	vpop (xrf1);
	v61 =	vperm.xlane v53, v5;
	v1 =	vsel vm0, v1, v49;
	v49 =	vperm.xlane v35, v5  }
0x317: {  	v32 =	vsel vm0, v44, v32;
	v44 =	vsel vm2, v55, v63;
	v63 =	vperm.xlane v37, v5  }
0x318: {  	v30 =	vsel vm0, v30, v50;
	(xrf1) =	vsort.dscd.msk.f32 $0xffff, v6, v1;
	v46 =	vsel vm0, v60, v46  }
0x319: {  	(xrf2) =	vadd.scan.msk.f32 $0xffff, v42;
	vm2 =	vge.f32 v36, v62;
	vm1 =	vge.f32 v16, v56;
	v44 =	vsel vm0, v44, v52  }
0x31a: {  	(xrf2) =	vadd.scan.msk.f32 $0xffff, v2;
	v52 =	vperm.xlane v58, v5;
	v57 =	vperm.xlane v46, v5;
	v36 =	vsel vm2, v36, v62  }
0x31b: {  	(xrf2) =	vadd.scan.msk.f32 $0xffff, v4;
	v62 =	vperm.xlane v40, v5;
	v37 =	vsel vm2, v37, v63;
	v63 =	vperm.xlane v41, v5  }
0x31c: {  	(xrf2) =	vadd.scan.msk.f32 $0xffff, v0;
	v16 =	vsel vm1, v16, v56;
	v53 =	vsel vm1, v53, v61;
	v61 =	vperm.xlane v51, v5  }
0x31d: {  	(erf) = vrcp.f32 v34;
	v56 =	vperm.xlane v45, v5;
	v1, v6, _ =	vpop (xrf1);
	(xrf1) =	vsort.dscd.msk.f32 $0xffff, v30, v44;
	v16 =	vsel vm0, v36, v16  }
0x31e: {  	(xrf2) =	vadd.scan.msk.f32 $0xffff, v20;
	v30, v50, _ =	vpop (xrf1);
	v20 =	vsel vm0, v37, v53;
	vm1 =	vge.f32 v40, v62;
	vm2 =	vge.f32 v51, v61  }
0x31f: {  	v9 =	vld [tilespmem:$0x1FDD0];
	v1 =	vsel vm0, v1, v30;
	v30 =	vperm.xlane v32, v5;
	v6 =	vsel vm0, v6, v50  }
0x320: {  	v40 =	vsel vm1, v40, v62;
	v62 =	vperm.xlane v59, v5;
	v41 =	vsel vm1, v41, v63  }
0x321: {  	v63 =	vperm.xlane v54, v5;
	vm1 =	vge.f32 v45, v56;
	v51 =	vsel vm2, v51, v61  }
0x322: {  	v55 =	vperm.xlane v1, v5;
	v60 =	vperm.xlane v6, v5;
	v45 =	vsel vm1, v45, v56  }
0x323: {  	(xrf1) =	vsort.dscd.msk.f32 $0xffff, v16, v20;
	v48 =	vsel vm1, v59, v62;
	v54 =	vsel vm2, v54, v63;
	v63 =	vimm.s32 $0xF  }
0x324: {  	v44 =	vmovc v23;
	vm1 =	vge.f32 v35, v49;
	vm2 =	vge.f32 v32, v30;
	v23 =	vperm.xlane v9, v63;
	v9 =	vld [tilespmem:$0x1FFB0]  }
0x325: {  	v62 =	vsel vm0, v40, v45;
	v56 =	vsel vm1, v35, v49;
	v59 =	vsel vm1, v58, v52  }
0x326: {  	vm1 =	vge.f32 v1, v55;
	v61 =	vsel vm2, v32, v30;
	v30 =	vsel vm2, v46, v57  }
0x327: {  	v36 =	vsel vm0, v41, v48;
	v26 =	vperm.xlane v26, v63;
	v1 =	vsel vm1, v1, v55  }
0x328: {  	s25 =	simm.s32 $0x100;
	v6 =	vsel vm1, v6, v60;
	v2 =	vsel vm0, v51, v56;
	v4 =	vsel vm0, v54, v59  }
0x329: {  	(xrf1) =	vsort.dscd.msk.f32 $0xffff, v62, v36;
	v15 =	vmul.f32 $9.999999970e-07, v26;
	v26 =	vmov s25;
	v16 =	vor.u32 v9, v19  }
0x32a: {  	v0 =	vsel vm0, v61, v1;
	v6 =	vsel vm0, v30, v6;
	(xrf1) =	vsort.dscd.msk.f32 $0xffff, v2, v4;
	v47 =	vshll.u32 v26, $0x3  }
0x32b: {  	v30 =	vand.u32 $0x78, v26;
	(xrf1) =	vsort.dscd.msk.f32 $0xffff, v0, v6;
	v6 =	vand.u32 $0xC00, v47  }
0x32c: {  	v26 =	vor.u32 v9, v43;
	v6 =	vor.u32 v6, v30  }
0x32d: {  	v6 =	vor.u32 v9, v6  }
0x32e: {  	[tilespmem:v16+s12+$0x0] =	vst.idx.msk $0xff, v29  }
0x32f: {  	s26 =	simm.s32 $0x101;
	(xrf2) =	vadd.scan.msk.f32 $0xffff, v7;
	v11 =	vld [tilespmem:$0x1FDE0]  }
0x330: {  	(xrf2) =	vadd.scan.msk.f32 $0xffff, v39;
	v39 =	vmov s26;
	v51 =	vmul.f32 v22, v33  }
0x331: {  	(erf) = vrcp.f32 v31;
	v1 =	vshll.u32 v39, $0x3;
	[tilespmem:v26+s12+$0x0] =	vst.idx.msk $0xff, v38  }
0x332: {  	v42 =	vand.u32 $0x79, v39;
	v40, _, _ =	vpop (xrf2);
	v1 =	vand.u32 $0xC00, v1;
	[tilespmem:v6+s12+$0x0] =	vst.idx.msk $0xff, v51  }
0x333: {  	v25 =	vperm.xlane v25, v63;
	v49 =	vpop (erf);
	v1 =	vor.u32 v1, v42;
	[tilespmem:v26+s13+$0x0] =	vst.idx.msk $0xff, v28  }
0x334: {  	s28 =	simm.s32 $0x102;
	(xrf2) =	vadd.scan.msk.f32 $0xffff, v44;
	v41, _, _ =	vpop (xrf2);
	v17 =	vmul.f32 $9.999999970e-07, v23;
	v1 =	vor.u32 v9, v1;
	[tilespmem:v16+s13+$0x0] =	vst.idx.msk $0xff, v11  }
0x335: {  	v23 =	vmul.f32 $9.999999970e-07, v25;
	v25 =	vperm.xlane v27, v8;
	v27 =	vmov s28;
	v46, _, _ =	vpop (xrf2);
	v55 =	vld [tilespmem:$0x1FDF0]  }
0x336: {  	v45 =	vand.u32 $0x7A, v27;
	v27 =	vshll.u32 v27, $0x3;
	v29, _, _ =	vpop (xrf2);
	(xrf2) =	vadd.scan.msk.f32 $0xffff, v13  }
0x337: {  	v4 =	vmul.f32 v21, v49;
	v27 =	vand.u32 $0xC00, v27;
	_ =	sdelay $0x1  }
0x338: {  	v22 =	vor.u32 v27, v45;
	[tilespmem:v1+s12+$0x0] =	vst.idx.msk $0xff, v4  }
0x339: {  	s29 =	simm.s32 $0x103;
	v37 =	vimm.s32 $0xF;
	v27 =	vpop (erf);
	v26 =	vor.u32 v9, v22;
	[tilespmem:v6+s13+$0x0] =	vst.idx.msk $0xff, v55  }
0x33a: {  	s30 =	simm.s32 $0x104;
	(erf) = vrcp.f32 v3;
	v58 =	vmov s29;
	v7 =	vperm.xlane v40, v37;
	v30, _, _ =	vpop (xrf2);
	v57 =	vld [tilespmem:$0x1FE00]  }
0x33b: {  	s31 =	simm.s32 $0x105;
	v59 =	vshll.u32 v58, $0x3;
	v60 =	vmov s30;
	v2 =	vperm.xlane v41, v37;
	v16, _, _ =	vpop (xrf2)  }
0x33c: {  	v62 =	vmov s31;
	v61 =	vshll.u32 v60, $0x3;
	v56 =	vmul.f32 v24, v27;
	v50, _, _ =	vpop (xrf2)  }
0x33d: {  	v0 =	vperm.xlane v46, v37;
	v31 =	vmul.f32 $9.999999970e-07, v2;
	v54 =	vadd.f32 v25, v17;
	v53, _, _ =	vpop (xrf2)  }
0x33e: {  	v63 =	vand.u32 $0x7C, v60;
	v29 =	vperm.xlane v29, v37;
	v22, v19, _ =	vpop (xrf1);
	v2 =	vperm.xlane v53, v8;
	[tilespmem:v26+s12+$0x0] =	vst.idx.msk $0xff, v56  }
0x33f: {  	v39 =	vand.u32 $0x7D, v62;
	v34 =	vmul.f32 $9.999999970e-07, v7;
	(erf) = vrcp.f32 v54;
	v42, _, _ =	vpop (xrf2);
	[tilespmem:v1+s13+$0x0] =	vst.idx.msk $0xff, v57  }
0x340: {  	v48 =	vperm.xlane v30, v37;
	v30 =	vmul.f32 $9.999999970e-07, v29;
	v2 =	vadd.f32 v2, v23;
	v23, v18, _ =	vpop (xrf1);
	v3 =	vld [tilespmem:$0x1FE10]  }
0x341: {  	v41 =	vshll.u32 v62, $0x3;
	v16 =	vperm.xlane v16, v37;
	v52 =	vperm.xlane v50, v37;
	v21, v17, _ =	vpop (xrf1)  }
0x342: {  	v29 =	vmul.f32 $9.999999970e-07, v48;
	v11 =	vmul.f32 $9.999999970e-07, v0;
	v0 =	vand.u32 $0xC00, v59;
	v37, v32, _ =	vpop (xrf1)  }
0x343: {  	(xrf2) =	vadd.scan.msk.f32 $0xffff, v22;
	v20 =	vmul.f32 $9.999999970e-07, v16;
	v33 =	vmul.f32 $9.999999970e-07, v52;
	v36, v27, _ =	vpop (xrf1);
	v1 =	vand.u32 $0x7B, v58  }
0x344: {  	s18 =	simm.s32 $0xFFFFFFF8;
	(xrf2) =	vadd.scan.msk.f32 $0xffff, v23;
	(erf) = vrcp.f32 v2;
	v35, v24, _ =	vpop (xrf1);
	v0 =	vor.u32 v0, v1;
	v1 =	vand.u32 $0xC00, v61  }
0x345: {  	s17 =	simm.s32 $0x0;
	s19 =	simm.s32 $0x8;
	s20 =	simm.s32 $0x8A00;
	(xrf2) =	vadd.scan.msk.f32 $0xffff, v21;
	v38 =	vor.u32 v9, v0;
	v40 =	vor.u32 v1, v63;
	[tilespmem:v26+s13+$0x0] =	vst.idx.msk $0xff, v3;
	v26, v25, _ =	vpop (xrf1)  }
.LBB2_4:
0x346: {  	v0 =	vld [tilespmem:s20+$0x180]  }
0x347: {  	v28 =	vld [tilespmem:$0x1FFB0]  }
0x348: {  	v6 =	vld [tilespmem:s20+$0x190]  }
0x349: {  	v54 =	vld [tilespmem:s20+$0x1A0]  }
0x34a: {  	v55 =	vld [tilespmem:s20+$0x1B0]  }
0x34b: {  	v58 =	vld [tilespmem:s20+$0xFFFFFE10]  }
0x34c: {  	v5 =	vimm.s32 $0x7;
	v60 =	vld [tilespmem:$0x1FDA0]  }
0x34d: {  	v63 =	vld [tilespmem:s20+$0xFFFFFE20];
	v3 =	vperm.xlane v42, v5;
	v4 =	vpop (erf)  }
0x34e: {  	v2 =	vand.u32 $0xC00, v41;
	v46 =	vld [tilespmem:s20+$0xFFFFFE80];
	v4 =	vmul.f32 v10, v4;
	v10 =	vmov v37  }
0x34f: {  	v8 =	vmov v36;
	v47 =	vld [tilespmem:s20+$0xFFFFFE90];
	v7 =	vpop (erf);
	[tilespmem:$0x1FD10] =	vst v10;
	(xrf2) =	vadd.scan.msk.f32 $0xffff, v10;
	v10 =	vadd.f32 v3, v15  }
0x350: {  	v45 =	vmov v27;
	v49 =	vld [tilespmem:$0x1FDC0];
	v0 =	vmul.f32 $1.442695020e+00, v0;
	v6 =	vmul.f32 $1.442695020e+00, v6;
	v56, _, _ =	vpop (xrf2)  }
0x351: {  	v52 =	vld [tilespmem:s20+$0xFFFFFEA0];
	v27 =	vmul.f32 $1.442695020e+00, v54;
	v15 =	vpop (erf);
	[tilespmem:v38+s12+$0x0] =	vst.idx.msk $0xff, v4;
	(xrf2) =	vadd.scan.msk.f32 $0xffff, v8;
	(erf) = vrcp.f32 v10  }
0x352: {  	v1 =	vor.u32 v28, v40;
	v48 =	vmul.f32 $1.442695020e+00, v55;
	v51 =	vmul.f32 $1.442695020e+00, v58;
	[tilespmem:v38+s13+$0x0] =	vst.idx.msk $0xff, v60;
	v38 =	vld [tilespmem:s20+$0xFFFFFE30]  }
0x353: {  	v62 =	vmovc v35;
	v2 =	vor.u32 v2, v39;
	v57 =	vmul.f32 v44, v15;
	v44 =	vld [tilespmem:$0x1FDB0];
	(erf) = vpow2.f32 v0  }
0x354: {  	[tilespmem:$0x1FCA0] =	vst v62;
	v62 =	vld [tilespmem:s20+$0xFFFFFF10];
	v2 =	vor.u32 v28, v2;
	v53 =	vmul.f32 $1.442695020e+00, v63;
	(erf) = vpow2.f32 v6  }
0x355: {  	v55 =	vld [tilespmem:s20+$0xFFFFFF00];
	v7 =	vmul.f32 v12, v7;
	(erf) = vpow2.f32 v27  }
0x356: {  	v59 =	vperm.xlane v56, v5;
	v27 =	vld [tilespmem:s20+$0xFFFFFEB0];
	(erf) = vpow2.f32 v48  }
0x357: {  	v61 =	vmov v32;
	v40, _, _ =	vpop (xrf2);
	v5 =	vld [tilespmem:$0x1FFC0];
	[tilespmem:v1+s12+$0x0] =	vst.idx.msk $0xff, v7;
	v54 =	vmul.f32 $1.442695020e+00, v38;
	(erf) = vpow2.f32 v51  }
0x358: {  	v50 =	vmov v24;
	v12 =	vld [tilespmem:$0x1FFE0];
	v24, _, _ =	vpop (xrf2);
	[tilespmem:v1+s13+$0x0] =	vst.idx.msk $0xff, v44;
	v1 =	vmul.f32 $1.442695020e+00, v46;
	(erf) = vpow2.f32 v53  }
0x359: {  	v9 =	vmov v33;
	v56 =	vmul.f32 $1.442695020e+00, v47;
	[tilespmem:v2+s12+$0x0] =	vst.idx.msk $0xff, v57;
	v57 =	vld [tilespmem:s20+$0xFFFFFF20];
	(erf) = vpow2.f32 v54;
	v63, _, _ =	vpop (xrf2)  }
0x35a: {  	[tilespmem:$0x1FDA0] =	vst v61;
	v58 =	vmul.f32 $1.442695020e+00, v52;
	v32 =	vadd.f32 v59, v34;
	v59 =	vld [tilespmem:s20+$0xFFFFFF30];
	v33 =	vpop (erf);
	(erf) = vpow2.f32 v1  }
0x35b: {  	[tilespmem:$0x1FDC0] =	vst v50;
	v10 =	vld [tilespmem:$0x1FFD0];
	v60 =	vmul.f32 $1.442695020e+00, v27;
	v61, _, _ =	vpop (xrf2);
	(erf) = vpow2.f32 v56  }
0x35c: {  	v7 =	vmul.f32 $1.442695020e+00, v55;
	v50 =	vld [tilespmem:s20+$0xFFFFFF90];
	[tilespmem:v2+s13+$0x0] =	vst.idx.msk $0xff, v49;
	v34 =	vpop (erf);
	(erf) = vpow2.f32 v58  }
0x35d: {  	v2 =	vmul.f32 $1.442695020e+00, v62;
	v62 =	vld [tilespmem:s20+$0x80];
	v35 =	vpop (erf);
	(erf) = vpow2.f32 v60  }
0x35e: {  	[tilespmem:$0x1FD00] =	vst v9;
	v9 =	vlaneseq.u32;
	v51 =	vld [tilespmem:s20+$0xFFFFFFA0];
	v53 =	vmul.f32 $1.442695020e+00, v57;
	v38 =	vpop (erf);
	(erf) = vpow2.f32 v7  }
0x35f: {  	v6 =	vmul.f32 $1.442695020e+00, v59;
	v27 =	vld [tilespmem:s20+$0xFFFFFF80];
	(xrf1) =	vsort.dscd.msk.f32 $0xffff, v34, v9;
	v39 =	vpop (erf);
	(erf) = vpow2.f32 v2  }
0x360: {  	s22 =	sadd.s32 $0x10E, s18;
	[tilespmem:$0x1FCF0] =	vst v8;
	v8 =	vimm.s32 $0x7;
	v43 =	vld [tilespmem:s20+$0x0];
	(xrf1) =	vsort.ascd.msk.f32 $0xffff, v35, v5;
	v36 =	vpop (erf);
	(erf) = vpow2.f32 v53  }
0x361: {  	v52 =	vmov s22;
	[tilespmem:$0x1FDB0] =	vst v45;
	v46 =	vperm.xlane v40, v8;
	v54 =	vld [tilespmem:s20+$0xFFFFFFB0];
	v45 =	vpop (erf);
	(erf) = vpow2.f32 v6  }
0x362: {  	v55 =	vand.u32 $0x7E, v52;
	v24 =	vperm.xlane v24, v8;
	v57 =	vmul.f32 $1.442695020e+00, v50;
	v58 =	vld [tilespmem:s20+$0x20];
	(xrf1) =	vsort.dscd.msk.f32 $0xffff, v38, v10;
	v7 =	vpop (erf)  }
0x363: {  	v59 =	vld [tilespmem:s20+$0x30];
	v31 =	vadd.f32 v46, v31;
	v41 =	vmul.f32 $1.442695020e+00, v62;
	v3 =	vperm.xlane v63, v8;
	v47 =	vpop (erf)  }
0x364: {  	v1 =	vshll.u32 v52, $0x3;
	v4 =	vmul.f32 $1.442695020e+00, v51;
	v56 =	vmul.f32 $1.442695020e+00, v27;
	(xrf1) =	vsort.ascd.msk.f32 $0xffff, v39, v12;
	v49 =	vpop (erf)  }
0x365: {  	v1 =	vand.u32 $0xC00, v1;
	v43 =	vmul.f32 $1.442695020e+00, v43;
	v0 =	vperm.xlane v61, v8;
	v27 =	vld [tilespmem:s20+$0x10];
	v51 =	vpop (erf)  }
0x366: {  	v1 =	vor.u32 v1, v55;
	v3 =	vadd.f32 v3, v30;
	v53 =	vpop (erf);
	(erf) = vpow2.f32 v56  }
0x367: {  	v48 =	vld [tilespmem:s20+$0x90];
	v40 =	vor.u32 v28, v1;
	v1 =	vmul.f32 $1.442695020e+00, v54;
	v44 =	vmul.f32 $1.442695020e+00, v58;
	v55 =	vpop (erf)  }
0x368: {  	v0 =	vadd.f32 v0, v29;
	(xrf1) =	vsort.ascd.msk.f32 $0xffff, v36, v5;
	v6 =	vmul.f32 $1.442695020e+00, v59;
	(erf) = vpow2.f32 v57;
	v56 =	vpop (erf)  }
0x369: {  	v42 =	vld [tilespmem:s20+$0x110];
	v63 =	vadd.f32 v49, v47;
	v61 =	vadd.f32 v53, v51;
	(erf) = vpow2.f32 v4;
	v57 =	vpop (erf)  }
0x36a: {  	v50 =	vld [tilespmem:s20+$0xA0];
	v60 =	vadd.f32 v24, v11;
	v27 =	vmul.f32 $1.442695020e+00, v27;
	(erf) = vpow2.f32 v1;
	v46 =	vpop (erf)  }
0x36b: {  	[tilespmem:$0x1FD70] =	vst v0;
	v0 =	vld [tilespmem:$0x1FFF0];
	v30 =	vadd.f32 v61, v63;
	(erf) = vpow2.f32 v43;
	v63 =	vadd.f32 v46, v57  }
0x36c: {  	v4 =	vmul.f32 $1.442695020e+00, v48;
	v48 =	vld [tilespmem:s20+$0x120];
	v62 =	vadd.f32 v56, v55;
	(erf) = vpow2.f32 v27  }
0x36d: {  	v52 =	vld [tilespmem:s20+$0xB0];
	(xrf1) =	vsort.dscd.msk.f32 $0xffff, v45, v10;
	v37 =	vadd.f32 v7, v45;
	v45, v58, _ =	vpop (xrf1);
	(erf) = vpow2.f32 v44  }
0x36e: {  	v54 =	vld [tilespmem:s20+$0x100];
	[tilespmem:$0x1FCC0] =	vst v60;
	(xrf1) =	vsort.ascd.msk.f32 $0xffff, v7, v12;
	v60, v61, _ =	vpop (xrf1);
	(erf) = vpow2.f32 v6  }
0x36f: {  	(xrf1) =	vsort.dscd.msk.f32 $0xffff, v47, v9;
	(erf) = vpow2.f32 v41;
	v41 =	vpop (erf)  }
0x370: {  	v8 =	vmul.f32 $1.442695020e+00, v42;
	v43 =	vld [tilespmem:s20+$0xFFFFFE00];
	v29 =	vadd.f32 v63, v62;
	v7 =	vsel vm0, v45, v60;
	v62, v63, _ =	vpop (xrf1);
	(xrf1) =	vsort.ascd.msk.f32 $0xffff, v49, v5  }
0x371: {  	v42 =	vmul.f32 $1.442695020e+00, v48;
	v60 =	vperm.xlane v7, v0;
	v48 =	vpop (erf)  }
0x372: {  	v52 =	vmul.f32 $1.442695020e+00, v52;
	v1 =	vmul.f32 $1.442695020e+00, v50;
	v59, v50, _ =	vpop (xrf1)  }
0x373: {  	[tilespmem:$0x1FD60] =	vst v3;
	v54 =	vmul.f32 $1.442695020e+00, v54;
	v44 =	vsel vm0, v58, v61;
	v58 =	vpop (erf);
	v3 =	vsel vm0, v62, v59  }
0x374: {  	v61 =	vperm.xlane v44, v0;
	v6 =	vsel vm0, v63, v50;
	v47 =	vpop (erf);
	v11 =	vperm.xlane v3, v0  }
0x375: {  	v43 =	vmul.f32 $1.442695020e+00, v43;
	vm1 =	vge.f32 v7, v60;
	v62 =	vperm.xlane v6, v0;
	v45 =	vpop (erf)  }
0x376: {  	v16 =	vsel vm1, v7, v60;
	v44 =	vsel vm1, v44, v61;
	v59, v60, _ =	vpop (xrf1);
	vm2 =	vge.f32 v3, v11  }
0x377: {  	(erf) = vpow2.f32 v43;
	v7 =	vpop (erf);
	v3 =	vsel vm2, v3, v11;
	v6 =	vsel vm2, v6, v62  }
0x378: {  	v49 =	vpop (erf);
	(erf) = vpow2.f32 v4;
	v3 =	vsel vm0, v16, v3;
	v6 =	vsel vm0, v44, v6  }
0x379: {  	v2 =	vld [tilespmem:s20+$0x130];
	v4 =	vpop (erf);
	(erf) = vpow2.f32 v1;
	(xrf1) =	vsort.dscd.msk.f32 $0xffff, v3, v6  }
0x37a: {  	v63 =	vadd.f32 v47, v58;
	v43 =	vpop (erf);
	(erf) = vpow2.f32 v52  }
0x37b: {  	v27 =	vmul.f32 v13, v33;
	(erf) = vpow2.f32 v54;
	v61, v54, _ =	vpop (xrf1)  }
0x37c: {  	v11 =	vadd.f32 v48, v41;
	(xrf1) =	vsort.dscd.msk.f32 $0xffff, v51, v10;
	(erf) = vpow2.f32 v8;
	v8, v62, _ =	vpop (xrf1)  }
0x37d: {  	[tilespmem:v40+s12+$0x0] =	vst.idx.msk $0xff, v27;
	(xrf1) =	vsort.ascd.msk.f32 $0xffff, v53, v12;
	v3, v6, _ =	vpop (xrf1)  }
0x37e: {  	v2 =	vmul.f32 $1.442695020e+00, v2;
	v33 =	vadd.f32 v63, v11;
	v8 =	vsel vm0, v61, v8;
	(xrf1) =	vsort.dscd.msk.f32 $0xffff, v55, v9;
	v63, v50, _ =	vpop (xrf1)  }
0x37f: {  	v1 =	vsel vm0, v54, v62;
	(erf) = vpow2.f32 v42;
	(xrf1) =	vsort.ascd.msk.f32 $0xffff, v56, v5;
	v51 =	vsel vm0, v3, v63  }
0x380: {  	(erf) = vpow2.f32 v2;
	(xrf1) =	vsort.dscd.msk.f32 $0xffff, v57, v10;
	v6 =	vsel vm0, v6, v50;
	v62 =	vperm.xlane v51, v0  }
0x381: {  	v56 =	vadd.f32 v35, v34;
	v61 =	vpop (erf);
	v57 =	vadd.f32 v39, v38;
	v34 =	vperm.xlane v6, v0  }
0x382: {  	v11 =	vmov v25;
	v25 =	vperm.xlane v8, v0;
	v39 =	vpop (erf);
	(xrf1) =	vsort.dscd.msk.f32 $0xffff, v61, v9;
	vm2 =	vge.f32 v51, v62  }
0x383: {  	v42 =	vpop (erf);
	v3 =	vadd.f32 v57, v56;
	(xrf1) =	vsort.ascd.msk.f32 $0xffff, v46, v12;
	v46 =	vsel vm2, v6, v34  }
0x384: {  	v15 =	vimm.s32 $0x7;
	[tilespmem:v40+s13+$0x0] =	vst.idx.msk $0xff, v14;
	v24 =	vadd.f32 v7, v45;
	vm1 =	vge.f32 v8, v25;
	v54 =	vpop (erf)  }
0x385: {  	v13 =	vadd.f32 v4, v49;
	[tilespmem:$0x1FCE0] =	vst v11;
	v11 =	vsel vm1, v8, v25;
	v8 =	vpop (erf);
	(xrf2) =	vadd.scan.msk.f32 $0xffff, v3  }
0x386: {  	v16 =	vmov v26;
	v63 =	vperm.xlane v1, v0;
	[tilespmem:$0x1FC70] =	vst v11;
	(xrf1) =	vsort.dscd.msk.f32 $0xffff, v41, v9;
	v2 =	vpop (erf)  }
0x387: {  	v26 =	vadd.f32 v13, v24;
	v40 =	vadd.f32 v36, v61;
	(xrf1) =	vsort.ascd.msk.f32 $0xffff, v48, v5;
	[tilespmem:$0x1FCB0] =	vst v46;
	v53, v46, _ =	vpop (xrf1)  }
0x388: {  	v11 =	vadd.f32 v39, v43;
	v1 =	vsel vm1, v1, v63;
	v50 =	vadd.f32 v54, v42;
	v55 =	vpop (erf);
	(xrf2) =	vadd.scan.msk.f32 $0xffff, v53  }
0x389: {  	[tilespmem:$0x1FC80] =	vst v1;
	v1 =	vadd.f32 v37, v40;
	v35 =	vsel vm2, v51, v62;
	v3 =	vpop (erf);
	(xrf1) =	vsort.dscd.msk.f32 $0xffff, v58, v10  }
0x38a: {  	s18 =	smov.u32 s17;
	v27 =	vimm.s32 $0xF;
	v37 =	vadd.f32 v2, v8;
	v34 =	vadd.f32 v50, v11;
	v52, v56, _ =	vpop (xrf1);
	(xrf1) =	vsort.ascd.msk.f32 $0xffff, v47, v12  }
0x38b: {  	s24 =	sadd.s32 $0x108, s18;
	[tilespmem:$0x1FC90] =	vst v35;
	(erf) = vrcp.f32 v32;
	v6 =	vadd.f32 v3, v55;
	v58, v57, _ =	vpop (xrf1);
	(xrf1) =	vsort.dscd.msk.f32 $0xffff, v45, v9  }
0x38c: {  	s26 =	sadd.s32 $0x10A, s18;
	v44 =	vsel vm0, v52, v58;
	v45 =	vsel vm0, v56, v57;
	v32, v38, _ =	vpop (xrf1);
	(xrf1) =	vsort.ascd.msk.f32 $0xffff, v7, v5;
	v56 =	vmov s24  }
0x38d: {  	v57 =	vmov s26;
	v47 =	vperm.xlane v44, v0;
	v48 =	vperm.xlane v45, v0;
	v62, v61, _ =	vpop (xrf1);
	(xrf1) =	vsort.dscd.msk.f32 $0xffff, v49, v10  }
0x38e: {  	s25 =	sadd.s32 $0x109, s18;
	v11 =	vand.u32 $0x78, v56;
	v49 =	vsel vm0, v32, v62;
	v50 =	vsel vm0, v38, v61;
	v7, v41, _ =	vpop (xrf1);
	(xrf1) =	vsort.ascd.msk.f32 $0xffff, v4, v12  }
0x38f: {  	v4 =	vmov s25;
	v63, _, _ =	vpop (xrf2);
	v51 =	vperm.xlane v49, v0;
	v52 =	vperm.xlane v50, v0;
	(xrf1) =	vsort.dscd.msk.f32 $0xffff, v43, v9  }
0x390: {  	[tilespmem:$0x1FCD0] =	vst v11;
	vm1 =	vge.f32 v44, v47;
	v43 =	vadd.f32 v6, v37;
	v6, v37, _ =	vpop (xrf1);
	v35 =	vperm.xlane v63, v27  }
0x391: {  	v13 =	vand.u32 $0x79, v4;
	(xrf1) =	vsort.ascd.msk.f32 $0xffff, v39, v5;
	v6 =	vsel vm0, v6, v59;
	v38, v40, _ =	vpop (xrf1);
	v60 =	vsel vm0, v37, v60  }
0x392: {  	[tilespmem:$0x1FD20] =	vst v13;
	v44 =	vsel vm1, v44, v47;
	v45 =	vsel vm1, v45, v48;
	v61 =	vperm.xlane v6, v0;
	v63, _, _ =	vpop (xrf2)  }
0x393: {  	(xrf1) =	vsort.dscd.msk.f32 $0xffff, v42, v10;
	v7 =	vsel vm0, v7, v38;
	v13 =	vmul.f32 $9.999999970e-07, v35;
	v32 =	vperm.xlane v63, v15  }
0x394: {  	v11 =	vpop (erf);
	v58 =	vsel vm0, v41, v40;
	v41 =	vshll.u32 v56, $0x3;
	vm5 =	vge.f32 v49, v51;
	(xrf1) =	vsort.ascd.msk.f32 $0xffff, v54, v12  }
0x395: {  	[tilespmem:$0x1FD40] =	vst v11;
	v54 =	vperm.xlane v60, v0;
	v59 =	vperm.xlane v7, v0;
	v11 =	vadd.f32 v32, v13  }
0x396: {  	v42 =	vshll.u32 v4, $0x3;
	v24 =	vperm.xlane v58, v0;
	vm4 =	vge.f32 v6, v61;
	v62, v63, _ =	vpop (xrf1);
	(xrf1) =	vsort.dscd.msk.f32 $0xffff, v8, v9  }
0x397: {  	vm2 =	vge.f32 v7, v59;
	v8 =	vand.u32 $0x7A, v57;
	v35, v9, _ =	vpop (xrf1);
	(xrf1) =	vsort.ascd.msk.f32 $0xffff, v2, v5;
	(erf) = vrcp.f32 v11  }
0x398: {  	v54 =	vsel vm4, v60, v54;
	v60 =	vsel vm5, v50, v52;
	v24 =	vsel vm2, v58, v24  }
0x399: {  	s21 =	smov.u32 s19;
	v6 =	vsel vm4, v6, v61;
	v7 =	vsel vm2, v7, v59;
	v24 =	vsel vm0, v60, v24;
	v37, v36, _ =	vpop (xrf1)  }
0x39a: {  	s17 =	smov.u32 s21;
	[tilespmem:$0x1FD50] =	vst v8;
	v2 =	vsel vm0, v62, v35;
	v9 =	vsel vm0, v63, v9;
	(xrf1) =	vsort.dscd.msk.f32 $0xffff, v55, v10;
	v8, v38, _ =	vpop (xrf1)  }
0x39b: {  	s28 =	sadd.s32 $0x10F, s17;
	v35 =	vmov v23;
	v4 =	vperm.xlane v2, v0;
	(xrf1) =	vsort.ascd.msk.f32 $0xffff, v3, v12;
	v3 =	vperm.xlane v9, v0;
	v56, v62, _ =	vpop (xrf1)  }
0x39c: {  	v11 =	vmov s28;
	v8 =	vsel vm0, v37, v8;
	v55 =	vsel vm0, v36, v38;
	v12, v13, _ =	vpop (xrf1)  }
0x39d: {  	v25 =	vshll.u32 v11, $0x3;
	v11 =	vand.u32 $0x7F, v11;
	v38 =	vmov v19;
	v39, v14, _ =	vpop (xrf1)  }
0x39e: {  	[tilespmem:$0x1FD30] =	vst v16;
	v36 =	vmov v22;
	v40 =	vand.u32 $0xC00, v25;
	v12 =	vsel vm0, v56, v12;
	v56, v16, _ =	vpop (xrf1)  }
0x39f: {  	vm3 =	vge.f32 v2, v4;
	v11 =	vor.u32 v40, v11;
	v14 =	vsel vm0, v14, v16;
	v16, v5, _ =	vpop (xrf1)  }
0x3a0: {  	v63 =	vperm.xlane v8, v0;
	v10 =	vperm.xlane v55, v0;
	v11 =	vor.u32 v28, v11;
	v22 =	vpop (erf)  }
0x3a1: {  	(xrf2) =	vadd.scan.msk.f32 $0xffff, v1;
	v1 =	vsel vm0, v39, v56;
	v39 =	vmov v18;
	v18, v19, _ =	vpop (xrf1);
	v22 =	vmul.f32 v53, v22  }
0x3a2: {  	(xrf2) =	vadd.scan.msk.f32 $0xffff, v30;
	v13 =	vsel vm0, v62, v13;
	v16 =	vsel vm0, v16, v18;
	v18 =	vsel vm0, v5, v19;
	v19, v30, _ =	vpop (xrf1)  }
0x3a3: {  	v2 =	vsel vm3, v2, v4;
	v3 =	vsel vm3, v9, v3;
	v15 =	vperm.xlane v12, v0;
	v32, v23, _ =	vpop (xrf1)  }
0x3a4: {  	(xrf2) =	vadd.scan.msk.f32 $0xffff, v29;
	vm7 =	vge.f32 v8, v63;
	v56 =	vperm.xlane v16, v0;
	v23 =	vsel vm0, v30, v23;
	v29, v30, _ =	vpop (xrf1)  }
0x3a5: {  	v37 =	vmov v21;
	vm9 =	vge.f32 v12, v15;
	v21 =	vperm.xlane v18, v0;
	[tilespmem:v11+s12+$0x0] =	vst.idx.msk $0xff, v22;
	v22, v5, _ =	vpop (xrf1)  }
0x3a6: {  	v9 =	vsel vm9, v12, v15;
	vm8 =	vge.f32 v16, v56;
	v22 =	vsel vm0, v29, v22  }
0x3a7: {  	v15 =	vsel vm8, v18, v21;
	v21 =	vld [tilespmem:$0x1FC70];
	v5 =	vsel vm0, v30, v5;
	v30 =	vperm.xlane v22, v0  }
0x3a8: {  	v62 =	vperm.xlane v13, v0;
	v52 =	vsel vm7, v8, v63;
	v8 =	vsel vm7, v55, v10  }
0x3a9: {  	v40 =	vmov v17;
	v19 =	vsel vm0, v19, v32;
	[tilespmem:v11+s13+$0x0] =	vst.idx.msk $0xff, v46;
	v11, v29, _ =	vpop (xrf1);
	vm11 =	vge.f32 v22, v30  }
0x3aa: {  	(xrf2) =	vadd.scan.msk.f32 $0xffff, v33;
	v17 =	vperm.xlane v1, v0;
	v53 =	vperm.xlane v19, v0;
	v33, v46, _ =	vpop (xrf1);
	v18 =	vsel vm11, v22, v30;
	v22 =	vld [tilespmem:$0x1FC90]  }
0x3ab: {  	v32 =	vmov v20;
	v20 =	vperm.xlane v23, v0;
	v11 =	vsel vm0, v11, v33;
	v33, _, _ =	vpop (xrf2);
	(xrf2) =	vadd.scan.msk.f32 $0xffff, v26  }
0x3ac: {  	v25 =	vperm.xlane v14, v0;
	vm10 =	vge.f32 v19, v53;
	v6 =	vsel vm0, v6, v21;
	v21 =	vld [tilespmem:$0x1FC80];
	v48, _, _ =	vpop (xrf2);
	(xrf2) =	vadd.scan.msk.f32 $0xffff, v34  }
0x3ad: {  	v2 =	vsel vm0, v2, v52;
	v3 =	vsel vm0, v3, v8;
	v58 =	vsel vm10, v23, v20;
	v23 =	vld [tilespmem:$0x1FCB0]  }
0x3ae: {  	v10 =	vsel vm9, v13, v62;
	vm6 =	vge.f32 v1, v17;
	(erf) = vrcp.f32 v31  }
0x3af: {  	v1 =	vsel vm6, v1, v17;
	v13 =	vsel vm6, v14, v25;
	v22 =	vsel vm0, v22, v44;
	v44 =	vld [tilespmem:$0x1FCA0]  }
0x3b0: {  	v1 =	vsel vm0, v9, v1;
	v14 =	vsel vm8, v16, v56;
	v17 =	vsel vm10, v19, v53  }
0x3b1: {  	v8 =	vsel vm0, v10, v13;
	v9 =	vsel vm0, v14, v17;
	v12, _, _ =	vpop (xrf2);
	(xrf2) =	vadd.scan.msk.f32 $0xffff, v43;
	v21 =	vsel vm0, v54, v21  }
0x3b2: {  	v60 =	vld [tilespmem:$0x1FCC0];
	v29 =	vsel vm0, v29, v46;
	v23 =	vsel vm0, v23, v45;
	(xrf1) =	vsort.dscd.msk.f32 $0xffff, v6, v21  }
0x3b3: {  	v26 =	vsel vm5, v49, v51;
	v46 =	vperm.xlane v11, v0;
	(xrf1) =	vsort.dscd.msk.f32 $0xffff, v22, v23  }
0x3b4: {  	v31 =	vperm.xlane v5, v0;
	v61 =	vperm.xlane v29, v0;
	v7 =	vsel vm0, v26, v7;
	v20, _, _ =	vpop (xrf2);
	(xrf2) =	vadd.scan.msk.f32 $0xffff, v44  }
0x3b5: {  	v0 =	vsel vm0, v15, v58;
	vm1 =	vge.f32 v11, v46;
	(xrf1) =	vsort.dscd.msk.f32 $0xffff, v7, v24;
	v59, _, _ =	vpop (xrf2)  }
0x3b6: {  	v57 =	vshll.u32 v57, $0x3;
	v5 =	vsel vm11, v5, v31;
	v11 =	vsel vm1, v11, v46;
	(xrf1) =	vsort.dscd.msk.f32 $0xffff, v2, v3;
	v13, _, _ =	vpop (xrf2)  }
0x3b7: {  	v16 =	vpop (erf);
	(erf) = vrcp.f32 v60;
	v45 =	vld [tilespmem:$0x1FD20];
	v19 =	vsel vm1, v29, v61;
	(xrf1) =	vsort.dscd.msk.f32 $0xffff, v1, v8;
	v13 =	vperm.xlane v13, v27  }
0x3b8: {  	v62 =	vand.u32 $0xC00, v42;
	v42 =	vld [tilespmem:$0x1FCD0];
	v10 =	vsel vm0, v18, v11;
	v5 =	vsel vm0, v5, v19;
	(xrf1) =	vsort.dscd.msk.f32 $0xffff, v9, v0  }
0x3b9: {  	s29 =	sadd.s32 $0x10B, s18;
	v63 =	vand.u32 $0xC00, v57;
	(xrf1) =	vsort.dscd.msk.f32 $0xffff, v10, v5;
	v47 =	vmul.f32 $9.999999970e-07, v13;
	v13 =	vld [tilespmem:$0x1FD30]  }
0x3ba: {  	s30 =	sadd.s32 $0x10C, s18;
	v52 =	vimm.s32 $0x7;
	v14 =	vand.u32 $0xC00, v41;
	v51 =	vld [tilespmem:$0x1FD50];
	v58 =	vmov s29  }
0x3bb: {  	v56 =	vld [tilespmem:$0x1FD60];
	v60 =	vmov s30;
	v53 =	vmul.f32 v35, v16;
	v61 =	vperm.xlane v33, v27  }
0x3bc: {  	v12 =	vperm.xlane v12, v27;
	v15 =	vperm.xlane v20, v27;
	v46 =	vor.u32 v62, v45  }
0x3bd: {  	v50 =	vld [tilespmem:$0x1FD40];
	v11 =	vperm.xlane v48, v27;
	v34 =	vmul.f32 $9.999999970e-07, v61;
	v48 =	vor.u32 v28, v46;
	v41, _, _ =	vpop (xrf2)  }
0x3be: {  	v57 =	vld [tilespmem:$0x1FD70];
	v30 =	vmul.f32 $9.999999970e-07, v15;
	v61 =	vshll.u32 v60, $0x3;
	v3 =	vor.u32 v14, v42;
	v49, _, _ =	vpop (xrf2);
	(xrf2) =	vadd.scan.msk.f32 $0xffff, v13  }
0x3bf: {  	v31 =	vmul.f32 $9.999999970e-07, v11;
	v2 =	vor.u32 v63, v51;
	v43 =	vor.u32 v28, v3  }
0x3c0: {  	s31 =	sadd.s32 $0x10D, s18;
	v11 =	vmul.f32 $9.999999970e-07, v12;
	v54 =	vpop (erf);
	(erf) = vrcp.f32 v56;
	v2 =	vor.u32 v28, v2  }
0x3c1: {  	v62 =	vmov s31;
	v4 =	vperm.xlane v59, v27;
	v55 =	vmul.f32 v37, v54;
	v22, v19, _ =	vpop (xrf1)  }
0x3c2: {  	s19 =	sadd.s32 $0x8, s19;
	v63 =	vand.u32 $0x7C, v60;
	[tilespmem:v48+s12+$0x0] =	vst.idx.msk $0xff, v53;
	v5 =	vmul.f32 v36, v50;
	v23, v18, _ =	vpop (xrf1);
	v3 =	vperm.xlane v49, v52  }
0x3c3: {  	p0 =	slt.u32 s19, $0xF8;
	(erf) = vrcp.f32 v57;
	v59 =	vshll.u32 v58, $0x3;
	v1 =	vperm.xlane v41, v27;
	[tilespmem:v48+s13+$0x0] =	vst.idx.msk $0xff, v39;
	v21, v17, _ =	vpop (xrf1)  }
.Ltmp1:
0x3c4: {  	v0 =	vand.u32 $0x7B, v58;
	v29 =	vmul.f32 $9.999999970e-07, v4;
	[tilespmem:v43+s12+$0x0] =	vst.idx.msk $0xff, v5;
	v3 =	vadd.f32 v3, v32;
	v37, v32, _ =	vpop (xrf1);
	(pc) =	sbr.rel @p0 .LBB2_4-.Ltmp1, $4  }
0x3c5: {  	v15 =	vld [tilespmem:$0x1FD00];
	v39 =	vand.u32 $0x7D, v62;
	v41 =	vshll.u32 v62, $0x3;
	v33 =	vmul.f32 $9.999999970e-07, v1;
	[tilespmem:v2+s12+$0x0] =	vst.idx.msk $0xff, v55;
	v36, v27, _ =	vpop (xrf1)  }
0x3c6: {  	v12 =	vld [tilespmem:$0x1FCF0];
	v1 =	vand.u32 $0xC00, v59;
	v20 =	vmov v47;
	[tilespmem:v43+s13+$0x0] =	vst.idx.msk $0xff, v38;
	(xrf2) =	vadd.scan.msk.f32 $0xffff, v22;
	v35, v24, _ =	vpop (xrf1)  }
0x3c7: {  	v14 =	vld [tilespmem:$0x1FCE0];
	v0 =	vor.u32 v1, v0;
	v1 =	vand.u32 $0xC00, v61;
	[tilespmem:v2+s13+$0x0] =	vst.idx.msk $0xff, v40;
	(xrf2) =	vadd.scan.msk.f32 $0xffff, v23;
	v26, v25, _ =	vpop (xrf1)  }
0x3c8: {  	s20 =	sadd.s32 $0x400, s20;
	v10 =	vld [tilespmem:$0x1FD10];
	v38 =	vor.u32 v28, v0;
	v40 =	vor.u32 v1, v63;
	(xrf2) =	vadd.scan.msk.f32 $0xffff, v21;
	(erf) = vrcp.f32 v3;
	v42, _, _ =	vpop (xrf2)  }
0x3c9: {  	_ =	sdelay $0x1  }
0x3ca: {  	(xrf2) =	vadd.scan.msk.f32 $0xffff, v37;
	v0 =	vimm.s32 $0x7  }
0x3cb: {  	v0 =	vperm.xlane v42, v0;
	(xrf2) =	vadd.scan.msk.f32 $0xffff, v36;
	_ =	sdelay $0x1  }
0x3cc: {  	v1 =	vpop (erf);
	v0 =	vadd.f32 v0, v15  }
0x3cd: {  	v2 =	vpop (erf)  }
0x3ce: {  	v16 =	vld [tilespmem:$0x1FFB0];
	v4 =	vand.u32 $0xC00, v41;
	s18 =	sadd.s32 $0x10E, s18;
	(erf) = vrcp.f32 v0;
	v3, _, _ =	vpop (xrf2)  }
0x3cf: {  	v4 =	vor.u32 v4, v39;
	v7 =	vmov s18;
	v39 =	vimm.s32 $0x7;
	v5, _, _ =	vpop (xrf2)  }
0x3d0: {  	v9 =	vand.u32 $0x7E, v7;
	v7 =	vshll.u32 v7, $0x3;
	v15 =	vimm.s32 $0x7;
	(xrf2) =	vadd.scan.msk.f32 $0xffff, v35  }
0x3d1: {  	v7 =	vand.u32 $0xC00, v7;
	v1 =	vmul.f32 v10, v1;
	v3 =	vperm.xlane v3, v15  }
0x3d2: {  	v2 =	vmul.f32 v12, v2;
	v42 =	vor.u32 v7, v9;
	v5 =	vperm.xlane v5, v15;
	v6, _, _ =	vpop (xrf2)  }
0x3d3: {  	s29 =	sadd.s32 $0x10A, s17;
	v63 =	vor.u32 v16, v40;
	v3 =	vadd.f32 v3, v34;
	v8, _, _ =	vpop (xrf2);
	v6 =	vperm.xlane v6, v15;
	(xrf2) =	vadd.scan.msk.f32 $0xffff, v26  }
0x3d4: {  	v12 =	vmov s29;
	[tilespmem:v38+s12+$0x0] =	vst.idx.msk $0xff, v1;
	v5 =	vadd.f32 v5, v31;
	v10, _, _ =	vpop (xrf2);
	v8 =	vperm.xlane v8, v15  }
0x3d5: {  	(erf) = vrcp.f32 v3;
	v10 =	vperm.xlane v10, v15;
	v6 =	vadd.f32 v6, v11;
	v15 =	vld [tilespmem:$0x1FDA0]  }
0x3d6: {  	v4 =	vor.u32 v16, v4;
	v45 =	vand.u32 $0x7A, v12;
	v34 =	vpop (erf);
	(erf) = vrcp.f32 v5  }
0x3d7: {  	s19 =	sadd.s32 $0x109, s17;
	v12 =	vshll.u32 v12, $0x3;
	v3 =	vmul.f32 v44, v34;
	(erf) = vrcp.f32 v6  }
0x3d8: {  	v11 =	vmov s19;
	v5 =	vor.u32 v16, v42;
	v8 =	vadd.f32 v8, v30  }
0x3d9: {  	s28 =	sadd.s32 $0x108, s17;
	[tilespmem:v63+s12+$0x0] =	vst.idx.msk $0xff, v2;
	v44 =	vand.u32 $0x79, v11;
	v11 =	vshll.u32 v11, $0x3;
	v43 =	vpop (erf);
	v9 =	vadd.f32 v10, v29  }
0x3da: {  	v10 =	vmov s28;
	v46 =	vand.u32 $0xC00, v11;
	v11 =	vand.u32 $0xC00, v12;
	[tilespmem:v38+s13+$0x0] =	vst.idx.msk $0xff, v15;
	v12, _, _ =	vpop (xrf2)  }
0x3db: {  	v7 =	vmul.f32 v13, v43;
	v13 =	vand.u32 $0x78, v10;
	v47 =	vperm.xlane v12, v39;
	v12 =	vld [tilespmem:$0x1FDB0]  }
0x3dc: {  	v10 =	vshll.u32 v10, $0x3;
	v1 =	vor.u32 v46, v44;
	(erf) = vrcp.f32 v8  }
0x3dd: {  	v6 =	vor.u32 v11, v45;
	v10 =	vand.u32 $0xC00, v10;
	v1 =	vor.u32 v16, v1;
	v8, _, _ =	vpop (xrf2)  }
0x3de: {  	s30 =	sadd.s32 $0x10B, s17;
	v50 =	vor.u32 v16, v6;
	v10 =	vor.u32 v10, v13;
	v13 =	vpop (erf)  }
0x3df: {  	v49 =	vmov s30;
	v10 =	vor.u32 v16, v10;
	[tilespmem:v4+s12+$0x0] =	vst.idx.msk $0xff, v3;
	v8 =	vperm.xlane v8, v39;
	v48 =	vpop (erf)  }
0x3e0: {  	s31 =	sadd.s32 $0x10C, s17;
	(erf) = vrcp.f32 v9;
	v2 =	vadd.f32 v47, v20;
	v0 =	vmul.f32 v23, v48;
	v52 =	vpop (erf);
	[tilespmem:v63+s13+$0x0] =	vst.idx.msk $0xff, v12  }
0x3e1: {  	v55 =	vmov s31;
	v51 =	vshll.u32 v49, $0x3;
	v54 =	vmul.f32 v21, v52;
	v9 =	vld [tilespmem:$0x1FDC0];
	[tilespmem:v5+s12+$0x0] =	vst.idx.msk $0xff, v7  }
0x3e2: {  	v56 =	vshll.u32 v55, $0x3;
	v53 =	vadd.f32 v8, v33;
	(erf) = vrcp.f32 v2;
	[tilespmem:v1+s12+$0x0] =	vst.idx.msk $0xff, v0  }
0x3e3: {  	v3 =	vand.u32 $0x7B, v49;
	v2 =	vand.u32 $0xC00, v51;
	v12 =	vmul.f32 v22, v13;
	[tilespmem:v50+s12+$0x0] =	vst.idx.msk $0xff, v54  }
0x3e4: {  	s19 =	sadd.s32 $0x10D, s17;
	v6 =	vand.u32 $0x7C, v55;
	v2 =	vor.u32 v2, v3;
	(erf) = vrcp.f32 v53;
	[tilespmem:v5+s13+$0x0] =	vst.idx.msk $0xff, v14  }
0x3e5: {  	s20 =	sadd.s32 $0x10E, s17;
	v8 =	vmov s19;
	v3 =	vand.u32 $0xC00, v56;
	v2 =	vor.u32 v16, v2;
	[tilespmem:v10+s12+$0x0] =	vst.idx.msk $0xff, v12  }
0x3e6: {  	v62 =	vmov s20;
	v59 =	vshll.u32 v8, $0x3;
	v57 =	vor.u32 v3, v6;
	[tilespmem:v1+s13+$0x0] =	vst.idx.msk $0xff, v18  }
0x3e7: {  	v58 =	vand.u32 $0x7D, v8;
	v61 =	vpop (erf);
	v60 =	vand.u32 $0xC00, v59;
	v0 =	vor.u32 v16, v57;
	[tilespmem:v50+s13+$0x0] =	vst.idx.msk $0xff, v17  }
0x3e8: {  	v33 =	vshll.u32 v62, $0x3;
	v63 =	vmul.f32 v37, v61;
	v1 =	vor.u32 v60, v58;
	[tilespmem:v10+s13+$0x0] =	vst.idx.msk $0xff, v19  }
0x3e9: {  	v34 =	vpop (erf);
	v37 =	vand.u32 $0x7E, v62;
	v3 =	vand.u32 $0xC00, v33;
	v1 =	vor.u32 v16, v1;
	[tilespmem:v4+s13+$0x0] =	vst.idx.msk $0xff, v9  }
0x3ea: {  	v3 =	vor.u32 v3, v37;
	v4 =	vmul.f32 v36, v34;
	[tilespmem:v2+s12+$0x0] =	vst.idx.msk $0xff, v63  }
0x3eb: {  	v40 =	vor.u32 v16, v3;
	[tilespmem:v2+s13+$0x0] =	vst.idx.msk $0xff, v32;
	v38 =	vpop (erf)  }
0x3ec: {  	[tilespmem:v0+s12+$0x0] =	vst.idx.msk $0xff, v4;
	v41 =	vmul.f32 v35, v38  }
0x3ed: {  	[tilespmem:v0+s13+$0x0] =	vst.idx.msk $0xff, v27;
	v42 =	vpop (erf)  }
0x3ee: {  	v0 =	vmul.f32 v26, v42;
	[tilespmem:v1+s12+$0x0] =	vst.idx.msk $0xff, v41  }
0x3ef: {  	[tilespmem:v1+s13+$0x0] =	vst.idx.msk $0xff, v24  }
0x3f0: {  	[tilespmem:v40+s12+$0x0] =	vst.idx.msk $0xff, v0  }
0x3f1: {  	[tilespmem:v40+s13+$0x0] =	vst.idx.msk $0xff, v25  }
0x3f2: {  	_ =	swait.ge [sflag:s10], $0x8000  }
0x3f3: {  	[sflag:s10] =	ssyncset.done $0x0  }
0x3f4: {  	s21 =	simm.s32 $0x200;
	[sflag:s10] =	ssyncadd.s32 $0xFFFF8000  }
0x3f5: {  	[tilespmem:s11], [sflag:$0x2] =	stream.linear.gather [hbm4b:s6+s2], $0x8000, $0x38;
	[tilespmem:$0x14000] =	vst v63  }
0x3f6: {  	v43 =	vld [tilespmem:s21+$0x180]  }
0x3f7: {  	v44 =	vld [tilespmem:s21+$0x190]  }
0x3f8: {  	v45 =	vld [tilespmem:s21+$0x1A0]  }
0x3f9: {  	v46 =	vld [tilespmem:s21+$0x1B0]  }
0x3fa: {  	v38 =	vld [tilespmem:$0x1FFC0]  }
0x3fb: {  	v36 =	vld [tilespmem:$0x1FFD0];
	v0 =	vmul.f32 $1.442695020e+00, v43  }
0x3fc: {  	v47 =	vld [tilespmem:s21+$0xFFFFFE10];
	v1 =	vmul.f32 $1.442695020e+00, v44  }
0x3fd: {  	v48 =	vld [tilespmem:s21+$0xFFFFFE20];
	v2 =	vmul.f32 $1.442695020e+00, v45;
	(erf) = vpow2.f32 v0  }
0x3fe: {  	v49 =	vld [tilespmem:s21+$0xFFFFFE30];
	v3 =	vmul.f32 $1.442695020e+00, v46;
	(erf) = vpow2.f32 v1  }
0x3ff: {  	v50 =	vld [tilespmem:s21+$0xFFFFFE80];
	(erf) = vpow2.f32 v2  }
0x400: {  	v51 =	vld [tilespmem:s21+$0xFFFFFE90];
	(erf) = vpow2.f32 v3  }
0x401: {  	v53 =	vld [tilespmem:s21+$0xFFFFFEA0];
	v52 =	vmul.f32 $1.442695020e+00, v47  }
0x402: {  	v54 =	vld [tilespmem:s21+$0xFFFFFEB0];
	v5 =	vmul.f32 $1.442695020e+00, v48  }
0x403: {  	v55 =	vld [tilespmem:s21+$0xFFFFFF00];
	v0 =	vmul.f32 $1.442695020e+00, v49;
	(erf) = vpow2.f32 v52  }
0x404: {  	v56 =	vld [tilespmem:s21+$0xFFFFFF10];
	v1 =	vmul.f32 $1.442695020e+00, v50;
	(erf) = vpow2.f32 v5  }
0x405: {  	v35 =	vld [tilespmem:$0x1FFE0];
	v2 =	vmul.f32 $1.442695020e+00, v51;
	(erf) = vpow2.f32 v0  }
0x406: {  	v59 =	vlaneseq.u32;
	v57 =	vmul.f32 $1.442695020e+00, v53;
	(erf) = vpow2.f32 v1;
	v9 =	vpop (erf)  }
0x407: {  	v60 =	vld [tilespmem:s21+$0xFFFFFF20];
	v58 =	vmul.f32 $1.442695020e+00, v54;
	(erf) = vpow2.f32 v2;
	v10 =	vpop (erf);
	(xrf1) =	vsort.dscd.msk.f32 $0xffff, v9, v59  }
0x408: {  	v63 =	vld [tilespmem:s21+$0xFFFFFF30];
	v61 =	vmul.f32 $1.442695020e+00, v55;
	(erf) = vpow2.f32 v57;
	v62 =	vpop (erf);
	(xrf1) =	vsort.ascd.msk.f32 $0xffff, v10, v38  }
0x409: {  	v16 =	vld [tilespmem:s21+$0x30];
	v3 =	vmul.f32 $1.442695020e+00, v56;
	(erf) = vpow2.f32 v58;
	v40 =	vpop (erf);
	(xrf1) =	vsort.dscd.msk.f32 $0xffff, v62, v36  }
0x40a: {  	v44 =	vld [tilespmem:s21+$0xFFFFFF80];
	(erf) = vpow2.f32 v61;
	(xrf1) =	vsort.ascd.msk.f32 $0xffff, v40, v35  }
0x40b: {  	v45 =	vld [tilespmem:s21+$0xFFFFFF90];
	(erf) = vpow2.f32 v3  }
0x40c: {  	v46 =	vld [tilespmem:s21+$0xFFFFFFA0];
	v12 =	vpop (erf)  }
0x40d: {  	v47 =	vld [tilespmem:s21+$0xFFFFFFB0];
	v2 =	vmul.f32 $1.442695020e+00, v60;
	v8 =	vpop (erf)  }
0x40e: {  	v11 =	vld [tilespmem:s21+$0x0];
	v16 =	vmul.f32 $1.442695020e+00, v16;
	v5 =	vmul.f32 $1.442695020e+00, v63;
	v13 =	vpop (erf)  }
0x40f: {  	v14 =	vld [tilespmem:s21+$0x10];
	v6 =	vmul.f32 $1.442695020e+00, v44;
	(erf) = vpow2.f32 v2;
	v48 =	vpop (erf)  }
0x410: {  	v15 =	vld [tilespmem:s21+$0x20];
	v4 =	vmul.f32 $1.442695020e+00, v45;
	(erf) = vpow2.f32 v5;
	v49 =	vpop (erf)  }
0x411: {  	v3 =	vmul.f32 $1.442695020e+00, v46;
	(erf) = vpow2.f32 v6;
	v17 =	vpop (erf)  }
0x412: {  	v51 =	vld [tilespmem:s21+$0x80];
	v50 =	vmul.f32 $1.442695020e+00, v47;
	(erf) = vpow2.f32 v4;
	v18 =	vpop (erf)  }
0x413: {  	v52 =	vmul.f32 $1.442695020e+00, v11;
	(erf) = vpow2.f32 v3;
	v11 =	vpop (erf)  }
0x414: {  	v53 =	vmul.f32 $1.442695020e+00, v14;
	(erf) = vpow2.f32 v50;
	v14 =	vpop (erf)  }
0x415: {  	v29 =	vld [tilespmem:$0x1FFF0];
	v54 =	vmul.f32 $1.442695020e+00, v15;
	(erf) = vpow2.f32 v52;
	v55, v15, _ =	vpop (xrf1)  }
0x416: {  	(xrf1) =	vsort.ascd.msk.f32 $0xffff, v12, v38;
	(erf) = vpow2.f32 v53;
	v56, v19, _ =	vpop (xrf1)  }
0x417: {  	v7 =	vmul.f32 $1.442695020e+00, v51;
	(xrf1) =	vsort.dscd.msk.f32 $0xffff, v8, v36;
	(erf) = vpow2.f32 v54;
	v57, v21, _ =	vpop (xrf1)  }
0x418: {  	v37 =	vlaneseq.u32;
	v20 =	vld [tilespmem:s21+$0xFFFFFE00];
	(xrf1) =	vsort.ascd.msk.f32 $0xffff, v13, v35;
	(erf) = vpow2.f32 v16;
	v58, v16, _ =	vpop (xrf1)  }
0x419: {  	(xrf1) =	vsort.dscd.msk.f32 $0xffff, v48, v37;
	v22 =	vpop (erf);
	(erf) = vpow2.f32 v7;
	v4 =	vsel vm0, v57, v58  }
0x41a: {  	v27 =	vld [tilespmem:s21+$0xB0];
	v3 =	vsel vm0, v55, v56;
	v15 =	vsel vm0, v15, v19;
	v19 =	vperm.xlane v4, v29  }
0x41b: {  	v60 =	vld [tilespmem:s21+$0x90];
	v23 =	vpop (erf);
	v59 =	vperm.xlane v3, v29;
	v25 =	vperm.xlane v15, v29;
	v16 =	vsel vm0, v21, v16  }
0x41c: {  	(xrf1) =	vsort.ascd.msk.f32 $0xffff, v49, v38;
	v24 =	vpop (erf);
	v21 =	vld [tilespmem:s21+$0xA0];
	v26 =	vperm.xlane v16, v29;
	vm2 =	vge.f32 v4, v19  }
0x41d: {  	v20 =	vmul.f32 $1.442695020e+00, v20;
	v28 =	vpop (erf);
	vm1 =	vge.f32 v3, v59;
	v4 =	vsel vm2, v4, v19;
	v19 =	vld [tilespmem:s21+$0x100]  }
0x41e: {  	v61 =	vpop (erf);
	v3 =	vsel vm1, v3, v59;
	v15 =	vsel vm1, v15, v25;
	v16 =	vsel vm2, v16, v26  }
0x41f: {  	v25 =	vpop (erf);
	v3 =	vsel vm0, v3, v4;
	v41 =	vsel vm0, v15, v16  }
0x420: {  	v0 =	vadd.f32 v40, v62;
	v6 =	vmul.f32 $1.442695020e+00, v60;
	(erf) = vpow2.f32 v20;
	v15 =	vld [tilespmem:s21+$0x110];
	v26 =	vpop (erf);
	(xrf1) =	vsort.dscd.msk.f32 $0xffff, v3, v41  }
0x421: {  	v42 =	vld [tilespmem:s21+$0x120];
	v46 =	vadd.f32 v13, v8;
	v20 =	vmul.f32 $1.442695020e+00, v27;
	v43 =	vmul.f32 $1.442695020e+00, v21;
	v21 =	vpop (erf)  }
0x422: {  	v2 =	vadd.f32 v49, v48;
	(erf) = vpow2.f32 v6;
	v16 =	vld [tilespmem:s21+$0x130];
	v27 =	vpop (erf);
	v13 =	vmul.f32 $1.442695020e+00, v19  }
0x423: {  	v44 =	vadd.f32 v18, v17;
	v52 =	vadd.f32 v10, v9;
	(erf) = vpow2.f32 v43;
	v45 =	vpop (erf)  }
0x424: {  	v19 =	vpop (erf);
	(erf) = vpow2.f32 v20  }
0x425: {  	v8 =	vadd.f32 v44, v2;
	v0 =	vadd.f32 v0, v52;
	v49, v48, _ =	vpop (xrf1);
	(xrf1) =	vsort.dscd.msk.f32 $0xffff, v17, v36;
	v47 =	vmul.f32 $1.442695020e+00, v15  }
0x426: {  	v53 =	vadd.f32 v25, v61;
	v3 =	vmul.f32 $1.442695020e+00, v42;
	(erf) = vpow2.f32 v13;
	v13, v17, _ =	vpop (xrf1);
	(xrf1) =	vsort.ascd.msk.f32 $0xffff, v18, v35  }
0x427: {  	v20 =	vadd.f32 v14, v11;
	v16 =	vmul.f32 $1.442695020e+00, v16;
	(erf) = vpow2.f32 v47;
	v50, v30, _ =	vpop (xrf1);
	(xrf1) =	vsort.dscd.msk.f32 $0xffff, v11, v37  }
0x428: {  	v15 =	vadd.f32 v23, v22;
	v18 =	vadd.f32 v28, v24;
	(erf) = vpow2.f32 v3;
	v31, v51, _ =	vpop (xrf1);
	(xrf1) =	vsort.ascd.msk.f32 $0xffff, v14, v38  }
0x429: {  	v9 =	vadd.f32 v21, v26;
	(erf) = vpow2.f32 v16;
	v16 =	vadd.f32 v45, v27;
	v14 =	vpop (erf);
	(xrf1) =	vsort.dscd.msk.f32 $0xffff, v22, v36  }
0x42a: {  	(xrf2) =	vadd.scan.msk.f32 $0xffff, v0;
	v11 =	vadd.f32 v15, v20;
	v10 =	vadd.f32 v53, v18;
	v2 =	vsel vm0, v13, v50;
	v22, v54, _ =	vpop (xrf1)  }
0x42b: {  	v62 =	vsel vm0, v17, v30;
	v55 =	vpop (erf);
	v9 =	vadd.f32 v16, v9;
	(xrf1) =	vsort.dscd.msk.f32 $0xffff, v14, v37  }
0x42c: {  	v63 =	vperm.xlane v2, v29;
	v15 =	vperm.xlane v62, v29;
	v18 =	vpop (erf);
	(xrf1) =	vsort.ascd.msk.f32 $0xffff, v23, v35  }
0x42d: {  	v42 =	vadd.f32 v12, v14;
	v17 =	vsel vm0, v31, v22;
	v22 =	vpop (erf);
	(xrf1) =	vsort.dscd.msk.f32 $0xffff, v24, v37  }
0x42e: {  	v12 =	vadd.f32 v55, v19;
	v23 =	vsel vm0, v51, v54;
	(xrf1) =	vsort.ascd.msk.f32 $0xffff, v28, v38;
	v20, v13, _ =	vpop (xrf1)  }
0x42f: {  	vm1 =	vge.f32 v2, v63;
	v24 =	vperm.xlane v17, v29;
	v14 =	vadd.f32 v22, v18;
	v30 =	vpop (erf);
	(xrf2) =	vadd.scan.msk.f32 $0xffff, v20  }
0x430: {  	v3 =	vadd.f32 v46, v42;
	v28 =	vperm.xlane v23, v29;
	v40 =	vpop (erf);
	(xrf1) =	vsort.dscd.msk.f32 $0xffff, v61, v36  }
0x431: {  	vm2 =	vge.f32 v17, v24;
	v59 =	vadd.f32 v14, v12;
	v41 =	vpop (erf);
	(xrf1) =	vsort.ascd.msk.f32 $0xffff, v25, v35  }
0x432: {  	v60 =	vsel vm2, v17, v24;
	v7 =	vsel vm2, v23, v28;
	v23 =	vpop (erf);
	(xrf1) =	vsort.dscd.msk.f32 $0xffff, v26, v37  }
0x433: {  	v43 =	vadd.f32 v40, v30;
	v24, v25, _ =	vpop (xrf1);
	(xrf1) =	vsort.ascd.msk.f32 $0xffff, v21, v38;
	v14 =	vadd.f32 v23, v41  }
0x434: {  	v58 =	vsel vm1, v2, v63;
	v15 =	vsel vm1, v62, v15;
	[tilespmem:$0x1FC30] =	vst v13;
	v21, v26, _ =	vpop (xrf1);
	(xrf1) =	vsort.dscd.msk.f32 $0xffff, v27, v36  }
0x435: {  	v13 =	vlaneseq.u32;
	v14 =	vadd.f32 v14, v43;
	v27, v28, _ =	vpop (xrf1);
	(xrf1) =	vsort.ascd.msk.f32 $0xffff, v45, v35;
	v6 =	vsel vm0, v24, v21  }
0x436: {  	v21 =	vsel vm0, v25, v26;
	v24, v25, _ =	vpop (xrf1);
	(xrf1) =	vsort.dscd.msk.f32 $0xffff, v19, v13;
	v19 =	vperm.xlane v6, v29  }
0x437: {  	v26 =	vperm.xlane v21, v29;
	v31, v44, _ =	vpop (xrf1);
	(xrf1) =	vsort.ascd.msk.f32 $0xffff, v55, v38;
	v1 =	vsel vm0, v27, v24  }
0x438: {  	v24 =	vsel vm0, v28, v25;
	v25, _, _ =	vpop (xrf2);
	(xrf1) =	vsort.dscd.msk.f32 $0xffff, v18, v36;
	v18 =	vperm.xlane v1, v29  }
0x439: {  	v27 =	vperm.xlane v24, v29;
	v28, v45, _ =	vpop (xrf1);
	vm1 =	vge.f32 v6, v19;
	(xrf1) =	vsort.ascd.msk.f32 $0xffff, v22, v35  }
0x43a: {  	v46, v22, _ =	vpop (xrf1);
	v5 =	vsel vm0, v28, v49;
	v0 =	vsel vm0, v45, v48;
	v6 =	vsel vm1, v6, v19  }
0x43b: {  	v28, _, _ =	vpop (xrf2);
	v21 =	vsel vm1, v21, v26;
	(xrf1) =	vsort.dscd.msk.f32 $0xffff, v30, v13;
	v13 =	vimm.s32 $0xF;
	v16 =	vperm.xlane v5, v29  }
0x43c: {  	v2 =	vsel vm0, v31, v46;
	v48 =	vperm.xlane v28, v39;
	v22 =	vsel vm0, v44, v22  }
0x43d: {  	v32 =	vperm.xlane v0, v29;
	vm4 =	vge.f32 v1, v18;
	v6 =	vsel vm0, v60, v6  }
0x43e: {  	v12 =	vmov v35;
	v30, v47, _ =	vpop (xrf1);
	v7 =	vsel vm0, v7, v21;
	v25 =	vperm.xlane v25, v13;
	(xrf1) =	vsort.ascd.msk.f32 $0xffff, v40, v38  }
0x43f: {  	v17 =	vmov v36;
	v28, v31, _ =	vpop (xrf1);
	v1 =	vsel vm4, v1, v18;
	v24 =	vsel vm4, v24, v27;
	(xrf1) =	vsort.dscd.msk.f32 $0xffff, v41, v36  }
0x440: {  	v36 =	vperm.xlane v22, v29;
	v28 =	vsel vm0, v30, v28;
	vm8 =	vge.f32 v5, v16;
	v13 =	vmovc v38  }
0x441: {  	(xrf1) =	vsort.ascd.msk.f32 $0xffff, v23, v35;
	v25 =	vmul.f32 $9.999999970e-07, v25;
	v5 =	vsel vm8, v5, v16;
	v0 =	vsel vm8, v0, v32  }
0x442: {  	v23, v49, _ =	vpop (xrf1);
	v35 =	vperm.xlane v2, v29;
	v5 =	vsel vm0, v5, v58;
	v0 =	vsel vm0, v0, v15  }
0x443: {  	v30, v50, _ =	vpop (xrf1);
	v4 =	vadd.f32 v48, v25;
	v25 =	vsel vm0, v47, v31;
	v31 =	vperm.xlane v28, v29  }
0x444: {  	v52, v51, _ =	vpop (xrf1);
	v23 =	vsel vm0, v23, v30;
	v34 =	vsel vm0, v49, v50;
	v41 =	vperm.xlane v25, v29  }
0x445: {  	vm2 =	vge.f32 v2, v35;
	v54, v53, _ =	vpop (xrf1);
	v37 =	vperm.xlane v23, v29;
	v44 =	vperm.xlane v34, v29  }
0x446: {  	v2 =	vsel vm2, v2, v35;
	vm3 =	vge.f32 v28, v31;
	v33 =	vsel vm0, v52, v54;
	v30, v55, _ =	vpop (xrf1)  }
0x447: {  	(xrf2) =	vadd.scan.msk.f32 $0xffff, v3;
	v38 =	vsel vm0, v51, v53;
	v40 =	vperm.xlane v33, v29;
	vm9 =	vge.f32 v23, v37;
	v56, v43, _ =	vpop (xrf1)  }
0x448: {  	(xrf2) =	vadd.scan.msk.f32 $0xffff, v8;
	v42 =	vperm.xlane v38, v29;
	v8 =	vsel vm3, v28, v31;
	v23 =	vsel vm9, v23, v37;
	v45, v46, _ =	vpop (xrf1)  }
0x449: {  	(xrf2) =	vadd.scan.msk.f32 $0xffff, v11;
	v11 =	vsel vm9, v34, v44;
	v34 =	vsel vm0, v1, v2;
	v30 =	vsel vm0, v30, v56;
	v57, v47, _ =	vpop (xrf1)  }
0x44a: {  	v39 =	vsel vm0, v55, v43;
	vm7 =	vge.f32 v33, v40;
	v48 =	vperm.xlane v30, v29;
	v62, v50, _ =	vpop (xrf1)  }
0x44b: {  	v49 =	vperm.xlane v39, v29;
	(xrf1) =	vsort.dscd.msk.f32 $0xffff, v5, v0;
	v43 =	vsel vm0, v45, v57;
	v51, v52, _ =	vpop (xrf1)  }
0x44c: {  	v44 =	vsel vm7, v38, v42;
	v46 =	vsel vm0, v46, v47;
	v47 =	vperm.xlane v43, v29;
	v54, v55, _ =	vpop (xrf1)  }
0x44d: {  	v53 =	vperm.xlane v46, v29;
	vm6 =	vge.f32 v30, v48;
	v45 =	vsel vm0, v62, v51;
	v63, v62, _ =	vpop (xrf1)  }
0x44e: {  	v50 =	vsel vm0, v50, v52;
	(xrf1) =	vsort.dscd.msk.f32 $0xffff, v6, v7;
	v48 =	vsel vm6, v30, v48  }
0x44f: {  	vm5 =	vge.f32 v43, v47;
	v56 =	vperm.xlane v45, v29;
	v51 =	vsel vm0, v54, v63;
	v54, v63, _ =	vpop (xrf1)  }
0x450: {  	v16 =	vperm.xlane v50, v29;
	v52 =	vsel vm0, v55, v62;
	v58 =	vsel vm5, v43, v47;
	v62, v57, _ =	vpop (xrf1)  }
0x451: {  	v60 =	vsel vm5, v46, v53;
	v55 =	vsel vm0, v63, v57;
	v63 =	vsel vm2, v22, v36  }
0x452: {  	vm14 =	vge.f32 v45, v56;
	v22 =	vsel vm3, v25, v41;
	v35 =	vsel vm0, v24, v63  }
0x453: {  	v36 =	vsel vm0, v8, v23;
	v37 =	vsel vm0, v22, v11;
	(xrf1) =	vsort.dscd.msk.f32 $0xffff, v34, v35  }
0x454: {  	v32 =	vsel vm0, v54, v62;
	v54 =	vperm.xlane v51, v29;
	(xrf1) =	vsort.dscd.msk.f32 $0xffff, v36, v37  }
0x455: {  	(xrf2) =	vadd.scan.msk.f32 $0xffff, v10;
	v41 =	vsel vm7, v33, v40;
	v57 =	vsel vm6, v39, v49;
	v26 =	vperm.xlane v32, v29  }
0x456: {  	v62 =	vsel vm14, v45, v56;
	v63 =	vsel vm14, v50, v16;
	v0 =	vsel vm0, v41, v48  }
0x457: {  	s22 =	simm.s32 $0x600;
	(xrf2) =	vadd.scan.msk.f32 $0xffff, v9;
	v1 =	vsel vm0, v44, v57;
	v33 =	vsel vm0, v60, v63;
	vm15 =	vge.f32 v32, v26  }
0x458: {  	v36 =	vld [tilespmem:s22+$0x180];
	v10 =	vsel vm15, v32, v26;
	v32 =	vsel vm0, v58, v62;
	(xrf1) =	vsort.dscd.msk.f32 $0xffff, v0, v1  }
0x459: {  	v19 =	vperm.xlane v52, v29;
	v18 =	vperm.xlane v55, v29;
	(xrf1) =	vsort.dscd.msk.f32 $0xffff, v32, v33  }
0x45a: {  	vm1 =	vge.f32 v51, v54  }
0x45b: {  	v30, _, _ =	vpop (xrf2);
	v8 =	vsel vm1, v51, v54;
	v9 =	vsel vm1, v52, v19;
	v11 =	vsel vm15, v55, v18  }
0x45c: {  	(erf) = vrcp.f32 v4;
	v31, _, _ =	vpop (xrf2);
	v34 =	vsel vm0, v8, v10;
	v35 =	vsel vm0, v9, v11  }
0x45d: {  	v28, _, _ =	vpop (xrf2);
	(xrf1) =	vsort.dscd.msk.f32 $0xffff, v34, v35;
	v0 =	vmul.f32 $1.442695020e+00, v36  }
0x45e: {  	v22, v37, _ =	vpop (xrf1)  }
0x45f: {  	v32, _, _ =	vpop (xrf2);
	(erf) = vpow2.f32 v0  }
0x460: {  	[tilespmem:$0x1FC40] =	vst v37;
	v21, v38, _ =	vpop (xrf1)  }
0x461: {  	v1 =	vld [tilespmem:s22+$0x190];
	[tilespmem:$0x1FC50] =	vst v38;
	v24, v39, _ =	vpop (xrf1)  }
0x462: {  	v2 =	vld [tilespmem:s22+$0x1A0];
	[tilespmem:$0x1FC60] =	vst v39;
	v10, v40, _ =	vpop (xrf1)  }
0x463: {  	v41, _, _ =	vpop (xrf2);
	v3 =	vld [tilespmem:s22+$0x1B0];
	[tilespmem:$0x1FBE0] =	vst v40  }
0x464: {  	(xrf2) =	vadd.scan.msk.f32 $0xffff, v59;
	v4 =	vld [tilespmem:s22+$0xFFFFFE10];
	[tilespmem:$0x1FC10] =	vst v41  }
0x465: {  	(xrf2) =	vadd.scan.msk.f32 $0xffff, v14;
	v16 =	vpop (erf);
	v5 =	vld [tilespmem:s22+$0xFFFFFE20]  }
0x466: {  	(xrf2) =	vadd.scan.msk.f32 $0xffff, v22;
	v1 =	vmul.f32 $1.442695020e+00, v1;
	v15, v44, _ =	vpop (xrf1);
	v42 =	vld [tilespmem:s22+$0xFFFFFE30]  }
0x467: {  	(xrf2) =	vadd.scan.msk.f32 $0xffff, v21;
	v23, v45, _ =	vpop (xrf1);
	v43 =	vld [tilespmem:s22+$0xFFFFFE80];
	[tilespmem:$0x1FBF0] =	vst v44  }
0x468: {  	v61 =	vlaneseq.u32;
	(erf) = vpow2.f32 v1;
	v2 =	vmul.f32 $1.442695020e+00, v2;
	v41 =	vpop (erf);
	v1 =	vld [tilespmem:s22+$0xFFFFFE90];
	[tilespmem:$0x1FC00] =	vst v45  }
0x469: {  	(xrf1) =	vsort.dscd.msk.f32 $0xffff, v41, v61;
	v47 =	vld [tilespmem:s22+$0xFFFFFEA0];
	v3 =	vmul.f32 $1.442695020e+00, v3  }
0x46a: {  	(erf) = vpow2.f32 v2  }
0x46b: {  	(xrf2) =	vadd.scan.msk.f32 $0xffff, v24;
	v48, v14, _ =	vpop (xrf1);
	v46 =	vmul.f32 $1.442695020e+00, v4;
	(erf) = vpow2.f32 v3  }
0x46c: {  	[tilespmem:$0x1FC20] =	vst v48;
	v49 =	vmul.f32 $1.442695020e+00, v5;
	v6 =	vmul.f32 $1.442695020e+00, v42  }
0x46d: {  	v50 =	vld [tilespmem:s22+$0xFFFFFEB0];
	v0 =	vmul.f32 $1.442695020e+00, v43;
	(erf) = vpow2.f32 v46  }
0x46e: {  	v25, _, _ =	vpop (xrf2);
	v51 =	vld [tilespmem:s22+$0xFFFFFF00];
	(erf) = vpow2.f32 v49;
	v4 =	vmul.f32 $1.442695020e+00, v47  }
0x46f: {  	v26, _, _ =	vpop (xrf2);
	v52 =	vld [tilespmem:s22+$0xFFFFFF10];
	v1 =	vmul.f32 $1.442695020e+00, v1;
	(erf) = vpow2.f32 v6  }
0x470: {  	v37, _, _ =	vpop (xrf2);
	v53 =	vld [tilespmem:s22+$0xFFFFFF20];
	(erf) = vpow2.f32 v0  }
0x471: {  	v36, _, _ =	vpop (xrf2);
	(erf) = vpow2.f32 v1  }
0x472: {  	v59 =	vld [tilespmem:s22+$0xFFFFFFA0];
	v54 =	vmul.f32 $1.442695020e+00, v50;
	(erf) = vpow2.f32 v4;
	v4 =	vpop (erf)  }
0x473: {  	v56 =	vld [tilespmem:s22+$0xFFFFFF30];
	v55 =	vmul.f32 $1.442695020e+00, v51;
	v9 =	vpop (erf);
	(xrf1) =	vsort.ascd.msk.f32 $0xffff, v4, v13  }
0x474: {  	v57 =	vld [tilespmem:s22+$0xFFFFFF80];
	v2 =	vmul.f32 $1.442695020e+00, v52;
	(erf) = vpow2.f32 v54;
	(xrf1) =	vsort.dscd.msk.f32 $0xffff, v9, v17;
	v1 =	vpop (erf)  }
0x475: {  	v62 =	vld [tilespmem:s22+$0x0];
	v34, _, _ =	vpop (xrf2);
	v3 =	vmul.f32 $1.442695020e+00, v53;
	(erf) = vpow2.f32 v55;
	(xrf1) =	vsort.ascd.msk.f32 $0xffff, v1, v12  }
0x476: {  	v58 =	vld [tilespmem:s22+$0xFFFFFF90];
	(erf) = vpow2.f32 v2;
	v33 =	vpop (erf)  }
0x477: {  	v63 =	vld [tilespmem:s22+$0x10];
	(erf) = vpow2.f32 v3;
	v3 =	vmul.f32 $1.442695020e+00, v59;
	v59, v46, _ =	vpop (xrf1)  }
0x478: {  	v60 =	vld [tilespmem:s22+$0xFFFFFFB0];
	v42 =	vpop (erf)  }
0x479: {  	v5 =	vmul.f32 $1.442695020e+00, v56;
	v52 =	vld [tilespmem:s22+$0x20];
	v45 =	vpop (erf)  }
0x47a: {  	v48 =	vld [tilespmem:s22+$0x110];
	v6 =	vmul.f32 $1.442695020e+00, v57;
	v56 =	vmul.f32 $1.442695020e+00, v62;
	v38 =	vpop (erf)  }
0x47b: {  	v50 =	vld [tilespmem:s22+$0xFFFFFE00];
	v2 =	vmul.f32 $1.442695020e+00, v58;
	(erf) = vpow2.f32 v5;
	v39 =	vpop (erf)  }
0x47c: {  	v53 =	vld [tilespmem:s22+$0x30];
	v57 =	vmul.f32 $1.442695020e+00, v63;
	v40 =	vpop (erf);
	(erf) = vpow2.f32 v6  }
0x47d: {  	v54 =	vmul.f32 $1.442695020e+00, v60;
	v55 =	vld [tilespmem:s22+$0x80];
	v43 =	vpop (erf);
	(erf) = vpow2.f32 v2  }
0x47e: {  	v58 =	vmul.f32 $1.442695020e+00, v52;
	v52 =	vld [tilespmem:s22+$0x90];
	(xrf1) =	vsort.ascd.msk.f32 $0xffff, v33, v13;
	v44 =	vpop (erf);
	(erf) = vpow2.f32 v3  }
0x47f: {  	v48 =	vmul.f32 $1.442695020e+00, v48;
	v49 =	vpop (erf);
	(erf) = vpow2.f32 v54  }
0x480: {  	v18 =	vimm.s32 $0xF;
	v50 =	vmul.f32 $1.442695020e+00, v50;
	v47 =	vpop (erf);
	(erf) = vpow2.f32 v56  }
0x481: {  	v0 =	vlaneseq.u32;
	v5 =	vmul.f32 $1.442695020e+00, v53;
	(xrf1) =	vsort.dscd.msk.f32 $0xffff, v42, v17;
	(erf) = vpow2.f32 v57;
	v62, v60, _ =	vpop (xrf1)  }
0x482: {  	v1 =	vadd.f32 v1, v9;
	v7 =	vmul.f32 $1.442695020e+00, v55;
	(xrf1) =	vsort.ascd.msk.f32 $0xffff, v45, v12;
	v6 =	vld [tilespmem:s22+$0xA0];
	(erf) = vpow2.f32 v58;
	v57, v63, _ =	vpop (xrf1)  }
0x483: {  	v52 =	vmul.f32 $1.442695020e+00, v52;
	(erf) = vpow2.f32 v5;
	v2 =	vsel vm0, v59, v62;
	v59, v58, _ =	vpop (xrf1)  }
0x484: {  	(xrf1) =	vsort.dscd.msk.f32 $0xffff, v38, v61;
	v53 =	vpop (erf);
	(erf) = vpow2.f32 v7;
	v7 =	vperm.xlane v2, v29;
	v3 =	vsel vm0, v57, v59  }
0x485: {  	v51 =	vld [tilespmem:s22+$0xB0];
	v46 =	vsel vm0, v46, v60;
	v54 =	vpop (erf);
	v5 =	vsel vm0, v63, v58;
	v60 =	vperm.xlane v3, v29  }
0x486: {  	(xrf2) =	vadd.scan.msk.f32 $0xffff, v10;
	v61 =	vperm.xlane v46, v29;
	v55 =	vpop (erf);
	vm1 =	vge.f32 v2, v7;
	v63 =	vld [tilespmem:s22+$0x100];
	v62 =	vperm.xlane v5, v29  }
0x487: {  	(xrf1) =	vsort.ascd.msk.f32 $0xffff, v39, v13;
	v6 =	vmul.f32 $1.442695020e+00, v6;
	v59 =	vpop (erf);
	v2 =	vsel vm1, v2, v7;
	vm2 =	vge.f32 v3, v60  }
0x488: {  	(xrf2) =	vadd.scan.msk.f32 $0xffff, v15;
	v46 =	vsel vm1, v46, v61;
	v61 =	vld [tilespmem:s22+$0x120];
	v7 =	vpop (erf);
	v3 =	vsel vm2, v3, v60;
	v5 =	vsel vm2, v5, v62  }
0x489: {  	(erf) = vpow2.f32 v50;
	v56 =	vpop (erf);
	v2 =	vsel vm0, v2, v3;
	v60 =	vsel vm0, v46, v5  }
0x48a: {  	s23 =	simm.s32 $0x207;
	v9 =	vimm.s32 $0x7;
	(erf) = vpow2.f32 v52;
	v50 =	vpop (erf);
	v62 =	vmul.f32 $1.442695020e+00, v51;
	(xrf1) =	vsort.dscd.msk.f32 $0xffff, v2, v60;
	v2 =	vld [tilespmem:s22+$0x130]  }
0x48b: {  	(erf) = vpow2.f32 v6;
	v51 =	vpop (erf);
	v63 =	vmul.f32 $1.442695020e+00, v63;
	v3 =	vmov s23  }
0x48c: {  	v37 =	vperm.xlane v37, v9;
	v58, v46, _ =	vpop (xrf1);
	(erf) = vpow2.f32 v62;
	v52 =	vshll.u32 v3, $0x3  }
0x48d: {  	v57 =	vpop (erf);
	v5 =	vmul.f32 $1.442695020e+00, v61;
	v3 =	vand.u32 $0x7F, v3;
	(erf) = vpow2.f32 v63  }
0x48e: {  	v6 =	vpop (erf);
	(xrf1) =	vsort.dscd.msk.f32 $0xffff, v40, v17;
	v52 =	vand.u32 $0x1400, v52;
	v63 =	vperm.xlane v30, v18;
	(erf) = vpow2.f32 v48  }
0x48f: {  	v60, v61, _ =	vpop (xrf1);
	(xrf1) =	vsort.ascd.msk.f32 $0xffff, v43, v12;
	v19 =	vor.u32 v52, v3;
	v3 =	vperm.xlane v31, v18;
	v2 =	vmul.f32 $1.442695020e+00, v2  }
0x490: {  	v48, v62, _ =	vpop (xrf1);
	(xrf1) =	vsort.dscd.msk.f32 $0xffff, v44, v0;
	(erf) = vpow2.f32 v5;
	v31 =	vmul.f32 $9.999999970e-07, v63  }
0x491: {  	v35, _, _ =	vpop (xrf2);
	(xrf1) =	vsort.ascd.msk.f32 $0xffff, v49, v13;
	v48 =	vsel vm0, v60, v48;
	(erf) = vpow2.f32 v2;
	v2 =	vadd.f32 v4, v41  }
0x492: {  	v27, _, _ =	vpop (xrf2);
	v3 =	vmul.f32 $9.999999970e-07, v3;
	(xrf1) =	vsort.dscd.msk.f32 $0xffff, v47, v17;
	v37 =	vadd.f32 v37, v31;
	v31 =	vperm.xlane v36, v9  }
0x493: {  	v52 =	vpop (erf);
	v1 =	vadd.f32 v1, v2;
	v2 =	vperm.xlane v28, v18;
	v28 =	vperm.xlane v32, v18  }
0x494: {  	v5, v30, _ =	vpop (xrf1);
	v36 =	vperm.xlane v34, v9;
	(xrf1) =	vsort.dscd.msk.f32 $0xffff, v52, v0;
	v52 =	vadd.f32 v33, v52  }
0x495: {  	v8 =	vlaneseq.u32;
	v63 =	vpop (erf);
	(xrf1) =	vsort.ascd.msk.f32 $0xffff, v53, v12;
	v34 =	vadd.f32 v31, v3;
	v3 =	vperm.xlane v35, v9  }
0x496: {  	v4, v41, _ =	vpop (xrf1);
	v9 =	vmul.f32 v20, v16;
	v20 =	vadd.f32 v39, v38;
	(xrf2) =	vadd.scan.msk.f32 $0xffff, v1;
	v1 =	vmul.f32 $9.999999970e-07, v2  }
0x497: {  	v39 =	vadd.f32 v53, v47;
	(xrf1) =	vsort.dscd.msk.f32 $0xffff, v54, v8;
	v32 =	vpop (erf);
	v2 =	vadd.f32 v45, v42;
	v45 =	vmul.f32 $9.999999970e-07, v28  }
0x498: {  	v4 =	vsel vm0, v5, v4;
	(xrf1) =	vsort.ascd.msk.f32 $0xffff, v55, v13;
	v31 =	vadd.f32 v36, v1;
	v35, v28, _ =	vpop (xrf1)  }
0x499: {  	v30 =	vsel vm0, v30, v41;
	v0 =	vpop (erf);
	v36 =	vadd.f32 v43, v40;
	v1 =	vadd.f32 v3, v45;
	(xrf2) =	vadd.scan.msk.f32 $0xffff, v35  }
0x49a: {  	(xrf1) =	vsort.dscd.msk.f32 $0xffff, v59, v17;
	v42 =	vpop (erf);
	v3 =	vadd.f32 v49, v44;
	v44 =	vadd.f32 v55, v54  }
0x49b: {  	v38 =	vpop (erf);
	v49 =	vadd.f32 v50, v56;
	v2 =	vadd.f32 v2, v52;
	(xrf1) =	vsort.ascd.msk.f32 $0xffff, v7, v12  }
0x49c: {  	(erf) = vrcp.f32 v37;
	v7 =	vadd.f32 v7, v59;
	v59 =	vadd.f32 v57, v51;
	v45, v47, _ =	vpop (xrf1);
	(xrf1) =	vsort.dscd.msk.f32 $0xffff, v56, v8  }
0x49d: {  	v40 =	vpop (erf);
	v37 =	vadd.f32 v36, v20;
	v36 =	vadd.f32 v39, v3;
	v56 =	vperm.xlane v48, v29  }
0x49e: {  	v54, v55, _ =	vpop (xrf1);
	(xrf1) =	vsort.ascd.msk.f32 $0xffff, v50, v13;
	v3 =	vadd.f32 v7, v44;
	v20 =	vadd.f32 v59, v49  }
0x49f: {  	v49 =	vsel vm0, v61, v62;
	v59 =	vperm.xlane v4, v29;
	v39, v50, _ =	vpop (xrf1);
	(xrf1) =	vsort.dscd.msk.f32 $0xffff, v51, v17  }
0x4a0: {  	v60 =	vperm.xlane v49, v29;
	vm1 =	vge.f32 v48, v56;
	v7, v44, _ =	vpop (xrf1);
	(xrf1) =	vsort.ascd.msk.f32 $0xffff, v57, v12  }
0x4a1: {  	v11 =	vimm.s32 $0xF;
	v45 =	vsel vm0, v45, v54;
	v47 =	vsel vm0, v47, v55;
	(xrf1) =	vsort.dscd.msk.f32 $0xffff, v6, v8;
	v62, _, _ =	vpop (xrf2)  }
0x4a2: {  	v48 =	vsel vm1, v48, v56;
	v51, v53, _ =	vpop (xrf1);
	(xrf1) =	vsort.ascd.msk.f32 $0xffff, v63, v13;
	v5 =	vperm.xlane v62, v11  }
0x4a3: {  	v18 =	vimm.s32 $0x7;
	v49 =	vsel vm1, v49, v60;
	v6 =	vadd.f32 v63, v6;
	(xrf1) =	vsort.dscd.msk.f32 $0xffff, v32, v17;
	v61, _, _ =	vpop (xrf2)  }
0x4a4: {  	v41, v57, _ =	vpop (xrf1);
	(xrf1) =	vsort.ascd.msk.f32 $0xffff, v0, v12;
	v0 =	vadd.f32 v0, v32;
	v5 =	vmul.f32 $9.999999970e-07, v5;
	v56 =	vperm.xlane v61, v18  }
0x4a5: {  	v43 =	vpop (erf);
	vm1 =	vge.f32 v4, v59;
	v7 =	vsel vm0, v39, v7;
	v44 =	vsel vm0, v50, v44  }
0x4a6: {  	v33 =	vpop (erf);
	v0 =	vadd.f32 v0, v6;
	v5 =	vadd.f32 v56, v5;
	v56 =	vperm.xlane v30, v29  }
0x4a7: {  	v6 =	vadd.f32 v43, v40;
	v61, v62, _ =	vpop (xrf1);
	(xrf1) =	vsort.dscd.msk.f32 $0xffff, v42, v8;
	v42 =	vadd.f32 v38, v42  }
0x4a8: {  	(xrf2) =	vadd.scan.msk.f32 $0xffff, v2;
	v4 =	vsel vm1, v4, v59;
	v46 =	vsel vm0, v57, v46;
	v11 =	vimm.s32 $0xF;
	v8 =	vld [tilespmem:$0x1FC10];
	v59, v60, _ =	vpop (xrf1)  }
0x4a9: {  	(xrf2) =	vadd.scan.msk.f32 $0xffff, v37;
	v32, v63, _ =	vpop (xrf1);
	v39 =	vadd.f32 v6, v42;
	v6 =	vsel vm0, v41, v58;
	(erf) = vrcp.f32 v5  }
0x4aa: {  	v26 =	vperm.xlane v26, v11;
	(xrf1) =	vsort.ascd.msk.f32 $0xffff, v38, v13;
	v50 =	vperm.xlane v6, v29;
	v5, v38, _ =	vpop (xrf1)  }
0x4ab: {  	(xrf2) =	vadd.scan.msk.f32 $0xffff, v36;
	v51 =	vsel vm0, v51, v61;
	v53 =	vsel vm0, v53, v62;
	v30 =	vsel vm1, v30, v56;
	v52, v56, _ =	vpop (xrf1)  }
0x4ac: {  	(xrf2) =	vadd.scan.msk.f32 $0xffff, v3;
	v32 =	vsel vm0, v59, v32;
	v59 =	vsel vm0, v60, v63;
	vm1 =	vge.f32 v6, v50;
	v54, v55, _ =	vpop (xrf1)  }
0x4ad: {  	s24 =	simm.s32 $0x20F;
	(xrf2) =	vadd.scan.msk.f32 $0xffff, v20;
	v20 =	vperm.xlane v8, v11;
	v6 =	vsel vm1, v6, v50;
	v50 =	vperm.xlane v45, v29;
	v41, v42, _ =	vpop (xrf1)  }
0x4ae: {  	v5 =	vsel vm0, v5, v52;
	v52 =	vsel vm0, v38, v56;
	v38 =	vmov s24;
	v57, v58, _ =	vpop (xrf1)  }
0x4af: {  	(xrf1) =	vsort.dscd.msk.f32 $0xffff, v40, v17;
	v6 =	vsel vm0, v6, v48;
	v63 =	vshll.u32 v38, $0x3;
	v38 =	vand.u32 $0x7F, v38;
	v60, v61, _ =	vpop (xrf1)  }
0x4b0: {  	(xrf1) =	vsort.ascd.msk.f32 $0xffff, v43, v12;
	v40 =	vsel vm0, v54, v41;
	v41 =	vsel vm0, v55, v42;
	v42 =	vand.u32 $0x1400, v63;
	v56, v62, _ =	vpop (xrf1)  }
0x4b1: {  	v63 =	vperm.xlane v44, v29;
	v58 =	vsel vm0, v58, v61;
	v61 =	vperm.xlane v46, v29;
	v54, v55, _ =	vpop (xrf1)  }
0x4b2: {  	v42 =	vor.u32 v42, v38;
	v43 =	vsel vm0, v57, v60;
	v38 =	vpop (erf);
	v54 =	vsel vm0, v56, v54  }
0x4b3: {  	v57, v60, _ =	vpop (xrf1);
	v55 =	vsel vm0, v62, v55;
	v38 =	vmul.f32 v35, v38;
	v46 =	vsel vm1, v46, v61  }
0x4b4: {  	vm1 =	vge.f32 v45, v50;
	v61 =	vperm.xlane v53, v29;
	v56, v62, _ =	vpop (xrf1);
	v46 =	vsel vm0, v46, v49  }
0x4b5: {  	v35 =	vsel vm0, v57, v56;
	v57 =	vsel vm0, v60, v62;
	v62 =	vperm.xlane v7, v29  }
0x4b6: {  	v45 =	vsel vm1, v45, v50;
	v50 =	vperm.xlane v51, v29;
	v56 =	vperm.xlane v47, v29  }
0x4b7: {  	v48, v60, _ =	vpop (xrf1);
	(xrf1) =	vsort.dscd.msk.f32 $0xffff, v6, v46;
	v4 =	vsel vm0, v4, v45;
	vm2 =	vge.f32 v7, v62  }
0x4b8: {  	v47 =	vsel vm1, v47, v56;
	vm1 =	vge.f32 v51, v50;
	v7 =	vsel vm2, v7, v62  }
0x4b9: {  	v62 =	vperm.xlane v32, v29;
	v44 =	vsel vm2, v44, v63;
	v63 =	vperm.xlane v59, v29  }
0x4ba: {  	v6, v46, _ =	vpop (xrf1);
	v50 =	vsel vm1, v51, v50;
	v51 =	vperm.xlane v5, v29;
	v53 =	vsel vm1, v53, v61  }
0x4bb: {  	v61 =	vperm.xlane v52, v29;
	v30 =	vsel vm0, v30, v47;
	v6 =	vsel vm0, v48, v6  }
0x4bc: {  	v7 =	vsel vm0, v7, v50;
	v44 =	vsel vm0, v44, v53;
	(xrf1) =	vsort.dscd.msk.f32 $0xffff, v4, v30  }
0x4bd: {  	v45 =	vsel vm0, v60, v46;
	v60 =	vperm.xlane v35, v29;
	vm2 =	vge.f32 v32, v62  }
0x4be: {  	vm1 =	vge.f32 v5, v51;
	v50 =	vperm.xlane v6, v29;
	v56 =	vperm.xlane v45, v29  }
0x4bf: {  	v32 =	vsel vm2, v32, v62;
	v62 =	vperm.xlane v40, v29;
	v48 =	vsel vm2, v59, v63  }
0x4c0: {  	v63 =	vperm.xlane v41, v29;
	v5 =	vsel vm1, v5, v51;
	v51 =	vperm.xlane v43, v29  }
0x4c1: {  	v52 =	vsel vm1, v52, v61;
	v61 =	vperm.xlane v54, v29;
	vm1 =	vge.f32 v40, v62  }
0x4c2: {  	(xrf1) =	vsort.dscd.msk.f32 $0xffff, v7, v44;
	v44 =	vmul.f32 $9.999999970e-07, v26;
	v40 =	vsel vm1, v40, v62;
	v62 =	vperm.xlane v58, v29  }
0x4c3: {  	v41 =	vsel vm1, v41, v63;
	v63 =	vperm.xlane v55, v29;
	vm1 =	vge.f32 v43, v51  }
0x4c4: {  	v5 =	vsel vm0, v32, v5;
	vm2 =	vge.f32 v54, v61;
	v43 =	vsel vm1, v43, v51  }
0x4c5: {  	v4, v30, _ =	vpop (xrf1);
	v51 =	vsel vm2, v54, v61;
	v49 =	vsel vm1, v58, v62;
	v54 =	vsel vm2, v55, v63  }
0x4c6: {  	v63 =	vperm.xlane v57, v29;
	vm1 =	vge.f32 v35, v60;
	vm2 =	vge.f32 v6, v50;
	v62, v61, _ =	vpop (xrf1)  }
0x4c7: {  	v4 =	vsel vm0, v4, v62;
	v62 =	vsel vm0, v40, v43;
	v43 =	vmovc v23;
	v23 =	vperm.xlane v25, v11;
	v11 =	vld [tilespmem:$0x1FFB0]  }
0x4c8: {  	v55 =	vsel vm1, v35, v60;
	v59 =	vsel vm2, v6, v50;
	v60 =	vsel vm2, v45, v56  }
0x4c9: {  	v57 =	vsel vm1, v57, v63;
	v53 =	vsel vm0, v30, v61;
	v61 =	vsel vm0, v48, v52  }
0x4ca: {  	v25 =	vsel vm0, v41, v49;
	v30 =	vperm.xlane v4, v29;
	v58 =	vperm.xlane v53, v29  }
0x4cb: {  	s25 =	simm.s32 $0x200;
	v26 =	vsel vm0, v54, v57;
	(xrf1) =	vsort.dscd.msk.f32 $0xffff, v5, v61;
	v16 =	vmul.f32 $9.999999970e-07, v23;
	v23 =	vperm.xlane v27, v18  }
0x4cc: {  	v27 =	vmov s25;
	(xrf1) =	vsort.dscd.msk.f32 $0xffff, v62, v25;
	vm1 =	vge.f32 v4, v30;
	v63 =	vor.u32 v11, v19  }
0x4cd: {  	v4 =	vsel vm1, v4, v30;
	v2 =	vsel vm1, v53, v58;
	v30 =	vsel vm0, v51, v55  }
0x4ce: {  	v48 =	vshll.u32 v27, $0x3;
	v3 =	vsel vm0, v59, v4;
	v2 =	vsel vm0, v60, v2;
	(xrf1) =	vsort.dscd.msk.f32 $0xffff, v30, v26  }
0x4cf: {  	v45 =	vand.u32 $0x78, v27;
	v27 =	vor.u32 v11, v42;
	(xrf1) =	vsort.dscd.msk.f32 $0xffff, v3, v2;
	v3 =	vand.u32 $0x1400, v48  }
0x4d0: {  	(erf) = vrcp.f32 v34;
	v3 =	vor.u32 v3, v45  }
0x4d1: {  	v37 =	vmul.f32 $9.999999970e-07, v20;
	v20 =	vld [tilespmem:$0x1FC20];
	v3 =	vor.u32 v11, v3;
	[tilespmem:v63+s12+$0x0] =	vst.idx.msk $0xff, v9  }
0x4d2: {  	s26 =	simm.s32 $0x201;
	v8 =	vld [tilespmem:$0x1FC30]  }
0x4d3: {  	v40 =	vmov s26  }
0x4d4: {  	v22 =	vmul.f32 v22, v33;
	(xrf2) =	vadd.scan.msk.f32 $0xffff, v0;
	v4 =	vshll.u32 v40, $0x3;
	[tilespmem:v27+s12+$0x0] =	vst.idx.msk $0xff, v38  }
0x4d5: {  	v30 =	vand.u32 $0x79, v40;
	v4 =	vand.u32 $0x1400, v4;
	[tilespmem:v27+s13+$0x0] =	vst.idx.msk $0xff, v28  }
0x4d6: {  	(xrf2) =	vadd.scan.msk.f32 $0xffff, v39;
	(erf) = vrcp.f32 v31;
	v41, _, _ =	vpop (xrf2);
	v4 =	vor.u32 v4, v30;
	[tilespmem:v3+s12+$0x0] =	vst.idx.msk $0xff, v22  }
0x4d7: {  	s28 =	simm.s32 $0x202;
	v13 =	vimm.s32 $0xF;
	(xrf2) =	vadd.scan.msk.f32 $0xffff, v43;
	v26, _, _ =	vpop (xrf2);
	v51 =	vor.u32 v11, v4;
	[tilespmem:v63+s13+$0x0] =	vst.idx.msk $0xff, v8  }
0x4d8: {  	v25 =	vmov s28;
	v26 =	vperm.xlane v26, v13;
	v55 =	vld [tilespmem:$0x1FC40]  }
0x4d9: {  	v46 =	vand.u32 $0x7A, v25;
	v30 =	vpop (erf)  }
0x4da: {  	v25 =	vshll.u32 v25, $0x3;
	v31 =	vmul.f32 $9.999999970e-07, v26;
	v26 =	vmul.f32 v21, v30  }
0x4db: {  	v25 =	vand.u32 $0x1400, v25;
	v47, _, _ =	vpop (xrf2)  }
0x4dc: {  	v25 =	vor.u32 v25, v46;
	v29, _, _ =	vpop (xrf2);
	[tilespmem:v51+s12+$0x0] =	vst.idx.msk $0xff, v26  }
0x4dd: {  	s31 =	simm.s32 $0x205;
	v0 =	vperm.xlane v41, v13;
	v25 =	vor.u32 v11, v25;
	(xrf2) =	vadd.scan.msk.f32 $0xffff, v20;
	v49, _, _ =	vpop (xrf2);
	[tilespmem:v3+s13+$0x0] =	vst.idx.msk $0xff, v55  }
0x4de: {  	v62 =	vmov s31;
	v50, _, _ =	vpop (xrf2);
	v57 =	vld [tilespmem:$0x1FC50]  }
0x4df: {  	s29 =	simm.s32 $0x203;
	v34 =	vmul.f32 $9.999999970e-07, v0;
	v39 =	vand.u32 $0x7D, v62;
	v27 =	vpop (erf)  }
0x4e0: {  	v41 =	vshll.u32 v62, $0x3;
	v58 =	vmov s29;
	v52, _, _ =	vpop (xrf2);
	v56 =	vmul.f32 v24, v27  }
0x4e1: {  	s30 =	simm.s32 $0x204;
	v7 =	vadd.f32 v23, v37;
	v59 =	vshll.u32 v58, $0x3;
	v0 =	vand.u32 $0x7B, v58;
	v54, _, _ =	vpop (xrf2)  }
0x4e2: {  	v60 =	vmov s30;
	v2 =	vperm.xlane v47, v13;
	v29 =	vperm.xlane v29, v13;
	v23, v22, _ =	vpop (xrf1);
	[tilespmem:v25+s12+$0x0] =	vst.idx.msk $0xff, v56  }
0x4e3: {  	v61 =	vshll.u32 v60, $0x3;
	(erf) = vrcp.f32 v1;
	v4 =	vperm.xlane v54, v18;
	v45, v18, _ =	vpop (xrf1);
	[tilespmem:v51+s13+$0x0] =	vst.idx.msk $0xff, v57  }
0x4e4: {  	v1 =	vand.u32 $0x1400, v59;
	v6 =	vperm.xlane v49, v13;
	v12 =	vmul.f32 $9.999999970e-07, v2;
	v21, v17, _ =	vpop (xrf1);
	v3 =	vld [tilespmem:$0x1FC60]  }
0x4e5: {  	v0 =	vor.u32 v1, v0;
	v5 =	vperm.xlane v50, v13;
	v30 =	vmul.f32 $9.999999970e-07, v29;
	v37, v32, _ =	vpop (xrf1)  }
0x4e6: {  	v1 =	vand.u32 $0x1400, v61;
	v53 =	vperm.xlane v52, v13;
	v29 =	vmul.f32 $9.999999970e-07, v6;
	v36, v27, _ =	vpop (xrf1)  }
0x4e7: {  	v38 =	vor.u32 v11, v0;
	v19 =	vmul.f32 $9.999999970e-07, v5;
	v4 =	vadd.f32 v4, v16;
	(xrf2) =	vadd.scan.msk.f32 $0xffff, v23;
	v42, _, _ =	vpop (xrf2)  }
0x4e8: {  	s18 =	simm.s32 $0xFFFFFFF8;
	(erf) = vrcp.f32 v7;
	v33 =	vmul.f32 $9.999999970e-07, v53;
	(xrf2) =	vadd.scan.msk.f32 $0xffff, v45;
	v63 =	vand.u32 $0x7C, v60;
	v35, v24, _ =	vpop (xrf1)  }
0x4e9: {  	s20 =	simm.s32 $0xA00;
	s17 =	simm.s32 $0x0;
	s19 =	simm.s32 $0x8;
	(erf) = vrcp.f32 v4;
	(xrf2) =	vadd.scan.msk.f32 $0xffff, v21;
	v40 =	vor.u32 v1, v63;
	[tilespmem:v25+s13+$0x0] =	vst.idx.msk $0xff, v3;
	v26, v25, _ =	vpop (xrf1)  }
.LBB2_6:
0x4ea: {  	_ =	sdelay $0x6  }
0x4eb: {  	v28 =	vld [tilespmem:$0x1FFB0];
	v8 =	vimm.s32 $0x7;
	v58, _, _ =	vpop (xrf2)  }
0x4ec: {  	v3 =	vperm.xlane v42, v8;
	v61 =	vperm.xlane v58, v8;
	v8 =	vld [tilespmem:$0x1FBE0]  }
0x4ed: {  	v0 =	vld [tilespmem:s20+$0x180];
	v4 =	vpop (erf)  }
0x4ee: {  	v5 =	vld [tilespmem:s20+$0x190];
	v4 =	vmul.f32 v10, v4  }
0x4ef: {  	v7 =	vld [tilespmem:s20+$0x1A0]  }
0x4f0: {  	v57 =	vld [tilespmem:s20+$0x1B0];
	[tilespmem:v38+s12+$0x0] =	vst.idx.msk $0xff, v4  }
0x4f1: {  	v60 =	vld [tilespmem:s20+$0xFFFFFE10];
	v1 =	vor.u32 v28, v40;
	[tilespmem:v38+s13+$0x0] =	vst.idx.msk $0xff, v8;
	v8 =	vmov v32  }
0x4f2: {  	v11 =	vmov v37;
	[tilespmem:$0x1FBE0] =	vst v8;
	v8 =	vld [tilespmem:$0x1FBF0]  }
0x4f3: {  	v63 =	vld [tilespmem:s20+$0xFFFFFE20];
	[tilespmem:$0x1FB70] =	vst v11;
	(xrf2) =	vadd.scan.msk.f32 $0xffff, v11;
	v11 =	vadd.f32 v3, v44;
	v6 =	vpop (erf)  }
0x4f4: {  	v2 =	vand.u32 $0x1400, v41;
	v41 =	vld [tilespmem:s20+$0xFFFFFE80];
	v0 =	vmul.f32 $1.442695020e+00, v0;
	v6 =	vmul.f32 v15, v6  }
0x4f5: {  	[tilespmem:$0x1FBB0] =	vst v45;
	v9 =	vmov v36;
	v47 =	vld [tilespmem:s20+$0xFFFFFEA0];
	v15 =	vpop (erf);
	(erf) = vrcp.f32 v11  }
0x4f6: {  	v5 =	vmul.f32 $1.442695020e+00, v5;
	(xrf2) =	vadd.scan.msk.f32 $0xffff, v9;
	(erf) = vpow2.f32 v0;
	[tilespmem:v1+s12+$0x0] =	vst.idx.msk $0xff, v6;
	v38 =	vld [tilespmem:s20+$0xFFFFFE30]  }
0x4f7: {  	v45 =	vmov v24;
	v24 =	vld [tilespmem:s20+$0xFFFFFEB0];
	v59 =	vmul.f32 v43, v15;
	[tilespmem:v1+s13+$0x0] =	vst.idx.msk $0xff, v8;
	v8 =	vmul.f32 $1.442695020e+00, v7  }
0x4f8: {  	v42 =	vld [tilespmem:s20+$0xFFFFFE90];
	v43 =	vmul.f32 $1.442695020e+00, v57;
	(erf) = vpow2.f32 v5  }
0x4f9: {  	v50 =	vld [tilespmem:s20+$0xFFFFFF00];
	v46 =	vmul.f32 $1.442695020e+00, v60;
	(erf) = vpow2.f32 v8  }
0x4fa: {  	v51 =	vld [tilespmem:s20+$0xFFFFFF10];
	v2 =	vor.u32 v2, v39;
	v8 =	vmul.f32 $1.442695020e+00, v63;
	(erf) = vpow2.f32 v43  }
0x4fb: {  	v53 =	vld [tilespmem:s20+$0xFFFFFF30];
	v2 =	vor.u32 v28, v2;
	v40, _, _ =	vpop (xrf2);
	v49 =	vmul.f32 $1.442695020e+00, v38;
	(erf) = vpow2.f32 v46  }
0x4fc: {  	v39 =	vmov v27;
	v44 =	vld [tilespmem:$0x1FC00];
	v48, _, _ =	vpop (xrf2);
	v1 =	vmul.f32 $1.442695020e+00, v41;
	(erf) = vpow2.f32 v8  }
0x4fd: {  	v27 =	vld [tilespmem:s20+$0xFFFFFF20];
	v10 =	vmov v33;
	v3, _, _ =	vpop (xrf2);
	v8 =	vmul.f32 $1.442695020e+00, v42;
	(erf) = vpow2.f32 v49  }
0x4fe: {  	v52 =	vmul.f32 $1.442695020e+00, v47;
	[tilespmem:$0x1FB20] =	vst v10;
	v10 =	vld [tilespmem:$0x1FFE0];
	v33 =	vpop (erf);
	(erf) = vpow2.f32 v1  }
0x4ff: {  	[tilespmem:$0x1FB60] =	vst v9;
	v54 =	vmul.f32 $1.442695020e+00, v24;
	v32 =	vadd.f32 v61, v34;
	v34 =	vpop (erf);
	(erf) = vpow2.f32 v8;
	v8 =	vld [tilespmem:$0x1FFC0]  }
0x500: {  	v9 =	vld [tilespmem:$0x1FFD0];
	[tilespmem:v2+s12+$0x0] =	vst.idx.msk $0xff, v59;
	v6 =	vmul.f32 $1.442695020e+00, v50;
	v55, _, _ =	vpop (xrf2);
	(erf) = vpow2.f32 v52  }
0x501: {  	v62 =	vmov v35;
	[tilespmem:v2+s13+$0x0] =	vst.idx.msk $0xff, v44;
	v2 =	vmul.f32 $1.442695020e+00, v51;
	v24 =	vld [tilespmem:s20+$0xFFFFFF80];
	v35 =	vpop (erf);
	(erf) = vpow2.f32 v54  }
0x502: {  	v13 =	vlaneseq.u32;
	v27 =	vmul.f32 $1.442695020e+00, v27;
	v58 =	vld [tilespmem:s20+$0xFFFFFFA0];
	(erf) = vpow2.f32 v6;
	v38 =	vpop (erf)  }
0x503: {  	v5 =	vmul.f32 $1.442695020e+00, v53;
	[tilespmem:$0x1FBF0] =	vst v39;
	v57 =	vld [tilespmem:s20+$0xFFFFFF90];
	(xrf1) =	vsort.dscd.msk.f32 $0xffff, v34, v13;
	(erf) = vpow2.f32 v2;
	v39 =	vpop (erf)  }
0x504: {  	s22 =	sadd.s32 $0x20E, s18;
	[tilespmem:$0x1FAE0] =	vst v62;
	v11 =	vimm.s32 $0x7;
	v62 =	vld [tilespmem:s20+$0x0];
	(xrf1) =	vsort.ascd.msk.f32 $0xffff, v35, v8;
	v36 =	vpop (erf);
	(erf) = vpow2.f32 v27  }
0x505: {  	v59 =	vmov s22;
	v3 =	vperm.xlane v3, v11;
	v56 =	vld [tilespmem:s20+$0x20];
	(xrf1) =	vsort.dscd.msk.f32 $0xffff, v38, v9;
	v44 =	vpop (erf);
	(erf) = vpow2.f32 v5  }
0x506: {  	v61 =	vand.u32 $0x7E, v59;
	v63 =	vmul.f32 $1.442695020e+00, v24;
	v24 =	vld [tilespmem:s20+$0x10];
	(xrf1) =	vsort.ascd.msk.f32 $0xffff, v39, v10;
	v6 =	vpop (erf)  }
0x507: {  	v60 =	vld [tilespmem:s20+$0xFFFFFFB0];
	v3 =	vadd.f32 v3, v30;
	v0 =	vperm.xlane v55, v11;
	v4 =	vmul.f32 $1.442695020e+00, v58;
	v46 =	vpop (erf)  }
0x508: {  	v7 =	vperm.xlane v48, v11;
	v1 =	vshll.u32 v59, $0x3;
	v27 =	vmul.f32 $1.442695020e+00, v57;
	v57 =	vld [tilespmem:s20+$0x30];
	v48 =	vpop (erf)  }
0x509: {  	v55 =	vld [tilespmem:s20+$0x110];
	v58 =	vperm.xlane v40, v11;
	v0 =	vadd.f32 v0, v29;
	v1 =	vand.u32 $0x1400, v1;
	v51 =	vpop (erf)  }
0x50a: {  	v42 =	vmul.f32 $1.442695020e+00, v62;
	v43 =	vmul.f32 $1.442695020e+00, v56;
	v1 =	vor.u32 v1, v61;
	v53 =	vpop (erf)  }
0x50b: {  	v47 =	vld [tilespmem:s20+$0x90];
	v49 =	vmul.f32 $1.442695020e+00, v24;
	v61 =	vadd.f32 v7, v12;
	v40 =	vor.u32 v28, v1;
	v54 =	vpop (erf)  }
0x50c: {  	v59 =	vld [tilespmem:s20+$0x80];
	v1 =	vmul.f32 $1.442695020e+00, v60;
	v60 =	vadd.f32 v48, v46;
	(erf) = vpow2.f32 v63;
	v56 =	vpop (erf)  }
0x50d: {  	[tilespmem:$0x1FC00] =	vst v45;
	v5 =	vmul.f32 $1.442695020e+00, v57;
	v63 =	vld [tilespmem:s20+$0x100];
	v62 =	vadd.f32 v53, v51;
	(erf) = vpow2.f32 v27;
	v57 =	vpop (erf)  }
0x50e: {  	v50 =	vld [tilespmem:s20+$0xA0];
	[tilespmem:$0x1FBC0] =	vst v3;
	v11 =	vmul.f32 $1.442695020e+00, v55;
	(erf) = vpow2.f32 v4;
	v45 =	vpop (erf)  }
0x50f: {  	[tilespmem:$0x1FBD0] =	vst v0;
	v0 =	vld [tilespmem:$0x1FFF0];
	(erf) = vpow2.f32 v1;
	v30 =	vadd.f32 v62, v60;
	v60 =	vadd.f32 v45, v57  }
0x510: {  	v31 =	vadd.f32 v58, v31;
	(xrf1) =	vsort.ascd.msk.f32 $0xffff, v36, v8;
	v4 =	vmul.f32 $1.442695020e+00, v47;
	v47 =	vld [tilespmem:s20+$0x120];
	(erf) = vpow2.f32 v42  }
0x511: {  	[tilespmem:$0x1FB30] =	vst v61;
	v41 =	vmul.f32 $1.442695020e+00, v59;
	(xrf1) =	vsort.dscd.msk.f32 $0xffff, v44, v9;
	(erf) = vpow2.f32 v49;
	v61, v49, _ =	vpop (xrf1)  }
0x512: {  	v3 =	vadd.f32 v56, v54;
	v7 =	vmul.f32 $1.442695020e+00, v63;
	(xrf1) =	vsort.ascd.msk.f32 $0xffff, v6, v10;
	(erf) = vpow2.f32 v43;
	v62, v63, _ =	vpop (xrf1)  }
0x513: {  	v37 =	vadd.f32 v6, v44;
	v1 =	vmul.f32 $1.442695020e+00, v50;
	v42 =	vld [tilespmem:s20+$0xFFFFFE00];
	(erf) = vpow2.f32 v5;
	(xrf1) =	vsort.dscd.msk.f32 $0xffff, v46, v13;
	v58, v59, _ =	vpop (xrf1)  }
0x514: {  	v29 =	vadd.f32 v60, v3;
	(erf) = vpow2.f32 v41;
	v6 =	vsel vm0, v61, v62;
	(xrf1) =	vsort.ascd.msk.f32 $0xffff, v48, v8;
	v61, v60, _ =	vpop (xrf1)  }
0x515: {  	v46 =	vmul.f32 $1.442695020e+00, v47;
	v41 =	vpop (erf);
	v12 =	vperm.xlane v6, v0;
	v3 =	vsel vm0, v58, v61  }
0x516: {  	v52 =	vld [tilespmem:s20+$0xB0];
	v43 =	vsel vm0, v49, v63;
	v48 =	vpop (erf);
	v5 =	vsel vm0, v59, v60;
	v16 =	vperm.xlane v3, v0  }
0x517: {  	v49 =	vperm.xlane v43, v0;
	v55 =	vpop (erf);
	vm1 =	vge.f32 v6, v12;
	v62 =	vperm.xlane v5, v0  }
0x518: {  	v42 =	vmul.f32 $1.442695020e+00, v42;
	v47 =	vpop (erf);
	v12 =	vsel vm1, v6, v12;
	vm2 =	vge.f32 v3, v16  }
0x519: {  	v43 =	vsel vm1, v43, v49;
	v44 =	vpop (erf);
	v3 =	vsel vm2, v3, v16;
	v5 =	vsel vm2, v5, v62  }
0x51a: {  	(erf) = vpow2.f32 v42;
	v6 =	vpop (erf);
	v3 =	vsel vm0, v12, v3;
	v5 =	vsel vm0, v43, v5  }
0x51b: {  	v2 =	vld [tilespmem:s20+$0x130];
	v52 =	vmul.f32 $1.442695020e+00, v52;
	v49 =	vpop (erf);
	(erf) = vpow2.f32 v4;
	(xrf1) =	vsort.dscd.msk.f32 $0xffff, v3, v5  }
0x51c: {  	v20 =	vmul.f32 v20, v33;
	v4 =	vpop (erf);
	(erf) = vpow2.f32 v1  }
0x51d: {  	v42 =	vpop (erf);
	(erf) = vpow2.f32 v52  }
0x51e: {  	[tilespmem:v40+s12+$0x0] =	vst.idx.msk $0xff, v20;
	v58, v59, _ =	vpop (xrf1);
	(xrf1) =	vsort.dscd.msk.f32 $0xffff, v51, v9;
	(erf) = vpow2.f32 v7  }
0x51f: {  	[tilespmem:v40+s13+$0x0] =	vst.idx.msk $0xff, v14;
	v63 =	vadd.f32 v47, v55;
	v52, v51, _ =	vpop (xrf1);
	(xrf1) =	vsort.ascd.msk.f32 $0xffff, v53, v10;
	(erf) = vpow2.f32 v11  }
0x520: {  	v2 =	vmul.f32 $1.442695020e+00, v2;
	v24 =	vadd.f32 v6, v44;
	v12 =	vadd.f32 v48, v41;
	v60, v53, _ =	vpop (xrf1);
	(xrf1) =	vsort.dscd.msk.f32 $0xffff, v54, v13  }
0x521: {  	v43 =	vadd.f32 v35, v34;
	v11 =	vmov v25;
	(erf) = vpow2.f32 v46;
	v3, v5, _ =	vpop (xrf1);
	(xrf1) =	vsort.ascd.msk.f32 $0xffff, v56, v8  }
0x522: {  	v33 =	vadd.f32 v63, v12;
	[tilespmem:$0x1FB50] =	vst v11;
	v11 =	vsel vm0, v52, v60;
	(erf) = vpow2.f32 v2;
	v25, v62, _ =	vpop (xrf1)  }
0x523: {  	v7 =	vperm.xlane v11, v0;
	v46 =	vpop (erf);
	(xrf1) =	vsort.dscd.msk.f32 $0xffff, v57, v9;
	v63 =	vsel vm0, v3, v25  }
0x524: {  	v12 =	vadd.f32 v4, v49;
	v25 =	vadd.f32 v39, v38;
	v39 =	vpop (erf);
	v50 =	vperm.xlane v63, v0  }
0x525: {  	v61 =	vsel vm0, v51, v53;
	vm1 =	vge.f32 v11, v7;
	(xrf1) =	vsort.dscd.msk.f32 $0xffff, v46, v13;
	v54 =	vpop (erf)  }
0x526: {  	(xrf1) =	vsort.ascd.msk.f32 $0xffff, v45, v10;
	v3 =	vadd.f32 v25, v43;
	v56 =	vpop (erf);
	vm2 =	vge.f32 v63, v50  }
0x527: {  	v51 =	vperm.xlane v61, v0;
	v7 =	vsel vm1, v11, v7;
	v11 =	vpop (erf);
	v57 =	vsel vm2, v63, v50  }
0x528: {  	v16 =	vmov v26;
	v26 =	vadd.f32 v12, v24;
	v60 =	vadd.f32 v36, v46;
	(xrf2) =	vadd.scan.msk.f32 $0xffff, v3;
	v2 =	vpop (erf)  }
0x529: {  	v15 =	vimm.s32 $0x7;
	v5 =	vsel vm0, v5, v62;
	v1 =	vsel vm1, v61, v51;
	(xrf1) =	vsort.dscd.msk.f32 $0xffff, v41, v13;
	v53, v46, _ =	vpop (xrf1)  }
0x52a: {  	v40 =	vperm.xlane v5, v0;
	v61 =	vadd.f32 v39, v42;
	(xrf1) =	vsort.ascd.msk.f32 $0xffff, v48, v8;
	[tilespmem:$0x1FB10] =	vst v57;
	v57 =	vpop (erf)  }
0x52b: {  	[tilespmem:$0x1FB00] =	vst v1;
	v1 =	vadd.f32 v37, v60;
	v62 =	vadd.f32 v56, v54;
	(xrf2) =	vadd.scan.msk.f32 $0xffff, v53;
	v12 =	vpop (erf)  }
0x52c: {  	[tilespmem:$0x1FAF0] =	vst v7;
	v34 =	vsel vm2, v5, v40;
	v7 =	vadd.f32 v2, v11;
	(xrf1) =	vsort.dscd.msk.f32 $0xffff, v55, v9;
	v48, v3, _ =	vpop (xrf1)  }
0x52d: {  	s18 =	smov.u32 s17;
	v40 =	vadd.f32 v62, v61;
	(xrf1) =	vsort.ascd.msk.f32 $0xffff, v47, v10;
	(erf) = vrcp.f32 v32;
	v63 =	vadd.f32 v12, v57;
	v51, v50, _ =	vpop (xrf1)  }
0x52e: {  	s24 =	sadd.s32 $0x208, s18;
	v27 =	vimm.s32 $0xF;
	(xrf1) =	vsort.dscd.msk.f32 $0xffff, v44, v13;
	v44 =	vsel vm0, v48, v51;
	v45 =	vsel vm0, v3, v50;
	v32, v37, _ =	vpop (xrf1)  }
0x52f: {  	v41 =	vmov s24;
	(xrf1) =	vsort.ascd.msk.f32 $0xffff, v6, v8;
	v47 =	vperm.xlane v44, v0;
	v48 =	vperm.xlane v45, v0;
	v55, v52, _ =	vpop (xrf1)  }
0x530: {  	s25 =	sadd.s32 $0x209, s18;
	v43 =	vadd.f32 v63, v7;
	v63 =	vand.u32 $0x78, v41;
	(xrf1) =	vsort.dscd.msk.f32 $0xffff, v49, v9;
	v49 =	vsel vm0, v32, v55  }
0x531: {  	s26 =	sadd.s32 $0x20A, s18;
	v50 =	vsel vm0, v37, v52;
	v60, v61, _ =	vpop (xrf1);
	(xrf1) =	vsort.ascd.msk.f32 $0xffff, v4, v10;
	v4 =	vmov s25;
	vm1 =	vge.f32 v44, v47  }
0x532: {  	v55 =	vmov s26;
	v51 =	vperm.xlane v49, v0;
	v52 =	vperm.xlane v50, v0;
	(xrf1) =	vsort.dscd.msk.f32 $0xffff, v42, v13;
	v62, _, _ =	vpop (xrf2)  }
0x533: {  	v5, v7, _ =	vpop (xrf1);
	v14 =	vand.u32 $0x79, v4;
	v44 =	vsel vm1, v44, v47;
	v45 =	vsel vm1, v45, v48;
	(xrf1) =	vsort.ascd.msk.f32 $0xffff, v39, v8  }
0x534: {  	[tilespmem:$0x1FB40] =	vst v63;
	v5 =	vsel vm0, v5, v58;
	v32 =	vperm.xlane v62, v27;
	v35, v36, _ =	vpop (xrf1);
	v7 =	vsel vm0, v7, v59  }
0x535: {  	v63 =	vand.u32 $0x7A, v55;
	(xrf1) =	vsort.dscd.msk.f32 $0xffff, v54, v9;
	v54 =	vperm.xlane v5, v0;
	v6 =	vsel vm0, v60, v35;
	v38, _, _ =	vpop (xrf2)  }
0x536: {  	[tilespmem:$0x1FB80] =	vst v14;
	v58 =	vsel vm0, v61, v36;
	v42 =	vmul.f32 $9.999999970e-07, v32;
	v62 =	vpop (erf);
	v14 =	vperm.xlane v38, v15  }
0x537: {  	vm5 =	vge.f32 v49, v51;
	(xrf1) =	vsort.ascd.msk.f32 $0xffff, v56, v10;
	v56 =	vperm.xlane v7, v0  }
0x538: {  	v60 =	vperm.xlane v6, v0;
	[tilespmem:$0x1FB90] =	vst v62;
	v61, v62, _ =	vpop (xrf1);
	(xrf1) =	vsort.dscd.msk.f32 $0xffff, v11, v13;
	v11 =	vadd.f32 v14, v42  }
0x539: {  	[tilespmem:$0x1FBA0] =	vst v63;
	v24 =	vperm.xlane v58, v0;
	v47 =	vsel vm5, v50, v52;
	vm4 =	vge.f32 v5, v54  }
0x53a: {  	vm2 =	vge.f32 v6, v60;
	v5 =	vsel vm4, v5, v54;
	v32, v63, _ =	vpop (xrf1);
	(xrf1) =	vsort.ascd.msk.f32 $0xffff, v2, v8;
	(erf) = vrcp.f32 v11  }
0x53b: {  	s21 =	smov.u32 s19;
	v7 =	vsel vm4, v7, v56;
	v6 =	vsel vm2, v6, v60;
	(xrf1) =	vsort.dscd.msk.f32 $0xffff, v57, v9  }
0x53c: {  	s17 =	smov.u32 s21;
	v24 =	vsel vm2, v58, v24;
	v3 =	vsel vm0, v61, v32;
	v36, v35, _ =	vpop (xrf1);
	(xrf1) =	vsort.ascd.msk.f32 $0xffff, v12, v10  }
0x53d: {  	s28 =	sadd.s32 $0x20F, s17;
	v61 =	vsel vm0, v62, v63;
	v42 =	vshll.u32 v4, $0x3;
	v24 =	vsel vm0, v47, v24;
	v37, v38, _ =	vpop (xrf1)  }
0x53e: {  	v4 =	vperm.xlane v3, v0;
	v25 =	vperm.xlane v61, v0;
	v10 =	vmov s28;
	v62, v63, _ =	vpop (xrf1)  }
0x53f: {  	v57 =	vsel vm0, v36, v37;
	v59 =	vsel vm0, v35, v38;
	v20 =	vshll.u32 v10, $0x3;
	v11, v12, _ =	vpop (xrf1)  }
0x540: {  	v56 =	vld [tilespmem:$0x1FB00];
	v10 =	vand.u32 $0x7F, v10;
	v38 =	vmov v18;
	v36 =	vmov v21;
	v39, v13, _ =	vpop (xrf1)  }
0x541: {  	[tilespmem:$0x1FC20] =	vst v16;
	v35 =	vmov v22;
	v16 =	vand.u32 $0x1400, v20;
	v11 =	vsel vm0, v62, v11;
	v62, v15, _ =	vpop (xrf1)  }
0x542: {  	(xrf2) =	vadd.scan.msk.f32 $0xffff, v1;
	vm3 =	vge.f32 v3, v4;
	v10 =	vor.u32 v16, v10;
	v13 =	vsel vm0, v13, v15;
	v15, v1, _ =	vpop (xrf1)  }
0x543: {  	(xrf2) =	vadd.scan.msk.f32 $0xffff, v30;
	v8 =	vperm.xlane v57, v0;
	v9 =	vperm.xlane v59, v0;
	v10 =	vor.u32 v28, v10;
	v21 =	vpop (erf)  }
0x544: {  	(xrf2) =	vadd.scan.msk.f32 $0xffff, v29;
	v2 =	vsel vm0, v39, v62;
	v39 =	vmov v17;
	v17, v18, _ =	vpop (xrf1);
	v21 =	vmul.f32 v53, v21  }
0x545: {  	v7 =	vsel vm0, v7, v56;
	v15 =	vsel vm0, v15, v17;
	v17 =	vsel vm0, v1, v18;
	v18, v30, _ =	vpop (xrf1)  }
0x546: {  	v60 =	vsel vm3, v3, v4;
	v12 =	vsel vm0, v63, v12;
	vm7 =	vge.f32 v57, v8;
	v32, v22, _ =	vpop (xrf1)  }
0x547: {  	v14 =	vperm.xlane v11, v0;
	v63 =	vperm.xlane v12, v0;
	v22 =	vsel vm0, v30, v22;
	v29, v30, _ =	vpop (xrf1)  }
0x548: {  	(xrf2) =	vadd.scan.msk.f32 $0xffff, v33;
	v52 =	vsel vm7, v57, v8;
	v8 =	vsel vm7, v59, v9;
	[tilespmem:v10+s12+$0x0] =	vst.idx.msk $0xff, v21;
	v21, v1, _ =	vpop (xrf1)  }
0x549: {  	v37 =	vmov v19;
	vm9 =	vge.f32 v11, v14;
	[tilespmem:v10+s13+$0x0] =	vst.idx.msk $0xff, v46;
	v21 =	vsel vm0, v29, v21;
	v10, v29, _ =	vpop (xrf1)  }
0x54a: {  	v16 =	vperm.xlane v2, v0;
	v19 =	vperm.xlane v13, v0;
	v9 =	vsel vm9, v11, v14;
	v33, v46, _ =	vpop (xrf1)  }
0x54b: {  	v11 =	vsel vm9, v12, v63;
	v62 =	vperm.xlane v15, v0;
	v10 =	vsel vm0, v10, v33  }
0x54c: {  	v20 =	vperm.xlane v17, v0;
	v29 =	vsel vm0, v29, v46;
	v33, _, _ =	vpop (xrf2);
	(xrf2) =	vadd.scan.msk.f32 $0xffff, v26;
	v46 =	vperm.xlane v10, v0  }
0x54d: {  	v57 =	vld [tilespmem:$0x1FB10];
	v18 =	vsel vm0, v18, v32;
	(erf) = vrcp.f32 v31;
	v54 =	vperm.xlane v29, v0;
	v48, _, _ =	vpop (xrf2);
	(xrf2) =	vadd.scan.msk.f32 $0xffff, v40  }
0x54e: {  	vm8 =	vge.f32 v15, v62;
	v53 =	vperm.xlane v18, v0;
	v12, _, _ =	vpop (xrf2);
	(xrf2) =	vadd.scan.msk.f32 $0xffff, v43;
	v43 =	vld [tilespmem:$0x1FAE0];
	vm1 =	vge.f32 v10, v46  }
0x54f: {  	v14 =	vsel vm8, v15, v62;
	v15 =	vsel vm8, v17, v20;
	v20 =	vsel vm1, v29, v54;
	v54 =	vld [tilespmem:$0x1FAF0]  }
0x550: {  	vm6 =	vge.f32 v2, v16;
	v1 =	vsel vm0, v30, v1;
	v30 =	vperm.xlane v21, v0  }
0x551: {  	v58 =	vsel vm0, v60, v52;
	v13 =	vsel vm6, v13, v19;
	vm10 =	vge.f32 v18, v53  }
0x552: {  	v32 =	vmovc v23;
	v23 =	vperm.xlane v22, v0;
	v17 =	vsel vm10, v18, v53;
	vm11 =	vge.f32 v21, v30  }
0x553: {  	v26 =	vsel vm5, v49, v51;
	v51 =	vsel vm3, v61, v25;
	v61 =	vld [tilespmem:$0x1FB30];
	v19 =	vsel vm11, v21, v30;
	v21, _, _ =	vpop (xrf2);
	(xrf2) =	vadd.scan.msk.f32 $0xffff, v43  }
0x554: {  	v18 =	vsel vm10, v22, v23;
	v22 =	vsel vm0, v57, v44;
	v5 =	vsel vm0, v5, v54  }
0x555: {  	v23 =	vsel vm0, v34, v45;
	v31 =	vperm.xlane v1, v0;
	(xrf1) =	vsort.dscd.msk.f32 $0xffff, v5, v7  }
0x556: {  	v41 =	vshll.u32 v41, $0x3;
	v25 =	vsel vm6, v2, v16;
	v6 =	vsel vm0, v26, v6;
	(xrf1) =	vsort.dscd.msk.f32 $0xffff, v22, v23  }
0x557: {  	v55 =	vshll.u32 v55, $0x3;
	v3 =	vsel vm0, v51, v8;
	v53 =	vsel vm11, v1, v31;
	(xrf1) =	vsort.dscd.msk.f32 $0xffff, v6, v24  }
0x558: {  	v16 =	vpop (erf);
	v59 =	vsel vm0, v9, v25;
	v0 =	vsel vm0, v53, v20;
	v20 =	vld [tilespmem:$0x1FC20];
	(erf) = vrcp.f32 v61;
	(xrf1) =	vsort.dscd.msk.f32 $0xffff, v58, v3  }
0x559: {  	v8 =	vsel vm0, v11, v13;
	v9 =	vsel vm0, v14, v17;
	v11 =	vsel vm0, v15, v18;
	v51 =	vld [tilespmem:$0x1FBA0]  }
0x55a: {  	v50 =	vld [tilespmem:$0x1FB90];
	v52 =	vimm.s32 $0x7;
	v62 =	vperm.xlane v33, v27;
	v10 =	vsel vm1, v10, v46;
	v60, _, _ =	vpop (xrf2);
	(xrf1) =	vsort.dscd.msk.f32 $0xffff, v59, v8  }
0x55b: {  	v45 =	vld [tilespmem:$0x1FB40];
	v14 =	vand.u32 $0x1400, v41;
	v40 =	vand.u32 $0x1400, v42;
	v10 =	vsel vm0, v19, v10;
	v13, _, _ =	vpop (xrf2);
	(xrf1) =	vsort.dscd.msk.f32 $0xffff, v9, v11  }
0x55c: {  	s31 =	sadd.s32 $0x20D, s18;
	v47 =	vld [tilespmem:$0x1FB80];
	v41 =	vand.u32 $0x1400, v55;
	v63 =	vperm.xlane v48, v27;
	v12 =	vperm.xlane v12, v27;
	v42, _, _ =	vpop (xrf2);
	(xrf1) =	vsort.dscd.msk.f32 $0xffff, v10, v0  }
0x55d: {  	v34 =	vmul.f32 $9.999999970e-07, v62;
	v62 =	vmov s31;
	v15 =	vperm.xlane v21, v27;
	v49, _, _ =	vpop (xrf2);
	(xrf2) =	vadd.scan.msk.f32 $0xffff, v20  }
0x55e: {  	v31 =	vmul.f32 $9.999999970e-07, v63;
	v12 =	vmul.f32 $9.999999970e-07, v12;
	v53 =	vld [tilespmem:$0x1FBB0];
	v2 =	vor.u32 v41, v51  }
0x55f: {  	v30 =	vmul.f32 $9.999999970e-07, v15;
	v41 =	vshll.u32 v62, $0x3;
	v2 =	vor.u32 v28, v2  }
0x560: {  	s30 =	sadd.s32 $0x20C, s18;
	v56 =	vld [tilespmem:$0x1FBC0];
	v5 =	vmul.f32 v32, v50;
	v4 =	vperm.xlane v60, v27;
	v3 =	vor.u32 v14, v45  }
0x561: {  	v57 =	vld [tilespmem:$0x1FBD0];
	v60 =	vmov s30;
	v3 =	vor.u32 v28, v3;
	v54 =	vpop (erf);
	v0 =	vor.u32 v40, v47  }
0x562: {  	v13 =	vperm.xlane v13, v27;
	v55 =	vmul.f32 v36, v54;
	v0 =	vor.u32 v28, v0  }
0x563: {  	s29 =	sadd.s32 $0x20B, s18;
	v6 =	vmul.f32 v53, v16;
	v61 =	vshll.u32 v60, $0x3;
	v1 =	vperm.xlane v49, v52;
	v23, v22, _ =	vpop (xrf1)  }
0x564: {  	s19 =	sadd.s32 $0x8, s19;
	v63 =	vand.u32 $0x7C, v60;
	v46 =	vperm.xlane v42, v27;
	v58 =	vmov s29;
	[tilespmem:v2+s12+$0x0] =	vst.idx.msk $0xff, v55;
	v45, v18, _ =	vpop (xrf1)  }
0x565: {  	p0 =	slt.u32 s19, $0xF8;
	v48 =	vmul.f32 $9.999999970e-07, v13;
	(erf) = vrcp.f32 v56;
	[tilespmem:v2+s13+$0x0] =	vst.idx.msk $0xff, v39;
	v1 =	vadd.f32 v1, v37;
	v21, v17, _ =	vpop (xrf1)  }
.Ltmp2:
0x566: {  	v29 =	vmul.f32 $9.999999970e-07, v4;
	v59 =	vshll.u32 v58, $0x3;
	(erf) = vrcp.f32 v57;
	[tilespmem:v3+s12+$0x0] =	vst.idx.msk $0xff, v5;
	v37, v32, _ =	vpop (xrf1);
	(pc) =	sbr.rel @p0 .LBB2_6-.Ltmp2, $4  }
0x567: {  	v44 =	vld [tilespmem:$0x1FB20];
	v33 =	vmul.f32 $9.999999970e-07, v46;
	v19 =	vmov v48;
	[tilespmem:v0+s12+$0x0] =	vst.idx.msk $0xff, v6;
	(erf) = vrcp.f32 v1;
	v42, _, _ =	vpop (xrf2)  }
0x568: {  	v15 =	vld [tilespmem:$0x1FB60];
	v1 =	vand.u32 $0x1400, v59;
	[tilespmem:v0+s13+$0x0] =	vst.idx.msk $0xff, v38;
	v0 =	vand.u32 $0x7B, v58;
	(xrf2) =	vadd.scan.msk.f32 $0xffff, v23;
	v36, v27, _ =	vpop (xrf1)  }
0x569: {  	v14 =	vld [tilespmem:$0x1FB50];
	[tilespmem:v3+s13+$0x0] =	vst.idx.msk $0xff, v35;
	v0 =	vor.u32 v1, v0;
	v1 =	vand.u32 $0x1400, v61;
	(xrf2) =	vadd.scan.msk.f32 $0xffff, v45;
	v35, v24, _ =	vpop (xrf1)  }
0x56a: {  	s20 =	sadd.s32 $0x400, s20;
	v10 =	vld [tilespmem:$0x1FB70];
	v39 =	vand.u32 $0x7D, v62;
	v38 =	vor.u32 v28, v0;
	v40 =	vor.u32 v1, v63;
	(xrf2) =	vadd.scan.msk.f32 $0xffff, v21;
	v26, v25, _ =	vpop (xrf1)  }
0x56b: {  	v0 =	vimm.s32 $0x7  }
0x56c: {  	(xrf2) =	vadd.scan.msk.f32 $0xffff, v37;
	v0 =	vperm.xlane v42, v0  }
0x56d: {  	(xrf2) =	vadd.scan.msk.f32 $0xffff, v36  }
0x56e: {  	v0 =	vadd.f32 v0, v44;
	v1 =	vpop (erf)  }
0x56f: {  	v2 =	vpop (erf)  }
0x570: {  	s18 =	sadd.s32 $0x20E, s18;
	(erf) = vrcp.f32 v0  }
0x571: {  	v4 =	vand.u32 $0x1400, v41;
	v11 =	vimm.s32 $0x7;
	v7 =	vmov s18;
	v16 =	vld [tilespmem:$0x1FFB0]  }
0x572: {  	v4 =	vor.u32 v4, v39;
	v9 =	vand.u32 $0x7E, v7;
	v7 =	vshll.u32 v7, $0x3;
	v3, _, _ =	vpop (xrf2);
	(xrf2) =	vadd.scan.msk.f32 $0xffff, v35  }
0x573: {  	v7 =	vand.u32 $0x1400, v7;
	v1 =	vmul.f32 v10, v1;
	v3 =	vperm.xlane v3, v11  }
0x574: {  	s30 =	sadd.s32 $0x20B, s17;
	v39 =	vimm.s32 $0x7;
	v50 =	vor.u32 v7, v9;
	v2 =	vmul.f32 v15, v2;
	v5, _, _ =	vpop (xrf2)  }
0x575: {  	v57 =	vmov s30;
	[tilespmem:v38+s12+$0x0] =	vst.idx.msk $0xff, v1;
	v5 =	vperm.xlane v5, v11;
	v6, _, _ =	vpop (xrf2);
	v3 =	vadd.f32 v3, v34  }
0x576: {  	v15 =	vld [tilespmem:$0x1FBE0];
	v8, _, _ =	vpop (xrf2);
	v6 =	vperm.xlane v6, v11;
	v48 =	vor.u32 v16, v40;
	v4 =	vor.u32 v16, v4  }
0x577: {  	s29 =	sadd.s32 $0x20A, s17;
	(xrf2) =	vadd.scan.msk.f32 $0xffff, v26;
	v5 =	vadd.f32 v5, v31;
	v10, _, _ =	vpop (xrf2);
	v8 =	vperm.xlane v8, v11;
	(erf) = vrcp.f32 v3  }
0x578: {  	s19 =	sadd.s32 $0x209, s17;
	v10 =	vperm.xlane v10, v11;
	v6 =	vadd.f32 v6, v12;
	v12 =	vmov s29  }
0x579: {  	v11 =	vmov s19;
	v53 =	vand.u32 $0x7A, v12;
	v12 =	vshll.u32 v12, $0x3  }
0x57a: {  	s28 =	sadd.s32 $0x208, s17;
	(erf) = vrcp.f32 v5;
	v8 =	vadd.f32 v8, v30;
	v52 =	vand.u32 $0x79, v11  }
0x57b: {  	[tilespmem:v38+s13+$0x0] =	vst.idx.msk $0xff, v15;
	v11 =	vshll.u32 v11, $0x3;
	v9 =	vadd.f32 v10, v29;
	v10 =	vmov s28  }
0x57c: {  	(erf) = vrcp.f32 v6;
	v54 =	vand.u32 $0x1400, v11;
	v11 =	vand.u32 $0x1400, v12;
	[tilespmem:v48+s12+$0x0] =	vst.idx.msk $0xff, v2;
	v12, _, _ =	vpop (xrf2)  }
0x57d: {  	s31 =	sadd.s32 $0x20C, s17;
	v49 =	vpop (erf);
	v13 =	vand.u32 $0x78, v10;
	v10 =	vshll.u32 v10, $0x3;
	v55 =	vperm.xlane v12, v39;
	v12 =	vld [tilespmem:$0x1FBF0]  }
0x57e: {  	v63 =	vmov s31;
	v5 =	vor.u32 v16, v50;
	v51 =	vpop (erf);
	v10 =	vand.u32 $0x1400, v10  }
0x57f: {  	v3 =	vmul.f32 v43, v49;
	v7 =	vmul.f32 v20, v51;
	v10 =	vor.u32 v10, v13  }
0x580: {  	v1 =	vor.u32 v54, v52;
	(erf) = vrcp.f32 v8;
	v10 =	vor.u32 v16, v10  }
0x581: {  	v59 =	vshll.u32 v57, $0x3;
	v6 =	vor.u32 v11, v53;
	v1 =	vor.u32 v16, v1;
	v8, _, _ =	vpop (xrf2);
	[tilespmem:v4+s12+$0x0] =	vst.idx.msk $0xff, v3  }
0x582: {  	(erf) = vrcp.f32 v9;
	v8 =	vperm.xlane v8, v39;
	v2 =	vadd.f32 v55, v19;
	v13 =	vpop (erf);
	[tilespmem:v48+s13+$0x0] =	vst.idx.msk $0xff, v12  }
0x583: {  	v58 =	vor.u32 v16, v6;
	v6 =	vand.u32 $0x7C, v63;
	v56 =	vpop (erf);
	v12 =	vmul.f32 v23, v13;
	v9 =	vld [tilespmem:$0x1FC00];
	[tilespmem:v5+s12+$0x0] =	vst.idx.msk $0xff, v7  }
0x584: {  	v61 =	vadd.f32 v8, v33;
	(erf) = vrcp.f32 v2;
	v0 =	vmul.f32 v45, v56;
	[tilespmem:v5+s13+$0x0] =	vst.idx.msk $0xff, v14  }
0x585: {  	s19 =	sadd.s32 $0x20D, s17;
	v3 =	vand.u32 $0x7B, v57;
	v33 =	vshll.u32 v63, $0x3;
	v2 =	vand.u32 $0x1400, v59;
	[tilespmem:v10+s12+$0x0] =	vst.idx.msk $0xff, v12  }
0x586: {  	v8 =	vmov s19;
	v60 =	vpop (erf);
	v2 =	vor.u32 v2, v3;
	(erf) = vrcp.f32 v61;
	[tilespmem:v1+s12+$0x0] =	vst.idx.msk $0xff, v0  }
0x587: {  	s20 =	sadd.s32 $0x20E, s17;
	v3 =	vand.u32 $0x1400, v33;
	v62 =	vmul.f32 v21, v60;
	v2 =	vor.u32 v16, v2;
	[tilespmem:v10+s13+$0x0] =	vst.idx.msk $0xff, v22  }
0x588: {  	v43 =	vmov s20;
	v40 =	vshll.u32 v8, $0x3;
	v34 =	vor.u32 v3, v6;
	[tilespmem:v1+s13+$0x0] =	vst.idx.msk $0xff, v18  }
0x589: {  	v38 =	vand.u32 $0x7D, v8;
	v41 =	vand.u32 $0x1400, v40;
	v42 =	vpop (erf);
	v0 =	vor.u32 v16, v34;
	[tilespmem:v58+s12+$0x0] =	vst.idx.msk $0xff, v62  }
0x58a: {  	v45 =	vshll.u32 v43, $0x3;
	v44 =	vmul.f32 v37, v42;
	v1 =	vor.u32 v41, v38;
	[tilespmem:v58+s13+$0x0] =	vst.idx.msk $0xff, v17  }
0x58b: {  	v47 =	vand.u32 $0x7E, v43;
	v3 =	vand.u32 $0x1400, v45;
	v46 =	vpop (erf);
	v1 =	vor.u32 v16, v1;
	[tilespmem:v4+s13+$0x0] =	vst.idx.msk $0xff, v9  }
0x58c: {  	v3 =	vor.u32 v3, v47;
	v4 =	vmul.f32 v36, v46;
	[tilespmem:v2+s12+$0x0] =	vst.idx.msk $0xff, v44  }
0x58d: {  	v49 =	vor.u32 v16, v3;
	[tilespmem:v2+s13+$0x0] =	vst.idx.msk $0xff, v32;
	v48 =	vpop (erf)  }
0x58e: {  	[tilespmem:v0+s12+$0x0] =	vst.idx.msk $0xff, v4;
	v50 =	vmul.f32 v35, v48  }
0x58f: {  	[tilespmem:v0+s13+$0x0] =	vst.idx.msk $0xff, v27;
	v51 =	vpop (erf)  }
0x590: {  	v0 =	vmul.f32 v26, v51;
	[tilespmem:v1+s12+$0x0] =	vst.idx.msk $0xff, v50  }
0x591: {  	[tilespmem:v1+s13+$0x0] =	vst.idx.msk $0xff, v24  }
0x592: {  	[tilespmem:v49+s12+$0x0] =	vst.idx.msk $0xff, v0  }
0x593: {  	[tilespmem:v49+s13+$0x0] =	vst.idx.msk $0xff, v25  }
0x594: {  	_ =	swait.ge [sflag:s14], $0x8000  }
0x595: {  	[sflag:s14] =	ssyncset.done $0x0  }
0x596: {  	s21 =	simm.s32 $0x8200;
	[sflag:s14] =	ssyncadd.s32 $0xFFFF8000  }
0x597: {  	v52 =	vld [tilespmem:s21+$0x180]  }
0x598: {  	v53 =	vld [tilespmem:s21+$0x190]  }
0x599: {  	v54 =	vld [tilespmem:s21+$0x1A0]  }
0x59a: {  	v55 =	vld [tilespmem:s21+$0x1B0]  }
0x59b: {  	v56 =	vld [tilespmem:s21+$0xFFFFFE10]  }
0x59c: {  	v57 =	vld [tilespmem:s21+$0xFFFFFE20];
	v0 =	vmul.f32 $1.442695020e+00, v52  }
0x59d: {  	v58 =	vld [tilespmem:s21+$0xFFFFFE30];
	v1 =	vmul.f32 $1.442695020e+00, v53  }
0x59e: {  	v59 =	vld [tilespmem:s21+$0xFFFFFE80];
	v2 =	vmul.f32 $1.442695020e+00, v54;
	(erf) = vpow2.f32 v0  }
0x59f: {  	v60 =	vld [tilespmem:s21+$0xFFFFFE90];
	v3 =	vmul.f32 $1.442695020e+00, v55;
	(erf) = vpow2.f32 v1  }
0x5a0: {  	v62 =	vld [tilespmem:s21+$0xFFFFFEA0];
	v61 =	vmul.f32 $1.442695020e+00, v56;
	(erf) = vpow2.f32 v2  }
0x5a1: {  	v63 =	vld [tilespmem:s21+$0xFFFFFEB0];
	v5 =	vmul.f32 $1.442695020e+00, v57;
	(erf) = vpow2.f32 v3  }
0x5a2: {  	v0 =	vmul.f32 $1.442695020e+00, v58;
	(erf) = vpow2.f32 v61  }
0x5a3: {  	v1 =	vmul.f32 $1.442695020e+00, v59;
	(erf) = vpow2.f32 v5  }
0x5a4: {  	v38 =	vld [tilespmem:$0x1FFC0];
	v2 =	vmul.f32 $1.442695020e+00, v60;
	(erf) = vpow2.f32 v0  }
0x5a5: {  	v36 =	vld [tilespmem:$0x1FFD0];
	v34 =	vmul.f32 $1.442695020e+00, v62;
	(erf) = vpow2.f32 v1  }
0x5a6: {  	v32 =	vld [tilespmem:s21+$0xFFFFFF00];
	v35 =	vmul.f32 $1.442695020e+00, v63;
	(erf) = vpow2.f32 v2  }
0x5a7: {  	v33 =	vld [tilespmem:s21+$0xFFFFFF10];
	v9 =	vpop (erf);
	(erf) = vpow2.f32 v34  }
0x5a8: {  	v10 =	vpop (erf);
	(erf) = vpow2.f32 v35;
	v35 =	vld [tilespmem:$0x1FFE0]  }
0x5a9: {  	v40 =	vlaneseq.u32  }
0x5aa: {  	v41 =	vld [tilespmem:s21+$0xFFFFFF20];
	(xrf1) =	vsort.dscd.msk.f32 $0xffff, v9, v40  }
0x5ab: {  	v43 =	vld [tilespmem:s21+$0xFFFFFF30];
	v42 =	vmul.f32 $1.442695020e+00, v32;
	v0 =	vpop (erf);
	(xrf1) =	vsort.ascd.msk.f32 $0xffff, v10, v38  }
0x5ac: {  	v44 =	vld [tilespmem:s21+$0xFFFFFF80];
	v3 =	vmul.f32 $1.442695020e+00, v33;
	v1 =	vpop (erf);
	(xrf1) =	vsort.dscd.msk.f32 $0xffff, v0, v36  }
0x5ad: {  	v45 =	vld [tilespmem:s21+$0xFFFFFF90];
	(erf) = vpow2.f32 v42;
	(xrf1) =	vsort.ascd.msk.f32 $0xffff, v1, v35  }
0x5ae: {  	v47 =	vld [tilespmem:s21+$0xFFFFFFB0];
	(erf) = vpow2.f32 v3  }
0x5af: {  	v46 =	vld [tilespmem:s21+$0xFFFFFFA0];
	v12 =	vpop (erf)  }
0x5b0: {  	v11 =	vld [tilespmem:s21+$0x0];
	v2 =	vmul.f32 $1.442695020e+00, v41;
	v8 =	vpop (erf)  }
0x5b1: {  	v16 =	vld [tilespmem:s21+$0x30];
	v6 =	vmul.f32 $1.442695020e+00, v44;
	v5 =	vmul.f32 $1.442695020e+00, v43;
	v13 =	vpop (erf)  }
0x5b2: {  	v14 =	vld [tilespmem:s21+$0x10];
	v4 =	vmul.f32 $1.442695020e+00, v45;
	(erf) = vpow2.f32 v2;
	v48 =	vpop (erf)  }
0x5b3: {  	v15 =	vld [tilespmem:s21+$0x20];
	v50 =	vmul.f32 $1.442695020e+00, v47;
	(erf) = vpow2.f32 v5;
	v49 =	vpop (erf)  }
0x5b4: {  	v3 =	vmul.f32 $1.442695020e+00, v46;
	(erf) = vpow2.f32 v6;
	v17 =	vpop (erf)  }
0x5b5: {  	v51 =	vld [tilespmem:s21+$0x80];
	v52 =	vmul.f32 $1.442695020e+00, v11;
	(erf) = vpow2.f32 v4;
	v18 =	vpop (erf)  }
0x5b6: {  	v16 =	vmul.f32 $1.442695020e+00, v16;
	(erf) = vpow2.f32 v3;
	v11 =	vpop (erf)  }
0x5b7: {  	v53 =	vmul.f32 $1.442695020e+00, v14;
	(erf) = vpow2.f32 v50;
	v14 =	vpop (erf)  }
0x5b8: {  	v29 =	vld [tilespmem:$0x1FFF0];
	v54 =	vmul.f32 $1.442695020e+00, v15;
	(erf) = vpow2.f32 v52;
	v55, v15, _ =	vpop (xrf1)  }
0x5b9: {  	(xrf1) =	vsort.ascd.msk.f32 $0xffff, v12, v38;
	(erf) = vpow2.f32 v53;
	v56, v19, _ =	vpop (xrf1)  }
0x5ba: {  	v7 =	vmul.f32 $1.442695020e+00, v51;
	(xrf1) =	vsort.dscd.msk.f32 $0xffff, v8, v36;
	(erf) = vpow2.f32 v54;
	v57, v21, _ =	vpop (xrf1)  }
0x5bb: {  	v37 =	vlaneseq.u32;
	v20 =	vld [tilespmem:s21+$0xFFFFFE00];
	(xrf1) =	vsort.ascd.msk.f32 $0xffff, v13, v35;
	(erf) = vpow2.f32 v16;
	v58, v16, _ =	vpop (xrf1)  }
0x5bc: {  	(xrf1) =	vsort.dscd.msk.f32 $0xffff, v48, v37;
	v22 =	vpop (erf);
	(erf) = vpow2.f32 v7;
	v4 =	vsel vm0, v57, v58  }
0x5bd: {  	v27 =	vld [tilespmem:s21+$0xB0];
	v3 =	vsel vm0, v55, v56;
	v15 =	vsel vm0, v15, v19;
	v19 =	vperm.xlane v4, v29  }
0x5be: {  	v60 =	vld [tilespmem:s21+$0x90];
	v23 =	vpop (erf);
	v59 =	vperm.xlane v3, v29;
	v25 =	vperm.xlane v15, v29;
	v16 =	vsel vm0, v21, v16  }
0x5bf: {  	(xrf1) =	vsort.ascd.msk.f32 $0xffff, v49, v38;
	v24 =	vpop (erf);
	v21 =	vld [tilespmem:s21+$0xA0];
	v26 =	vperm.xlane v16, v29;
	vm2 =	vge.f32 v4, v19  }
0x5c0: {  	v20 =	vmul.f32 $1.442695020e+00, v20;
	v28 =	vpop (erf);
	vm1 =	vge.f32 v3, v59;
	v4 =	vsel vm2, v4, v19;
	v19 =	vld [tilespmem:s21+$0x100]  }
0x5c1: {  	v61 =	vpop (erf);
	v3 =	vsel vm1, v3, v59;
	v15 =	vsel vm1, v15, v25;
	v16 =	vsel vm2, v16, v26  }
0x5c2: {  	v25 =	vpop (erf);
	v3 =	vsel vm0, v3, v4;
	v62 =	vsel vm0, v15, v16  }
0x5c3: {  	v0 =	vadd.f32 v1, v0;
	v6 =	vmul.f32 $1.442695020e+00, v60;
	(erf) = vpow2.f32 v20;
	v15 =	vld [tilespmem:s21+$0x110];
	v26 =	vpop (erf);
	(xrf1) =	vsort.dscd.msk.f32 $0xffff, v3, v62  }
0x5c4: {  	v63 =	vld [tilespmem:s21+$0x120];
	v43 =	vadd.f32 v13, v8;
	v20 =	vmul.f32 $1.442695020e+00, v27;
	v40 =	vmul.f32 $1.442695020e+00, v21;
	v21 =	vpop (erf)  }
0x5c5: {  	v2 =	vadd.f32 v49, v48;
	(erf) = vpow2.f32 v6;
	v16 =	vld [tilespmem:s21+$0x130];
	v27 =	vpop (erf);
	v13 =	vmul.f32 $1.442695020e+00, v19  }
0x5c6: {  	v41 =	vadd.f32 v18, v17;
	v49 =	vadd.f32 v10, v9;
	(erf) = vpow2.f32 v40;
	v42 =	vpop (erf)  }
0x5c7: {  	v19 =	vpop (erf);
	(erf) = vpow2.f32 v20  }
0x5c8: {  	v8 =	vadd.f32 v41, v2;
	v0 =	vadd.f32 v0, v49;
	v46, v45, _ =	vpop (xrf1);
	(xrf1) =	vsort.dscd.msk.f32 $0xffff, v17, v36;
	v44 =	vmul.f32 $1.442695020e+00, v15  }
0x5c9: {  	v50 =	vadd.f32 v25, v61;
	v3 =	vmul.f32 $1.442695020e+00, v63;
	(erf) = vpow2.f32 v13;
	v13, v17, _ =	vpop (xrf1);
	(xrf1) =	vsort.ascd.msk.f32 $0xffff, v18, v35  }
0x5ca: {  	v20 =	vadd.f32 v14, v11;
	v16 =	vmul.f32 $1.442695020e+00, v16;
	(erf) = vpow2.f32 v44;
	v47, v30, _ =	vpop (xrf1);
	(xrf1) =	vsort.dscd.msk.f32 $0xffff, v11, v37  }
0x5cb: {  	v15 =	vadd.f32 v23, v22;
	v18 =	vadd.f32 v28, v24;
	(erf) = vpow2.f32 v3;
	v31, v48, _ =	vpop (xrf1);
	(xrf1) =	vsort.ascd.msk.f32 $0xffff, v14, v38  }
0x5cc: {  	v9 =	vadd.f32 v21, v26;
	(erf) = vpow2.f32 v16;
	v16 =	vadd.f32 v42, v27;
	v14 =	vpop (erf);
	(xrf1) =	vsort.dscd.msk.f32 $0xffff, v22, v36  }
0x5cd: {  	(xrf2) =	vadd.scan.msk.f32 $0xffff, v0;
	v11 =	vadd.f32 v15, v20;
	v10 =	vadd.f32 v50, v18;
	v2 =	vsel vm0, v13, v47;
	v22, v51, _ =	vpop (xrf1)  }
0x5ce: {  	v53 =	vsel vm0, v17, v30;
	v52 =	vpop (erf);
	v9 =	vadd.f32 v16, v9;
	(xrf1) =	vsort.dscd.msk.f32 $0xffff, v14, v37  }
0x5cf: {  	v54 =	vperm.xlane v2, v29;
	v15 =	vperm.xlane v53, v29;
	v18 =	vpop (erf);
	(xrf1) =	vsort.ascd.msk.f32 $0xffff, v23, v35  }
0x5d0: {  	v33 =	vadd.f32 v12, v14;
	v17 =	vsel vm0, v31, v22;
	v22 =	vpop (erf);
	(xrf1) =	vsort.dscd.msk.f32 $0xffff, v24, v37  }
0x5d1: {  	v12 =	vadd.f32 v52, v19;
	v23 =	vsel vm0, v48, v51;
	(xrf1) =	vsort.ascd.msk.f32 $0xffff, v28, v38;
	v20, v13, _ =	vpop (xrf1)  }
0x5d2: {  	vm1 =	vge.f32 v2, v54;
	v24 =	vperm.xlane v17, v29;
	v14 =	vadd.f32 v22, v18;
	v30 =	vpop (erf);
	(xrf2) =	vadd.scan.msk.f32 $0xffff, v20  }
0x5d3: {  	v3 =	vadd.f32 v43, v33;
	v28 =	vperm.xlane v23, v29;
	v55 =	vpop (erf);
	(xrf1) =	vsort.dscd.msk.f32 $0xffff, v61, v36  }
0x5d4: {  	vm2 =	vge.f32 v17, v24;
	v12 =	vadd.f32 v14, v12;
	v57 =	vpop (erf);
	(xrf1) =	vsort.ascd.msk.f32 $0xffff, v25, v35  }
0x5d5: {  	v61 =	vsel vm2, v17, v24;
	v7 =	vsel vm2, v23, v28;
	v23 =	vpop (erf);
	(xrf1) =	vsort.dscd.msk.f32 $0xffff, v26, v37  }
0x5d6: {  	v40 =	vadd.f32 v55, v30;
	v24, v25, _ =	vpop (xrf1);
	(xrf1) =	vsort.ascd.msk.f32 $0xffff, v21, v38;
	v14 =	vadd.f32 v23, v57  }
0x5d7: {  	v58 =	vsel vm1, v2, v54;
	v59 =	vsel vm1, v53, v15;
	v21, v26, _ =	vpop (xrf1);
	(xrf1) =	vsort.dscd.msk.f32 $0xffff, v27, v36  }
0x5d8: {  	[tilespmem:$0x1FAA0] =	vst v13;
	v13 =	vlaneseq.u32;
	v60 =	vadd.f32 v14, v40;
	v27, v28, _ =	vpop (xrf1);
	(xrf1) =	vsort.ascd.msk.f32 $0xffff, v42, v35  }
0x5d9: {  	v6 =	vsel vm0, v24, v21;
	v21 =	vsel vm0, v25, v26;
	v24, v25, _ =	vpop (xrf1);
	(xrf1) =	vsort.dscd.msk.f32 $0xffff, v19, v13  }
0x5da: {  	v19 =	vperm.xlane v6, v29;
	v26 =	vperm.xlane v21, v29;
	v31, v41, _ =	vpop (xrf1);
	(xrf1) =	vsort.ascd.msk.f32 $0xffff, v52, v38  }
0x5db: {  	v17 =	vimm.s32 $0xF;
	v1 =	vsel vm0, v27, v24;
	v24 =	vsel vm0, v28, v25;
	v25, _, _ =	vpop (xrf2);
	(xrf1) =	vsort.dscd.msk.f32 $0xffff, v18, v36  }
0x5dc: {  	v18 =	vperm.xlane v1, v29;
	v27 =	vperm.xlane v24, v29;
	v28, v42, _ =	vpop (xrf1);
	vm1 =	vge.f32 v6, v19  }
0x5dd: {  	v25 =	vperm.xlane v25, v17;
	(xrf1) =	vsort.ascd.msk.f32 $0xffff, v22, v35;
	v5 =	vsel vm0, v28, v46  }
0x5de: {  	v43, v22, _ =	vpop (xrf1);
	v0 =	vsel vm0, v42, v45;
	v6 =	vsel vm1, v6, v19;
	v21 =	vsel vm1, v21, v26  }
0x5df: {  	v28, _, _ =	vpop (xrf2);
	(xrf1) =	vsort.dscd.msk.f32 $0xffff, v30, v13;
	v16 =	vperm.xlane v5, v29;
	v2 =	vsel vm0, v31, v43  }
0x5e0: {  	v45 =	vperm.xlane v28, v39;
	v22 =	vsel vm0, v41, v22;
	v32 =	vperm.xlane v0, v29  }
0x5e1: {  	v30, v44, _ =	vpop (xrf1);
	vm4 =	vge.f32 v1, v18;
	v6 =	vsel vm0, v61, v6;
	v7 =	vsel vm0, v7, v21  }
0x5e2: {  	v25 =	vmul.f32 $9.999999970e-07, v25;
	(xrf1) =	vsort.ascd.msk.f32 $0xffff, v55, v38;
	v28, v31, _ =	vpop (xrf1);
	v1 =	vsel vm4, v1, v18;
	v24 =	vsel vm4, v24, v27  }
0x5e3: {  	v14 =	vmovc v36;
	(xrf1) =	vsort.dscd.msk.f32 $0xffff, v57, v36;
	v36 =	vperm.xlane v22, v29;
	v28 =	vsel vm0, v30, v28  }
0x5e4: {  	v15 =	vmovc v35;
	v4 =	vadd.f32 v45, v25;
	v25 =	vsel vm0, v44, v31;
	vm8 =	vge.f32 v5, v16  }
0x5e5: {  	v13 =	vmovc v38;
	(xrf1) =	vsort.ascd.msk.f32 $0xffff, v23, v35;
	v35 =	vperm.xlane v2, v29;
	v31 =	vperm.xlane v28, v29  }
0x5e6: {  	v23, v46, _ =	vpop (xrf1);
	v41 =	vperm.xlane v25, v29;
	v5 =	vsel vm8, v5, v16;
	v0 =	vsel vm8, v0, v32  }
0x5e7: {  	v30, v47, _ =	vpop (xrf1);
	v5 =	vsel vm0, v5, v58;
	v0 =	vsel vm0, v0, v59;
	vm2 =	vge.f32 v2, v35  }
0x5e8: {  	v49, v48, _ =	vpop (xrf1);
	vm3 =	vge.f32 v28, v31;
	v23 =	vsel vm0, v23, v30;
	v34 =	vsel vm0, v46, v47  }
0x5e9: {  	(xrf2) =	vadd.scan.msk.f32 $0xffff, v3;
	v51, v50, _ =	vpop (xrf1);
	v37 =	vperm.xlane v23, v29;
	v44 =	vperm.xlane v34, v29;
	v2 =	vsel vm2, v2, v35  }
0x5ea: {  	(xrf2) =	vadd.scan.msk.f32 $0xffff, v8;
	v8 =	vsel vm3, v28, v31;
	v33 =	vsel vm0, v49, v51;
	v38 =	vsel vm0, v48, v50;
	v30, v52, _ =	vpop (xrf1)  }
0x5eb: {  	v40 =	vperm.xlane v33, v29;
	v42 =	vperm.xlane v38, v29;
	vm9 =	vge.f32 v23, v37;
	v54, v53, _ =	vpop (xrf1)  }
0x5ec: {  	(xrf2) =	vadd.scan.msk.f32 $0xffff, v11;
	v23 =	vsel vm9, v23, v37;
	v11 =	vsel vm9, v34, v44;
	v34 =	vsel vm0, v1, v2;
	v55, v46, _ =	vpop (xrf1)  }
0x5ed: {  	v30 =	vsel vm0, v30, v54;
	v39 =	vsel vm0, v52, v53;
	vm7 =	vge.f32 v33, v40;
	v56, v47, _ =	vpop (xrf1)  }
0x5ee: {  	v48 =	vperm.xlane v30, v29;
	v49 =	vperm.xlane v39, v29;
	(xrf1) =	vsort.dscd.msk.f32 $0xffff, v5, v0;
	v57, v50, _ =	vpop (xrf1)  }
0x5ef: {  	v40 =	vsel vm7, v33, v40;
	v43 =	vsel vm0, v55, v56;
	v46 =	vsel vm0, v46, v47;
	v51, v52, _ =	vpop (xrf1)  }
0x5f0: {  	v47 =	vperm.xlane v43, v29;
	v53 =	vperm.xlane v46, v29;
	vm6 =	vge.f32 v30, v48;
	v54, v55, _ =	vpop (xrf1)  }
0x5f1: {  	v45 =	vsel vm0, v57, v51;
	v50 =	vsel vm0, v50, v52;
	(xrf1) =	vsort.dscd.msk.f32 $0xffff, v6, v7;
	v51, v63, _ =	vpop (xrf1)  }
0x5f2: {  	v44 =	vsel vm6, v39, v49;
	v51 =	vsel vm0, v54, v51;
	v52 =	vsel vm0, v55, v63;
	v54, v55, _ =	vpop (xrf1)  }
0x5f3: {  	vm5 =	vge.f32 v43, v47;
	v56 =	vperm.xlane v45, v29;
	v16 =	vperm.xlane v50, v29;
	v63, v57, _ =	vpop (xrf1)  }
0x5f4: {  	v49 =	vsel vm5, v46, v53;
	v32 =	vsel vm0, v54, v63;
	v63 =	vsel vm2, v22, v36  }
0x5f5: {  	vm14 =	vge.f32 v45, v56;
	v22 =	vsel vm3, v25, v41;
	v35 =	vsel vm0, v24, v63  }
0x5f6: {  	v36 =	vsel vm0, v8, v23;
	v37 =	vsel vm0, v22, v11;
	(xrf1) =	vsort.dscd.msk.f32 $0xffff, v34, v35  }
0x5f7: {  	v19 =	vperm.xlane v52, v29;
	v54 =	vperm.xlane v51, v29;
	(xrf1) =	vsort.dscd.msk.f32 $0xffff, v36, v37  }
0x5f8: {  	v55 =	vsel vm0, v55, v57;
	v41 =	vsel vm7, v38, v42;
	v42 =	vsel vm6, v30, v48  }
0x5f9: {  	v48 =	vsel vm5, v43, v47;
	v53 =	vsel vm14, v45, v56;
	v56 =	vsel vm14, v50, v16  }
0x5fa: {  	v26 =	vperm.xlane v32, v29;
	v0 =	vsel vm0, v40, v42;
	v1 =	vsel vm0, v41, v44  }
0x5fb: {  	v57 =	vsel vm0, v48, v53;
	v58 =	vsel vm0, v49, v56;
	(xrf1) =	vsort.dscd.msk.f32 $0xffff, v0, v1  }
0x5fc: {  	v18 =	vperm.xlane v55, v29;
	vm1 =	vge.f32 v51, v54;
	(xrf1) =	vsort.dscd.msk.f32 $0xffff, v57, v58  }
0x5fd: {  	(xrf2) =	vadd.scan.msk.f32 $0xffff, v10;
	vm15 =	vge.f32 v32, v26;
	v8 =	vsel vm1, v51, v54  }
0x5fe: {  	s22 =	simm.s32 $0x8600;
	(xrf2) =	vadd.scan.msk.f32 $0xffff, v9;
	v9 =	vsel vm1, v52, v19;
	v10 =	vsel vm15, v32, v26;
	v11 =	vsel vm15, v55, v18  }
0x5ff: {  	v63 =	vld [tilespmem:s22+$0x180];
	v59 =	vsel vm0, v8, v10;
	v61 =	vsel vm0, v9, v11  }
0x600: {  	(xrf1) =	vsort.dscd.msk.f32 $0xffff, v59, v61;
	_ =	sdelay $0x1  }
0x601: {  	v22, v36, _ =	vpop (xrf1)  }
0x602: {  	[tilespmem:$0x1FAB0] =	vst v36;
	v19, v37, _ =	vpop (xrf1)  }
0x603: {  	(erf) = vrcp.f32 v4;
	v0 =	vmul.f32 $1.442695020e+00, v63;
	v1 =	vld [tilespmem:s22+$0x190];
	[tilespmem:$0x1FAC0] =	vst v37;
	v21, v38, _ =	vpop (xrf1)  }
0x604: {  	v2 =	vld [tilespmem:s22+$0x1A0];
	[tilespmem:$0x1FAD0] =	vst v38;
	v10, v39, _ =	vpop (xrf1)  }
0x605: {  	(erf) = vpow2.f32 v0;
	v3 =	vld [tilespmem:s22+$0x1B0];
	[tilespmem:$0x1FA50] =	vst v39  }
0x606: {  	v4 =	vld [tilespmem:s22+$0xFFFFFE10]  }
0x607: {  	(xrf2) =	vadd.scan.msk.f32 $0xffff, v12;
	v30, _, _ =	vpop (xrf2);
	v40 =	vld [tilespmem:s22+$0xFFFFFE20]  }
0x608: {  	(xrf2) =	vadd.scan.msk.f32 $0xffff, v60;
	v1 =	vmul.f32 $1.442695020e+00, v1;
	v43, v44, _ =	vpop (xrf1);
	v41 =	vld [tilespmem:s22+$0xFFFFFE30]  }
0x609: {  	(xrf2) =	vadd.scan.msk.f32 $0xffff, v22;
	v42 =	vld [tilespmem:s22+$0xFFFFFE80];
	[tilespmem:$0x1FA60] =	vst v44;
	v11, v45, _ =	vpop (xrf1)  }
0x60a: {  	v31, _, _ =	vpop (xrf2);
	(xrf2) =	vadd.scan.msk.f32 $0xffff, v19;
	(erf) = vpow2.f32 v1;
	v2 =	vmul.f32 $1.442695020e+00, v2;
	v1 =	vld [tilespmem:s22+$0xFFFFFE90];
	[tilespmem:$0x1FA70] =	vst v45  }
0x60b: {  	v28, _, _ =	vpop (xrf2);
	[tilespmem:$0x1FA80] =	vst v43  }
0x60c: {  	v9 =	vpop (erf);
	(erf) = vpow2.f32 v2;
	v47 =	vld [tilespmem:s22+$0xFFFFFEA0];
	v3 =	vmul.f32 $1.442695020e+00, v3  }
0x60d: {  	v24, v48, _ =	vpop (xrf1);
	v46 =	vmul.f32 $1.442695020e+00, v4;
	v49 =	vmul.f32 $1.442695020e+00, v40  }
0x60e: {  	v62 =	vlaneseq.u32;
	[tilespmem:$0x1FA90] =	vst v48;
	v6 =	vmul.f32 $1.442695020e+00, v41;
	v41 =	vpop (erf);
	(erf) = vpow2.f32 v3  }
0x60f: {  	v32, _, _ =	vpop (xrf2);
	v50 =	vld [tilespmem:s22+$0xFFFFFEB0];
	v0 =	vmul.f32 $1.442695020e+00, v42;
	(xrf1) =	vsort.dscd.msk.f32 $0xffff, v41, v62;
	(erf) = vpow2.f32 v46  }
0x610: {  	v23, _, _ =	vpop (xrf2);
	v51 =	vld [tilespmem:s22+$0xFFFFFF00];
	v1 =	vmul.f32 $1.442695020e+00, v1;
	(erf) = vpow2.f32 v49  }
0x611: {  	v25, _, _ =	vpop (xrf2);
	v52 =	vld [tilespmem:s22+$0xFFFFFF10];
	v4 =	vmul.f32 $1.442695020e+00, v47;
	(erf) = vpow2.f32 v6  }
0x612: {  	v26, _, _ =	vpop (xrf2);
	v53 =	vld [tilespmem:s22+$0xFFFFFF20];
	(erf) = vpow2.f32 v0  }
0x613: {  	v37, _, _ =	vpop (xrf2);
	v56 =	vld [tilespmem:s22+$0xFFFFFF30];
	(erf) = vpow2.f32 v1  }
0x614: {  	v36, _, _ =	vpop (xrf2);
	v54 =	vmul.f32 $1.442695020e+00, v50  }
0x615: {  	v55 =	vmul.f32 $1.442695020e+00, v51;
	(erf) = vpow2.f32 v4;
	v4 =	vpop (erf)  }
0x616: {  	v57 =	vld [tilespmem:s22+$0xFFFFFF80];
	v2 =	vmul.f32 $1.442695020e+00, v52;
	(erf) = vpow2.f32 v54;
	v0 =	vpop (erf);
	(xrf1) =	vsort.ascd.msk.f32 $0xffff, v4, v13  }
0x617: {  	v58 =	vld [tilespmem:s22+$0xFFFFFF90];
	v3 =	vmul.f32 $1.442695020e+00, v53;
	(erf) = vpow2.f32 v55;
	(xrf1) =	vsort.dscd.msk.f32 $0xffff, v0, v14;
	v1 =	vpop (erf)  }
0x618: {  	v59 =	vld [tilespmem:s22+$0xFFFFFFA0];
	v5 =	vmul.f32 $1.442695020e+00, v56;
	(erf) = vpow2.f32 v2;
	(xrf1) =	vsort.ascd.msk.f32 $0xffff, v1, v15;
	v33 =	vpop (erf)  }
0x619: {  	v61 =	vld [tilespmem:s22+$0x0];
	(erf) = vpow2.f32 v3;
	v42 =	vpop (erf)  }
0x61a: {  	v60 =	vld [tilespmem:s22+$0xFFFFFFB0];
	(erf) = vpow2.f32 v5;
	v45 =	vpop (erf)  }
0x61b: {  	v63 =	vld [tilespmem:s22+$0x10];
	v38 =	vpop (erf)  }
0x61c: {  	v52 =	vld [tilespmem:s22+$0x20];
	v6 =	vmul.f32 $1.442695020e+00, v57;
	v39 =	vpop (erf)  }
0x61d: {  	(xrf2) =	vadd.scan.msk.f32 $0xffff, v21;
	v2 =	vmul.f32 $1.442695020e+00, v58;
	v3 =	vmul.f32 $1.442695020e+00, v59;
	v59, v46, _ =	vpop (xrf1)  }
0x61e: {  	(xrf2) =	vadd.scan.msk.f32 $0xffff, v10;
	v53 =	vld [tilespmem:s22+$0x30];
	v56 =	vmul.f32 $1.442695020e+00, v61;
	v40 =	vpop (erf);
	(erf) = vpow2.f32 v6  }
0x61f: {  	(xrf2) =	vadd.scan.msk.f32 $0xffff, v43;
	v54 =	vmul.f32 $1.442695020e+00, v60;
	v55 =	vld [tilespmem:s22+$0x80];
	v43 =	vpop (erf);
	(erf) = vpow2.f32 v2  }
0x620: {  	v57 =	vmul.f32 $1.442695020e+00, v63;
	(xrf1) =	vsort.ascd.msk.f32 $0xffff, v33, v13;
	v44 =	vpop (erf);
	(erf) = vpow2.f32 v3  }
0x621: {  	v58 =	vmul.f32 $1.442695020e+00, v52;
	v49 =	vpop (erf);
	(erf) = vpow2.f32 v54  }
0x622: {  	v26 =	vperm.xlane v26, v17;
	v50 =	vld [tilespmem:s22+$0xFFFFFE00];
	v47 =	vpop (erf);
	(erf) = vpow2.f32 v56  }
0x623: {  	v5 =	vmul.f32 $1.442695020e+00, v53;
	(xrf1) =	vsort.dscd.msk.f32 $0xffff, v42, v14;
	(erf) = vpow2.f32 v57;
	v53 =	vpop (erf)  }
0x624: {  	v12 =	vimm.s32 $0x7;
	v52 =	vld [tilespmem:s22+$0x90];
	v7 =	vmul.f32 $1.442695020e+00, v55;
	v61, v60, _ =	vpop (xrf1);
	(erf) = vpow2.f32 v58  }
0x625: {  	v37 =	vperm.xlane v37, v12;
	(xrf1) =	vsort.ascd.msk.f32 $0xffff, v45, v15;
	v57, v63, _ =	vpop (xrf1);
	(erf) = vpow2.f32 v5;
	v2 =	vsel vm0, v59, v61  }
0x626: {  	(erf) = vpow2.f32 v7;
	v7 =	vperm.xlane v2, v29;
	v59, v58, _ =	vpop (xrf1)  }
0x627: {  	v50 =	vmul.f32 $1.442695020e+00, v50;
	v6 =	vld [tilespmem:s22+$0xA0];
	v46 =	vsel vm0, v46, v60;
	v54 =	vpop (erf);
	v3 =	vsel vm0, v57, v59  }
0x628: {  	v51 =	vld [tilespmem:s22+$0xB0];
	v61 =	vperm.xlane v46, v29;
	v5 =	vsel vm0, v63, v58;
	v55 =	vpop (erf);
	v60 =	vperm.xlane v3, v29  }
0x629: {  	(xrf1) =	vsort.dscd.msk.f32 $0xffff, v38, v62;
	v52 =	vmul.f32 $1.442695020e+00, v52;
	vm1 =	vge.f32 v2, v7;
	v63 =	vld [tilespmem:s22+$0x100];
	v62 =	vperm.xlane v5, v29;
	v59 =	vpop (erf)  }
0x62a: {  	v48 =	vld [tilespmem:s22+$0x110];
	v2 =	vsel vm1, v2, v7;
	v46 =	vsel vm1, v46, v61;
	v7 =	vpop (erf);
	vm2 =	vge.f32 v3, v60  }
0x62b: {  	(xrf1) =	vsort.ascd.msk.f32 $0xffff, v39, v13;
	(erf) = vpow2.f32 v50;
	v61 =	vld [tilespmem:s22+$0x120];
	v56 =	vpop (erf);
	v3 =	vsel vm2, v3, v60;
	v5 =	vsel vm2, v5, v62  }
0x62c: {  	v6 =	vmul.f32 $1.442695020e+00, v6;
	v50 =	vpop (erf);
	v2 =	vsel vm0, v2, v3;
	v60 =	vsel vm0, v46, v5  }
0x62d: {  	s23 =	simm.s32 $0x307;
	v18 =	vlaneseq.u32;
	(erf) = vpow2.f32 v52;
	v62 =	vmul.f32 $1.442695020e+00, v51;
	v51 =	vpop (erf);
	(xrf1) =	vsort.dscd.msk.f32 $0xffff, v2, v60;
	v2 =	vld [tilespmem:s22+$0x130]  }
0x62e: {  	(erf) = vpow2.f32 v6;
	v63 =	vmul.f32 $1.442695020e+00, v63;
	v3 =	vmov s23;
	v58, v46, _ =	vpop (xrf1)  }
0x62f: {  	v48 =	vmul.f32 $1.442695020e+00, v48;
	v57 =	vpop (erf);
	(erf) = vpow2.f32 v62;
	v52 =	vshll.u32 v3, $0x3  }
0x630: {  	v5 =	vmul.f32 $1.442695020e+00, v61;
	v3 =	vand.u32 $0x7F, v3;
	v6 =	vpop (erf);
	(xrf1) =	vsort.dscd.msk.f32 $0xffff, v40, v14;
	(erf) = vpow2.f32 v63  }
0x631: {  	v52 =	vand.u32 $0x1C00, v52;
	v63 =	vperm.xlane v30, v17;
	v60, v61, _ =	vpop (xrf1);
	(xrf1) =	vsort.ascd.msk.f32 $0xffff, v43, v15;
	(erf) = vpow2.f32 v48  }
0x632: {  	v34, _, _ =	vpop (xrf2);
	v16 =	vor.u32 v52, v3;
	v3 =	vperm.xlane v31, v17;
	(xrf1) =	vsort.dscd.msk.f32 $0xffff, v44, v18;
	v2 =	vmul.f32 $1.442695020e+00, v2  }
0x633: {  	v48, v62, _ =	vpop (xrf1);
	(erf) = vpow2.f32 v5;
	v31 =	vmul.f32 $9.999999970e-07, v63;
	(xrf1) =	vsort.ascd.msk.f32 $0xffff, v49, v13  }
0x634: {  	v1 =	vadd.f32 v1, v0;
	v52 =	vpop (erf);
	(xrf1) =	vsort.dscd.msk.f32 $0xffff, v47, v14;
	(erf) = vpow2.f32 v2;
	v2 =	vadd.f32 v4, v41  }
0x635: {  	v35, _, _ =	vpop (xrf2);
	v3 =	vmul.f32 $9.999999970e-07, v3;
	v37 =	vadd.f32 v37, v31;
	v31 =	vperm.xlane v36, v12;
	(xrf1) =	vsort.dscd.msk.f32 $0xffff, v52, v18  }
0x636: {  	v27, _, _ =	vpop (xrf2);
	v1 =	vadd.f32 v1, v2;
	v2 =	vperm.xlane v28, v17;
	v28 =	vperm.xlane v32, v17  }
0x637: {  	v8 =	vlaneseq.u32;
	v5, v30, _ =	vpop (xrf1);
	v48 =	vsel vm0, v60, v48;
	v36 =	vperm.xlane v34, v12;
	(xrf1) =	vsort.ascd.msk.f32 $0xffff, v53, v15  }
0x638: {  	v63 =	vpop (erf);
	v52 =	vadd.f32 v33, v52;
	v34 =	vadd.f32 v31, v3;
	(xrf1) =	vsort.dscd.msk.f32 $0xffff, v54, v8  }
0x639: {  	v4, v41, _ =	vpop (xrf1);
	v3 =	vperm.xlane v35, v12;
	v12 =	vmul.f32 v20, v9;
	(xrf1) =	vsort.ascd.msk.f32 $0xffff, v55, v13  }
0x63a: {  	v32 =	vpop (erf);
	(xrf2) =	vadd.scan.msk.f32 $0xffff, v1;
	v1 =	vmul.f32 $9.999999970e-07, v2;
	v2 =	vadd.f32 v45, v42;
	v45 =	vmul.f32 $9.999999970e-07, v28  }
0x63b: {  	v20 =	vadd.f32 v39, v38;
	v39 =	vadd.f32 v53, v47;
	(xrf1) =	vsort.dscd.msk.f32 $0xffff, v59, v14;
	v35, v28, _ =	vpop (xrf1)  }
0x63c: {  	v4 =	vsel vm0, v5, v4;
	v0 =	vpop (erf);
	v31 =	vadd.f32 v36, v1;
	v36 =	vadd.f32 v43, v40;
	(xrf2) =	vadd.scan.msk.f32 $0xffff, v35  }
0x63d: {  	v42 =	vpop (erf);
	v1 =	vadd.f32 v3, v45;
	v3 =	vadd.f32 v49, v44;
	(xrf1) =	vsort.ascd.msk.f32 $0xffff, v7, v15  }
0x63e: {  	v44 =	vadd.f32 v55, v54;
	v2 =	vadd.f32 v2, v52;
	v45, v47, _ =	vpop (xrf1);
	(xrf1) =	vsort.dscd.msk.f32 $0xffff, v56, v8  }
0x63f: {  	(erf) = vrcp.f32 v37;
	v49 =	vadd.f32 v50, v56;
	v7 =	vadd.f32 v7, v59;
	v54, v55, _ =	vpop (xrf1);
	(xrf1) =	vsort.ascd.msk.f32 $0xffff, v50, v13  }
0x640: {  	v30 =	vsel vm0, v30, v41;
	v38 =	vpop (erf);
	v59 =	vadd.f32 v57, v51;
	v37 =	vadd.f32 v36, v20;
	(xrf2) =	vadd.scan.msk.f32 $0xffff, v2  }
0x641: {  	v36 =	vadd.f32 v39, v3;
	v56 =	vperm.xlane v48, v29;
	v39, v50, _ =	vpop (xrf1);
	(xrf1) =	vsort.dscd.msk.f32 $0xffff, v51, v14  }
0x642: {  	v40 =	vpop (erf);
	v3 =	vadd.f32 v7, v44;
	v20 =	vadd.f32 v59, v49;
	v49 =	vsel vm0, v61, v62;
	(xrf2) =	vadd.scan.msk.f32 $0xffff, v37  }
0x643: {  	v59 =	vperm.xlane v4, v29;
	v60 =	vperm.xlane v49, v29;
	v7, v44, _ =	vpop (xrf1);
	(xrf1) =	vsort.ascd.msk.f32 $0xffff, v57, v15  }
0x644: {  	vm1 =	vge.f32 v48, v56;
	v45 =	vsel vm0, v45, v54;
	(xrf1) =	vsort.dscd.msk.f32 $0xffff, v6, v8;
	v62, _, _ =	vpop (xrf2)  }
0x645: {  	v47 =	vsel vm0, v47, v55;
	v51, v53, _ =	vpop (xrf1);
	(xrf1) =	vsort.ascd.msk.f32 $0xffff, v63, v13;
	v5 =	vperm.xlane v62, v17  }
0x646: {  	v18 =	vimm.s32 $0x7;
	v48 =	vsel vm1, v48, v56;
	v6 =	vadd.f32 v63, v6;
	(xrf1) =	vsort.dscd.msk.f32 $0xffff, v32, v14;
	v61, _, _ =	vpop (xrf2)  }
0x647: {  	v41, v57, _ =	vpop (xrf1);
	(xrf1) =	vsort.ascd.msk.f32 $0xffff, v0, v15;
	v0 =	vadd.f32 v0, v32;
	v5 =	vmul.f32 $9.999999970e-07, v5;
	v56 =	vperm.xlane v61, v18  }
0x648: {  	v43 =	vpop (erf);
	(xrf2) =	vadd.scan.msk.f32 $0xffff, v36;
	v49 =	vsel vm1, v49, v60;
	vm1 =	vge.f32 v4, v59;
	v7 =	vsel vm0, v39, v7  }
0x649: {  	v33 =	vpop (erf);
	(xrf2) =	vadd.scan.msk.f32 $0xffff, v3;
	v0 =	vadd.f32 v0, v6;
	v5 =	vadd.f32 v56, v5;
	v56 =	vperm.xlane v30, v29  }
0x64a: {  	v6 =	vadd.f32 v43, v40;
	v61, v62, _ =	vpop (xrf1);
	(xrf1) =	vsort.dscd.msk.f32 $0xffff, v42, v8;
	v42 =	vadd.f32 v38, v42  }
0x64b: {  	v44 =	vsel vm0, v50, v44;
	v4 =	vsel vm1, v4, v59;
	(xrf2) =	vadd.scan.msk.f32 $0xffff, v20;
	v20 =	vperm.xlane v23, v17;
	v59, v60, _ =	vpop (xrf1)  }
0x64c: {  	v32, v63, _ =	vpop (xrf1);
	v39 =	vadd.f32 v6, v42;
	v6 =	vsel vm0, v41, v58;
	(erf) = vrcp.f32 v5  }
0x64d: {  	v23 =	vperm.xlane v25, v17;
	(xrf1) =	vsort.ascd.msk.f32 $0xffff, v38, v13;
	v50 =	vperm.xlane v6, v29;
	v5, v38, _ =	vpop (xrf1)  }
0x64e: {  	v46 =	vsel vm0, v57, v46;
	v51 =	vsel vm0, v51, v61;
	v30 =	vsel vm1, v30, v56;
	v52, v56, _ =	vpop (xrf1)  }
0x64f: {  	v53 =	vsel vm0, v53, v62;
	v32 =	vsel vm0, v59, v32;
	vm1 =	vge.f32 v6, v50;
	v54, v55, _ =	vpop (xrf1)  }
0x650: {  	s24 =	simm.s32 $0x30F;
	v59 =	vsel vm0, v60, v63;
	v6 =	vsel vm1, v6, v50;
	v50 =	vperm.xlane v45, v29;
	v41, v42, _ =	vpop (xrf1)  }
0x651: {  	v5 =	vsel vm0, v5, v52;
	v52 =	vsel vm0, v38, v56;
	v38 =	vmov s24;
	v57, v58, _ =	vpop (xrf1)  }
0x652: {  	(xrf1) =	vsort.dscd.msk.f32 $0xffff, v40, v14;
	v6 =	vsel vm0, v6, v48;
	v63 =	vshll.u32 v38, $0x3;
	v38 =	vand.u32 $0x7F, v38;
	v60, v61, _ =	vpop (xrf1)  }
0x653: {  	(xrf1) =	vsort.ascd.msk.f32 $0xffff, v43, v15;
	v40 =	vsel vm0, v54, v41;
	v41 =	vsel vm0, v55, v42;
	v42 =	vand.u32 $0x1C00, v63;
	v56, v62, _ =	vpop (xrf1)  }
0x654: {  	v63 =	vperm.xlane v44, v29;
	v58 =	vsel vm0, v58, v61;
	v61 =	vperm.xlane v46, v29;
	v54, v55, _ =	vpop (xrf1)  }
0x655: {  	v42 =	vor.u32 v42, v38;
	v43 =	vsel vm0, v57, v60;
	v38 =	vpop (erf);
	v54 =	vsel vm0, v56, v54  }
0x656: {  	v57, v60, _ =	vpop (xrf1);
	v55 =	vsel vm0, v62, v55;
	v38 =	vmul.f32 v35, v38;
	v46 =	vsel vm1, v46, v61  }
0x657: {  	vm1 =	vge.f32 v45, v50;
	v61 =	vperm.xlane v53, v29;
	v56, v62, _ =	vpop (xrf1);
	v46 =	vsel vm0, v46, v49  }
0x658: {  	v35 =	vsel vm0, v57, v56;
	v57 =	vsel vm0, v60, v62;
	v62 =	vperm.xlane v7, v29  }
0x659: {  	v45 =	vsel vm1, v45, v50;
	v50 =	vperm.xlane v51, v29;
	v56 =	vperm.xlane v47, v29  }
0x65a: {  	v48, v60, _ =	vpop (xrf1);
	(xrf1) =	vsort.dscd.msk.f32 $0xffff, v6, v46;
	v4 =	vsel vm0, v4, v45;
	vm2 =	vge.f32 v7, v62  }
0x65b: {  	v47 =	vsel vm1, v47, v56;
	vm1 =	vge.f32 v51, v50;
	v7 =	vsel vm2, v7, v62  }
0x65c: {  	v62 =	vperm.xlane v32, v29;
	v44 =	vsel vm2, v44, v63;
	v63 =	vperm.xlane v59, v29  }
0x65d: {  	v6, v46, _ =	vpop (xrf1);
	v50 =	vsel vm1, v51, v50;
	v51 =	vperm.xlane v5, v29;
	v53 =	vsel vm1, v53, v61  }
0x65e: {  	v61 =	vperm.xlane v52, v29;
	v30 =	vsel vm0, v30, v47;
	v6 =	vsel vm0, v48, v6  }
0x65f: {  	v9 =	vmul.f32 $9.999999970e-07, v26;
	v7 =	vsel vm0, v7, v50;
	v44 =	vsel vm0, v44, v53;
	(xrf1) =	vsort.dscd.msk.f32 $0xffff, v4, v30  }
0x660: {  	v45 =	vsel vm0, v60, v46;
	vm2 =	vge.f32 v32, v62;
	vm1 =	vge.f32 v5, v51  }
0x661: {  	v32 =	vsel vm2, v32, v62;
	v62 =	vperm.xlane v40, v29;
	v48 =	vsel vm2, v59, v63  }
0x662: {  	v63 =	vperm.xlane v41, v29;
	v52 =	vsel vm1, v52, v61;
	v61 =	vperm.xlane v54, v29  }
0x663: {  	v5 =	vsel vm1, v5, v51;
	v51 =	vperm.xlane v43, v29;
	vm1 =	vge.f32 v40, v62  }
0x664: {  	vm2 =	vge.f32 v54, v61;
	v40 =	vsel vm1, v40, v62;
	v62 =	vperm.xlane v58, v29  }
0x665: {  	v41 =	vsel vm1, v41, v63;
	v63 =	vperm.xlane v55, v29;
	vm1 =	vge.f32 v43, v51  }
0x666: {  	v43 =	vsel vm1, v43, v51;
	v51 =	vsel vm2, v54, v61;
	v61 =	vperm.xlane v35, v29  }
0x667: {  	v50 =	vperm.xlane v57, v29;
	(xrf1) =	vsort.dscd.msk.f32 $0xffff, v7, v44;
	v53 =	vperm.xlane v6, v29  }
0x668: {  	v4, v30, _ =	vpop (xrf1);
	v5 =	vsel vm0, v32, v5;
	v49 =	vsel vm1, v58, v62;
	vm1 =	vge.f32 v35, v61  }
0x669: {  	v54 =	vsel vm2, v55, v63;
	v56 =	vsel vm1, v35, v61;
	v35 =	vsel vm0, v40, v43;
	v43 =	vmovc v11;
	v11 =	vld [tilespmem:$0x1FFB0]  }
0x66a: {  	v58 =	vperm.xlane v45, v29;
	vm2 =	vge.f32 v6, v53;
	v25 =	vsel vm0, v41, v49;
	v63, v62, _ =	vpop (xrf1)  }
0x66b: {  	v59 =	vsel vm1, v57, v50;
	v61 =	vsel vm2, v6, v53;
	v4 =	vsel vm0, v4, v63  }
0x66c: {  	v26 =	vsel vm0, v54, v59;
	v55 =	vsel vm0, v30, v62;
	v30 =	vperm.xlane v4, v29  }
0x66d: {  	v62 =	vsel vm2, v45, v58;
	v63 =	vsel vm0, v48, v52;
	v60 =	vperm.xlane v55, v29  }
0x66e: {  	s25 =	simm.s32 $0x300;
	(xrf1) =	vsort.dscd.msk.f32 $0xffff, v5, v63;
	vm1 =	vge.f32 v4, v30;
	v37 =	vor.u32 v11, v16  }
0x66f: {  	(xrf1) =	vsort.dscd.msk.f32 $0xffff, v35, v25;
	v16 =	vmul.f32 $9.999999970e-07, v23;
	v23 =	vperm.xlane v27, v18;
	v27 =	vmov s25  }
0x670: {  	v4 =	vsel vm1, v4, v30;
	v2 =	vsel vm1, v55, v60;
	v30 =	vsel vm0, v51, v56  }
0x671: {  	v48 =	vshll.u32 v27, $0x3;
	v3 =	vsel vm0, v61, v4;
	v2 =	vsel vm0, v62, v2;
	(xrf1) =	vsort.dscd.msk.f32 $0xffff, v30, v26  }
0x672: {  	v45 =	vand.u32 $0x78, v27;
	v27 =	vor.u32 v11, v42;
	(xrf1) =	vsort.dscd.msk.f32 $0xffff, v3, v2;
	v3 =	vand.u32 $0x1C00, v48  }
0x673: {  	(erf) = vrcp.f32 v34;
	v3 =	vor.u32 v3, v45  }
0x674: {  	[tilespmem:v37+s12+$0x0] =	vst.idx.msk $0xff, v12;
	v3 =	vor.u32 v11, v3  }
0x675: {  	s26 =	simm.s32 $0x301;
	v8 =	vld [tilespmem:$0x1FAA0]  }
0x676: {  	v41 =	vmov s26  }
0x677: {  	v22 =	vmul.f32 v22, v33;
	(xrf2) =	vadd.scan.msk.f32 $0xffff, v0;
	v4 =	vshll.u32 v41, $0x3;
	[tilespmem:v27+s12+$0x0] =	vst.idx.msk $0xff, v38  }
0x678: {  	v30 =	vand.u32 $0x79, v41;
	v4 =	vand.u32 $0x1C00, v4;
	[tilespmem:v27+s13+$0x0] =	vst.idx.msk $0xff, v28  }
0x679: {  	(xrf2) =	vadd.scan.msk.f32 $0xffff, v39;
	(erf) = vrcp.f32 v31;
	v44, _, _ =	vpop (xrf2);
	v4 =	vor.u32 v4, v30;
	[tilespmem:v3+s12+$0x0] =	vst.idx.msk $0xff, v22  }
0x67a: {  	s28 =	simm.s32 $0x302;
	(xrf2) =	vadd.scan.msk.f32 $0xffff, v43;
	v26, _, _ =	vpop (xrf2);
	v51 =	vor.u32 v11, v4;
	[tilespmem:v37+s13+$0x0] =	vst.idx.msk $0xff, v8  }
0x67b: {  	v25 =	vmov s28;
	v26 =	vperm.xlane v26, v17;
	v55 =	vld [tilespmem:$0x1FAB0]  }
0x67c: {  	v46 =	vand.u32 $0x7A, v25;
	v30 =	vpop (erf)  }
0x67d: {  	v25 =	vshll.u32 v25, $0x3;
	v31 =	vmul.f32 $9.999999970e-07, v26;
	v26 =	vmul.f32 v19, v30  }
0x67e: {  	v25 =	vand.u32 $0x1C00, v25;
	v47, _, _ =	vpop (xrf2)  }
0x67f: {  	v0 =	vperm.xlane v44, v17;
	v25 =	vor.u32 v25, v46;
	v29, _, _ =	vpop (xrf2);
	[tilespmem:v51+s12+$0x0] =	vst.idx.msk $0xff, v26  }
0x680: {  	s29 =	simm.s32 $0x303;
	v25 =	vor.u32 v11, v25;
	(xrf2) =	vadd.scan.msk.f32 $0xffff, v24;
	v49, _, _ =	vpop (xrf2);
	[tilespmem:v3+s13+$0x0] =	vst.idx.msk $0xff, v55  }
0x681: {  	v34 =	vmul.f32 $9.999999970e-07, v0;
	v58 =	vmov s29;
	v50, _, _ =	vpop (xrf2);
	v57 =	vld [tilespmem:$0x1FAC0]  }
0x682: {  	s30 =	simm.s32 $0x304;
	v40 =	vmul.f32 $9.999999970e-07, v20;
	v20 =	vmov v24;
	v59 =	vshll.u32 v58, $0x3;
	v27 =	vpop (erf)  }
0x683: {  	v0 =	vand.u32 $0x7B, v58;
	v60 =	vmov s30;
	v52, _, _ =	vpop (xrf2);
	v56 =	vmul.f32 v21, v27  }
0x684: {  	s31 =	simm.s32 $0x305;
	v7 =	vadd.f32 v23, v40;
	v61 =	vshll.u32 v60, $0x3;
	v2 =	vperm.xlane v47, v17;
	v54, _, _ =	vpop (xrf2)  }
0x685: {  	v62 =	vmov s31;
	v29 =	vperm.xlane v29, v17;
	v6 =	vperm.xlane v49, v17;
	v23, v22, _ =	vpop (xrf1);
	[tilespmem:v25+s12+$0x0] =	vst.idx.msk $0xff, v56  }
0x686: {  	v63 =	vand.u32 $0x7C, v60;
	v12 =	vmul.f32 $9.999999970e-07, v2;
	v4 =	vperm.xlane v54, v18;
	v44, v18, _ =	vpop (xrf1);
	[tilespmem:v51+s13+$0x0] =	vst.idx.msk $0xff, v57  }
0x687: {  	v39 =	vand.u32 $0x7D, v62;
	v5 =	vperm.xlane v50, v17;
	v53 =	vperm.xlane v52, v17;
	v21, v17, _ =	vpop (xrf1);
	v3 =	vld [tilespmem:$0x1FAD0]  }
0x688: {  	v41 =	vshll.u32 v62, $0x3;
	v30 =	vmul.f32 $9.999999970e-07, v29;
	(erf) = vrcp.f32 v1;
	v37, v32, _ =	vpop (xrf1)  }
0x689: {  	v1 =	vand.u32 $0x1C00, v59;
	v29 =	vmul.f32 $9.999999970e-07, v6;
	(erf) = vrcp.f32 v7;
	v36, v27, _ =	vpop (xrf1)  }
0x68a: {  	v0 =	vor.u32 v1, v0;
	v1 =	vand.u32 $0x1C00, v61;
	v4 =	vadd.f32 v4, v16;
	(xrf2) =	vadd.scan.msk.f32 $0xffff, v23;
	v42, _, _ =	vpop (xrf2)  }
0x68b: {  	s18 =	simm.s32 $0xFFFFFFF8;
	v19 =	vmul.f32 $9.999999970e-07, v5;
	v38 =	vor.u32 v11, v0;
	v40 =	vor.u32 v1, v63;
	(xrf2) =	vadd.scan.msk.f32 $0xffff, v44;
	v35, v24, _ =	vpop (xrf1)  }
0x68c: {  	s17 =	simm.s32 $0x0;
	s20 =	simm.s32 $0x8A00;
	s19 =	simm.s32 $0x8;
	v33 =	vmul.f32 $9.999999970e-07, v53;
	(erf) = vrcp.f32 v4;
	(xrf2) =	vadd.scan.msk.f32 $0xffff, v21;
	[tilespmem:v25+s13+$0x0] =	vst.idx.msk $0xff, v3;
	v26, v25, _ =	vpop (xrf1)  }
.LBB2_8:
0x68d: {  	v8 =	vmov v37  }
0x68e: {  	[tilespmem:$0x1F9E0] =	vst v8;
	(xrf2) =	vadd.scan.msk.f32 $0xffff, v8;
	v8 =	vld [tilespmem:$0x1FA80];
	_ =	sdelay $0x2  }
0x68f: {  	v4 =	vpop (erf)  }
0x690: {  	v0 =	vld [tilespmem:s20+$0x180];
	v6 =	vpop (erf)  }
0x691: {  	v28 =	vld [tilespmem:$0x1FFB0];
	v6 =	vmul.f32 v8, v6;
	v8 =	vmov v33  }
0x692: {  	[tilespmem:$0x1F9D0] =	vst v8;
	v8 =	vld [tilespmem:$0x1FA50]  }
0x693: {  	v5 =	vld [tilespmem:s20+$0x190]  }
0x694: {  	v7 =	vld [tilespmem:s20+$0x1A0];
	v4 =	vmul.f32 v10, v4  }
0x695: {  	v57 =	vld [tilespmem:s20+$0x1B0]  }
0x696: {  	v11 =	vimm.s32 $0x7;
	v60 =	vld [tilespmem:s20+$0xFFFFFE10];
	[tilespmem:v38+s12+$0x0] =	vst.idx.msk $0xff, v4  }
0x697: {  	v63 =	vld [tilespmem:s20+$0xFFFFFE20];
	v3 =	vperm.xlane v42, v11;
	v1 =	vor.u32 v28, v40;
	[tilespmem:v38+s13+$0x0] =	vst.idx.msk $0xff, v8;
	v8 =	vmov v32  }
0x698: {  	[tilespmem:$0x1FA50] =	vst v8;
	v8 =	vld [tilespmem:$0x1FA60]  }
0x699: {  	v45 =	vld [tilespmem:$0x1FA70];
	v10 =	vadd.f32 v3, v9  }
0x69a: {  	v2 =	vand.u32 $0x1C00, v41;
	v46 =	vmov v24;
	v48 =	vld [tilespmem:s20+$0xFFFFFEA0];
	v0 =	vmul.f32 $1.442695020e+00, v0  }
0x69b: {  	[tilespmem:$0x1FA20] =	vst v44;
	v24 =	vld [tilespmem:s20+$0xFFFFFEB0];
	v2 =	vor.u32 v2, v39;
	v5 =	vmul.f32 $1.442695020e+00, v5;
	v15 =	vpop (erf);
	(erf) = vrcp.f32 v10  }
0x69c: {  	v2 =	vor.u32 v28, v2;
	v9 =	vmovc v36;
	v44 =	vmul.f32 $1.442695020e+00, v57;
	(erf) = vpow2.f32 v0;
	[tilespmem:v1+s12+$0x0] =	vst.idx.msk $0xff, v6;
	v38 =	vld [tilespmem:s20+$0xFFFFFE30]  }
0x69d: {  	v42 =	vld [tilespmem:s20+$0xFFFFFE80];
	v58, _, _ =	vpop (xrf2);
	(xrf2) =	vadd.scan.msk.f32 $0xffff, v9;
	(erf) = vpow2.f32 v5;
	[tilespmem:v1+s13+$0x0] =	vst.idx.msk $0xff, v8;
	v8 =	vmul.f32 $1.442695020e+00, v7  }
0x69e: {  	v47 =	vmul.f32 $1.442695020e+00, v60;
	v59 =	vmul.f32 v43, v15;
	v43 =	vld [tilespmem:s20+$0xFFFFFE90]  }
0x69f: {  	v41 =	vmov v27;
	v27 =	vld [tilespmem:s20+$0xFFFFFF20];
	v61 =	vperm.xlane v58, v11;
	(erf) = vpow2.f32 v8  }
0x6a0: {  	[tilespmem:$0x1FA80] =	vst v9;
	v9 =	vld [tilespmem:$0x1FFD0];
	v8 =	vmul.f32 $1.442695020e+00, v63;
	(erf) = vpow2.f32 v44  }
0x6a1: {  	v40, _, _ =	vpop (xrf2);
	v58 =	vld [tilespmem:s20+$0xFFFFFF00];
	v57 =	vmul.f32 $1.442695020e+00, v38;
	(erf) = vpow2.f32 v47  }
0x6a2: {  	v49, _, _ =	vpop (xrf2);
	[tilespmem:v2+s12+$0x0] =	vst.idx.msk $0xff, v59;
	v59 =	vld [tilespmem:s20+$0xFFFFFF10];
	v1 =	vmul.f32 $1.442695020e+00, v42;
	(erf) = vpow2.f32 v8  }
0x6a3: {  	v62 =	vmov v35;
	v10 =	vld [tilespmem:$0x1FFE0];
	v3, _, _ =	vpop (xrf2);
	v8 =	vmul.f32 $1.442695020e+00, v43;
	(erf) = vpow2.f32 v57  }
0x6a4: {  	v60 =	vmul.f32 $1.442695020e+00, v48;
	v32 =	vadd.f32 v61, v34;
	v61 =	vld [tilespmem:s20+$0xFFFFFF30];
	v33 =	vpop (erf);
	(erf) = vpow2.f32 v1  }
0x6a5: {  	[tilespmem:$0x1F960] =	vst v62;
	v62 =	vmul.f32 $1.442695020e+00, v24;
	v34 =	vpop (erf);
	(erf) = vpow2.f32 v8;
	v8 =	vld [tilespmem:$0x1FFC0]  }
0x6a6: {  	v24 =	vld [tilespmem:s20+$0xFFFFFF80];
	v6 =	vmul.f32 $1.442695020e+00, v58;
	v35 =	vpop (erf);
	(erf) = vpow2.f32 v60  }
0x6a7: {  	[tilespmem:v2+s13+$0x0] =	vst.idx.msk $0xff, v45;
	v50 =	vld [tilespmem:s20+$0xFFFFFF90];
	v2 =	vmul.f32 $1.442695020e+00, v59;
	v63, _, _ =	vpop (xrf2);
	(erf) = vpow2.f32 v62  }
0x6a8: {  	v13 =	vlaneseq.u32;
	v27 =	vmul.f32 $1.442695020e+00, v27;
	v51 =	vld [tilespmem:s20+$0xFFFFFFA0];
	(erf) = vpow2.f32 v6;
	v38 =	vpop (erf)  }
0x6a9: {  	v53 =	vld [tilespmem:s20+$0xFFFFFFB0];
	v5 =	vmul.f32 $1.442695020e+00, v61;
	(xrf1) =	vsort.dscd.msk.f32 $0xffff, v34, v13;
	(erf) = vpow2.f32 v2;
	v39 =	vpop (erf)  }
0x6aa: {  	s22 =	sadd.s32 $0x30E, s18;
	v11 =	vimm.s32 $0x7;
	v59 =	vld [tilespmem:s20+$0x80];
	(xrf1) =	vsort.ascd.msk.f32 $0xffff, v35, v8;
	v36 =	vpop (erf);
	(erf) = vpow2.f32 v27  }
0x6ab: {  	v52 =	vmov s22;
	v45 =	vperm.xlane v40, v11;
	v55 =	vld [tilespmem:s20+$0x0];
	(xrf1) =	vsort.dscd.msk.f32 $0xffff, v38, v9;
	v44 =	vpop (erf);
	(erf) = vpow2.f32 v5  }
0x6ac: {  	v54 =	vand.u32 $0x7E, v52;
	v56 =	vmul.f32 $1.442695020e+00, v24;
	v24 =	vld [tilespmem:s20+$0x10];
	(xrf1) =	vsort.ascd.msk.f32 $0xffff, v39, v10;
	v6 =	vpop (erf)  }
0x6ad: {  	[tilespmem:$0x1FA70] =	vst v46;
	v3 =	vperm.xlane v3, v11;
	v31 =	vadd.f32 v45, v31;
	v57 =	vld [tilespmem:s20+$0x20];
	v1 =	vshll.u32 v52, $0x3;
	v46 =	vpop (erf)  }
0x6ae: {  	v4 =	vmul.f32 $1.442695020e+00, v51;
	v7 =	vperm.xlane v49, v11;
	v1 =	vand.u32 $0x1C00, v1;
	v48 =	vpop (erf)  }
0x6af: {  	[tilespmem:$0x1FA60] =	vst v41;
	v41 =	vmul.f32 $1.442695020e+00, v59;
	v0 =	vperm.xlane v63, v11;
	v63 =	vld [tilespmem:s20+$0x100];
	v1 =	vor.u32 v1, v54;
	v51 =	vpop (erf)  }
0x6b0: {  	v42 =	vmul.f32 $1.442695020e+00, v55;
	v40 =	vor.u32 v28, v1;
	v1 =	vmul.f32 $1.442695020e+00, v53;
	v53 =	vpop (erf)  }
0x6b1: {  	v61 =	vadd.f32 v7, v12;
	v47 =	vld [tilespmem:s20+$0x90];
	v49 =	vmul.f32 $1.442695020e+00, v24;
	v27 =	vmul.f32 $1.442695020e+00, v50;
	v54 =	vpop (erf)  }
0x6b2: {  	v58 =	vld [tilespmem:s20+$0x30];
	v0 =	vadd.f32 v0, v29;
	v43 =	vmul.f32 $1.442695020e+00, v57;
	(erf) = vpow2.f32 v56;
	v56 =	vpop (erf)  }
0x6b3: {  	v55 =	vld [tilespmem:s20+$0x110];
	v60 =	vadd.f32 v48, v46;
	v62 =	vadd.f32 v53, v51;
	(erf) = vpow2.f32 v27;
	v57 =	vpop (erf)  }
0x6b4: {  	v3 =	vadd.f32 v3, v30;
	v7 =	vmul.f32 $1.442695020e+00, v63;
	v50 =	vld [tilespmem:s20+$0xA0];
	(erf) = vpow2.f32 v4;
	v45 =	vpop (erf)  }
0x6b5: {  	[tilespmem:$0x1FA40] =	vst v0;
	v0 =	vld [tilespmem:$0x1FFF0];
	(erf) = vpow2.f32 v1;
	v30 =	vadd.f32 v62, v60;
	v60 =	vadd.f32 v45, v57  }
0x6b6: {  	[tilespmem:$0x1FA30] =	vst v3;
	(xrf1) =	vsort.ascd.msk.f32 $0xffff, v36, v8;
	v4 =	vmul.f32 $1.442695020e+00, v47;
	v47 =	vld [tilespmem:s20+$0x120];
	(erf) = vpow2.f32 v42  }
0x6b7: {  	[tilespmem:$0x1F9B0] =	vst v61;
	v5 =	vmul.f32 $1.442695020e+00, v58;
	(xrf1) =	vsort.dscd.msk.f32 $0xffff, v44, v9;
	(erf) = vpow2.f32 v49;
	v61, v49, _ =	vpop (xrf1)  }
0x6b8: {  	v11 =	vmul.f32 $1.442695020e+00, v55;
	v3 =	vadd.f32 v56, v54;
	(xrf1) =	vsort.ascd.msk.f32 $0xffff, v6, v10;
	(erf) = vpow2.f32 v43;
	v62, v63, _ =	vpop (xrf1)  }
0x6b9: {  	v37 =	vadd.f32 v6, v44;
	v1 =	vmul.f32 $1.442695020e+00, v50;
	v42 =	vld [tilespmem:s20+$0xFFFFFE00];
	(erf) = vpow2.f32 v5;
	(xrf1) =	vsort.dscd.msk.f32 $0xffff, v46, v13;
	v58, v59, _ =	vpop (xrf1)  }
0x6ba: {  	v29 =	vadd.f32 v60, v3;
	(erf) = vpow2.f32 v41;
	v6 =	vsel vm0, v61, v62;
	(xrf1) =	vsort.ascd.msk.f32 $0xffff, v48, v8;
	v61, v60, _ =	vpop (xrf1)  }
0x6bb: {  	v46 =	vmul.f32 $1.442695020e+00, v47;
	v41 =	vpop (erf);
	v12 =	vperm.xlane v6, v0;
	v3 =	vsel vm0, v58, v61  }
0x6bc: {  	v52 =	vld [tilespmem:s20+$0xB0];
	v43 =	vsel vm0, v49, v63;
	v48 =	vpop (erf);
	v5 =	vsel vm0, v59, v60;
	v15 =	vperm.xlane v3, v0  }
0x6bd: {  	v49 =	vperm.xlane v43, v0;
	v55 =	vpop (erf);
	vm1 =	vge.f32 v6, v12;
	v62 =	vperm.xlane v5, v0  }
0x6be: {  	v42 =	vmul.f32 $1.442695020e+00, v42;
	v47 =	vpop (erf);
	v12 =	vsel vm1, v6, v12;
	vm2 =	vge.f32 v3, v15  }
0x6bf: {  	v2 =	vld [tilespmem:s20+$0x130];
	v43 =	vsel vm1, v43, v49;
	v44 =	vpop (erf);
	v3 =	vsel vm2, v3, v15;
	v5 =	vsel vm2, v5, v62  }
0x6c0: {  	(erf) = vpow2.f32 v42;
	v6 =	vpop (erf);
	v3 =	vsel vm0, v12, v3;
	v5 =	vsel vm0, v43, v5  }
0x6c1: {  	v52 =	vmul.f32 $1.442695020e+00, v52;
	v49 =	vpop (erf);
	(erf) = vpow2.f32 v4;
	(xrf1) =	vsort.dscd.msk.f32 $0xffff, v3, v5  }
0x6c2: {  	v4 =	vpop (erf);
	(erf) = vpow2.f32 v1  }
0x6c3: {  	v42 =	vpop (erf);
	(erf) = vpow2.f32 v52  }
0x6c4: {  	v2 =	vmul.f32 $1.442695020e+00, v2;
	v58, v59, _ =	vpop (xrf1);
	(xrf1) =	vsort.dscd.msk.f32 $0xffff, v51, v9;
	(erf) = vpow2.f32 v7  }
0x6c5: {  	v63 =	vadd.f32 v47, v55;
	v12 =	vadd.f32 v48, v41;
	v51, v50, _ =	vpop (xrf1);
	(xrf1) =	vsort.ascd.msk.f32 $0xffff, v53, v10;
	(erf) = vpow2.f32 v11  }
0x6c6: {  	v16 =	vadd.f32 v6, v44;
	v15 =	vmul.f32 v20, v33;
	v43 =	vadd.f32 v35, v34;
	v53, v60, _ =	vpop (xrf1)  }
0x6c7: {  	v33 =	vadd.f32 v63, v12;
	v11 =	vmov v25;
	(xrf1) =	vsort.dscd.msk.f32 $0xffff, v54, v13;
	(erf) = vpow2.f32 v46;
	v3, v5, _ =	vpop (xrf1)  }
0x6c8: {  	v52 =	vld [tilespmem:$0x1FA90];
	[tilespmem:$0x1FA90] =	vst v11;
	v11 =	vsel vm0, v51, v53;
	(erf) = vpow2.f32 v2;
	(xrf1) =	vsort.ascd.msk.f32 $0xffff, v56, v8;
	v25, v62, _ =	vpop (xrf1)  }
0x6c9: {  	v61 =	vsel vm0, v50, v60;
	v7 =	vperm.xlane v11, v0;
	v46 =	vpop (erf);
	v63 =	vsel vm0, v3, v25  }
0x6ca: {  	(xrf1) =	vsort.dscd.msk.f32 $0xffff, v57, v9;
	v25 =	vadd.f32 v39, v38;
	v39 =	vpop (erf);
	v50 =	vperm.xlane v63, v0  }
0x6cb: {  	v1 =	vadd.f32 v4, v49;
	vm1 =	vge.f32 v11, v7;
	(xrf1) =	vsort.dscd.msk.f32 $0xffff, v46, v13;
	v54 =	vpop (erf)  }
0x6cc: {  	v14 =	vimm.s32 $0x7;
	[tilespmem:v40+s12+$0x0] =	vst.idx.msk $0xff, v15;
	v7 =	vsel vm1, v11, v7;
	v56 =	vpop (erf);
	vm2 =	vge.f32 v63, v50  }
0x6cd: {  	v12 =	vmov v26;
	(xrf1) =	vsort.ascd.msk.f32 $0xffff, v45, v10;
	v3 =	vadd.f32 v25, v43;
	v11 =	vpop (erf);
	v57 =	vsel vm2, v63, v50  }
0x6ce: {  	v26 =	vadd.f32 v1, v16;
	[tilespmem:$0x1F9A0] =	vst v12;
	v51 =	vperm.xlane v61, v0;
	(xrf1) =	vsort.dscd.msk.f32 $0xffff, v41, v13;
	v2 =	vpop (erf)  }
0x6cf: {  	v27 =	vimm.s32 $0xF;
	[tilespmem:v40+s13+$0x0] =	vst.idx.msk $0xff, v52;
	v60 =	vadd.f32 v36, v46;
	(xrf1) =	vsort.ascd.msk.f32 $0xffff, v48, v8;
	v53, v46, _ =	vpop (xrf1)  }
0x6d0: {  	v5 =	vsel vm0, v5, v62;
	v1 =	vsel vm1, v61, v51;
	(xrf2) =	vadd.scan.msk.f32 $0xffff, v3;
	[tilespmem:$0x1F990] =	vst v57;
	v57 =	vpop (erf)  }
0x6d1: {  	s18 =	smov.u32 s17;
	v40 =	vperm.xlane v5, v0;
	[tilespmem:$0x1F970] =	vst v7;
	v61 =	vadd.f32 v39, v42;
	(xrf1) =	vsort.dscd.msk.f32 $0xffff, v55, v9;
	v12 =	vpop (erf)  }
0x6d2: {  	s24 =	sadd.s32 $0x308, s18;
	[tilespmem:$0x1F980] =	vst v1;
	v1 =	vadd.f32 v37, v60;
	v62 =	vadd.f32 v56, v54;
	(xrf2) =	vadd.scan.msk.f32 $0xffff, v53;
	v48, v3, _ =	vpop (xrf1)  }
0x6d3: {  	v41 =	vmov s24;
	v34 =	vsel vm2, v5, v40;
	v7 =	vadd.f32 v2, v11;
	(xrf1) =	vsort.ascd.msk.f32 $0xffff, v47, v10;
	v51, v50, _ =	vpop (xrf1)  }
0x6d4: {  	(erf) = vrcp.f32 v32;
	v63 =	vadd.f32 v12, v57;
	(xrf1) =	vsort.dscd.msk.f32 $0xffff, v44, v13;
	v44 =	vsel vm0, v48, v51  }
0x6d5: {  	v40 =	vadd.f32 v62, v61;
	v45 =	vsel vm0, v3, v50;
	v32, v37, _ =	vpop (xrf1);
	v47 =	vperm.xlane v44, v0  }
0x6d6: {  	(xrf1) =	vsort.ascd.msk.f32 $0xffff, v6, v8;
	v48 =	vperm.xlane v45, v0;
	v43 =	vadd.f32 v63, v7;
	v63 =	vand.u32 $0x78, v41;
	v55, v52, _ =	vpop (xrf1)  }
0x6d7: {  	s25 =	sadd.s32 $0x309, s18;
	(xrf1) =	vsort.dscd.msk.f32 $0xffff, v49, v9;
	[tilespmem:$0x1F9C0] =	vst v63;
	v49 =	vsel vm0, v32, v55;
	v50 =	vsel vm0, v37, v52  }
0x6d8: {  	s26 =	sadd.s32 $0x30A, s18;
	v60, v61, _ =	vpop (xrf1);
	(xrf1) =	vsort.ascd.msk.f32 $0xffff, v4, v10;
	v4 =	vmov s25;
	vm1 =	vge.f32 v44, v47;
	v51 =	vperm.xlane v49, v0  }
0x6d9: {  	v55 =	vmov s26;
	v52 =	vperm.xlane v50, v0;
	(xrf1) =	vsort.dscd.msk.f32 $0xffff, v42, v13;
	v5, v7, _ =	vpop (xrf1);
	v44 =	vsel vm1, v44, v47  }
0x6da: {  	v62, _, _ =	vpop (xrf2);
	v15 =	vand.u32 $0x79, v4;
	v45 =	vsel vm1, v45, v48;
	(xrf1) =	vsort.ascd.msk.f32 $0xffff, v39, v8;
	v5 =	vsel vm0, v5, v58  }
0x6db: {  	v63 =	vand.u32 $0x7A, v55;
	v32 =	vperm.xlane v62, v27;
	v35, v36, _ =	vpop (xrf1);
	v7 =	vsel vm0, v7, v59;
	(xrf1) =	vsort.dscd.msk.f32 $0xffff, v54, v9  }
0x6dc: {  	v54 =	vperm.xlane v5, v0;
	v6 =	vsel vm0, v60, v35;
	v58 =	vsel vm0, v61, v36  }
0x6dd: {  	vm5 =	vge.f32 v49, v51;
	v42 =	vmul.f32 $9.999999970e-07, v32;
	(xrf1) =	vsort.ascd.msk.f32 $0xffff, v56, v10;
	v62 =	vpop (erf);
	v56 =	vperm.xlane v7, v0  }
0x6de: {  	v60 =	vperm.xlane v6, v0;
	v24 =	vperm.xlane v58, v0;
	v47 =	vsel vm5, v50, v52;
	v38, _, _ =	vpop (xrf2)  }
0x6df: {  	[tilespmem:$0x1FA00] =	vst v62;
	vm4 =	vge.f32 v5, v54;
	v14 =	vperm.xlane v38, v14;
	v61, v62, _ =	vpop (xrf1);
	(xrf1) =	vsort.dscd.msk.f32 $0xffff, v11, v13  }
0x6e0: {  	vm2 =	vge.f32 v6, v60;
	v5 =	vsel vm4, v5, v54;
	v7 =	vsel vm4, v7, v56  }
0x6e1: {  	s21 =	smov.u32 s19;
	[tilespmem:$0x1FA10] =	vst v63;
	v32, v63, _ =	vpop (xrf1);
	v6 =	vsel vm2, v6, v60;
	v24 =	vsel vm2, v58, v24;
	v11 =	vadd.f32 v14, v42  }
0x6e2: {  	s17 =	smov.u32 s21;
	(xrf1) =	vsort.ascd.msk.f32 $0xffff, v2, v8;
	v3 =	vsel vm0, v61, v32;
	v61 =	vsel vm0, v62, v63;
	v42 =	vshll.u32 v4, $0x3;
	v36, v35, _ =	vpop (xrf1)  }
0x6e3: {  	s28 =	sadd.s32 $0x30F, s17;
	v58 =	vld [tilespmem:$0x1F980];
	(xrf1) =	vsort.dscd.msk.f32 $0xffff, v57, v9;
	v24 =	vsel vm0, v47, v24;
	v4 =	vperm.xlane v3, v0;
	v37, v38, _ =	vpop (xrf1);
	(erf) = vrcp.f32 v11  }
0x6e4: {  	(xrf1) =	vsort.ascd.msk.f32 $0xffff, v12, v10;
	v25 =	vperm.xlane v61, v0;
	v10 =	vmov s28;
	v57 =	vsel vm0, v36, v37  }
0x6e5: {  	v59 =	vsel vm0, v35, v38;
	v62, v63, _ =	vpop (xrf1);
	v20 =	vshll.u32 v10, $0x3;
	v10 =	vand.u32 $0x7F, v10  }
0x6e6: {  	v38 =	vmovc v18;
	v37 =	vmovc v19;
	v36 =	vmov v21;
	vm3 =	vge.f32 v3, v4;
	v16 =	vand.u32 $0x1C00, v20  }
0x6e7: {  	v8 =	vperm.xlane v57, v0;
	v9 =	vperm.xlane v59, v0;
	v11, v12, _ =	vpop (xrf1);
	v10 =	vor.u32 v16, v10  }
0x6e8: {  	v35 =	vmovc v22;
	v60 =	vsel vm3, v3, v4;
	v7 =	vsel vm0, v7, v58;
	v11 =	vsel vm0, v62, v11  }
0x6e9: {  	[tilespmem:$0x1F9F0] =	vst v15;
	v12 =	vsel vm0, v63, v12;
	v39, v13, _ =	vpop (xrf1);
	v10 =	vor.u32 v28, v10;
	vm7 =	vge.f32 v57, v8  }
0x6ea: {  	(xrf2) =	vadd.scan.msk.f32 $0xffff, v1;
	v14 =	vperm.xlane v11, v0;
	v62, v15, _ =	vpop (xrf1);
	v63 =	vperm.xlane v12, v0;
	v52 =	vsel vm7, v57, v8  }
0x6eb: {  	(xrf2) =	vadd.scan.msk.f32 $0xffff, v30;
	v8 =	vsel vm7, v59, v9;
	v2 =	vsel vm0, v39, v62;
	v13 =	vsel vm0, v13, v15;
	v15, v1, _ =	vpop (xrf1)  }
0x6ec: {  	(xrf2) =	vadd.scan.msk.f32 $0xffff, v29;
	v39 =	vmov v17;
	v60 =	vsel vm0, v60, v52;
	v16 =	vperm.xlane v2, v0;
	v21 =	vpop (erf)  }
0x6ed: {  	v17, v18, _ =	vpop (xrf1);
	v19 =	vperm.xlane v13, v0;
	vm9 =	vge.f32 v11, v14;
	v21 =	vmul.f32 v53, v21  }
0x6ee: {  	v57 =	vld [tilespmem:$0x1F970];
	v15 =	vsel vm0, v15, v17;
	v17 =	vsel vm0, v1, v18;
	v18, v30, _ =	vpop (xrf1);
	v9 =	vsel vm9, v11, v14  }
0x6ef: {  	v11 =	vsel vm9, v12, v63;
	v62 =	vperm.xlane v15, v0;
	v20 =	vperm.xlane v17, v0;
	v32, v22, _ =	vpop (xrf1)  }
0x6f0: {  	(xrf2) =	vadd.scan.msk.f32 $0xffff, v33;
	v59 =	vld [tilespmem:$0x1F990];
	vm6 =	vge.f32 v2, v16;
	v18 =	vsel vm0, v18, v32;
	v22 =	vsel vm0, v30, v22;
	v29, v30, _ =	vpop (xrf1)  }
0x6f1: {  	v32 =	vmov v23;
	v13 =	vsel vm6, v13, v19;
	vm8 =	vge.f32 v15, v62;
	[tilespmem:v10+s12+$0x0] =	vst.idx.msk $0xff, v21;
	v21, v1, _ =	vpop (xrf1)  }
0x6f2: {  	(erf) = vrcp.f32 v31;
	v53 =	vperm.xlane v18, v0;
	[tilespmem:v10+s13+$0x0] =	vst.idx.msk $0xff, v46;
	v21 =	vsel vm0, v29, v21;
	v10, v29, _ =	vpop (xrf1)  }
0x6f3: {  	v5 =	vsel vm0, v5, v57;
	v23 =	vperm.xlane v22, v0;
	v14 =	vsel vm8, v15, v62;
	v33, v46, _ =	vpop (xrf1)  }
0x6f4: {  	v15 =	vsel vm8, v17, v20;
	vm10 =	vge.f32 v18, v53;
	v10 =	vsel vm0, v10, v33;
	v33, _, _ =	vpop (xrf2);
	(xrf2) =	vadd.scan.msk.f32 $0xffff, v26  }
0x6f5: {  	v17 =	vsel vm10, v18, v53;
	v18 =	vsel vm10, v22, v23;
	v22 =	vsel vm0, v59, v44;
	v48, _, _ =	vpop (xrf2);
	(xrf2) =	vadd.scan.msk.f32 $0xffff, v40  }
0x6f6: {  	v23 =	vsel vm0, v34, v45;
	v1 =	vsel vm0, v30, v1;
	v30 =	vperm.xlane v21, v0;
	v12, _, _ =	vpop (xrf2);
	(xrf2) =	vadd.scan.msk.f32 $0xffff, v43;
	v43 =	vld [tilespmem:$0x1F960]  }
0x6f7: {  	v31 =	vperm.xlane v1, v0;
	(xrf1) =	vsort.dscd.msk.f32 $0xffff, v5, v7;
	v29 =	vsel vm0, v29, v46  }
0x6f8: {  	v26 =	vsel vm5, v49, v51;
	v51 =	vsel vm3, v61, v25;
	v25 =	vsel vm6, v2, v16  }
0x6f9: {  	v63 =	vld [tilespmem:$0x1F9B0];
	(xrf1) =	vsort.dscd.msk.f32 $0xffff, v22, v23;
	vm11 =	vge.f32 v21, v30;
	v46 =	vperm.xlane v10, v0  }
0x6fa: {  	v54 =	vperm.xlane v29, v0;
	v6 =	vsel vm0, v26, v6;
	v3 =	vsel vm0, v51, v8  }
0x6fb: {  	v50 =	vld [tilespmem:$0x1FA00];
	v61 =	vsel vm0, v9, v25;
	v8 =	vsel vm0, v11, v13;
	v19 =	vsel vm11, v21, v30;
	v21, _, _ =	vpop (xrf2);
	(xrf2) =	vadd.scan.msk.f32 $0xffff, v43  }
0x6fc: {  	v45 =	vld [tilespmem:$0x1F9C0];
	v9 =	vsel vm0, v14, v17;
	v11 =	vsel vm0, v15, v18;
	(xrf1) =	vsort.dscd.msk.f32 $0xffff, v6, v24  }
0x6fd: {  	v47 =	vld [tilespmem:$0x1F9F0];
	v56 =	vsel vm11, v1, v31;
	vm1 =	vge.f32 v10, v46;
	(xrf1) =	vsort.dscd.msk.f32 $0xffff, v60, v3  }
0x6fe: {  	v53 =	vld [tilespmem:$0x1FA20];
	v16 =	vpop (erf);
	(erf) = vrcp.f32 v63;
	v10 =	vsel vm1, v10, v46;
	v20 =	vsel vm1, v29, v54;
	(xrf1) =	vsort.dscd.msk.f32 $0xffff, v61, v8  }
0x6ff: {  	s29 =	sadd.s32 $0x30B, s18;
	v41 =	vshll.u32 v41, $0x3;
	v51 =	vld [tilespmem:$0x1FA10];
	v10 =	vsel vm0, v19, v10;
	v0 =	vsel vm0, v56, v20;
	(xrf1) =	vsort.dscd.msk.f32 $0xffff, v9, v11  }
0x700: {  	v55 =	vshll.u32 v55, $0x3;
	v58 =	vmov s29;
	v14 =	vand.u32 $0x1C00, v41;
	v20 =	vld [tilespmem:$0x1F9A0];
	(xrf1) =	vsort.dscd.msk.f32 $0xffff, v10, v0  }
0x701: {  	v52 =	vimm.s32 $0x7;
	v59 =	vshll.u32 v58, $0x3;
	v3 =	vor.u32 v14, v45  }
0x702: {  	v5 =	vmul.f32 v32, v50;
	v41 =	vand.u32 $0x1C00, v42;
	v3 =	vor.u32 v28, v3;
	v62, _, _ =	vpop (xrf2)  }
0x703: {  	v34 =	vperm.xlane v33, v27;
	v42 =	vand.u32 $0x1C00, v55;
	v56 =	vld [tilespmem:$0x1FA30];
	v0 =	vor.u32 v41, v47;
	v13, _, _ =	vpop (xrf2)  }
0x704: {  	v40 =	vperm.xlane v48, v27;
	v6 =	vmul.f32 v53, v16;
	v0 =	vor.u32 v28, v0;
	v44, _, _ =	vpop (xrf2)  }
0x705: {  	v12 =	vperm.xlane v12, v27;
	v15 =	vperm.xlane v21, v27;
	v2 =	vor.u32 v42, v51;
	v49, _, _ =	vpop (xrf2);
	(xrf2) =	vadd.scan.msk.f32 $0xffff, v20  }
0x706: {  	s30 =	sadd.s32 $0x30C, s18;
	v57 =	vld [tilespmem:$0x1FA40];
	v34 =	vmul.f32 $9.999999970e-07, v34;
	v31 =	vmul.f32 $9.999999970e-07, v40;
	v2 =	vor.u32 v28, v2  }
0x707: {  	v60 =	vmov s30;
	v12 =	vmul.f32 $9.999999970e-07, v12;
	v30 =	vmul.f32 $9.999999970e-07, v15;
	[tilespmem:v3+s12+$0x0] =	vst.idx.msk $0xff, v5;
	v54 =	vpop (erf)  }
0x708: {  	v61 =	vshll.u32 v60, $0x3;
	[tilespmem:v3+s13+$0x0] =	vst.idx.msk $0xff, v35;
	(erf) = vrcp.f32 v56;
	v55 =	vmul.f32 v36, v54;
	v23, v22, _ =	vpop (xrf1)  }
0x709: {  	s19 =	sadd.s32 $0x8, s19;
	s31 =	sadd.s32 $0x30D, s18;
	v63 =	vand.u32 $0x7C, v60;
	[tilespmem:v0+s12+$0x0] =	vst.idx.msk $0xff, v6;
	v46 =	vperm.xlane v44, v27;
	v44, v18, _ =	vpop (xrf1);
	v1 =	vperm.xlane v49, v52  }
0x70a: {  	p0 =	slt.u32 s19, $0xF8;
	v4 =	vperm.xlane v62, v27;
	v62 =	vmov s31;
	v13 =	vperm.xlane v13, v27;
	[tilespmem:v0+s13+$0x0] =	vst.idx.msk $0xff, v38;
	v21, v17, _ =	vpop (xrf1)  }
.Ltmp3:
0x70b: {  	(erf) = vrcp.f32 v57;
	v41 =	vshll.u32 v62, $0x3;
	[tilespmem:v2+s12+$0x0] =	vst.idx.msk $0xff, v55;
	v1 =	vadd.f32 v1, v37;
	v37, v32, _ =	vpop (xrf1);
	(pc) =	sbr.rel @p0 .LBB2_8-.Ltmp3, $4  }
0x70c: {  	v29 =	vmul.f32 $9.999999970e-07, v4;
	v0 =	vand.u32 $0x7B, v58;
	v48 =	vmul.f32 $9.999999970e-07, v13;
	[tilespmem:v2+s13+$0x0] =	vst.idx.msk $0xff, v39;
	v36, v27, _ =	vpop (xrf1)  }
0x70d: {  	v39 =	vand.u32 $0x7D, v62;
	(xrf2) =	vadd.scan.msk.f32 $0xffff, v23;
	(erf) = vrcp.f32 v1;
	v1 =	vand.u32 $0x1C00, v59;
	v35, v24, _ =	vpop (xrf1)  }
0x70e: {  	v9 =	vld [tilespmem:$0x1F9D0];
	v33 =	vmul.f32 $9.999999970e-07, v46;
	(xrf2) =	vadd.scan.msk.f32 $0xffff, v44;
	v0 =	vor.u32 v1, v0;
	v26, v25, _ =	vpop (xrf1);
	v1 =	vand.u32 $0x1C00, v61  }
0x70f: {  	s20 =	sadd.s32 $0x400, s20;
	v10 =	vld [tilespmem:$0x1F9E0];
	v19 =	vmov v48;
	(xrf2) =	vadd.scan.msk.f32 $0xffff, v21;
	v38 =	vor.u32 v28, v0;
	v40 =	vor.u32 v1, v63;
	v42, _, _ =	vpop (xrf2)  }
0x710: {  	v14 =	vimm.s32 $0x7  }
0x711: {  	v0 =	vperm.xlane v42, v14;
	_ =	sdelay $0x1  }
0x712: {  	v0 =	vadd.f32 v0, v9;
	_ =	sdelay $0x1  }
0x713: {  	v15 =	vld [tilespmem:$0x1FFB0];
	_ =	sdelay $0x1  }
0x714: {  	(erf) = vrcp.f32 v0;
	v0 =	vpop (erf)  }
0x715: {  	v6 =	vld [tilespmem:$0x1FA80];
	v0 =	vmul.f32 v10, v0;
	_ =	sdelay $0x1  }
0x716: {  	v2 =	vor.u32 v15, v40;
	[tilespmem:v38+s12+$0x0] =	vst.idx.msk $0xff, v0  }
0x717: {  	(xrf2) =	vadd.scan.msk.f32 $0xffff, v37;
	v1, _, _ =	vpop (xrf2);
	v16 =	vld [tilespmem:$0x1FA50]  }
0x718: {  	v5 =	vpop (erf)  }
0x719: {  	v3 =	vand.u32 $0x1C00, v41;
	v1 =	vperm.xlane v1, v14;
	v5 =	vmul.f32 v6, v5  }
0x71a: {  	(xrf2) =	vadd.scan.msk.f32 $0xffff, v36;
	v3 =	vor.u32 v3, v39;
	v4, _, _ =	vpop (xrf2)  }
0x71b: {  	(xrf2) =	vadd.scan.msk.f32 $0xffff, v35;
	v4 =	vperm.xlane v4, v14;
	v1 =	vadd.f32 v1, v34;
	[tilespmem:v2+s12+$0x0] =	vst.idx.msk $0xff, v5  }
0x71c: {  	v3 =	vor.u32 v15, v3;
	v6 =	vpop (erf);
	[tilespmem:v38+s13+$0x0] =	vst.idx.msk $0xff, v16  }
0x71d: {  	s18 =	sadd.s32 $0x30E, s18;
	s24 =	sadd.s32 $0x308, s17;
	v8, _, _ =	vpop (xrf2);
	v4 =	vadd.f32 v4, v31;
	(erf) = vrcp.f32 v1;
	v59 =	vld [tilespmem:$0x1FA60]  }
0x71e: {  	v7 =	vmov s18;
	v53 =	vmov s24;
	(xrf2) =	vadd.scan.msk.f32 $0xffff, v26;
	v8 =	vperm.xlane v8, v14  }
0x71f: {  	s25 =	sadd.s32 $0x309, s17;
	v50 =	vshll.u32 v7, $0x3;
	(erf) = vrcp.f32 v4;
	v4 =	vmul.f32 v43, v6  }
0x720: {  	s26 =	sadd.s32 $0x30A, s17;
	v11 =	vmov s25;
	v7 =	vand.u32 $0x7E, v7;
	v9 =	vand.u32 $0x1C00, v50  }
0x721: {  	s30 =	sadd.s32 $0x30D, s17;
	v54 =	vmov s26;
	v7 =	vor.u32 v9, v7;
	v8 =	vadd.f32 v8, v12;
	v1, _, _ =	vpop (xrf2);
	[tilespmem:v3+s12+$0x0] =	vst.idx.msk $0xff, v4  }
0x722: {  	v63 =	vmov s30;
	v6 =	vor.u32 v15, v7;
	v1 =	vperm.xlane v1, v14;
	[tilespmem:v2+s13+$0x0] =	vst.idx.msk $0xff, v59  }
0x723: {  	v13 =	vand.u32 $0x78, v53;
	v10 =	vshll.u32 v53, $0x3;
	v0 =	vand.u32 $0x79, v11;
	v52 =	vpop (erf);
	v62 =	vld [tilespmem:$0x1FA70]  }
0x724: {  	v11 =	vshll.u32 v11, $0x3;
	(erf) = vrcp.f32 v8;
	v51, _, _ =	vpop (xrf2);
	v1 =	vadd.f32 v1, v30  }
0x725: {  	v5 =	vand.u32 $0x1C00, v11;
	v9 =	vmul.f32 v20, v52;
	v7 =	vperm.xlane v51, v14;
	v57, _, _ =	vpop (xrf2)  }
0x726: {  	v10 =	vand.u32 $0x1C00, v10;
	v0 =	vor.u32 v5, v0;
	v58 =	vpop (erf);
	(erf) = vrcp.f32 v1  }
0x727: {  	v12 =	vshll.u32 v54, $0x3;
	v7 =	vadd.f32 v7, v29;
	v5 =	vperm.xlane v57, v14;
	[tilespmem:v6+s12+$0x0] =	vst.idx.msk $0xff, v9  }
0x728: {  	v55 =	vand.u32 $0x7A, v54;
	v10 =	vor.u32 v10, v13;
	v56 =	vand.u32 $0x1C00, v12;
	v61, _, _ =	vpop (xrf2);
	[tilespmem:v3+s13+$0x0] =	vst.idx.msk $0xff, v62  }
0x729: {  	v5 =	vadd.f32 v5, v19;
	v2 =	vpop (erf);
	(erf) = vrcp.f32 v7;
	v7 =	vperm.xlane v61, v14;
	v8 =	vld [tilespmem:$0x1FA90]  }
0x72a: {  	s28 =	sadd.s32 $0x30B, s17;
	v10 =	vor.u32 v15, v10;
	v0 =	vor.u32 v15, v0;
	v1 =	vor.u32 v56, v55  }
0x72b: {  	v4 =	vmov s28;
	v1 =	vor.u32 v15, v1;
	v7 =	vadd.f32 v7, v33  }
0x72c: {  	v60 =	vmul.f32 v23, v58;
	v2 =	vmul.f32 v44, v2;
	v3 =	vshll.u32 v4, $0x3  }
0x72d: {  	s29 =	sadd.s32 $0x30C, s17;
	(erf) = vrcp.f32 v5;
	v5 =	vpop (erf);
	v4 =	vand.u32 $0x7B, v4;
	v3 =	vand.u32 $0x1C00, v3  }
0x72e: {  	v5 =	vmul.f32 v21, v5;
	v3 =	vor.u32 v3, v4;
	[tilespmem:v6+s13+$0x0] =	vst.idx.msk $0xff, v8;
	v6 =	vmov s29  }
0x72f: {  	(erf) = vrcp.f32 v7;
	[tilespmem:v10+s12+$0x0] =	vst.idx.msk $0xff, v60;
	v7 =	vpop (erf);
	v3 =	vor.u32 v15, v3;
	v4 =	vshll.u32 v6, $0x3  }
0x730: {  	[tilespmem:v1+s12+$0x0] =	vst.idx.msk $0xff, v5;
	v5 =	vmul.f32 v37, v7;
	v6 =	vand.u32 $0x7C, v6;
	v4 =	vand.u32 $0x1C00, v4  }
0x731: {  	s31 =	sadd.s32 $0x30E, s17;
	[tilespmem:v0+s12+$0x0] =	vst.idx.msk $0xff, v2;
	v2 =	vor.u32 v4, v6;
	v4 =	vand.u32 $0x7D, v63;
	v6 =	vshll.u32 v63, $0x3  }
0x732: {  	[tilespmem:v0+s13+$0x0] =	vst.idx.msk $0xff, v18;
	v0 =	vor.u32 v15, v2;
	v2 =	vand.u32 $0x1C00, v6;
	v6 =	vmov s31  }
0x733: {  	[tilespmem:v10+s13+$0x0] =	vst.idx.msk $0xff, v22;
	v2 =	vor.u32 v2, v4;
	v4 =	vshll.u32 v6, $0x3  }
0x734: {  	[tilespmem:v1+s13+$0x0] =	vst.idx.msk $0xff, v17;
	v1 =	vpop (erf);
	v6 =	vand.u32 $0x7E, v6;
	v2 =	vor.u32 v15, v2;
	v4 =	vand.u32 $0x1C00, v4  }
0x735: {  	v1 =	vmul.f32 v36, v1;
	[tilespmem:v3+s12+$0x0] =	vst.idx.msk $0xff, v5;
	v4 =	vor.u32 v4, v6  }
0x736: {  	v5 =	vpop (erf);
	[tilespmem:v3+s13+$0x0] =	vst.idx.msk $0xff, v32;
	v3 =	vor.u32 v15, v4  }
0x737: {  	v4 =	vmul.f32 v35, v5;
	[tilespmem:v0+s12+$0x0] =	vst.idx.msk $0xff, v1  }
0x738: {  	[tilespmem:v0+s13+$0x0] =	vst.idx.msk $0xff, v27;
	v0 =	vpop (erf)  }
0x739: {  	[tilespmem:v2+s12+$0x0] =	vst.idx.msk $0xff, v4;
	v0 =	vmul.f32 v26, v0  }
0x73a: {  	[tilespmem:v2+s13+$0x0] =	vst.idx.msk $0xff, v24  }
0x73b: {  	[tilespmem:v3+s12+$0x0] =	vst.idx.msk $0xff, v0  }
0x73c: {  	[tilespmem:v3+s13+$0x0] =	vst.idx.msk $0xff, v25  }
0x73d: {  	[hbm4b:s7+s2] =	stream.linear.scatter [tilespmem:s12], [sflag:$0x3], $0x2000, $0x38;
	[tilespmem:$0x14000] =	vst v63  }
0x73e: {  	_ =	swait.ge [sflag:s15], $0x2000  }
0x73f: {  	s16 =	sadd.s32 $0x1, s16;
	[sflag:s15] =	ssyncset.done $0x0  }
0x740: {  	p0 =	sne.s32 s16, s9;
	[sflag:s15] =	ssyncadd.s32 $0xFFFFE000  }
0x741: {  	[hbm4b:s8+s2] =	stream.linear.scatter [tilespmem:s13], [sflag:$0x3], $0x2000, $0x38;
	[tilespmem:$0x14000] =	vst v63  }
.Ltmp4:
0x742: {  	_ =	swait.ge [sflag:s15], $0x2000;
	(pc) =	sbr.rel @p0 .LBB2_1-.Ltmp4, $4  }
0x743: {  	v2 =	vld [tilespmem:$0x1FFC0]  }
0x744: {  	v3 =	vld [tilespmem:$0x1FFD0]  }
0x745: {  	[sflag:s15] =	ssyncset.done $0x0;
	v4 =	vld [tilespmem:$0x1FFE0]  }
0x746: {  	v1 =	vimm.s32 $0xF;
	v0 =	vld [tilespmem:$0x1FFF0];
	[sflag:s15] =	ssyncadd.s32 $0xFFFFE000  }
0x747: {  	_ =	sfence.sel $0x180000  }
0x748: {  	[bflag:$0x0] =	sbarrier.arrive $0xFFFF  }
0x749: {  	p0 =	sne.s32 s0, $0x0;
	_ =	strace $0x90000047  }
0x74a: {  	s0 =	sadd.s32 @!p0 $0x100000, s1;
	[bflag:$0x2] =	sbarrier.arrive $0xFFFF  }
0x74b: {  	[sflag:s0] =	ssyncadd.tile.s32 @!p0 $0x1;
	_ =	shalt  }
.Lfunc_end2:
_tile_overlayer_lowered:
.L_overlay_start_2:
0x74c: {  	(tag) =	ssettag $0x2  }
0x74d: {  	s0 =	rddreg [dreg:$0x0];
	s2 =	stileid.u32  }
0x74e: {  	s1 =	rddreg [dreg:$0x1];
	p0 =	sne.s32 s2, $0x0  }
0x74f: {  	s3 =	rddreg [dreg:$0x2];
	[bflag:$0x3] =	sbarrier.arrive $0xFFFF;
	s2 =	simm.s32 @!p0 $0x1C03  }
0x750: {  	[timem:s3], [sflag:s2] =	dma.local @!p0 [hbm:s0], s1  }
0x751: {  	s0 =	simm.s32 @!p0 $0x3  }
0x752: {  	_ =	swait.ge @!p0 [sflag:s0], s1  }
0x753: {  	s1 =	ssub.s32 @!p0 $0x0, s1;
	[sflag:s0] =	ssyncset.done @!p0 $0x0  }
0x754: {  	[sflag:s0] =	ssyncadd.s32 @!p0 s1  }
0x755: {  	[bflag:$0x3] =	sbarrier.arrive $0xFFFF  }
0x756: {  	_ =	shalt  }

</sc_bundles>
